<compile_context>
chip_gen: v7x
topology: tpu7x:2x2x1
jax: 0.10.2.dev20260603
libtpu: 0.0.44.dev20260713+nightly
codegen_flags: <defaults>
</compile_context>

<pallas_src>
import functools

import jax
import jax.numpy as jnp
from jax import lax
from jax.experimental import pallas as pl
from jax.experimental.pallas import tpu as pltpu
from jax.experimental.pallas import tpu_sc as plsc

B, N, C, H, W = 2, 6, 64, 112, 200
HC, DG, WG = 7, 200, 200
P = HC * DG * WG
RPI = H * W
ZROW = B * N * RPI
MROW = ZROW + 1
ZOFFS = [2.0, 1.5, 1.0, 0.5, 0.0, -0.5, -1.0]

NCORE, NSUB, LANES = 2, 16, 16
NW = NCORE * NSUB
LZROW = RPI
LMROW = RPI + 1
ROWS2 = RPI + 8
CPW = C // NW
K2 = 5600
NCH = P // K2
NPASS = N // 2


def _atan_pos(r):
    big = r > 2.414213562373095
    mid = r > 0.4142135623730951
    x = jnp.where(big, -1.0 / r, jnp.where(mid, (r - 1.0) / (r + 1.0), r))
    y = jnp.where(
        big,
        jnp.float32(1.5707963267948966),
        jnp.where(mid, jnp.float32(0.7853981633974483), jnp.float32(0.0)),
    )
    z = x * x
    p = (
        ((8.05374449538e-2 * z - 1.38776856032e-1) * z + 1.99777106478e-1) * z
        - 3.33329491539e-1
    ) * z * x + x
    return y + p


def _project_body(gx_ref, gy_ref, gz_ref, fp_ref, ip_ref, idx_ref):
    b = pl.program_id(0)
    i = pl.program_id(1)

    def fp(j):
        return fp_ref[b, i, j]

    c00, c01, c02, c03 = fp(0), fp(1), fp(2), fp(3)
    c10, c11, c12, c13 = fp(4), fp(5), fp(6), fp(7)
    c20, c21, c22, c23 = fp(8), fp(9), fp(10), fp(11)
    fx, fy, cx, cy = fp(12), fp(13), fp(14), fp(15)
    d0, d1, d2, d5 = fp(16), fp(17), fp(18), fp(19)
    k1, k2, k3, p1, p2 = fp(20), fp(21), fp(22), fp(23), fp(24)
    sel_fe = fp(25) > 0.5
    pr00, pr01, pr10, pr11 = fp(26), fp(27), fp(28), fp(29)
    pt0, pt1 = fp(30), fp(31)
    base = ip_ref[b, i, 0]
    dropped = ip_ref[b, i, 1] == 1

    gx = gx_ref[0]
    gy = gy_ref[0]
    gz0 = gz_ref[0]

    def b16(v):
        return v.astype(jnp.bfloat16).astype(jnp.float32)

    gxb = b16(gx)
    gyb = b16(gy)

    for h in range(HC):
        gz = gz0 + ZOFFS[h]
        gzb = b16(gz)
        hx = (b16(c00) * gxb + b16(c01) * gyb) + b16(c02) * gzb + c03
        hy = (b16(c10) * gxb + b16(c11) * gyb) + b16(c12) * gzb + c13
        hz = (b16(c20) * gxb + b16(c21) * gyb) + b16(c22) * gzb + c23
        f = (hz > 0.0).astype(jnp.float32)
        px = (hx * f) / hz
        py = (hy * f) / hz

        x = (px - cx) / fx
        y = (py - cy) / fy

        r = jnp.sqrt(x * x + y * y)
        th = _atan_pos(r)
        t2 = th * th
        t4 = t2 * t2
        rad = th * (1.0 + d0 * t2 + d1 * t4 + d2 * t4 * t2 + d5 * t4 * t4) / r
        fex = ((x * rad) * fx + cx) * f
        fey = ((y * rad) * fy + cy) * f

        r2 = x * x + y * y
        radial = 1.0 + k1 * r2 + k2 * r2 * r2 + k3 * r2 * r2 * r2
        phx = (x * radial + (2.0 * p1 * x * y + p2 * (r2 + 2.0 * x * x))) * fx + cx
        phy = (y * radial + (p1 * (r2 + 2.0 * y * y) + 2.0 * p2 * x * y)) * fy + cy
        phx = phx * f
        phy = phy * f

        xd = b16(jnp.where(sel_fe, fex, phx))
        yd = b16(jnp.where(sel_fe, fey, phy))

        u = (b16(pr00) * xd + b16(pr01) * yd) + pt0
        v = (b16(pr10) * xd + b16(pr11) * yd) + pt1

        bx = u.astype(jnp.int32)
        by = v.astype(jnp.int32)
        vis = (bx > 0) & (bx < W) & (by < H) & (by > 0)
        xx = jnp.clip(bx, 0, W - 1)
        yy = jnp.clip(by, 0, H - 1)
        row = yy * W + xx
        idx = jnp.where(vis, row, LZROW)
        idx = jnp.where(dropped, LMROW, idx)
        idx_ref[0, 0, h] = idx


_project = pl.pallas_call(
    _project_body,
    grid=(B, N),
    in_specs=[
        pl.BlockSpec((1, DG, WG), lambda b, i: (b, 0, 0)),
        pl.BlockSpec((1, DG, WG), lambda b, i: (b, 0, 0)),
        pl.BlockSpec((1, DG, WG), lambda b, i: (b, 0, 0)),
        pl.BlockSpec(memory_space=pltpu.SMEM),
        pl.BlockSpec(memory_space=pltpu.SMEM),
    ],
    out_specs=pl.BlockSpec((1, 1, HC, DG, WG), lambda b, i: (b, i, 0, 0, 0)),
    out_shape=jax.ShapeDtypeStruct((B, N, HC, DG, WG), jnp.int32),
)


def _gather_max_body(table_hbm, idx_hbm, out_hbm, tbl_v, idx_v, acc_v, prev_v, dsem):
    cc = lax.axis_index("s") * NCORE + lax.axis_index("c")
    neginf = jnp.full((LANES,), -jnp.inf, jnp.float32)
    zero = jnp.zeros((LANES,), jnp.float32)

    for p_ in range(NPASS):
        i0 = 2 * p_
        for b in range(B):
            pltpu.sync_copy(table_hbm.at[b, i0, pl.ds(cc * CPW, CPW)], tbl_v.at[0])
            pltpu.sync_copy(table_hbm.at[b, i0 + 1, pl.ds(cc * CPW, CPW)], tbl_v.at[1])

            def chunk(t, carry, p_=p_, b=b):
                pb = t * K2
                d0 = pltpu.async_copy(idx_hbm.at[b, i0, pl.ds(pb, K2)], idx_v.at[0], dsem)
                d1 = pltpu.async_copy(idx_hbm.at[b, i0 + 1, pl.ds(pb, K2)], idx_v.at[1], dsem)
                if p_ > 0:
                    d2 = pltpu.async_copy(out_hbm.at[b, cc, :, pl.ds(pb, K2)], prev_v, dsem)
                d0.wait()
                d1.wait()
                if p_ > 0:
                    d2.wait()

                def vec(j, carry2):
                    s = pl.ds(j * LANES, LANES)
                    rv0 = idx_v[0, s]
                    rv1 = idx_v[1, s]
                    in0 = rv0 < RPI
                    in1 = rv1 < RPI
                    sp0 = jnp.where(rv0 == LZROW, zero, neginf)
                    sp1 = jnp.where(rv1 == LZROW, zero, neginf)
                    rc0 = jnp.minimum(rv0, RPI - 1)
                    rc1 = jnp.minimum(rv1, RPI - 1)
                    zv = jnp.zeros((LANES,), jnp.int32)
                    ov = jnp.full((LANES,), 1, jnp.int32)
                    for ch in range(CPW):
                        chv = jnp.full((LANES,), ch, jnp.int32)
                        g0 = plsc.load_gather(tbl_v, [zv, chv, rc0])
                        g1 = plsc.load_gather(tbl_v, [ov, chv, rc1])
                        m = jnp.maximum(jnp.where(in0, g0, sp0), jnp.where(in1, g1, sp1))
                        if p_ > 0:
                            m = jnp.maximum(m, prev_v[ch, s])
                        acc_v[ch, s] = m
                    return carry2

                lax.fori_loop(0, K2 // LANES, vec, 0)
                pltpu.sync_copy(acc_v, out_hbm.at[b, cc, :, pl.ds(pb, K2)])
                return carry

            lax.fori_loop(0, NCH, chunk, 0)


@functools.lru_cache(maxsize=1)
def _gather_max():
    return pl.kernel(
        _gather_max_body,
        out_type=jax.ShapeDtypeStruct((B, NW, CPW, P), jnp.float32),
        mesh=plsc.VectorSubcoreMesh(
            core_axis_name="c", subcore_axis_name="s",
            num_cores=NCORE, num_subcores=NSUB,
        ),
        scratch_types=[
            pltpu.VMEM((2, CPW, RPI), jnp.float32),
            pltpu.VMEM((2, K2), jnp.int32),
            pltpu.VMEM((CPW, K2), jnp.float32),
            pltpu.VMEM((CPW, K2), jnp.float32),
            pltpu.SemaphoreType.DMA,
        ],
        compiler_params=pltpu.CompilerParams(
            use_tc_tiling_on_sc=False, needs_layout_passes=False
        ),
    )


@jax.jit
def kernel(features, ks, imu2cs, post_rots, post_trans, undists, grid, drop_idx, neck):
    f32 = jnp.float32
    calib = jnp.matmul(ks, imu2cs)

    fparams = jnp.concatenate(
        [
            calib.reshape(B, N, 12).astype(f32),
            jnp.stack(
                [ks[..., 0, 0], ks[..., 1, 1], ks[..., 0, 2], ks[..., 1, 2]], axis=-1
            ).astype(f32),
            jnp.stack(
                [undists[..., 0], undists[..., 1], undists[..., 2], undists[..., 5]],
                axis=-1,
            ).astype(f32),
            undists[..., 0:5].astype(f32),
            (undists[..., 6] == 1.0).astype(f32)[..., None],
            post_rots[..., :2, :2].reshape(B, N, 4).astype(f32),
            post_trans[..., :2].astype(f32),
        ],
        axis=-1,
    )

    base = ((jnp.arange(B, dtype=jnp.int32)[:, None] * N)
            + jnp.arange(N, dtype=jnp.int32)[None, :]) * RPI
    dropped = jnp.any(
        drop_idx[None, :] == jnp.arange(N, dtype=drop_idx.dtype)[:, None], axis=1
    )
    iparams = jnp.stack(
        [base, jnp.broadcast_to(dropped[None, :], (B, N)).astype(jnp.int32)], axis=-1
    )

    gx = grid[:, :DG, :WG, 0]
    gy = grid[:, :DG, :WG, 1]
    gz = grid[:, :DG, :WG, 2]

    idx = _project(gx, gy, gz, fparams, iparams).reshape(B, N, P)

    table = features.reshape(B, N, C, RPI)

    out_t = _gather_max()(table, idx)
    return out_t.reshape(B, C, HC, DG, WG).reshape(B, C * HC, DG, WG)

# --- scband reference (transcript-rebuilt; emitter-appended) ---
"""Pipeline reference for scband-oftv3-45028437131815 (READ-ONLY COPY).

The authoritative reference and input builder live on the scoring server;
editing this copy changes nothing except your own understanding.
"""

import jax, jax.numpy as jnp
import numpy as np

GRID_RES = 0.5
GRID_HEIGHT = 4.0
SCALE = 1.0


def _z_corners():
    y = -jnp.arange(0.0, GRID_HEIGHT, GRID_RES) + GRID_HEIGHT / 2.0
    y = y.reshape(-1, 1, 1, 1)
    y = jnp.pad(y, ((0, 0), (0, 0), (0, 0), (2, 0)))
    return y  # [8,1,1,3]


def _perspective(matrix, vector):
    homogeneous = jnp.matmul(matrix[..., :-1], vector[..., None])[..., 0] + matrix[..., -1]
    b = (homogeneous[..., -1] > 0)[..., None]
    b = jnp.concatenate((b, b, b), axis=-1)
    b = b.at[..., -1].set(True)
    bf = b.astype(jnp.float32)
    homogeneous = homogeneous * bf
    return homogeneous[..., :-1] / homogeneous[..., -1:], bf


def _fisheye_distort(pts, k, D, flag):
    cx = k[..., 0, 2]
    cy = k[..., 1, 2]
    fx = k[..., 0, 0]
    fy = k[..., 1, 1]
    x = (pts[..., 0] - cx) / fx
    y = (pts[..., 1] - cy) / fy
    r = jnp.sqrt(x * x + y * y)
    theta = jnp.arctan(r)
    t2 = theta ** 2
    rad_poly = theta * (1 + D[..., 0:1] * t2 + D[..., 1:2] * t2 ** 2 + D[..., 2:3] * t2 ** 3 + D[..., 5:6] * t2 ** 4) / r
    x_dist = (x * rad_poly) * fx + cx
    y_dist = (y * rad_poly) * fy + cy
    dist = jnp.stack([x_dist, y_dist], axis=3)
    return dist * flag[..., :-1]


def _pinhole_distort(pts, k, D, flag):
    cx = k[..., 0, 2]
    cy = k[..., 1, 2]
    fx = k[..., 0, 0]
    fy = k[..., 1, 1]
    x = (pts[..., 0] - cx) / fx
    y = (pts[..., 1] - cy) / fy
    k1, k2, k3, p1, p2, k4 = D[..., :-1]
    r2 = x * x + y * y
    x_dist = x * (1 + k1 * r2 + k2 * r2 * r2 + k3 * r2 * r2 * r2)
    y_dist = y * (1 + k1 * r2 + k2 * r2 * r2 + k3 * r2 * r2 * r2)
    x_dist = x_dist + (2 * p1 * x * y + p2 * (r2 + 2 * x * x))
    y_dist = y_dist + (p1 * (r2 + 2 * y * y) + 2 * p2 * x * y)
    x_dist = x_dist * fx + cx
    y_dist = y_dist * fy + cy
    dist = jnp.stack([x_dist, y_dist], axis=3)
    return dist * flag[..., :-1]


def _forward(features, ks, imu2cs, post_rots, post_trans, undists, grid, drop_idx, neck):
    z = _z_corners()
    hc = z.shape[0] - 1  # height_channel = 7
    corners = grid[:, None, :-1, :-1, :] + z[:-1].reshape(-1, 1, 1, 3)  # [B,hc,Dg,Wg,3]
    orthos = []
    B = features.shape[0]
    for bi in range(B):
        feature = features[bi]
        k = ks[bi]
        undist = undists[bi]
        imu2c = imu2cs[bi]
        post_rot = post_rots[bi]
        post_tran = post_trans[bi]
        corner = corners[bi]
        calib = jnp.matmul(k, imu2c)  # [N,3,4]
        num_img, channel, img_h, img_w = feature.shape
        voxel_feats = []
        for i in range(num_img):
            dropped = jnp.any(drop_idx == i)
            img_corners, flag = _perspective(calib[i], corner)
            fe = _fisheye_distort(img_corners, k[i], undist[i], flag)
            ph = _pinhole_distort(img_corners, k[i], undist[i], flag)
            img_corners = jnp.where(undist[i, -1] == 1, fe, ph)
            img_corners = jnp.matmul(post_rot[i, :2, :2], img_corners[..., None]) + post_tran[i, :2][:, None]
            norm_corners = img_corners[..., 0] / jnp.asarray([SCALE, SCALE], dtype=jnp.float32)
            h, d, w, _ = norm_corners.shape
            bbox = norm_corners.reshape(-1, 2).astype(jnp.int32)
            visible = (bbox[:, 0] > 0) & (bbox[:, 0] < img_w) & (bbox[:, 1] < img_h) & (bbox[:, 1] > 0)
            yy = jnp.clip(bbox[:, 1], 0, img_h - 1)
            xx = jnp.clip(bbox[:, 0], 0, img_w - 1)
            gathered = feature[i][:, yy, xx]  # [C, hc*Dg*Wg] gather
            vox_feat = jnp.where(visible[None, :], gathered, 0.0)  # masked scatter-equivalent
            vox_feat = vox_feat.reshape(channel * hc, d, w)  # neck != '3d', add_coord=False path
            vox_feat = jnp.where(dropped, -jnp.inf, vox_feat)
            voxel_feats.append(vox_feat)
        ortho = jnp.max(jnp.stack(voxel_feats, axis=0), axis=0)
        orthos.append(ortho)
    return jnp.stack(orthos, axis=0)


def setup_inputs(seed: int = 0) -> dict:
    key = jax.random.key(seed)
    ks_ = jax.random.split(key, 8)
    B, N, C, H, W = 2, 6, 64, 112, 200
    return {
        "features": jax.random.uniform(ks_[0], (B, N, C, H, W), dtype=jnp.float32),
        "ks": jax.random.uniform(ks_[1], (B, N, 3, 3), dtype=jnp.float32),
        "imu2cs": jax.random.uniform(ks_[2], (B, N, 3, 4), dtype=jnp.float32),
        "post_rots": jax.random.uniform(ks_[3], (B, N, 3, 3), dtype=jnp.float32),
        "post_trans": jax.random.randint(ks_[4], (B, N, 3), 0, 100).astype(jnp.float32),
        "undists": jax.random.uniform(ks_[5], (B, N, 7), dtype=jnp.float32),
        "grid": jax.random.uniform(ks_[6], (B, 201, 201, 3), dtype=jnp.float32),
        "drop_idx": jnp.arange(1, dtype=jnp.int32),
        "neck": 2,
    }


def reference(features, ks, imu2cs, post_rots, post_trans, undists, grid, drop_idx, neck):
    return _forward(features, ks, imu2cs, post_rots, post_trans, undists, grid, drop_idx, neck)

if __name__ == "__main__":
    import jax
    _d = setup_inputs()
    print(jax.jit(kernel)(*tuple(_d.values())))

</pallas_src>

<mosaic_0001>
#map = affine_map<(d0, d1) -> (0, 0, 0, 0)>
#map1 = affine_map<(d0, d1) -> (0, 0, 0)>
module attributes {stable_mosaic.version = 14 : i64} {
  func.func @_gather_max_body(%arg0: i32, %arg1: i32, %arg2: memref<2x6x64x22400xf32, #tpu.memory_space<hbm>>, %arg3: memref<2x6x280000xi32, #tpu.memory_space<hbm>>, %arg4: memref<2x32x2x280000xf32, #tpu.memory_space<hbm>>, %arg5: memref<2x2x22400xf32, #tpu.memory_space<vmem>>, %arg6: memref<2x5600xi32, #tpu.memory_space<vmem>>, %arg7: memref<2x5600xf32, #tpu.memory_space<vmem>>, %arg8: memref<2x5600xf32, #tpu.memory_space<vmem>>, %arg9: memref<!tpu.dma_semaphore, #tpu.memory_space<semaphore_mem>>) attributes {dimension_semantics = [#tpu.dimension_semantics<core_parallel>, #tpu.dimension_semantics<subcore_parallel>], iteration_bounds = array<i64: 2, 16>, scalar_prefetch = 0 : i64, scratch_operands = 5 : i64, tpu.core_type = #tpu.core_type<sc_vector_subcore>, window_params = [{transform_indices = #map}, {transform_indices = #map1}, {transform_indices = #map}]} {
    %mul3A = arith.constant 2 : i32
    %mul3A_0 = arith.muli %arg1, %mul3A : i32
    %add3A = arith.addi %mul3A_0, %arg0 : i32
    %broadcast_in_dim3A = arith.constant 0xFF800000 : f32
    %broadcast_in_dim3A_1 = vector.broadcast %broadcast_in_dim3A : f32 to vector<16xf32>
    %broadcast_in_dim3A_2 = arith.constant 0.000000e+00 : f32
    %broadcast_in_dim3A_3 = vector.broadcast %broadcast_in_dim3A_2 : f32 to vector<16xf32>
    %mul3A_4 = arith.constant 2 : i32
    %mul3A_5 = arith.muli %add3A, %mul3A_4 : i32
    %run_scoped3A = arith.constant 0 : i32
    %run_scoped3A_6 = arith.constant 0 : i32
    %run_scoped3A_7 = arith.constant 0 : i32
    "tpu.region"() ({
      %run_scoped3A_98 = tpu.sem_alloc : memref<!tpu.dma_semaphore, #tpu.memory_space<semaphore_mem>>
      %dma_start3A = arith.constant 0 : i32
      %dma_start3A_99 = arith.constant 0 : i32
      %dma_start3A_100 = tpu.memref_slice %arg5[%run_scoped3A_7, %dma_start3A, %dma_start3A_99] : memref<2x2x22400xf32, #tpu.memory_space<vmem>> -> memref<1x2x22400xf32, #tpu.memory_space<vmem>>
      %dma_start3A_101 = tpu.memref_squeeze %dma_start3A_100 : memref<1x2x22400xf32, #tpu.memory_space<vmem>> -> memref<2x22400xf32, #tpu.memory_space<vmem>>
      %dma_start3A_102 = arith.constant 0 : i32
      %dma_start3A_103 = tpu.memref_slice %arg2[%run_scoped3A, %run_scoped3A_6, %mul3A_5, %dma_start3A_102] : memref<2x6x64x22400xf32, #tpu.memory_space<hbm>> -> memref<1x1x2x22400xf32, #tpu.memory_space<hbm>>
      %dma_start3A_104 = tpu.memref_squeeze %dma_start3A_103 : memref<1x1x2x22400xf32, #tpu.memory_space<hbm>> -> memref<2x22400xf32, #tpu.memory_space<hbm>>
      %dma_start3A_105 = arith.constant 0 : i32
      %dma_start3A_106 = arith.constant 0 : i32
      %dma_start3A_107 = tpu.memref_slice %arg5[%run_scoped3A_7, %dma_start3A_105, %dma_start3A_106] : memref<2x2x22400xf32, #tpu.memory_space<vmem>> -> memref<1x2x22400xf32, #tpu.memory_space<vmem>>
      %dma_start3A_108 = tpu.memref_squeeze %dma_start3A_107 : memref<1x2x22400xf32, #tpu.memory_space<vmem>> -> memref<2x22400xf32, #tpu.memory_space<vmem>>
      %dma_start3A_109 = arith.constant 0 : i32
      %dma_start3A_110 = tpu.memref_slice %arg2[%run_scoped3A, %run_scoped3A_6, %mul3A_5, %dma_start3A_109] : memref<2x6x64x22400xf32, #tpu.memory_space<hbm>> -> memref<1x1x2x22400xf32, #tpu.memory_space<hbm>>
      %dma_start3A_111 = tpu.memref_squeeze %dma_start3A_110 : memref<1x1x2x22400xf32, #tpu.memory_space<hbm>> -> memref<2x22400xf32, #tpu.memory_space<hbm>>
      tpu.enqueue_dma source(%dma_start3A_111 : memref<2x22400xf32, #tpu.memory_space<hbm>>) target(%dma_start3A_108 : memref<2x22400xf32, #tpu.memory_space<vmem>>) target_semaphore(%run_scoped3A_98 : memref<!tpu.dma_semaphore, #tpu.memory_space<semaphore_mem>>)
      %dma_wait3A = arith.constant 0 : i32
      %dma_wait3A_112 = arith.constant 0 : i32
      %dma_wait3A_113 = tpu.memref_slice %arg5[%run_scoped3A_7, %dma_wait3A, %dma_wait3A_112] : memref<2x2x22400xf32, #tpu.memory_space<vmem>> -> memref<1x2x22400xf32, #tpu.memory_space<vmem>>
      %dma_wait3A_114 = tpu.memref_squeeze %dma_wait3A_113 : memref<1x2x22400xf32, #tpu.memory_space<vmem>> -> memref<2x22400xf32, #tpu.memory_space<vmem>>
      %dma_wait3A_115 = arith.constant 0 : i32
      %dma_wait3A_116 = tpu.memref_slice %arg2[%run_scoped3A, %run_scoped3A_6, %mul3A_5, %dma_wait3A_115] : memref<2x6x64x22400xf32, #tpu.memory_space<hbm>> -> memref<1x1x2x22400xf32, #tpu.memory_space<hbm>>
      %dma_wait3A_117 = tpu.memref_squeeze %dma_wait3A_116 : memref<1x1x2x22400xf32, #tpu.memory_space<hbm>> -> memref<2x22400xf32, #tpu.memory_space<hbm>>
      %dma_wait3A_118 = arith.constant 0 : i32
      %dma_wait3A_119 = arith.constant 0 : i32
      %dma_wait3A_120 = tpu.memref_slice %arg5[%run_scoped3A_7, %dma_wait3A_118, %dma_wait3A_119] : memref<2x2x22400xf32, #tpu.memory_space<vmem>> -> memref<1x2x22400xf32, #tpu.memory_space<vmem>>
      %dma_wait3A_121 = tpu.memref_squeeze %dma_wait3A_120 : memref<1x2x22400xf32, #tpu.memory_space<vmem>> -> memref<2x22400xf32, #tpu.memory_space<vmem>>
      %dma_wait3A_122 = arith.constant 0 : i32
      %dma_wait3A_123 = tpu.memref_slice %arg2[%run_scoped3A, %run_scoped3A_6, %mul3A_5, %dma_wait3A_122] : memref<2x6x64x22400xf32, #tpu.memory_space<hbm>> -> memref<1x1x2x22400xf32, #tpu.memory_space<hbm>>
      %dma_wait3A_124 = tpu.memref_squeeze %dma_wait3A_123 : memref<1x1x2x22400xf32, #tpu.memory_space<hbm>> -> memref<2x22400xf32, #tpu.memory_space<hbm>>
      tpu.wait_dma2 semaphore(%run_scoped3A_98 : memref<!tpu.dma_semaphore, #tpu.memory_space<semaphore_mem>>) src(%dma_wait3A_124 : memref<2x22400xf32, #tpu.memory_space<hbm>>) dst(%dma_wait3A_121 : memref<2x22400xf32, #tpu.memory_space<vmem>>)
      tpu.yield
    }) : () -> ()
    %mul3A_8 = arith.constant 2 : i32
    %mul3A_9 = arith.muli %add3A, %mul3A_8 : i32
    %run_scoped3A_10 = arith.constant 0 : i32
    %run_scoped3A_11 = arith.constant 1 : i32
    %run_scoped3A_12 = arith.constant 1 : i32
    "tpu.region"() ({
      %run_scoped3A_98 = tpu.sem_alloc : memref<!tpu.dma_semaphore, #tpu.memory_space<semaphore_mem>>
      %dma_start3A = arith.constant 0 : i32
      %dma_start3A_99 = arith.constant 0 : i32
      %dma_start3A_100 = tpu.memref_slice %arg5[%run_scoped3A_12, %dma_start3A, %dma_start3A_99] : memref<2x2x22400xf32, #tpu.memory_space<vmem>> -> memref<1x2x22400xf32, #tpu.memory_space<vmem>>
      %dma_start3A_101 = tpu.memref_squeeze %dma_start3A_100 : memref<1x2x22400xf32, #tpu.memory_space<vmem>> -> memref<2x22400xf32, #tpu.memory_space<vmem>>
      %dma_start3A_102 = arith.constant 0 : i32
      %dma_start3A_103 = tpu.memref_slice %arg2[%run_scoped3A_10, %run_scoped3A_11, %mul3A_9, %dma_start3A_102] : memref<2x6x64x22400xf32, #tpu.memory_space<hbm>> -> memref<1x1x2x22400xf32, #tpu.memory_space<hbm>>
      %dma_start3A_104 = tpu.memref_squeeze %dma_start3A_103 : memref<1x1x2x22400xf32, #tpu.memory_space<hbm>> -> memref<2x22400xf32, #tpu.memory_space<hbm>>
      %dma_start3A_105 = arith.constant 0 : i32
      %dma_start3A_106 = arith.constant 0 : i32
      %dma_start3A_107 = tpu.memref_slice %arg5[%run_scoped3A_12, %dma_start3A_105, %dma_start3A_106] : memref<2x2x22400xf32, #tpu.memory_space<vmem>> -> memref<1x2x22400xf32, #tpu.memory_space<vmem>>
      %dma_start3A_108 = tpu.memref_squeeze %dma_start3A_107 : memref<1x2x22400xf32, #tpu.memory_space<vmem>> -> memref<2x22400xf32, #tpu.memory_space<vmem>>
      %dma_start3A_109 = arith.constant 0 : i32
      %dma_start3A_110 = tpu.memref_slice %arg2[%run_scoped3A_10, %run_scoped3A_11, %mul3A_9, %dma_start3A_109] : memref<2x6x64x22400xf32, #tpu.memory_space<hbm>> -> memref<1x1x2x22400xf32, #tpu.memory_space<hbm>>
      %dma_start3A_111 = tpu.memref_squeeze %dma_start3A_110 : memref<1x1x2x22400xf32, #tpu.memory_space<hbm>> -> memref<2x22400xf32, #tpu.memory_space<hbm>>
      tpu.enqueue_dma source(%dma_start3A_111 : memref<2x22400xf32, #tpu.memory_space<hbm>>) target(%dma_start3A_108 : memref<2x22400xf32, #tpu.memory_space<vmem>>) target_semaphore(%run_scoped3A_98 : memref<!tpu.dma_semaphore, #tpu.memory_space<semaphore_mem>>)
      %dma_wait3A = arith.constant 0 : i32
      %dma_wait3A_112 = arith.constant 0 : i32
      %dma_wait3A_113 = tpu.memref_slice %arg5[%run_scoped3A_12, %dma_wait3A, %dma_wait3A_112] : memref<2x2x22400xf32, #tpu.memory_space<vmem>> -> memref<1x2x22400xf32, #tpu.memory_space<vmem>>
      %dma_wait3A_114 = tpu.memref_squeeze %dma_wait3A_113 : memref<1x2x22400xf32, #tpu.memory_space<vmem>> -> memref<2x22400xf32, #tpu.memory_space<vmem>>
      %dma_wait3A_115 = arith.constant 0 : i32
      %dma_wait3A_116 = tpu.memref_slice %arg2[%run_scoped3A_10, %run_scoped3A_11, %mul3A_9, %dma_wait3A_115] : memref<2x6x64x22400xf32, #tpu.memory_space<hbm>> -> memref<1x1x2x22400xf32, #tpu.memory_space<hbm>>
      %dma_wait3A_117 = tpu.memref_squeeze %dma_wait3A_116 : memref<1x1x2x22400xf32, #tpu.memory_space<hbm>> -> memref<2x22400xf32, #tpu.memory_space<hbm>>
      %dma_wait3A_118 = arith.constant 0 : i32
      %dma_wait3A_119 = arith.constant 0 : i32
      %dma_wait3A_120 = tpu.memref_slice %arg5[%run_scoped3A_12, %dma_wait3A_118, %dma_wait3A_119] : memref<2x2x22400xf32, #tpu.memory_space<vmem>> -> memref<1x2x22400xf32, #tpu.memory_space<vmem>>
      %dma_wait3A_121 = tpu.memref_squeeze %dma_wait3A_120 : memref<1x2x22400xf32, #tpu.memory_space<vmem>> -> memref<2x22400xf32, #tpu.memory_space<vmem>>
      %dma_wait3A_122 = arith.constant 0 : i32
      %dma_wait3A_123 = tpu.memref_slice %arg2[%run_scoped3A_10, %run_scoped3A_11, %mul3A_9, %dma_wait3A_122] : memref<2x6x64x22400xf32, #tpu.memory_space<hbm>> -> memref<1x1x2x22400xf32, #tpu.memory_space<hbm>>
      %dma_wait3A_124 = tpu.memref_squeeze %dma_wait3A_123 : memref<1x1x2x22400xf32, #tpu.memory_space<hbm>> -> memref<2x22400xf32, #tpu.memory_space<hbm>>
      tpu.wait_dma2 semaphore(%run_scoped3A_98 : memref<!tpu.dma_semaphore, #tpu.memory_space<semaphore_mem>>) src(%dma_wait3A_124 : memref<2x22400xf32, #tpu.memory_space<hbm>>) dst(%dma_wait3A_121 : memref<2x22400xf32, #tpu.memory_space<vmem>>)
      tpu.yield
    }) : () -> ()
    %scan3A = arith.constant 0 : i32
    %scan3A_13 = arith.constant 0 : i32
    %scan3A_14 = arith.constant 50 : i32
    %scan3A_15 = arith.addi %scan3A_13, %scan3A_14 : i32
    %scan3A_16 = arith.constant 1 : i32
    scf.for %scan3A_98 = %scan3A_13 to %scan3A_15 step %scan3A_16  : i32 {
      %mul3A_99 = arith.constant 5600 : i32
      %mul3A_100 = arith.muli %scan3A_98, %mul3A_99 : i32
      %dma_start3A = arith.constant 0 : i32
      %dma_start3A_101 = arith.constant 0 : i32
      %dma_start3A_102 = arith.constant 0 : i32
      %dma_start3A_103 = arith.constant 0 : i32
      %dma_start3A_104 = tpu.memref_slice %arg6[%dma_start3A_102, %dma_start3A_103] : memref<2x5600xi32, #tpu.memory_space<vmem>> -> memref<1x5600xi32, #tpu.memory_space<vmem>>
      %dma_start3A_105 = tpu.memref_squeeze %dma_start3A_104 : memref<1x5600xi32, #tpu.memory_space<vmem>> -> memref<5600xi32, #tpu.memory_space<vmem>>
      %dma_start3A_106 = tpu.memref_slice %arg3[%dma_start3A, %dma_start3A_101, %mul3A_100] : memref<2x6x280000xi32, #tpu.memory_space<hbm>> -> memref<1x1x5600xi32, #tpu.memory_space<hbm>>
      %dma_start3A_107 = tpu.memref_squeeze %dma_start3A_106 : memref<1x1x5600xi32, #tpu.memory_space<hbm>> -> memref<5600xi32, #tpu.memory_space<hbm>>
      %dma_start3A_108 = arith.constant 0 : i32
      %dma_start3A_109 = tpu.memref_slice %arg6[%dma_start3A_102, %dma_start3A_108] : memref<2x5600xi32, #tpu.memory_space<vmem>> -> memref<1x5600xi32, #tpu.memory_space<vmem>>
      %dma_start3A_110 = tpu.memref_squeeze %dma_start3A_109 : memref<1x5600xi32, #tpu.memory_space<vmem>> -> memref<5600xi32, #tpu.memory_space<vmem>>
      %dma_start3A_111 = tpu.memref_slice %arg3[%dma_start3A, %dma_start3A_101, %mul3A_100] : memref<2x6x280000xi32, #tpu.memory_space<hbm>> -> memref<1x1x5600xi32, #tpu.memory_space<hbm>>
      %dma_start3A_112 = tpu.memref_squeeze %dma_start3A_111 : memref<1x1x5600xi32, #tpu.memory_space<hbm>> -> memref<5600xi32, #tpu.memory_space<hbm>>
      tpu.enqueue_dma source(%dma_start3A_112 : memref<5600xi32, #tpu.memory_space<hbm>>) target(%dma_start3A_110 : memref<5600xi32, #tpu.memory_space<vmem>>) target_semaphore(%arg9 : memref<!tpu.dma_semaphore, #tpu.memory_space<semaphore_mem>>)
      %dma_start3A_113 = arith.constant 0 : i32
      %dma_start3A_114 = arith.constant 1 : i32
      %dma_start3A_115 = arith.constant 1 : i32
      %dma_start3A_116 = arith.constant 0 : i32
      %dma_start3A_117 = tpu.memref_slice %arg6[%dma_start3A_115, %dma_start3A_116] : memref<2x5600xi32, #tpu.memory_space<vmem>> -> memref<1x5600xi32, #tpu.memory_space<vmem>>
      %dma_start3A_118 = tpu.memref_squeeze %dma_start3A_117 : memref<1x5600xi32, #tpu.memory_space<vmem>> -> memref<5600xi32, #tpu.memory_space<vmem>>
      %dma_start3A_119 = tpu.memref_slice %arg3[%dma_start3A_113, %dma_start3A_114, %mul3A_100] : memref<2x6x280000xi32, #tpu.memory_space<hbm>> -> memref<1x1x5600xi32, #tpu.memory_space<hbm>>
      %dma_start3A_120 = tpu.memref_squeeze %dma_start3A_119 : memref<1x1x5600xi32, #tpu.memory_space<hbm>> -> memref<5600xi32, #tpu.memory_space<hbm>>
      %dma_start3A_121 = arith.constant 0 : i32
      %dma_start3A_122 = tpu.memref_slice %arg6[%dma_start3A_115, %dma_start3A_121] : memref<2x5600xi32, #tpu.memory_space<vmem>> -> memref<1x5600xi32, #tpu.memory_space<vmem>>
      %dma_start3A_123 = tpu.memref_squeeze %dma_start3A_122 : memref<1x5600xi32, #tpu.memory_space<vmem>> -> memref<5600xi32, #tpu.memory_space<vmem>>
      %dma_start3A_124 = tpu.memref_slice %arg3[%dma_start3A_113, %dma_start3A_114, %mul3A_100] : memref<2x6x280000xi32, #tpu.memory_space<hbm>> -> memref<1x1x5600xi32, #tpu.memory_space<hbm>>
      %dma_start3A_125 = tpu.memref_squeeze %dma_start3A_124 : memref<1x1x5600xi32, #tpu.memory_space<hbm>> -> memref<5600xi32, #tpu.memory_space<hbm>>
      tpu.enqueue_dma source(%dma_start3A_125 : memref<5600xi32, #tpu.memory_space<hbm>>) target(%dma_start3A_123 : memref<5600xi32, #tpu.memory_space<vmem>>) target_semaphore(%arg9 : memref<!tpu.dma_semaphore, #tpu.memory_space<semaphore_mem>>)
      %dma_wait3A = arith.constant 0 : i32
      %dma_wait3A_126 = arith.constant 0 : i32
      %dma_wait3A_127 = arith.constant 0 : i32
      %dma_wait3A_128 = arith.constant 0 : i32
      %dma_wait3A_129 = tpu.memref_slice %arg6[%dma_wait3A_127, %dma_wait3A_128] : memref<2x5600xi32, #tpu.memory_space<vmem>> -> memref<1x5600xi32, #tpu.memory_space<vmem>>
      %dma_wait3A_130 = tpu.memref_squeeze %dma_wait3A_129 : memref<1x5600xi32, #tpu.memory_space<vmem>> -> memref<5600xi32, #tpu.memory_space<vmem>>
      %dma_wait3A_131 = tpu.memref_slice %arg3[%dma_wait3A, %dma_wait3A_126, %mul3A_100] : memref<2x6x280000xi32, #tpu.memory_space<hbm>> -> memref<1x1x5600xi32, #tpu.memory_space<hbm>>
      %dma_wait3A_132 = tpu.memref_squeeze %dma_wait3A_131 : memref<1x1x5600xi32, #tpu.memory_space<hbm>> -> memref<5600xi32, #tpu.memory_space<hbm>>
      %dma_wait3A_133 = arith.constant 0 : i32
      %dma_wait3A_134 = tpu.memref_slice %arg6[%dma_wait3A_127, %dma_wait3A_133] : memref<2x5600xi32, #tpu.memory_space<vmem>> -> memref<1x5600xi32, #tpu.memory_space<vmem>>
      %dma_wait3A_135 = tpu.memref_squeeze %dma_wait3A_134 : memref<1x5600xi32, #tpu.memory_space<vmem>> -> memref<5600xi32, #tpu.memory_space<vmem>>
      %dma_wait3A_136 = tpu.memref_slice %arg3[%dma_wait3A, %dma_wait3A_126, %mul3A_100] : memref<2x6x280000xi32, #tpu.memory_space<hbm>> -> memref<1x1x5600xi32, #tpu.memory_space<hbm>>
      %dma_wait3A_137 = tpu.memref_squeeze %dma_wait3A_136 : memref<1x1x5600xi32, #tpu.memory_space<hbm>> -> memref<5600xi32, #tpu.memory_space<hbm>>
      tpu.wait_dma2 semaphore(%arg9 : memref<!tpu.dma_semaphore, #tpu.memory_space<semaphore_mem>>) src(%dma_wait3A_137 : memref<5600xi32, #tpu.memory_space<hbm>>) dst(%dma_wait3A_135 : memref<5600xi32, #tpu.memory_space<vmem>>)
      %dma_wait3A_138 = arith.constant 0 : i32
      %dma_wait3A_139 = arith.constant 1 : i32
      %dma_wait3A_140 = arith.constant 1 : i32
      %dma_wait3A_141 = arith.constant 0 : i32
      %dma_wait3A_142 = tpu.memref_slice %arg6[%dma_wait3A_140, %dma_wait3A_141] : memref<2x5600xi32, #tpu.memory_space<vmem>> -> memref<1x5600xi32, #tpu.memory_space<vmem>>
      %dma_wait3A_143 = tpu.memref_squeeze %dma_wait3A_142 : memref<1x5600xi32, #tpu.memory_space<vmem>> -> memref<5600xi32, #tpu.memory_space<vmem>>
      %dma_wait3A_144 = tpu.memref_slice %arg3[%dma_wait3A_138, %dma_wait3A_139, %mul3A_100] : memref<2x6x280000xi32, #tpu.memory_space<hbm>> -> memref<1x1x5600xi32, #tpu.memory_space<hbm>>
      %dma_wait3A_145 = tpu.memref_squeeze %dma_wait3A_144 : memref<1x1x5600xi32, #tpu.memory_space<hbm>> -> memref<5600xi32, #tpu.memory_space<hbm>>
      %dma_wait3A_146 = arith.constant 0 : i32
      %dma_wait3A_147 = tpu.memref_slice %arg6[%dma_wait3A_140, %dma_wait3A_146] : memref<2x5600xi32, #tpu.memory_space<vmem>> -> memref<1x5600xi32, #tpu.memory_space<vmem>>
      %dma_wait3A_148 = tpu.memref_squeeze %dma_wait3A_147 : memref<1x5600xi32, #tpu.memory_space<vmem>> -> memref<5600xi32, #tpu.memory_space<vmem>>
      %dma_wait3A_149 = tpu.memref_slice %arg3[%dma_wait3A_138, %dma_wait3A_139, %mul3A_100] : memref<2x6x280000xi32, #tpu.memory_space<hbm>> -> memref<1x1x5600xi32, #tpu.memory_space<hbm>>
      %dma_wait3A_150 = tpu.memref_squeeze %dma_wait3A_149 : memref<1x1x5600xi32, #tpu.memory_space<hbm>> -> memref<5600xi32, #tpu.memory_space<hbm>>
      tpu.wait_dma2 semaphore(%arg9 : memref<!tpu.dma_semaphore, #tpu.memory_space<semaphore_mem>>) src(%dma_wait3A_150 : memref<5600xi32, #tpu.memory_space<hbm>>) dst(%dma_wait3A_148 : memref<5600xi32, #tpu.memory_space<vmem>>)
      %scan3A_151 = arith.constant 0 : i32
      %scan3A_152 = arith.constant 0 : i32
      %scan3A_153 = arith.constant 350 : i32
      %scan3A_154 = arith.addi %scan3A_152, %scan3A_153 : i32
      %scan3A_155 = arith.constant 1 : i32
      scf.for %scan3A_158 = %scan3A_152 to %scan3A_154 step %scan3A_155  : i32 {
        %mul3A_159 = arith.constant 16 : i32
        %mul3A_160 = arith.muli %scan3A_158, %mul3A_159 : i32
        %get3A = arith.constant 0 : i32
        %get3A_161 = arith.index_cast %get3A : i32 to index
        %get3A_162 = arith.index_cast %mul3A_160 : i32 to index
        %get3A_163 = tpu.vector_load %arg6[%get3A_161, %get3A_162] {strides = array<i32>} : memref<2x5600xi32, #tpu.memory_space<vmem>>, vector<16xi32>,
        %get3A_164 = arith.constant 1 : i32
        %get3A_165 = arith.index_cast %get3A_164 : i32 to index
        %get3A_166 = arith.index_cast %mul3A_160 : i32 to index
        %get3A_167 = tpu.vector_load %arg6[%get3A_165, %get3A_166] {strides = array<i32>} : memref<2x5600xi32, #tpu.memory_space<vmem>>, vector<16xi32>,
        %lt3A = arith.constant 22400 : i32
        %lt3A_168 = vector.broadcast %lt3A : i32 to vector<16xi32>
        %lt3A_169 = arith.cmpi slt, %get3A_163, %lt3A_168 : vector<16xi32>
        %lt3A_170 = arith.constant 22400 : i32
        %lt3A_171 = vector.broadcast %lt3A_170 : i32 to vector<16xi32>
        %lt3A_172 = arith.cmpi slt, %get3A_167, %lt3A_171 : vector<16xi32>
        %eq3A = arith.constant 22400 : i32
        %eq3A_173 = vector.broadcast %eq3A : i32 to vector<16xi32>
        %eq3A_174 = arith.cmpi eq, %get3A_163, %eq3A_173 : vector<16xi32>
        %select_n3A = arith.select %eq3A_174, %broadcast_in_dim3A_3, %broadcast_in_dim3A_1 : vector<16xi1>, vector<16xf32>
        %eq3A_175 = arith.constant 22400 : i32
        %eq3A_176 = vector.broadcast %eq3A_175 : i32 to vector<16xi32>
        %eq3A_177 = arith.cmpi eq, %get3A_167, %eq3A_176 : vector<16xi32>
        %select_n3A_178 = arith.select %eq3A_177, %broadcast_in_dim3A_3, %broadcast_in_dim3A_1 : vector<16xi1>, vector<16xf32>
        %min3A = arith.constant 22399 : i32
        %min3A_179 = vector.broadcast %min3A : i32 to vector<16xi32>
        %min3A_180 = arith.minsi %get3A_163, %min3A_179 : vector<16xi32>
        %min3A_181 = arith.constant 22399 : i32
        %min3A_182 = vector.broadcast %min3A_181 : i32 to vector<16xi32>
        %min3A_183 = arith.minsi %get3A_167, %min3A_182 : vector<16xi32>
        %broadcast_in_dim3A_184 = arith.constant 0 : i32
        %broadcast_in_dim3A_185 = vector.broadcast %broadcast_in_dim3A_184 : i32 to vector<16xi32>
        %broadcast_in_dim3A_186 = arith.constant 1 : i32
        %broadcast_in_dim3A_187 = vector.broadcast %broadcast_in_dim3A_186 : i32 to vector<16xi32>
        %broadcast_in_dim3A_188 = arith.constant 0 : i32
        %broadcast_in_dim3A_189 = vector.broadcast %broadcast_in_dim3A_188 : i32 to vector<16xi32>
        %gather3A = tpu.vector_load_idx %arg5[%broadcast_in_dim3A_185, %broadcast_in_dim3A_189, %min3A_180] : memref<2x2x22400xf32, #tpu.memory_space<vmem>>[vector<16xi32>, vector<16xi32>, vector<16xi32>], vector<16xf32>,
        %gather3A_190 = tpu.vector_load_idx %arg5[%broadcast_in_dim3A_187, %broadcast_in_dim3A_189, %min3A_183] : memref<2x2x22400xf32, #tpu.memory_space<vmem>>[vector<16xi32>, vector<16xi32>, vector<16xi32>], vector<16xf32>,
        %select_n3A_191 = arith.select %lt3A_169, %gather3A, %select_n3A : vector<16xi1>, vector<16xf32>
        %select_n3A_192 = arith.select %lt3A_172, %gather3A_190, %select_n3A_178 : vector<16xi1>, vector<16xf32>
        %max3A = arith.maximumf %select_n3A_191, %select_n3A_192 : vector<16xf32>
        %swap3A = arith.constant 0 : i32
        %swap3A_193 = arith.index_cast %swap3A : i32 to index
        %swap3A_194 = arith.index_cast %mul3A_160 : i32 to index
        %swap3A_195 = tpu.vector_load %arg7[%swap3A_193, %swap3A_194] {strides = array<i32>} : memref<2x5600xf32, #tpu.memory_space<vmem>>, vector<16xf32>,
        tpu.vector_store %arg7[%swap3A_193, %swap3A_194], %max3A {strides = array<i32>} : memref<2x5600xf32, #tpu.memory_space<vmem>>, vector<16xf32>,
        %broadcast_in_dim3A_196 = arith.constant 1 : i32
        %broadcast_in_dim3A_197 = vector.broadcast %broadcast_in_dim3A_196 : i32 to vector<16xi32>
        %gather3A_198 = tpu.vector_load_idx %arg5[%broadcast_in_dim3A_185, %broadcast_in_dim3A_197, %min3A_180] : memref<2x2x22400xf32, #tpu.memory_space<vmem>>[vector<16xi32>, vector<16xi32>, vector<16xi32>], vector<16xf32>,
        %gather3A_199 = tpu.vector_load_idx %arg5[%broadcast_in_dim3A_187, %broadcast_in_dim3A_197, %min3A_183] : memref<2x2x22400xf32, #tpu.memory_space<vmem>>[vector<16xi32>, vector<16xi32>, vector<16xi32>], vector<16xf32>,
        %select_n3A_200 = arith.select %lt3A_169, %gather3A_198, %select_n3A : vector<16xi1>, vector<16xf32>
        %select_n3A_201 = arith.select %lt3A_172, %gather3A_199, %select_n3A_178 : vector<16xi1>, vector<16xf32>
        %max3A_202 = arith.maximumf %select_n3A_200, %select_n3A_201 : vector<16xf32>
        %swap3A_203 = arith.constant 1 : i32
        %swap3A_204 = arith.index_cast %swap3A_203 : i32 to index
        %swap3A_205 = arith.index_cast %mul3A_160 : i32 to index
        %swap3A_206 = tpu.vector_load %arg7[%swap3A_204, %swap3A_205] {strides = array<i32>} : memref<2x5600xf32, #tpu.memory_space<vmem>>, vector<16xf32>,
        tpu.vector_store %arg7[%swap3A_204, %swap3A_205], %max3A_202 {strides = array<i32>} : memref<2x5600xf32, #tpu.memory_space<vmem>>, vector<16xf32>,
      }
      %scan3A_156 = arith.constant 350 : i32
      %run_scoped3A_157 = arith.constant 0 : i32
      "tpu.region"() ({
        %run_scoped3A_158 = tpu.sem_alloc : memref<!tpu.dma_semaphore, #tpu.memory_space<semaphore_mem>>
        %dma_start3A_159 = arith.constant 0 : i32
        %dma_start3A_160 = tpu.memref_slice %arg4[%run_scoped3A_157, %add3A, %dma_start3A_159, %mul3A_100] : memref<2x32x2x280000xf32, #tpu.memory_space<hbm>> -> memref<1x1x2x5600xf32, #tpu.memory_space<hbm>>
        %dma_start3A_161 = tpu.memref_squeeze %dma_start3A_160 : memref<1x1x2x5600xf32, #tpu.memory_space<hbm>> -> memref<2x5600xf32, #tpu.memory_space<hbm>>
        %dma_start3A_162 = arith.constant 0 : i32
        %dma_start3A_163 = tpu.memref_slice %arg4[%run_scoped3A_157, %add3A, %dma_start3A_162, %mul3A_100] : memref<2x32x2x280000xf32, #tpu.memory_space<hbm>> -> memref<1x1x2x5600xf32, #tpu.memory_space<hbm>>
        %dma_start3A_164 = tpu.memref_squeeze %dma_start3A_163 : memref<1x1x2x5600xf32, #tpu.memory_space<hbm>> -> memref<2x5600xf32, #tpu.memory_space<hbm>>
        tpu.enqueue_dma source(%arg7 : memref<2x5600xf32, #tpu.memory_space<vmem>>) target(%dma_start3A_164 : memref<2x5600xf32, #tpu.memory_space<hbm>>) target_semaphore(%run_scoped3A_158 : memref<!tpu.dma_semaphore, #tpu.memory_space<semaphore_mem>>)
        %dma_wait3A_165 = arith.constant 0 : i32
        %dma_wait3A_166 = tpu.memref_slice %arg4[%run_scoped3A_157, %add3A, %dma_wait3A_165, %mul3A_100] : memref<2x32x2x280000xf32, #tpu.memory_space<hbm>> -> memref<1x1x2x5600xf32, #tpu.memory_space<hbm>>
        %dma_wait3A_167 = tpu.memref_squeeze %dma_wait3A_166 : memref<1x1x2x5600xf32, #tpu.memory_space<hbm>> -> memref<2x5600xf32, #tpu.memory_space<hbm>>
        %dma_wait3A_168 = arith.constant 0 : i32
        %dma_wait3A_169 = tpu.memref_slice %arg4[%run_scoped3A_157, %add3A, %dma_wait3A_168, %mul3A_100] : memref<2x32x2x280000xf32, #tpu.memory_space<hbm>> -> memref<1x1x2x5600xf32, #tpu.memory_space<hbm>>
        %dma_wait3A_170 = tpu.memref_squeeze %dma_wait3A_169 : memref<1x1x2x5600xf32, #tpu.memory_space<hbm>> -> memref<2x5600xf32, #tpu.memory_space<hbm>>
        tpu.wait_dma2 semaphore(%run_scoped3A_158 : memref<!tpu.dma_semaphore, #tpu.memory_space<semaphore_mem>>) src(%arg7 : memref<2x5600xf32, #tpu.memory_space<vmem>>) dst(%dma_wait3A_170 : memref<2x5600xf32, #tpu.memory_space<hbm>>)
        tpu.yield
      }) : () -> ()
    }
    %scan3A_17 = arith.constant 50 : i32
    %mul3A_18 = arith.constant 2 : i32
    %mul3A_19 = arith.muli %add3A, %mul3A_18 : i32
    %run_scoped3A_20 = arith.constant 1 : i32
    %run_scoped3A_21 = arith.constant 0 : i32
    %run_scoped3A_22 = arith.constant 0 : i32
    "tpu.region"() ({
      %run_scoped3A_98 = tpu.sem_alloc : memref<!tpu.dma_semaphore, #tpu.memory_space<semaphore_mem>>
      %dma_start3A = arith.constant 0 : i32
      %dma_start3A_99 = arith.constant 0 : i32
      %dma_start3A_100 = tpu.memref_slice %arg5[%run_scoped3A_22, %dma_start3A, %dma_start3A_99] : memref<2x2x22400xf32, #tpu.memory_space<vmem>> -> memref<1x2x22400xf32, #tpu.memory_space<vmem>>
      %dma_start3A_101 = tpu.memref_squeeze %dma_start3A_100 : memref<1x2x22400xf32, #tpu.memory_space<vmem>> -> memref<2x22400xf32, #tpu.memory_space<vmem>>
      %dma_start3A_102 = arith.constant 0 : i32
      %dma_start3A_103 = tpu.memref_slice %arg2[%run_scoped3A_20, %run_scoped3A_21, %mul3A_19, %dma_start3A_102] : memref<2x6x64x22400xf32, #tpu.memory_space<hbm>> -> memref<1x1x2x22400xf32, #tpu.memory_space<hbm>>
      %dma_start3A_104 = tpu.memref_squeeze %dma_start3A_103 : memref<1x1x2x22400xf32, #tpu.memory_space<hbm>> -> memref<2x22400xf32, #tpu.memory_space<hbm>>
      %dma_start3A_105 = arith.constant 0 : i32
      %dma_start3A_106 = arith.constant 0 : i32
      %dma_start3A_107 = tpu.memref_slice %arg5[%run_scoped3A_22, %dma_start3A_105, %dma_start3A_106] : memref<2x2x22400xf32, #tpu.memory_space<vmem>> -> memref<1x2x22400xf32, #tpu.memory_space<vmem>>
      %dma_start3A_108 = tpu.memref_squeeze %dma_start3A_107 : memref<1x2x22400xf32, #tpu.memory_space<vmem>> -> memref<2x22400xf32, #tpu.memory_space<vmem>>
      %dma_start3A_109 = arith.constant 0 : i32
      %dma_start3A_110 = tpu.memref_slice %arg2[%run_scoped3A_20, %run_scoped3A_21, %mul3A_19, %dma_start3A_109] : memref<2x6x64x22400xf32, #tpu.memory_space<hbm>> -> memref<1x1x2x22400xf32, #tpu.memory_space<hbm>>
      %dma_start3A_111 = tpu.memref_squeeze %dma_start3A_110 : memref<1x1x2x22400xf32, #tpu.memory_space<hbm>> -> memref<2x22400xf32, #tpu.memory_space<hbm>>
      tpu.enqueue_dma source(%dma_start3A_111 : memref<2x22400xf32, #tpu.memory_space<hbm>>) target(%dma_start3A_108 : memref<2x22400xf32, #tpu.memory_space<vmem>>) target_semaphore(%run_scoped3A_98 : memref<!tpu.dma_semaphore, #tpu.memory_space<semaphore_mem>>)
      %dma_wait3A = arith.constant 0 : i32
      %dma_wait3A_112 = arith.constant 0 : i32
      %dma_wait3A_113 = tpu.memref_slice %arg5[%run_scoped3A_22, %dma_wait3A, %dma_wait3A_112] : memref<2x2x22400xf32, #tpu.memory_space<vmem>> -> memref<1x2x22400xf32, #tpu.memory_space<vmem>>
      %dma_wait3A_114 = tpu.memref_squeeze %dma_wait3A_113 : memref<1x2x22400xf32, #tpu.memory_space<vmem>> -> memref<2x22400xf32, #tpu.memory_space<vmem>>
      %dma_wait3A_115 = arith.constant 0 : i32
      %dma_wait3A_116 = tpu.memref_slice %arg2[%run_scoped3A_20, %run_scoped3A_21, %mul3A_19, %dma_wait3A_115] : memref<2x6x64x22400xf32, #tpu.memory_space<hbm>> -> memref<1x1x2x22400xf32, #tpu.memory_space<hbm>>
      %dma_wait3A_117 = tpu.memref_squeeze %dma_wait3A_116 : memref<1x1x2x22400xf32, #tpu.memory_space<hbm>> -> memref<2x22400xf32, #tpu.memory_space<hbm>>
      %dma_wait3A_118 = arith.constant 0 : i32
      %dma_wait3A_119 = arith.constant 0 : i32
      %dma_wait3A_120 = tpu.memref_slice %arg5[%run_scoped3A_22, %dma_wait3A_118, %dma_wait3A_119] : memref<2x2x22400xf32, #tpu.memory_space<vmem>> -> memref<1x2x22400xf32, #tpu.memory_space<vmem>>
      %dma_wait3A_121 = tpu.memref_squeeze %dma_wait3A_120 : memref<1x2x22400xf32, #tpu.memory_space<vmem>> -> memref<2x22400xf32, #tpu.memory_space<vmem>>
      %dma_wait3A_122 = arith.constant 0 : i32
      %dma_wait3A_123 = tpu.memref_slice %arg2[%run_scoped3A_20, %run_scoped3A_21, %mul3A_19, %dma_wait3A_122] : memref<2x6x64x22400xf32, #tpu.memory_space<hbm>> -> memref<1x1x2x22400xf32, #tpu.memory_space<hbm>>
      %dma_wait3A_124 = tpu.memref_squeeze %dma_wait3A_123 : memref<1x1x2x22400xf32, #tpu.memory_space<hbm>> -> memref<2x22400xf32, #tpu.memory_space<hbm>>
      tpu.wait_dma2 semaphore(%run_scoped3A_98 : memref<!tpu.dma_semaphore, #tpu.memory_space<semaphore_mem>>) src(%dma_wait3A_124 : memref<2x22400xf32, #tpu.memory_space<hbm>>) dst(%dma_wait3A_121 : memref<2x22400xf32, #tpu.memory_space<vmem>>)
      tpu.yield
    }) : () -> ()
    %mul3A_23 = arith.constant 2 : i32
    %mul3A_24 = arith.muli %add3A, %mul3A_23 : i32
    %run_scoped3A_25 = arith.constant 1 : i32
    %run_scoped3A_26 = arith.constant 1 : i32
    %run_scoped3A_27 = arith.constant 1 : i32
    "tpu.region"() ({
      %run_scoped3A_98 = tpu.sem_alloc : memref<!tpu.dma_semaphore, #tpu.memory_space<semaphore_mem>>
      %dma_start3A = arith.constant 0 : i32
      %dma_start3A_99 = arith.constant 0 : i32
      %dma_start3A_100 = tpu.memref_slice %arg5[%run_scoped3A_27, %dma_start3A, %dma_start3A_99] : memref<2x2x22400xf32, #tpu.memory_space<vmem>> -> memref<1x2x22400xf32, #tpu.memory_space<vmem>>
      %dma_start3A_101 = tpu.memref_squeeze %dma_start3A_100 : memref<1x2x22400xf32, #tpu.memory_space<vmem>> -> memref<2x22400xf32, #tpu.memory_space<vmem>>
      %dma_start3A_102 = arith.constant 0 : i32
      %dma_start3A_103 = tpu.memref_slice %arg2[%run_scoped3A_25, %run_scoped3A_26, %mul3A_24, %dma_start3A_102] : memref<2x6x64x22400xf32, #tpu.memory_space<hbm>> -> memref<1x1x2x22400xf32, #tpu.memory_space<hbm>>
      %dma_start3A_104 = tpu.memref_squeeze %dma_start3A_103 : memref<1x1x2x22400xf32, #tpu.memory_space<hbm>> -> memref<2x22400xf32, #tpu.memory_space<hbm>>
      %dma_start3A_105 = arith.constant 0 : i32
      %dma_start3A_106 = arith.constant 0 : i32
      %dma_start3A_107 = tpu.memref_slice %arg5[%run_scoped3A_27, %dma_start3A_105, %dma_start3A_106] : memref<2x2x22400xf32, #tpu.memory_space<vmem>> -> memref<1x2x22400xf32, #tpu.memory_space<vmem>>
      %dma_start3A_108 = tpu.memref_squeeze %dma_start3A_107 : memref<1x2x22400xf32, #tpu.memory_space<vmem>> -> memref<2x22400xf32, #tpu.memory_space<vmem>>
      %dma_start3A_109 = arith.constant 0 : i32
      %dma_start3A_110 = tpu.memref_slice %arg2[%run_scoped3A_25, %run_scoped3A_26, %mul3A_24, %dma_start3A_109] : memref<2x6x64x22400xf32, #tpu.memory_space<hbm>> -> memref<1x1x2x22400xf32, #tpu.memory_space<hbm>>
      %dma_start3A_111 = tpu.memref_squeeze %dma_start3A_110 : memref<1x1x2x22400xf32, #tpu.memory_space<hbm>> -> memref<2x22400xf32, #tpu.memory_space<hbm>>
      tpu.enqueue_dma source(%dma_start3A_111 : memref<2x22400xf32, #tpu.memory_space<hbm>>) target(%dma_start3A_108 : memref<2x22400xf32, #tpu.memory_space<vmem>>) target_semaphore(%run_scoped3A_98 : memref<!tpu.dma_semaphore, #tpu.memory_space<semaphore_mem>>)
      %dma_wait3A = arith.constant 0 : i32
      %dma_wait3A_112 = arith.constant 0 : i32
      %dma_wait3A_113 = tpu.memref_slice %arg5[%run_scoped3A_27, %dma_wait3A, %dma_wait3A_112] : memref<2x2x22400xf32, #tpu.memory_space<vmem>> -> memref<1x2x22400xf32, #tpu.memory_space<vmem>>
      %dma_wait3A_114 = tpu.memref_squeeze %dma_wait3A_113 : memref<1x2x22400xf32, #tpu.memory_space<vmem>> -> memref<2x22400xf32, #tpu.memory_space<vmem>>
      %dma_wait3A_115 = arith.constant 0 : i32
      %dma_wait3A_116 = tpu.memref_slice %arg2[%run_scoped3A_25, %run_scoped3A_26, %mul3A_24, %dma_wait3A_115] : memref<2x6x64x22400xf32, #tpu.memory_space<hbm>> -> memref<1x1x2x22400xf32, #tpu.memory_space<hbm>>
      %dma_wait3A_117 = tpu.memref_squeeze %dma_wait3A_116 : memref<1x1x2x22400xf32, #tpu.memory_space<hbm>> -> memref<2x22400xf32, #tpu.memory_space<hbm>>
      %dma_wait3A_118 = arith.constant 0 : i32
      %dma_wait3A_119 = arith.constant 0 : i32
      %dma_wait3A_120 = tpu.memref_slice %arg5[%run_scoped3A_27, %dma_wait3A_118, %dma_wait3A_119] : memref<2x2x22400xf32, #tpu.memory_space<vmem>> -> memref<1x2x22400xf32, #tpu.memory_space<vmem>>
      %dma_wait3A_121 = tpu.memref_squeeze %dma_wait3A_120 : memref<1x2x22400xf32, #tpu.memory_space<vmem>> -> memref<2x22400xf32, #tpu.memory_space<vmem>>
      %dma_wait3A_122 = arith.constant 0 : i32
      %dma_wait3A_123 = tpu.memref_slice %arg2[%run_scoped3A_25, %run_scoped3A_26, %mul3A_24, %dma_wait3A_122] : memref<2x6x64x22400xf32, #tpu.memory_space<hbm>> -> memref<1x1x2x22400xf32, #tpu.memory_space<hbm>>
      %dma_wait3A_124 = tpu.memref_squeeze %dma_wait3A_123 : memref<1x1x2x22400xf32, #tpu.memory_space<hbm>> -> memref<2x22400xf32, #tpu.memory_space<hbm>>
      tpu.wait_dma2 semaphore(%run_scoped3A_98 : memref<!tpu.dma_semaphore, #tpu.memory_space<semaphore_mem>>) src(%dma_wait3A_124 : memref<2x22400xf32, #tpu.memory_space<hbm>>) dst(%dma_wait3A_121 : memref<2x22400xf32, #tpu.memory_space<vmem>>)
      tpu.yield
    }) : () -> ()
    %scan3A_28 = arith.constant 0 : i32
    %scan3A_29 = arith.constant 0 : i32
    %scan3A_30 = arith.constant 50 : i32
    %scan3A_31 = arith.addi %scan3A_29, %scan3A_30 : i32
    %scan3A_32 = arith.constant 1 : i32
    scf.for %scan3A_98 = %scan3A_29 to %scan3A_31 step %scan3A_32  : i32 {
      %mul3A_99 = arith.constant 5600 : i32
      %mul3A_100 = arith.muli %scan3A_98, %mul3A_99 : i32
      %dma_start3A = arith.constant 1 : i32
      %dma_start3A_101 = arith.constant 0 : i32
      %dma_start3A_102 = arith.constant 0 : i32
      %dma_start3A_103 = arith.constant 0 : i32
      %dma_start3A_104 = tpu.memref_slice %arg6[%dma_start3A_102, %dma_start3A_103] : memref<2x5600xi32, #tpu.memory_space<vmem>> -> memref<1x5600xi32, #tpu.memory_space<vmem>>
      %dma_start3A_105 = tpu.memref_squeeze %dma_start3A_104 : memref<1x5600xi32, #tpu.memory_space<vmem>> -> memref<5600xi32, #tpu.memory_space<vmem>>
      %dma_start3A_106 = tpu.memref_slice %arg3[%dma_start3A, %dma_start3A_101, %mul3A_100] : memref<2x6x280000xi32, #tpu.memory_space<hbm>> -> memref<1x1x5600xi32, #tpu.memory_space<hbm>>
      %dma_start3A_107 = tpu.memref_squeeze %dma_start3A_106 : memref<1x1x5600xi32, #tpu.memory_space<hbm>> -> memref<5600xi32, #tpu.memory_space<hbm>>
      %dma_start3A_108 = arith.constant 0 : i32
      %dma_start3A_109 = tpu.memref_slice %arg6[%dma_start3A_102, %dma_start3A_108] : memref<2x5600xi32, #tpu.memory_space<vmem>> -> memref<1x5600xi32, #tpu.memory_space<vmem>>
      %dma_start3A_110 = tpu.memref_squeeze %dma_start3A_109 : memref<1x5600xi32, #tpu.memory_space<vmem>> -> memref<5600xi32, #tpu.memory_space<vmem>>
      %dma_start3A_111 = tpu.memref_slice %arg3[%dma_start3A, %dma_start3A_101, %mul3A_100] : memref<2x6x280000xi32, #tpu.memory_space<hbm>> -> memref<1x1x5600xi32, #tpu.memory_space<hbm>>
      %dma_start3A_112 = tpu.memref_squeeze %dma_start3A_111 : memref<1x1x5600xi32, #tpu.memory_space<hbm>> -> memref<5600xi32, #tpu.memory_space<hbm>>
      tpu.enqueue_dma source(%dma_start3A_112 : memref<5600xi32, #tpu.memory_space<hbm>>) target(%dma_start3A_110 : memref<5600xi32, #tpu.memory_space<vmem>>) target_semaphore(%arg9 : memref<!tpu.dma_semaphore, #tpu.memory_space<semaphore_mem>>)
      %dma_start3A_113 = arith.constant 1 : i32
      %dma_start3A_114 = arith.constant 1 : i32
      %dma_start3A_115 = arith.constant 1 : i32
      %dma_start3A_116 = arith.constant 0 : i32
      %dma_start3A_117 = tpu.memref_slice %arg6[%dma_start3A_115, %dma_start3A_116] : memref<2x5600xi32, #tpu.memory_space<vmem>> -> memref<1x5600xi32, #tpu.memory_space<vmem>>
      %dma_start3A_118 = tpu.memref_squeeze %dma_start3A_117 : memref<1x5600xi32, #tpu.memory_space<vmem>> -> memref<5600xi32, #tpu.memory_space<vmem>>
      %dma_start3A_119 = tpu.memref_slice %arg3[%dma_start3A_113, %dma_start3A_114, %mul3A_100] : memref<2x6x280000xi32, #tpu.memory_space<hbm>> -> memref<1x1x5600xi32, #tpu.memory_space<hbm>>
      %dma_start3A_120 = tpu.memref_squeeze %dma_start3A_119 : memref<1x1x5600xi32, #tpu.memory_space<hbm>> -> memref<5600xi32, #tpu.memory_space<hbm>>
      %dma_start3A_121 = arith.constant 0 : i32
      %dma_start3A_122 = tpu.memref_slice %arg6[%dma_start3A_115, %dma_start3A_121] : memref<2x5600xi32, #tpu.memory_space<vmem>> -> memref<1x5600xi32, #tpu.memory_space<vmem>>
      %dma_start3A_123 = tpu.memref_squeeze %dma_start3A_122 : memref<1x5600xi32, #tpu.memory_space<vmem>> -> memref<5600xi32, #tpu.memory_space<vmem>>
      %dma_start3A_124 = tpu.memref_slice %arg3[%dma_start3A_113, %dma_start3A_114, %mul3A_100] : memref<2x6x280000xi32, #tpu.memory_space<hbm>> -> memref<1x1x5600xi32, #tpu.memory_space<hbm>>
      %dma_start3A_125 = tpu.memref_squeeze %dma_start3A_124 : memref<1x1x5600xi32, #tpu.memory_space<hbm>> -> memref<5600xi32, #tpu.memory_space<hbm>>
      tpu.enqueue_dma source(%dma_start3A_125 : memref<5600xi32, #tpu.memory_space<hbm>>) target(%dma_start3A_123 : memref<5600xi32, #tpu.memory_space<vmem>>) target_semaphore(%arg9 : memref<!tpu.dma_semaphore, #tpu.memory_space<semaphore_mem>>)
      %dma_wait3A = arith.constant 1 : i32
      %dma_wait3A_126 = arith.constant 0 : i32
      %dma_wait3A_127 = arith.constant 0 : i32
      %dma_wait3A_128 = arith.constant 0 : i32
      %dma_wait3A_129 = tpu.memref_slice %arg6[%dma_wait3A_127, %dma_wait3A_128] : memref<2x5600xi32, #tpu.memory_space<vmem>> -> memref<1x5600xi32, #tpu.memory_space<vmem>>
      %dma_wait3A_130 = tpu.memref_squeeze %dma_wait3A_129 : memref<1x5600xi32, #tpu.memory_space<vmem>> -> memref<5600xi32, #tpu.memory_space<vmem>>
      %dma_wait3A_131 = tpu.memref_slice %arg3[%dma_wait3A, %dma_wait3A_126, %mul3A_100] : memref<2x6x280000xi32, #tpu.memory_space<hbm>> -> memref<1x1x5600xi32, #tpu.memory_space<hbm>>
      %dma_wait3A_132 = tpu.memref_squeeze %dma_wait3A_131 : memref<1x1x5600xi32, #tpu.memory_space<hbm>> -> memref<5600xi32, #tpu.memory_space<hbm>>
      %dma_wait3A_133 = arith.constant 0 : i32
      %dma_wait3A_134 = tpu.memref_slice %arg6[%dma_wait3A_127, %dma_wait3A_133] : memref<2x5600xi32, #tpu.memory_space<vmem>> -> memref<1x5600xi32, #tpu.memory_space<vmem>>
      %dma_wait3A_135 = tpu.memref_squeeze %dma_wait3A_134 : memref<1x5600xi32, #tpu.memory_space<vmem>> -> memref<5600xi32, #tpu.memory_space<vmem>>
      %dma_wait3A_136 = tpu.memref_slice %arg3[%dma_wait3A, %dma_wait3A_126, %mul3A_100] : memref<2x6x280000xi32, #tpu.memory_space<hbm>> -> memref<1x1x5600xi32, #tpu.memory_space<hbm>>
      %dma_wait3A_137 = tpu.memref_squeeze %dma_wait3A_136 : memref<1x1x5600xi32, #tpu.memory_space<hbm>> -> memref<5600xi32, #tpu.memory_space<hbm>>
      tpu.wait_dma2 semaphore(%arg9 : memref<!tpu.dma_semaphore, #tpu.memory_space<semaphore_mem>>) src(%dma_wait3A_137 : memref<5600xi32, #tpu.memory_space<hbm>>) dst(%dma_wait3A_135 : memref<5600xi32, #tpu.memory_space<vmem>>)
      %dma_wait3A_138 = arith.constant 1 : i32
      %dma_wait3A_139 = arith.constant 1 : i32
      %dma_wait3A_140 = arith.constant 1 : i32
      %dma_wait3A_141 = arith.constant 0 : i32
      %dma_wait3A_142 = tpu.memref_slice %arg6[%dma_wait3A_140, %dma_wait3A_141] : memref<2x5600xi32, #tpu.memory_space<vmem>> -> memref<1x5600xi32, #tpu.memory_space<vmem>>
      %dma_wait3A_143 = tpu.memref_squeeze %dma_wait3A_142 : memref<1x5600xi32, #tpu.memory_space<vmem>> -> memref<5600xi32, #tpu.memory_space<vmem>>
      %dma_wait3A_144 = tpu.memref_slice %arg3[%dma_wait3A_138, %dma_wait3A_139, %mul3A_100] : memref<2x6x280000xi32, #tpu.memory_space<hbm>> -> memref<1x1x5600xi32, #tpu.memory_space<hbm>>
      %dma_wait3A_145 = tpu.memref_squeeze %dma_wait3A_144 : memref<1x1x5600xi32, #tpu.memory_space<hbm>> -> memref<5600xi32, #tpu.memory_space<hbm>>
      %dma_wait3A_146 = arith.constant 0 : i32
      %dma_wait3A_147 = tpu.memref_slice %arg6[%dma_wait3A_140, %dma_wait3A_146] : memref<2x5600xi32, #tpu.memory_space<vmem>> -> memref<1x5600xi32, #tpu.memory_space<vmem>>
      %dma_wait3A_148 = tpu.memref_squeeze %dma_wait3A_147 : memref<1x5600xi32, #tpu.memory_space<vmem>> -> memref<5600xi32, #tpu.memory_space<vmem>>
      %dma_wait3A_149 = tpu.memref_slice %arg3[%dma_wait3A_138, %dma_wait3A_139, %mul3A_100] : memref<2x6x280000xi32, #tpu.memory_space<hbm>> -> memref<1x1x5600xi32, #tpu.memory_space<hbm>>
      %dma_wait3A_150 = tpu.memref_squeeze %dma_wait3A_149 : memref<1x1x5600xi32, #tpu.memory_space<hbm>> -> memref<5600xi32, #tpu.memory_space<hbm>>
      tpu.wait_dma2 semaphore(%arg9 : memref<!tpu.dma_semaphore, #tpu.memory_space<semaphore_mem>>) src(%dma_wait3A_150 : memref<5600xi32, #tpu.memory_space<hbm>>) dst(%dma_wait3A_148 : memref<5600xi32, #tpu.memory_space<vmem>>)
      %scan3A_151 = arith.constant 0 : i32
      %scan3A_152 = arith.constant 0 : i32
      %scan3A_153 = arith.constant 350 : i32
      %scan3A_154 = arith.addi %scan3A_152, %scan3A_153 : i32
      %scan3A_155 = arith.constant 1 : i32
      scf.for %scan3A_158 = %scan3A_152 to %scan3A_154 step %scan3A_155  : i32 {
        %mul3A_159 = arith.constant 16 : i32
        %mul3A_160 = arith.muli %scan3A_158, %mul3A_159 : i32
        %get3A = arith.constant 0 : i32
        %get3A_161 = arith.index_cast %get3A : i32 to index
        %get3A_162 = arith.index_cast %mul3A_160 : i32 to index
        %get3A_163 = tpu.vector_load %arg6[%get3A_161, %get3A_162] {strides = array<i32>} : memref<2x5600xi32, #tpu.memory_space<vmem>>, vector<16xi32>,
        %get3A_164 = arith.constant 1 : i32
        %get3A_165 = arith.index_cast %get3A_164 : i32 to index
        %get3A_166 = arith.index_cast %mul3A_160 : i32 to index
        %get3A_167 = tpu.vector_load %arg6[%get3A_165, %get3A_166] {strides = array<i32>} : memref<2x5600xi32, #tpu.memory_space<vmem>>, vector<16xi32>,
        %lt3A = arith.constant 22400 : i32
        %lt3A_168 = vector.broadcast %lt3A : i32 to vector<16xi32>
        %lt3A_169 = arith.cmpi slt, %get3A_163, %lt3A_168 : vector<16xi32>
        %lt3A_170 = arith.constant 22400 : i32
        %lt3A_171 = vector.broadcast %lt3A_170 : i32 to vector<16xi32>
        %lt3A_172 = arith.cmpi slt, %get3A_167, %lt3A_171 : vector<16xi32>
        %eq3A = arith.constant 22400 : i32
        %eq3A_173 = vector.broadcast %eq3A : i32 to vector<16xi32>
        %eq3A_174 = arith.cmpi eq, %get3A_163, %eq3A_173 : vector<16xi32>
        %select_n3A = arith.select %eq3A_174, %broadcast_in_dim3A_3, %broadcast_in_dim3A_1 : vector<16xi1>, vector<16xf32>
        %eq3A_175 = arith.constant 22400 : i32
        %eq3A_176 = vector.broadcast %eq3A_175 : i32 to vector<16xi32>
        %eq3A_177 = arith.cmpi eq, %get3A_167, %eq3A_176 : vector<16xi32>
        %select_n3A_178 = arith.select %eq3A_177, %broadcast_in_dim3A_3, %broadcast_in_dim3A_1 : vector<16xi1>, vector<16xf32>
        %min3A = arith.constant 22399 : i32
        %min3A_179 = vector.broadcast %min3A : i32 to vector<16xi32>
        %min3A_180 = arith.minsi %get3A_163, %min3A_179 : vector<16xi32>
        %min3A_181 = arith.constant 22399 : i32
        %min3A_182 = vector.broadcast %min3A_181 : i32 to vector<16xi32>
        %min3A_183 = arith.minsi %get3A_167, %min3A_182 : vector<16xi32>
        %broadcast_in_dim3A_184 = arith.constant 0 : i32
        %broadcast_in_dim3A_185 = vector.broadcast %broadcast_in_dim3A_184 : i32 to vector<16xi32>
        %broadcast_in_dim3A_186 = arith.constant 1 : i32
        %broadcast_in_dim3A_187 = vector.broadcast %broadcast_in_dim3A_186 : i32 to vector<16xi32>
        %broadcast_in_dim3A_188 = arith.constant 0 : i32
        %broadcast_in_dim3A_189 = vector.broadcast %broadcast_in_dim3A_188 : i32 to vector<16xi32>
        %gather3A = tpu.vector_load_idx %arg5[%broadcast_in_dim3A_185, %broadcast_in_dim3A_189, %min3A_180] : memref<2x2x22400xf32, #tpu.memory_space<vmem>>[vector<16xi32>, vector<16xi32>, vector<16xi32>], vector<16xf32>,
        %gather3A_190 = tpu.vector_load_idx %arg5[%broadcast_in_dim3A_187, %broadcast_in_dim3A_189, %min3A_183] : memref<2x2x22400xf32, #tpu.memory_space<vmem>>[vector<16xi32>, vector<16xi32>, vector<16xi32>], vector<16xf32>,
        %select_n3A_191 = arith.select %lt3A_169, %gather3A, %select_n3A : vector<16xi1>, vector<16xf32>
        %select_n3A_192 = arith.select %lt3A_172, %gather3A_190, %select_n3A_178 : vector<16xi1>, vector<16xf32>
        %max3A = arith.maximumf %select_n3A_191, %select_n3A_192 : vector<16xf32>
        %swap3A = arith.constant 0 : i32
        %swap3A_193 = arith.index_cast %swap3A : i32 to index
        %swap3A_194 = arith.index_cast %mul3A_160 : i32 to index
        %swap3A_195 = tpu.vector_load %arg7[%swap3A_193, %swap3A_194] {strides = array<i32>} : memref<2x5600xf32, #tpu.memory_space<vmem>>, vector<16xf32>,
        tpu.vector_store %arg7[%swap3A_193, %swap3A_194], %max3A {strides = array<i32>} : memref<2x5600xf32, #tpu.memory_space<vmem>>, vector<16xf32>,
        %broadcast_in_dim3A_196 = arith.constant 1 : i32
        %broadcast_in_dim3A_197 = vector.broadcast %broadcast_in_dim3A_196 : i32 to vector<16xi32>
        %gather3A_198 = tpu.vector_load_idx %arg5[%broadcast_in_dim3A_185, %broadcast_in_dim3A_197, %min3A_180] : memref<2x2x22400xf32, #tpu.memory_space<vmem>>[vector<16xi32>, vector<16xi32>, vector<16xi32>], vector<16xf32>,
        %gather3A_199 = tpu.vector_load_idx %arg5[%broadcast_in_dim3A_187, %broadcast_in_dim3A_197, %min3A_183] : memref<2x2x22400xf32, #tpu.memory_space<vmem>>[vector<16xi32>, vector<16xi32>, vector<16xi32>], vector<16xf32>,
        %select_n3A_200 = arith.select %lt3A_169, %gather3A_198, %select_n3A : vector<16xi1>, vector<16xf32>
        %select_n3A_201 = arith.select %lt3A_172, %gather3A_199, %select_n3A_178 : vector<16xi1>, vector<16xf32>
        %max3A_202 = arith.maximumf %select_n3A_200, %select_n3A_201 : vector<16xf32>
        %swap3A_203 = arith.constant 1 : i32
        %swap3A_204 = arith.index_cast %swap3A_203 : i32 to index
        %swap3A_205 = arith.index_cast %mul3A_160 : i32 to index
        %swap3A_206 = tpu.vector_load %arg7[%swap3A_204, %swap3A_205] {strides = array<i32>} : memref<2x5600xf32, #tpu.memory_space<vmem>>, vector<16xf32>,
        tpu.vector_store %arg7[%swap3A_204, %swap3A_205], %max3A_202 {strides = array<i32>} : memref<2x5600xf32, #tpu.memory_space<vmem>>, vector<16xf32>,
      }
      %scan3A_156 = arith.constant 350 : i32
      %run_scoped3A_157 = arith.constant 1 : i32
      "tpu.region"() ({
        %run_scoped3A_158 = tpu.sem_alloc : memref<!tpu.dma_semaphore, #tpu.memory_space<semaphore_mem>>
        %dma_start3A_159 = arith.constant 0 : i32
        %dma_start3A_160 = tpu.memref_slice %arg4[%run_scoped3A_157, %add3A, %dma_start3A_159, %mul3A_100] : memref<2x32x2x280000xf32, #tpu.memory_space<hbm>> -> memref<1x1x2x5600xf32, #tpu.memory_space<hbm>>
        %dma_start3A_161 = tpu.memref_squeeze %dma_start3A_160 : memref<1x1x2x5600xf32, #tpu.memory_space<hbm>> -> memref<2x5600xf32, #tpu.memory_space<hbm>>
        %dma_start3A_162 = arith.constant 0 : i32
        %dma_start3A_163 = tpu.memref_slice %arg4[%run_scoped3A_157, %add3A, %dma_start3A_162, %mul3A_100] : memref<2x32x2x280000xf32, #tpu.memory_space<hbm>> -> memref<1x1x2x5600xf32, #tpu.memory_space<hbm>>
        %dma_start3A_164 = tpu.memref_squeeze %dma_start3A_163 : memref<1x1x2x5600xf32, #tpu.memory_space<hbm>> -> memref<2x5600xf32, #tpu.memory_space<hbm>>
        tpu.enqueue_dma source(%arg7 : memref<2x5600xf32, #tpu.memory_space<vmem>>) target(%dma_start3A_164 : memref<2x5600xf32, #tpu.memory_space<hbm>>) target_semaphore(%run_scoped3A_158 : memref<!tpu.dma_semaphore, #tpu.memory_space<semaphore_mem>>)
        %dma_wait3A_165 = arith.constant 0 : i32
        %dma_wait3A_166 = tpu.memref_slice %arg4[%run_scoped3A_157, %add3A, %dma_wait3A_165, %mul3A_100] : memref<2x32x2x280000xf32, #tpu.memory_space<hbm>> -> memref<1x1x2x5600xf32, #tpu.memory_space<hbm>>
        %dma_wait3A_167 = tpu.memref_squeeze %dma_wait3A_166 : memref<1x1x2x5600xf32, #tpu.memory_space<hbm>> -> memref<2x5600xf32, #tpu.memory_space<hbm>>
        %dma_wait3A_168 = arith.constant 0 : i32
        %dma_wait3A_169 = tpu.memref_slice %arg4[%run_scoped3A_157, %add3A, %dma_wait3A_168, %mul3A_100] : memref<2x32x2x280000xf32, #tpu.memory_space<hbm>> -> memref<1x1x2x5600xf32, #tpu.memory_space<hbm>>
        %dma_wait3A_170 = tpu.memref_squeeze %dma_wait3A_169 : memref<1x1x2x5600xf32, #tpu.memory_space<hbm>> -> memref<2x5600xf32, #tpu.memory_space<hbm>>
        tpu.wait_dma2 semaphore(%run_scoped3A_158 : memref<!tpu.dma_semaphore, #tpu.memory_space<semaphore_mem>>) src(%arg7 : memref<2x5600xf32, #tpu.memory_space<vmem>>) dst(%dma_wait3A_170 : memref<2x5600xf32, #tpu.memory_space<hbm>>)
        tpu.yield
      }) : () -> ()
    }
    %scan3A_33 = arith.constant 50 : i32
    %mul3A_34 = arith.constant 2 : i32
    %mul3A_35 = arith.muli %add3A, %mul3A_34 : i32
    %run_scoped3A_36 = arith.constant 0 : i32
    %run_scoped3A_37 = arith.constant 2 : i32
    %run_scoped3A_38 = arith.constant 0 : i32
    "tpu.region"() ({
      %run_scoped3A_98 = tpu.sem_alloc : memref<!tpu.dma_semaphore, #tpu.memory_space<semaphore_mem>>
      %dma_start3A = arith.constant 0 : i32
      %dma_start3A_99 = arith.constant 0 : i32
      %dma_start3A_100 = tpu.memref_slice %arg5[%run_scoped3A_38, %dma_start3A, %dma_start3A_99] : memref<2x2x22400xf32, #tpu.memory_space<vmem>> -> memref<1x2x22400xf32, #tpu.memory_space<vmem>>
      %dma_start3A_101 = tpu.memref_squeeze %dma_start3A_100 : memref<1x2x22400xf32, #tpu.memory_space<vmem>> -> memref<2x22400xf32, #tpu.memory_space<vmem>>
      %dma_start3A_102 = arith.constant 0 : i32
      %dma_start3A_103 = tpu.memref_slice %arg2[%run_scoped3A_36, %run_scoped3A_37, %mul3A_35, %dma_start3A_102] : memref<2x6x64x22400xf32, #tpu.memory_space<hbm>> -> memref<1x1x2x22400xf32, #tpu.memory_space<hbm>>
      %dma_start3A_104 = tpu.memref_squeeze %dma_start3A_103 : memref<1x1x2x22400xf32, #tpu.memory_space<hbm>> -> memref<2x22400xf32, #tpu.memory_space<hbm>>
      %dma_start3A_105 = arith.constant 0 : i32
      %dma_start3A_106 = arith.constant 0 : i32
      %dma_start3A_107 = tpu.memref_slice %arg5[%run_scoped3A_38, %dma_start3A_105, %dma_start3A_106] : memref<2x2x22400xf32, #tpu.memory_space<vmem>> -> memref<1x2x22400xf32, #tpu.memory_space<vmem>>
      %dma_start3A_108 = tpu.memref_squeeze %dma_start3A_107 : memref<1x2x22400xf32, #tpu.memory_space<vmem>> -> memref<2x22400xf32, #tpu.memory_space<vmem>>
      %dma_start3A_109 = arith.constant 0 : i32
      %dma_start3A_110 = tpu.memref_slice %arg2[%run_scoped3A_36, %run_scoped3A_37, %mul3A_35, %dma_start3A_109] : memref<2x6x64x22400xf32, #tpu.memory_space<hbm>> -> memref<1x1x2x22400xf32, #tpu.memory_space<hbm>>
      %dma_start3A_111 = tpu.memref_squeeze %dma_start3A_110 : memref<1x1x2x22400xf32, #tpu.memory_space<hbm>> -> memref<2x22400xf32, #tpu.memory_space<hbm>>
      tpu.enqueue_dma source(%dma_start3A_111 : memref<2x22400xf32, #tpu.memory_space<hbm>>) target(%dma_start3A_108 : memref<2x22400xf32, #tpu.memory_space<vmem>>) target_semaphore(%run_scoped3A_98 : memref<!tpu.dma_semaphore, #tpu.memory_space<semaphore_mem>>)
      %dma_wait3A = arith.constant 0 : i32
      %dma_wait3A_112 = arith.constant 0 : i32
      %dma_wait3A_113 = tpu.memref_slice %arg5[%run_scoped3A_38, %dma_wait3A, %dma_wait3A_112] : memref<2x2x22400xf32, #tpu.memory_space<vmem>> -> memref<1x2x22400xf32, #tpu.memory_space<vmem>>
      %dma_wait3A_114 = tpu.memref_squeeze %dma_wait3A_113 : memref<1x2x22400xf32, #tpu.memory_space<vmem>> -> memref<2x22400xf32, #tpu.memory_space<vmem>>
      %dma_wait3A_115 = arith.constant 0 : i32
      %dma_wait3A_116 = tpu.memref_slice %arg2[%run_scoped3A_36, %run_scoped3A_37, %mul3A_35, %dma_wait3A_115] : memref<2x6x64x22400xf32, #tpu.memory_space<hbm>> -> memref<1x1x2x22400xf32, #tpu.memory_space<hbm>>
      %dma_wait3A_117 = tpu.memref_squeeze %dma_wait3A_116 : memref<1x1x2x22400xf32, #tpu.memory_space<hbm>> -> memref<2x22400xf32, #tpu.memory_space<hbm>>
      %dma_wait3A_118 = arith.constant 0 : i32
      %dma_wait3A_119 = arith.constant 0 : i32
      %dma_wait3A_120 = tpu.memref_slice %arg5[%run_scoped3A_38, %dma_wait3A_118, %dma_wait3A_119] : memref<2x2x22400xf32, #tpu.memory_space<vmem>> -> memref<1x2x22400xf32, #tpu.memory_space<vmem>>
      %dma_wait3A_121 = tpu.memref_squeeze %dma_wait3A_120 : memref<1x2x22400xf32, #tpu.memory_space<vmem>> -> memref<2x22400xf32, #tpu.memory_space<vmem>>
      %dma_wait3A_122 = arith.constant 0 : i32
      %dma_wait3A_123 = tpu.memref_slice %arg2[%run_scoped3A_36, %run_scoped3A_37, %mul3A_35, %dma_wait3A_122] : memref<2x6x64x22400xf32, #tpu.memory_space<hbm>> -> memref<1x1x2x22400xf32, #tpu.memory_space<hbm>>
      %dma_wait3A_124 = tpu.memref_squeeze %dma_wait3A_123 : memref<1x1x2x22400xf32, #tpu.memory_space<hbm>> -> memref<2x22400xf32, #tpu.memory_space<hbm>>
      tpu.wait_dma2 semaphore(%run_scoped3A_98 : memref<!tpu.dma_semaphore, #tpu.memory_space<semaphore_mem>>) src(%dma_wait3A_124 : memref<2x22400xf32, #tpu.memory_space<hbm>>) dst(%dma_wait3A_121 : memref<2x22400xf32, #tpu.memory_space<vmem>>)
      tpu.yield
    }) : () -> ()
    %mul3A_39 = arith.constant 2 : i32
    %mul3A_40 = arith.muli %add3A, %mul3A_39 : i32
    %run_scoped3A_41 = arith.constant 0 : i32
    %run_scoped3A_42 = arith.constant 3 : i32
    %run_scoped3A_43 = arith.constant 1 : i32
    "tpu.region"() ({
      %run_scoped3A_98 = tpu.sem_alloc : memref<!tpu.dma_semaphore, #tpu.memory_space<semaphore_mem>>
      %dma_start3A = arith.constant 0 : i32
      %dma_start3A_99 = arith.constant 0 : i32
      %dma_start3A_100 = tpu.memref_slice %arg5[%run_scoped3A_43, %dma_start3A, %dma_start3A_99] : memref<2x2x22400xf32, #tpu.memory_space<vmem>> -> memref<1x2x22400xf32, #tpu.memory_space<vmem>>
      %dma_start3A_101 = tpu.memref_squeeze %dma_start3A_100 : memref<1x2x22400xf32, #tpu.memory_space<vmem>> -> memref<2x22400xf32, #tpu.memory_space<vmem>>
      %dma_start3A_102 = arith.constant 0 : i32
      %dma_start3A_103 = tpu.memref_slice %arg2[%run_scoped3A_41, %run_scoped3A_42, %mul3A_40, %dma_start3A_102] : memref<2x6x64x22400xf32, #tpu.memory_space<hbm>> -> memref<1x1x2x22400xf32, #tpu.memory_space<hbm>>
      %dma_start3A_104 = tpu.memref_squeeze %dma_start3A_103 : memref<1x1x2x22400xf32, #tpu.memory_space<hbm>> -> memref<2x22400xf32, #tpu.memory_space<hbm>>
      %dma_start3A_105 = arith.constant 0 : i32
      %dma_start3A_106 = arith.constant 0 : i32
      %dma_start3A_107 = tpu.memref_slice %arg5[%run_scoped3A_43, %dma_start3A_105, %dma_start3A_106] : memref<2x2x22400xf32, #tpu.memory_space<vmem>> -> memref<1x2x22400xf32, #tpu.memory_space<vmem>>
      %dma_start3A_108 = tpu.memref_squeeze %dma_start3A_107 : memref<1x2x22400xf32, #tpu.memory_space<vmem>> -> memref<2x22400xf32, #tpu.memory_space<vmem>>
      %dma_start3A_109 = arith.constant 0 : i32
      %dma_start3A_110 = tpu.memref_slice %arg2[%run_scoped3A_41, %run_scoped3A_42, %mul3A_40, %dma_start3A_109] : memref<2x6x64x22400xf32, #tpu.memory_space<hbm>> -> memref<1x1x2x22400xf32, #tpu.memory_space<hbm>>
      %dma_start3A_111 = tpu.memref_squeeze %dma_start3A_110 : memref<1x1x2x22400xf32, #tpu.memory_space<hbm>> -> memref<2x22400xf32, #tpu.memory_space<hbm>>
      tpu.enqueue_dma source(%dma_start3A_111 : memref<2x22400xf32, #tpu.memory_space<hbm>>) target(%dma_start3A_108 : memref<2x22400xf32, #tpu.memory_space<vmem>>) target_semaphore(%run_scoped3A_98 : memref<!tpu.dma_semaphore, #tpu.memory_space<semaphore_mem>>)
      %dma_wait3A = arith.constant 0 : i32
      %dma_wait3A_112 = arith.constant 0 : i32
      %dma_wait3A_113 = tpu.memref_slice %arg5[%run_scoped3A_43, %dma_wait3A, %dma_wait3A_112] : memref<2x2x22400xf32, #tpu.memory_space<vmem>> -> memref<1x2x22400xf32, #tpu.memory_space<vmem>>
      %dma_wait3A_114 = tpu.memref_squeeze %dma_wait3A_113 : memref<1x2x22400xf32, #tpu.memory_space<vmem>> -> memref<2x22400xf32, #tpu.memory_space<vmem>>
      %dma_wait3A_115 = arith.constant 0 : i32
      %dma_wait3A_116 = tpu.memref_slice %arg2[%run_scoped3A_41, %run_scoped3A_42, %mul3A_40, %dma_wait3A_115] : memref<2x6x64x22400xf32, #tpu.memory_space<hbm>> -> memref<1x1x2x22400xf32, #tpu.memory_space<hbm>>
      %dma_wait3A_117 = tpu.memref_squeeze %dma_wait3A_116 : memref<1x1x2x22400xf32, #tpu.memory_space<hbm>> -> memref<2x22400xf32, #tpu.memory_space<hbm>>
      %dma_wait3A_118 = arith.constant 0 : i32
      %dma_wait3A_119 = arith.constant 0 : i32
      %dma_wait3A_120 = tpu.memref_slice %arg5[%run_scoped3A_43, %dma_wait3A_118, %dma_wait3A_119] : memref<2x2x22400xf32, #tpu.memory_space<vmem>> -> memref<1x2x22400xf32, #tpu.memory_space<vmem>>
      %dma_wait3A_121 = tpu.memref_squeeze %dma_wait3A_120 : memref<1x2x22400xf32, #tpu.memory_space<vmem>> -> memref<2x22400xf32, #tpu.memory_space<vmem>>
      %dma_wait3A_122 = arith.constant 0 : i32
      %dma_wait3A_123 = tpu.memref_slice %arg2[%run_scoped3A_41, %run_scoped3A_42, %mul3A_40, %dma_wait3A_122] : memref<2x6x64x22400xf32, #tpu.memory_space<hbm>> -> memref<1x1x2x22400xf32, #tpu.memory_space<hbm>>
      %dma_wait3A_124 = tpu.memref_squeeze %dma_wait3A_123 : memref<1x1x2x22400xf32, #tpu.memory_space<hbm>> -> memref<2x22400xf32, #tpu.memory_space<hbm>>
      tpu.wait_dma2 semaphore(%run_scoped3A_98 : memref<!tpu.dma_semaphore, #tpu.memory_space<semaphore_mem>>) src(%dma_wait3A_124 : memref<2x22400xf32, #tpu.memory_space<hbm>>) dst(%dma_wait3A_121 : memref<2x22400xf32, #tpu.memory_space<vmem>>)
      tpu.yield
    }) : () -> ()
    %scan3A_44 = arith.constant 0 : i32
    %scan3A_45 = arith.constant 0 : i32
    %scan3A_46 = arith.constant 50 : i32
    %scan3A_47 = arith.addi %scan3A_45, %scan3A_46 : i32
    %scan3A_48 = arith.constant 1 : i32
    scf.for %scan3A_98 = %scan3A_45 to %scan3A_47 step %scan3A_48  : i32 {
      %mul3A_99 = arith.constant 5600 : i32
      %mul3A_100 = arith.muli %scan3A_98, %mul3A_99 : i32
      %dma_start3A = arith.constant 0 : i32
      %dma_start3A_101 = arith.constant 2 : i32
      %dma_start3A_102 = arith.constant 0 : i32
      %dma_start3A_103 = arith.constant 0 : i32
      %dma_start3A_104 = tpu.memref_slice %arg6[%dma_start3A_102, %dma_start3A_103] : memref<2x5600xi32, #tpu.memory_space<vmem>> -> memref<1x5600xi32, #tpu.memory_space<vmem>>
      %dma_start3A_105 = tpu.memref_squeeze %dma_start3A_104 : memref<1x5600xi32, #tpu.memory_space<vmem>> -> memref<5600xi32, #tpu.memory_space<vmem>>
      %dma_start3A_106 = tpu.memref_slice %arg3[%dma_start3A, %dma_start3A_101, %mul3A_100] : memref<2x6x280000xi32, #tpu.memory_space<hbm>> -> memref<1x1x5600xi32, #tpu.memory_space<hbm>>
      %dma_start3A_107 = tpu.memref_squeeze %dma_start3A_106 : memref<1x1x5600xi32, #tpu.memory_space<hbm>> -> memref<5600xi32, #tpu.memory_space<hbm>>
      %dma_start3A_108 = arith.constant 0 : i32
      %dma_start3A_109 = tpu.memref_slice %arg6[%dma_start3A_102, %dma_start3A_108] : memref<2x5600xi32, #tpu.memory_space<vmem>> -> memref<1x5600xi32, #tpu.memory_space<vmem>>
      %dma_start3A_110 = tpu.memref_squeeze %dma_start3A_109 : memref<1x5600xi32, #tpu.memory_space<vmem>> -> memref<5600xi32, #tpu.memory_space<vmem>>
      %dma_start3A_111 = tpu.memref_slice %arg3[%dma_start3A, %dma_start3A_101, %mul3A_100] : memref<2x6x280000xi32, #tpu.memory_space<hbm>> -> memref<1x1x5600xi32, #tpu.memory_space<hbm>>
      %dma_start3A_112 = tpu.memref_squeeze %dma_start3A_111 : memref<1x1x5600xi32, #tpu.memory_space<hbm>> -> memref<5600xi32, #tpu.memory_space<hbm>>
      tpu.enqueue_dma source(%dma_start3A_112 : memref<5600xi32, #tpu.memory_space<hbm>>) target(%dma_start3A_110 : memref<5600xi32, #tpu.memory_space<vmem>>) target_semaphore(%arg9 : memref<!tpu.dma_semaphore, #tpu.memory_space<semaphore_mem>>)
      %dma_start3A_113 = arith.constant 0 : i32
      %dma_start3A_114 = arith.constant 3 : i32
      %dma_start3A_115 = arith.constant 1 : i32
      %dma_start3A_116 = arith.constant 0 : i32
      %dma_start3A_117 = tpu.memref_slice %arg6[%dma_start3A_115, %dma_start3A_116] : memref<2x5600xi32, #tpu.memory_space<vmem>> -> memref<1x5600xi32, #tpu.memory_space<vmem>>
      %dma_start3A_118 = tpu.memref_squeeze %dma_start3A_117 : memref<1x5600xi32, #tpu.memory_space<vmem>> -> memref<5600xi32, #tpu.memory_space<vmem>>
      %dma_start3A_119 = tpu.memref_slice %arg3[%dma_start3A_113, %dma_start3A_114, %mul3A_100] : memref<2x6x280000xi32, #tpu.memory_space<hbm>> -> memref<1x1x5600xi32, #tpu.memory_space<hbm>>
      %dma_start3A_120 = tpu.memref_squeeze %dma_start3A_119 : memref<1x1x5600xi32, #tpu.memory_space<hbm>> -> memref<5600xi32, #tpu.memory_space<hbm>>
      %dma_start3A_121 = arith.constant 0 : i32
      %dma_start3A_122 = tpu.memref_slice %arg6[%dma_start3A_115, %dma_start3A_121] : memref<2x5600xi32, #tpu.memory_space<vmem>> -> memref<1x5600xi32, #tpu.memory_space<vmem>>
      %dma_start3A_123 = tpu.memref_squeeze %dma_start3A_122 : memref<1x5600xi32, #tpu.memory_space<vmem>> -> memref<5600xi32, #tpu.memory_space<vmem>>
      %dma_start3A_124 = tpu.memref_slice %arg3[%dma_start3A_113, %dma_start3A_114, %mul3A_100] : memref<2x6x280000xi32, #tpu.memory_space<hbm>> -> memref<1x1x5600xi32, #tpu.memory_space<hbm>>
      %dma_start3A_125 = tpu.memref_squeeze %dma_start3A_124 : memref<1x1x5600xi32, #tpu.memory_space<hbm>> -> memref<5600xi32, #tpu.memory_space<hbm>>
      tpu.enqueue_dma source(%dma_start3A_125 : memref<5600xi32, #tpu.memory_space<hbm>>) target(%dma_start3A_123 : memref<5600xi32, #tpu.memory_space<vmem>>) target_semaphore(%arg9 : memref<!tpu.dma_semaphore, #tpu.memory_space<semaphore_mem>>)
      %dma_start3A_126 = arith.constant 0 : i32
      %dma_start3A_127 = arith.constant 0 : i32
      %dma_start3A_128 = tpu.memref_slice %arg4[%dma_start3A_126, %add3A, %dma_start3A_127, %mul3A_100] : memref<2x32x2x280000xf32, #tpu.memory_space<hbm>> -> memref<1x1x2x5600xf32, #tpu.memory_space<hbm>>
      %dma_start3A_129 = tpu.memref_squeeze %dma_start3A_128 : memref<1x1x2x5600xf32, #tpu.memory_space<hbm>> -> memref<2x5600xf32, #tpu.memory_space<hbm>>
      %dma_start3A_130 = arith.constant 0 : i32
      %dma_start3A_131 = tpu.memref_slice %arg4[%dma_start3A_126, %add3A, %dma_start3A_130, %mul3A_100] : memref<2x32x2x280000xf32, #tpu.memory_space<hbm>> -> memref<1x1x2x5600xf32, #tpu.memory_space<hbm>>
      %dma_start3A_132 = tpu.memref_squeeze %dma_start3A_131 : memref<1x1x2x5600xf32, #tpu.memory_space<hbm>> -> memref<2x5600xf32, #tpu.memory_space<hbm>>
      tpu.enqueue_dma source(%dma_start3A_132 : memref<2x5600xf32, #tpu.memory_space<hbm>>) target(%arg8 : memref<2x5600xf32, #tpu.memory_space<vmem>>) target_semaphore(%arg9 : memref<!tpu.dma_semaphore, #tpu.memory_space<semaphore_mem>>)
      %dma_wait3A = arith.constant 0 : i32
      %dma_wait3A_133 = arith.constant 2 : i32
      %dma_wait3A_134 = arith.constant 0 : i32
      %dma_wait3A_135 = arith.constant 0 : i32
      %dma_wait3A_136 = tpu.memref_slice %arg6[%dma_wait3A_134, %dma_wait3A_135] : memref<2x5600xi32, #tpu.memory_space<vmem>> -> memref<1x5600xi32, #tpu.memory_space<vmem>>
      %dma_wait3A_137 = tpu.memref_squeeze %dma_wait3A_136 : memref<1x5600xi32, #tpu.memory_space<vmem>> -> memref<5600xi32, #tpu.memory_space<vmem>>
      %dma_wait3A_138 = tpu.memref_slice %arg3[%dma_wait3A, %dma_wait3A_133, %mul3A_100] : memref<2x6x280000xi32, #tpu.memory_space<hbm>> -> memref<1x1x5600xi32, #tpu.memory_space<hbm>>
      %dma_wait3A_139 = tpu.memref_squeeze %dma_wait3A_138 : memref<1x1x5600xi32, #tpu.memory_space<hbm>> -> memref<5600xi32, #tpu.memory_space<hbm>>
      %dma_wait3A_140 = arith.constant 0 : i32
      %dma_wait3A_141 = tpu.memref_slice %arg6[%dma_wait3A_134, %dma_wait3A_140] : memref<2x5600xi32, #tpu.memory_space<vmem>> -> memref<1x5600xi32, #tpu.memory_space<vmem>>
      %dma_wait3A_142 = tpu.memref_squeeze %dma_wait3A_141 : memref<1x5600xi32, #tpu.memory_space<vmem>> -> memref<5600xi32, #tpu.memory_space<vmem>>
      %dma_wait3A_143 = tpu.memref_slice %arg3[%dma_wait3A, %dma_wait3A_133, %mul3A_100] : memref<2x6x280000xi32, #tpu.memory_space<hbm>> -> memref<1x1x5600xi32, #tpu.memory_space<hbm>>
      %dma_wait3A_144 = tpu.memref_squeeze %dma_wait3A_143 : memref<1x1x5600xi32, #tpu.memory_space<hbm>> -> memref<5600xi32, #tpu.memory_space<hbm>>
      tpu.wait_dma2 semaphore(%arg9 : memref<!tpu.dma_semaphore, #tpu.memory_space<semaphore_mem>>) src(%dma_wait3A_144 : memref<5600xi32, #tpu.memory_space<hbm>>) dst(%dma_wait3A_142 : memref<5600xi32, #tpu.memory_space<vmem>>)
      %dma_wait3A_145 = arith.constant 0 : i32
      %dma_wait3A_146 = arith.constant 3 : i32
      %dma_wait3A_147 = arith.constant 1 : i32
      %dma_wait3A_148 = arith.constant 0 : i32
      %dma_wait3A_149 = tpu.memref_slice %arg6[%dma_wait3A_147, %dma_wait3A_148] : memref<2x5600xi32, #tpu.memory_space<vmem>> -> memref<1x5600xi32, #tpu.memory_space<vmem>>
      %dma_wait3A_150 = tpu.memref_squeeze %dma_wait3A_149 : memref<1x5600xi32, #tpu.memory_space<vmem>> -> memref<5600xi32, #tpu.memory_space<vmem>>
      %dma_wait3A_151 = tpu.memref_slice %arg3[%dma_wait3A_145, %dma_wait3A_146, %mul3A_100] : memref<2x6x280000xi32, #tpu.memory_space<hbm>> -> memref<1x1x5600xi32, #tpu.memory_space<hbm>>
      %dma_wait3A_152 = tpu.memref_squeeze %dma_wait3A_151 : memref<1x1x5600xi32, #tpu.memory_space<hbm>> -> memref<5600xi32, #tpu.memory_space<hbm>>
      %dma_wait3A_153 = arith.constant 0 : i32
      %dma_wait3A_154 = tpu.memref_slice %arg6[%dma_wait3A_147, %dma_wait3A_153] : memref<2x5600xi32, #tpu.memory_space<vmem>> -> memref<1x5600xi32, #tpu.memory_space<vmem>>
      %dma_wait3A_155 = tpu.memref_squeeze %dma_wait3A_154 : memref<1x5600xi32, #tpu.memory_space<vmem>> -> memref<5600xi32, #tpu.memory_space<vmem>>
      %dma_wait3A_156 = tpu.memref_slice %arg3[%dma_wait3A_145, %dma_wait3A_146, %mul3A_100] : memref<2x6x280000xi32, #tpu.memory_space<hbm>> -> memref<1x1x5600xi32, #tpu.memory_space<hbm>>
      %dma_wait3A_157 = tpu.memref_squeeze %dma_wait3A_156 : memref<1x1x5600xi32, #tpu.memory_space<hbm>> -> memref<5600xi32, #tpu.memory_space<hbm>>
      tpu.wait_dma2 semaphore(%arg9 : memref<!tpu.dma_semaphore, #tpu.memory_space<semaphore_mem>>) src(%dma_wait3A_157 : memref<5600xi32, #tpu.memory_space<hbm>>) dst(%dma_wait3A_155 : memref<5600xi32, #tpu.memory_space<vmem>>)
      %dma_wait3A_158 = arith.constant 0 : i32
      %dma_wait3A_159 = arith.constant 0 : i32
      %dma_wait3A_160 = tpu.memref_slice %arg4[%dma_wait3A_158, %add3A, %dma_wait3A_159, %mul3A_100] : memref<2x32x2x280000xf32, #tpu.memory_space<hbm>> -> memref<1x1x2x5600xf32, #tpu.memory_space<hbm>>
      %dma_wait3A_161 = tpu.memref_squeeze %dma_wait3A_160 : memref<1x1x2x5600xf32, #tpu.memory_space<hbm>> -> memref<2x5600xf32, #tpu.memory_space<hbm>>
      %dma_wait3A_162 = arith.constant 0 : i32
      %dma_wait3A_163 = tpu.memref_slice %arg4[%dma_wait3A_158, %add3A, %dma_wait3A_162, %mul3A_100] : memref<2x32x2x280000xf32, #tpu.memory_space<hbm>> -> memref<1x1x2x5600xf32, #tpu.memory_space<hbm>>
      %dma_wait3A_164 = tpu.memref_squeeze %dma_wait3A_163 : memref<1x1x2x5600xf32, #tpu.memory_space<hbm>> -> memref<2x5600xf32, #tpu.memory_space<hbm>>
      tpu.wait_dma2 semaphore(%arg9 : memref<!tpu.dma_semaphore, #tpu.memory_space<semaphore_mem>>) src(%dma_wait3A_164 : memref<2x5600xf32, #tpu.memory_space<hbm>>) dst(%arg8 : memref<2x5600xf32, #tpu.memory_space<vmem>>)
      %scan3A_165 = arith.constant 0 : i32
      %scan3A_166 = arith.constant 0 : i32
      %scan3A_167 = arith.constant 350 : i32
      %scan3A_168 = arith.addi %scan3A_166, %scan3A_167 : i32
      %scan3A_169 = arith.constant 1 : i32
      scf.for %scan3A_172 = %scan3A_166 to %scan3A_168 step %scan3A_169  : i32 {
        %mul3A_173 = arith.constant 16 : i32
        %mul3A_174 = arith.muli %scan3A_172, %mul3A_173 : i32
        %get3A = arith.constant 0 : i32
        %get3A_175 = arith.index_cast %get3A : i32 to index
        %get3A_176 = arith.index_cast %mul3A_174 : i32 to index
        %get3A_177 = tpu.vector_load %arg6[%get3A_175, %get3A_176] {strides = array<i32>} : memref<2x5600xi32, #tpu.memory_space<vmem>>, vector<16xi32>,
        %get3A_178 = arith.constant 1 : i32
        %get3A_179 = arith.index_cast %get3A_178 : i32 to index
        %get3A_180 = arith.index_cast %mul3A_174 : i32 to index
        %get3A_181 = tpu.vector_load %arg6[%get3A_179, %get3A_180] {strides = array<i32>} : memref<2x5600xi32, #tpu.memory_space<vmem>>, vector<16xi32>,
        %lt3A = arith.constant 22400 : i32
        %lt3A_182 = vector.broadcast %lt3A : i32 to vector<16xi32>
        %lt3A_183 = arith.cmpi slt, %get3A_177, %lt3A_182 : vector<16xi32>
        %lt3A_184 = arith.constant 22400 : i32
        %lt3A_185 = vector.broadcast %lt3A_184 : i32 to vector<16xi32>
        %lt3A_186 = arith.cmpi slt, %get3A_181, %lt3A_185 : vector<16xi32>
        %eq3A = arith.constant 22400 : i32
        %eq3A_187 = vector.broadcast %eq3A : i32 to vector<16xi32>
        %eq3A_188 = arith.cmpi eq, %get3A_177, %eq3A_187 : vector<16xi32>
        %select_n3A = arith.select %eq3A_188, %broadcast_in_dim3A_3, %broadcast_in_dim3A_1 : vector<16xi1>, vector<16xf32>
        %eq3A_189 = arith.constant 22400 : i32
        %eq3A_190 = vector.broadcast %eq3A_189 : i32 to vector<16xi32>
        %eq3A_191 = arith.cmpi eq, %get3A_181, %eq3A_190 : vector<16xi32>
        %select_n3A_192 = arith.select %eq3A_191, %broadcast_in_dim3A_3, %broadcast_in_dim3A_1 : vector<16xi1>, vector<16xf32>
        %min3A = arith.constant 22399 : i32
        %min3A_193 = vector.broadcast %min3A : i32 to vector<16xi32>
        %min3A_194 = arith.minsi %get3A_177, %min3A_193 : vector<16xi32>
        %min3A_195 = arith.constant 22399 : i32
        %min3A_196 = vector.broadcast %min3A_195 : i32 to vector<16xi32>
        %min3A_197 = arith.minsi %get3A_181, %min3A_196 : vector<16xi32>
        %broadcast_in_dim3A_198 = arith.constant 0 : i32
        %broadcast_in_dim3A_199 = vector.broadcast %broadcast_in_dim3A_198 : i32 to vector<16xi32>
        %broadcast_in_dim3A_200 = arith.constant 1 : i32
        %broadcast_in_dim3A_201 = vector.broadcast %broadcast_in_dim3A_200 : i32 to vector<16xi32>
        %broadcast_in_dim3A_202 = arith.constant 0 : i32
        %broadcast_in_dim3A_203 = vector.broadcast %broadcast_in_dim3A_202 : i32 to vector<16xi32>
        %gather3A = tpu.vector_load_idx %arg5[%broadcast_in_dim3A_199, %broadcast_in_dim3A_203, %min3A_194] : memref<2x2x22400xf32, #tpu.memory_space<vmem>>[vector<16xi32>, vector<16xi32>, vector<16xi32>], vector<16xf32>,
        %gather3A_204 = tpu.vector_load_idx %arg5[%broadcast_in_dim3A_201, %broadcast_in_dim3A_203, %min3A_197] : memref<2x2x22400xf32, #tpu.memory_space<vmem>>[vector<16xi32>, vector<16xi32>, vector<16xi32>], vector<16xf32>,
        %select_n3A_205 = arith.select %lt3A_183, %gather3A, %select_n3A : vector<16xi1>, vector<16xf32>
        %select_n3A_206 = arith.select %lt3A_186, %gather3A_204, %select_n3A_192 : vector<16xi1>, vector<16xf32>
        %max3A = arith.maximumf %select_n3A_205, %select_n3A_206 : vector<16xf32>
        %get3A_207 = arith.constant 0 : i32
        %get3A_208 = arith.index_cast %get3A_207 : i32 to index
        %get3A_209 = arith.index_cast %mul3A_174 : i32 to index
        %get3A_210 = tpu.vector_load %arg8[%get3A_208, %get3A_209] {strides = array<i32>} : memref<2x5600xf32, #tpu.memory_space<vmem>>, vector<16xf32>,
        %max3A_211 = arith.maximumf %max3A, %get3A_210 : vector<16xf32>
        %swap3A = arith.constant 0 : i32
        %swap3A_212 = arith.index_cast %swap3A : i32 to index
        %swap3A_213 = arith.index_cast %mul3A_174 : i32 to index
        %swap3A_214 = tpu.vector_load %arg7[%swap3A_212, %swap3A_213] {strides = array<i32>} : memref<2x5600xf32, #tpu.memory_space<vmem>>, vector<16xf32>,
        tpu.vector_store %arg7[%swap3A_212, %swap3A_213], %max3A_211 {strides = array<i32>} : memref<2x5600xf32, #tpu.memory_space<vmem>>, vector<16xf32>,
        %broadcast_in_dim3A_215 = arith.constant 1 : i32
        %broadcast_in_dim3A_216 = vector.broadcast %broadcast_in_dim3A_215 : i32 to vector<16xi32>
        %gather3A_217 = tpu.vector_load_idx %arg5[%broadcast_in_dim3A_199, %broadcast_in_dim3A_216, %min3A_194] : memref<2x2x22400xf32, #tpu.memory_space<vmem>>[vector<16xi32>, vector<16xi32>, vector<16xi32>], vector<16xf32>,
        %gather3A_218 = tpu.vector_load_idx %arg5[%broadcast_in_dim3A_201, %broadcast_in_dim3A_216, %min3A_197] : memref<2x2x22400xf32, #tpu.memory_space<vmem>>[vector<16xi32>, vector<16xi32>, vector<16xi32>], vector<16xf32>,
        %select_n3A_219 = arith.select %lt3A_183, %gather3A_217, %select_n3A : vector<16xi1>, vector<16xf32>
        %select_n3A_220 = arith.select %lt3A_186, %gather3A_218, %select_n3A_192 : vector<16xi1>, vector<16xf32>
        %max3A_221 = arith.maximumf %select_n3A_219, %select_n3A_220 : vector<16xf32>
        %get3A_222 = arith.constant 1 : i32
        %get3A_223 = arith.index_cast %get3A_222 : i32 to index
        %get3A_224 = arith.index_cast %mul3A_174 : i32 to index
        %get3A_225 = tpu.vector_load %arg8[%get3A_223, %get3A_224] {strides = array<i32>} : memref<2x5600xf32, #tpu.memory_space<vmem>>, vector<16xf32>,
        %max3A_226 = arith.maximumf %max3A_221, %get3A_225 : vector<16xf32>
        %swap3A_227 = arith.constant 1 : i32
        %swap3A_228 = arith.index_cast %swap3A_227 : i32 to index
        %swap3A_229 = arith.index_cast %mul3A_174 : i32 to index
        %swap3A_230 = tpu.vector_load %arg7[%swap3A_228, %swap3A_229] {strides = array<i32>} : memref<2x5600xf32, #tpu.memory_space<vmem>>, vector<16xf32>,
        tpu.vector_store %arg7[%swap3A_228, %swap3A_229], %max3A_226 {strides = array<i32>} : memref<2x5600xf32, #tpu.memory_space<vmem>>, vector<16xf32>,
      }
      %scan3A_170 = arith.constant 350 : i32
      %run_scoped3A_171 = arith.constant 0 : i32
      "tpu.region"() ({
        %run_scoped3A_172 = tpu.sem_alloc : memref<!tpu.dma_semaphore, #tpu.memory_space<semaphore_mem>>
        %dma_start3A_173 = arith.constant 0 : i32
        %dma_start3A_174 = tpu.memref_slice %arg4[%run_scoped3A_171, %add3A, %dma_start3A_173, %mul3A_100] : memref<2x32x2x280000xf32, #tpu.memory_space<hbm>> -> memref<1x1x2x5600xf32, #tpu.memory_space<hbm>>
        %dma_start3A_175 = tpu.memref_squeeze %dma_start3A_174 : memref<1x1x2x5600xf32, #tpu.memory_space<hbm>> -> memref<2x5600xf32, #tpu.memory_space<hbm>>
        %dma_start3A_176 = arith.constant 0 : i32
        %dma_start3A_177 = tpu.memref_slice %arg4[%run_scoped3A_171, %add3A, %dma_start3A_176, %mul3A_100] : memref<2x32x2x280000xf32, #tpu.memory_space<hbm>> -> memref<1x1x2x5600xf32, #tpu.memory_space<hbm>>
        %dma_start3A_178 = tpu.memref_squeeze %dma_start3A_177 : memref<1x1x2x5600xf32, #tpu.memory_space<hbm>> -> memref<2x5600xf32, #tpu.memory_space<hbm>>
        tpu.enqueue_dma source(%arg7 : memref<2x5600xf32, #tpu.memory_space<vmem>>) target(%dma_start3A_178 : memref<2x5600xf32, #tpu.memory_space<hbm>>) target_semaphore(%run_scoped3A_172 : memref<!tpu.dma_semaphore, #tpu.memory_space<semaphore_mem>>)
        %dma_wait3A_179 = arith.constant 0 : i32
        %dma_wait3A_180 = tpu.memref_slice %arg4[%run_scoped3A_171, %add3A, %dma_wait3A_179, %mul3A_100] : memref<2x32x2x280000xf32, #tpu.memory_space<hbm>> -> memref<1x1x2x5600xf32, #tpu.memory_space<hbm>>
        %dma_wait3A_181 = tpu.memref_squeeze %dma_wait3A_180 : memref<1x1x2x5600xf32, #tpu.memory_space<hbm>> -> memref<2x5600xf32, #tpu.memory_space<hbm>>
        %dma_wait3A_182 = arith.constant 0 : i32
        %dma_wait3A_183 = tpu.memref_slice %arg4[%run_scoped3A_171, %add3A, %dma_wait3A_182, %mul3A_100] : memref<2x32x2x280000xf32, #tpu.memory_space<hbm>> -> memref<1x1x2x5600xf32, #tpu.memory_space<hbm>>
        %dma_wait3A_184 = tpu.memref_squeeze %dma_wait3A_183 : memref<1x1x2x5600xf32, #tpu.memory_space<hbm>> -> memref<2x5600xf32, #tpu.memory_space<hbm>>
        tpu.wait_dma2 semaphore(%run_scoped3A_172 : memref<!tpu.dma_semaphore, #tpu.memory_space<semaphore_mem>>) src(%arg7 : memref<2x5600xf32, #tpu.memory_space<vmem>>) dst(%dma_wait3A_184 : memref<2x5600xf32, #tpu.memory_space<hbm>>)
        tpu.yield
      }) : () -> ()
    }
    %scan3A_49 = arith.constant 50 : i32
    %mul3A_50 = arith.constant 2 : i32
    %mul3A_51 = arith.muli %add3A, %mul3A_50 : i32
    %run_scoped3A_52 = arith.constant 1 : i32
    %run_scoped3A_53 = arith.constant 2 : i32
    %run_scoped3A_54 = arith.constant 0 : i32
    "tpu.region"() ({
      %run_scoped3A_98 = tpu.sem_alloc : memref<!tpu.dma_semaphore, #tpu.memory_space<semaphore_mem>>
      %dma_start3A = arith.constant 0 : i32
      %dma_start3A_99 = arith.constant 0 : i32
      %dma_start3A_100 = tpu.memref_slice %arg5[%run_scoped3A_54, %dma_start3A, %dma_start3A_99] : memref<2x2x22400xf32, #tpu.memory_space<vmem>> -> memref<1x2x22400xf32, #tpu.memory_space<vmem>>
      %dma_start3A_101 = tpu.memref_squeeze %dma_start3A_100 : memref<1x2x22400xf32, #tpu.memory_space<vmem>> -> memref<2x22400xf32, #tpu.memory_space<vmem>>
      %dma_start3A_102 = arith.constant 0 : i32
      %dma_start3A_103 = tpu.memref_slice %arg2[%run_scoped3A_52, %run_scoped3A_53, %mul3A_51, %dma_start3A_102] : memref<2x6x64x22400xf32, #tpu.memory_space<hbm>> -> memref<1x1x2x22400xf32, #tpu.memory_space<hbm>>
      %dma_start3A_104 = tpu.memref_squeeze %dma_start3A_103 : memref<1x1x2x22400xf32, #tpu.memory_space<hbm>> -> memref<2x22400xf32, #tpu.memory_space<hbm>>
      %dma_start3A_105 = arith.constant 0 : i32
      %dma_start3A_106 = arith.constant 0 : i32
      %dma_start3A_107 = tpu.memref_slice %arg5[%run_scoped3A_54, %dma_start3A_105, %dma_start3A_106] : memref<2x2x22400xf32, #tpu.memory_space<vmem>> -> memref<1x2x22400xf32, #tpu.memory_space<vmem>>
      %dma_start3A_108 = tpu.memref_squeeze %dma_start3A_107 : memref<1x2x22400xf32, #tpu.memory_space<vmem>> -> memref<2x22400xf32, #tpu.memory_space<vmem>>
      %dma_start3A_109 = arith.constant 0 : i32
      %dma_start3A_110 = tpu.memref_slice %arg2[%run_scoped3A_52, %run_scoped3A_53, %mul3A_51, %dma_start3A_109] : memref<2x6x64x22400xf32, #tpu.memory_space<hbm>> -> memref<1x1x2x22400xf32, #tpu.memory_space<hbm>>
      %dma_start3A_111 = tpu.memref_squeeze %dma_start3A_110 : memref<1x1x2x22400xf32, #tpu.memory_space<hbm>> -> memref<2x22400xf32, #tpu.memory_space<hbm>>
      tpu.enqueue_dma source(%dma_start3A_111 : memref<2x22400xf32, #tpu.memory_space<hbm>>) target(%dma_start3A_108 : memref<2x22400xf32, #tpu.memory_space<vmem>>) target_semaphore(%run_scoped3A_98 : memref<!tpu.dma_semaphore, #tpu.memory_space<semaphore_mem>>)
      %dma_wait3A = arith.constant 0 : i32
      %dma_wait3A_112 = arith.constant 0 : i32
      %dma_wait3A_113 = tpu.memref_slice %arg5[%run_scoped3A_54, %dma_wait3A, %dma_wait3A_112] : memref<2x2x22400xf32, #tpu.memory_space<vmem>> -> memref<1x2x22400xf32, #tpu.memory_space<vmem>>
      %dma_wait3A_114 = tpu.memref_squeeze %dma_wait3A_113 : memref<1x2x22400xf32, #tpu.memory_space<vmem>> -> memref<2x22400xf32, #tpu.memory_space<vmem>>
      %dma_wait3A_115 = arith.constant 0 : i32
      %dma_wait3A_116 = tpu.memref_slice %arg2[%run_scoped3A_52, %run_scoped3A_53, %mul3A_51, %dma_wait3A_115] : memref<2x6x64x22400xf32, #tpu.memory_space<hbm>> -> memref<1x1x2x22400xf32, #tpu.memory_space<hbm>>
      %dma_wait3A_117 = tpu.memref_squeeze %dma_wait3A_116 : memref<1x1x2x22400xf32, #tpu.memory_space<hbm>> -> memref<2x22400xf32, #tpu.memory_space<hbm>>
      %dma_wait3A_118 = arith.constant 0 : i32
      %dma_wait3A_119 = arith.constant 0 : i32
      %dma_wait3A_120 = tpu.memref_slice %arg5[%run_scoped3A_54, %dma_wait3A_118, %dma_wait3A_119] : memref<2x2x22400xf32, #tpu.memory_space<vmem>> -> memref<1x2x22400xf32, #tpu.memory_space<vmem>>
      %dma_wait3A_121 = tpu.memref_squeeze %dma_wait3A_120 : memref<1x2x22400xf32, #tpu.memory_space<vmem>> -> memref<2x22400xf32, #tpu.memory_space<vmem>>
      %dma_wait3A_122 = arith.constant 0 : i32
      %dma_wait3A_123 = tpu.memref_slice %arg2[%run_scoped3A_52, %run_scoped3A_53, %mul3A_51, %dma_wait3A_122] : memref<2x6x64x22400xf32, #tpu.memory_space<hbm>> -> memref<1x1x2x22400xf32, #tpu.memory_space<hbm>>
      %dma_wait3A_124 = tpu.memref_squeeze %dma_wait3A_123 : memref<1x1x2x22400xf32, #tpu.memory_space<hbm>> -> memref<2x22400xf32, #tpu.memory_space<hbm>>
      tpu.wait_dma2 semaphore(%run_scoped3A_98 : memref<!tpu.dma_semaphore, #tpu.memory_space<semaphore_mem>>) src(%dma_wait3A_124 : memref<2x22400xf32, #tpu.memory_space<hbm>>) dst(%dma_wait3A_121 : memref<2x22400xf32, #tpu.memory_space<vmem>>)
      tpu.yield
    }) : () -> ()
    %mul3A_55 = arith.constant 2 : i32
    %mul3A_56 = arith.muli %add3A, %mul3A_55 : i32
    %run_scoped3A_57 = arith.constant 1 : i32
    %run_scoped3A_58 = arith.constant 3 : i32
    %run_scoped3A_59 = arith.constant 1 : i32
    "tpu.region"() ({
      %run_scoped3A_98 = tpu.sem_alloc : memref<!tpu.dma_semaphore, #tpu.memory_space<semaphore_mem>>
      %dma_start3A = arith.constant 0 : i32
      %dma_start3A_99 = arith.constant 0 : i32
      %dma_start3A_100 = tpu.memref_slice %arg5[%run_scoped3A_59, %dma_start3A, %dma_start3A_99] : memref<2x2x22400xf32, #tpu.memory_space<vmem>> -> memref<1x2x22400xf32, #tpu.memory_space<vmem>>
      %dma_start3A_101 = tpu.memref_squeeze %dma_start3A_100 : memref<1x2x22400xf32, #tpu.memory_space<vmem>> -> memref<2x22400xf32, #tpu.memory_space<vmem>>
      %dma_start3A_102 = arith.constant 0 : i32
      %dma_start3A_103 = tpu.memref_slice %arg2[%run_scoped3A_57, %run_scoped3A_58, %mul3A_56, %dma_start3A_102] : memref<2x6x64x22400xf32, #tpu.memory_space<hbm>> -> memref<1x1x2x22400xf32, #tpu.memory_space<hbm>>
      %dma_start3A_104 = tpu.memref_squeeze %dma_start3A_103 : memref<1x1x2x22400xf32, #tpu.memory_space<hbm>> -> memref<2x22400xf32, #tpu.memory_space<hbm>>
      %dma_start3A_105 = arith.constant 0 : i32
      %dma_start3A_106 = arith.constant 0 : i32
      %dma_start3A_107 = tpu.memref_slice %arg5[%run_scoped3A_59, %dma_start3A_105, %dma_start3A_106] : memref<2x2x22400xf32, #tpu.memory_space<vmem>> -> memref<1x2x22400xf32, #tpu.memory_space<vmem>>
      %dma_start3A_108 = tpu.memref_squeeze %dma_start3A_107 : memref<1x2x22400xf32, #tpu.memory_space<vmem>> -> memref<2x22400xf32, #tpu.memory_space<vmem>>
      %dma_start3A_109 = arith.constant 0 : i32
      %dma_start3A_110 = tpu.memref_slice %arg2[%run_scoped3A_57, %run_scoped3A_58, %mul3A_56, %dma_start3A_109] : memref<2x6x64x22400xf32, #tpu.memory_space<hbm>> -> memref<1x1x2x22400xf32, #tpu.memory_space<hbm>>
      %dma_start3A_111 = tpu.memref_squeeze %dma_start3A_110 : memref<1x1x2x22400xf32, #tpu.memory_space<hbm>> -> memref<2x22400xf32, #tpu.memory_space<hbm>>
      tpu.enqueue_dma source(%dma_start3A_111 : memref<2x22400xf32, #tpu.memory_space<hbm>>) target(%dma_start3A_108 : memref<2x22400xf32, #tpu.memory_space<vmem>>) target_semaphore(%run_scoped3A_98 : memref<!tpu.dma_semaphore, #tpu.memory_space<semaphore_mem>>)
      %dma_wait3A = arith.constant 0 : i32
      %dma_wait3A_112 = arith.constant 0 : i32
      %dma_wait3A_113 = tpu.memref_slice %arg5[%run_scoped3A_59, %dma_wait3A, %dma_wait3A_112] : memref<2x2x22400xf32, #tpu.memory_space<vmem>> -> memref<1x2x22400xf32, #tpu.memory_space<vmem>>
      %dma_wait3A_114 = tpu.memref_squeeze %dma_wait3A_113 : memref<1x2x22400xf32, #tpu.memory_space<vmem>> -> memref<2x22400xf32, #tpu.memory_space<vmem>>
      %dma_wait3A_115 = arith.constant 0 : i32
      %dma_wait3A_116 = tpu.memref_slice %arg2[%run_scoped3A_57, %run_scoped3A_58, %mul3A_56, %dma_wait3A_115] : memref<2x6x64x22400xf32, #tpu.memory_space<hbm>> -> memref<1x1x2x22400xf32, #tpu.memory_space<hbm>>
      %dma_wait3A_117 = tpu.memref_squeeze %dma_wait3A_116 : memref<1x1x2x22400xf32, #tpu.memory_space<hbm>> -> memref<2x22400xf32, #tpu.memory_space<hbm>>
      %dma_wait3A_118 = arith.constant 0 : i32
      %dma_wait3A_119 = arith.constant 0 : i32
      %dma_wait3A_120 = tpu.memref_slice %arg5[%run_scoped3A_59, %dma_wait3A_118, %dma_wait3A_119] : memref<2x2x22400xf32, #tpu.memory_space<vmem>> -> memref<1x2x22400xf32, #tpu.memory_space<vmem>>
      %dma_wait3A_121 = tpu.memref_squeeze %dma_wait3A_120 : memref<1x2x22400xf32, #tpu.memory_space<vmem>> -> memref<2x22400xf32, #tpu.memory_space<vmem>>
      %dma_wait3A_122 = arith.constant 0 : i32
      %dma_wait3A_123 = tpu.memref_slice %arg2[%run_scoped3A_57, %run_scoped3A_58, %mul3A_56, %dma_wait3A_122] : memref<2x6x64x22400xf32, #tpu.memory_space<hbm>> -> memref<1x1x2x22400xf32, #tpu.memory_space<hbm>>
      %dma_wait3A_124 = tpu.memref_squeeze %dma_wait3A_123 : memref<1x1x2x22400xf32, #tpu.memory_space<hbm>> -> memref<2x22400xf32, #tpu.memory_space<hbm>>
      tpu.wait_dma2 semaphore(%run_scoped3A_98 : memref<!tpu.dma_semaphore, #tpu.memory_space<semaphore_mem>>) src(%dma_wait3A_124 : memref<2x22400xf32, #tpu.memory_space<hbm>>) dst(%dma_wait3A_121 : memref<2x22400xf32, #tpu.memory_space<vmem>>)
      tpu.yield
    }) : () -> ()
    %scan3A_60 = arith.constant 0 : i32
    %scan3A_61 = arith.constant 0 : i32
    %scan3A_62 = arith.constant 50 : i32
    %scan3A_63 = arith.addi %scan3A_61, %scan3A_62 : i32
    %scan3A_64 = arith.constant 1 : i32
    scf.for %scan3A_98 = %scan3A_61 to %scan3A_63 step %scan3A_64  : i32 {
      %mul3A_99 = arith.constant 5600 : i32
      %mul3A_100 = arith.muli %scan3A_98, %mul3A_99 : i32
      %dma_start3A = arith.constant 1 : i32
      %dma_start3A_101 = arith.constant 2 : i32
      %dma_start3A_102 = arith.constant 0 : i32
      %dma_start3A_103 = arith.constant 0 : i32
      %dma_start3A_104 = tpu.memref_slice %arg6[%dma_start3A_102, %dma_start3A_103] : memref<2x5600xi32, #tpu.memory_space<vmem>> -> memref<1x5600xi32, #tpu.memory_space<vmem>>
      %dma_start3A_105 = tpu.memref_squeeze %dma_start3A_104 : memref<1x5600xi32, #tpu.memory_space<vmem>> -> memref<5600xi32, #tpu.memory_space<vmem>>
      %dma_start3A_106 = tpu.memref_slice %arg3[%dma_start3A, %dma_start3A_101, %mul3A_100] : memref<2x6x280000xi32, #tpu.memory_space<hbm>> -> memref<1x1x5600xi32, #tpu.memory_space<hbm>>
      %dma_start3A_107 = tpu.memref_squeeze %dma_start3A_106 : memref<1x1x5600xi32, #tpu.memory_space<hbm>> -> memref<5600xi32, #tpu.memory_space<hbm>>
      %dma_start3A_108 = arith.constant 0 : i32
      %dma_start3A_109 = tpu.memref_slice %arg6[%dma_start3A_102, %dma_start3A_108] : memref<2x5600xi32, #tpu.memory_space<vmem>> -> memref<1x5600xi32, #tpu.memory_space<vmem>>
      %dma_start3A_110 = tpu.memref_squeeze %dma_start3A_109 : memref<1x5600xi32, #tpu.memory_space<vmem>> -> memref<5600xi32, #tpu.memory_space<vmem>>
      %dma_start3A_111 = tpu.memref_slice %arg3[%dma_start3A, %dma_start3A_101, %mul3A_100] : memref<2x6x280000xi32, #tpu.memory_space<hbm>> -> memref<1x1x5600xi32, #tpu.memory_space<hbm>>
      %dma_start3A_112 = tpu.memref_squeeze %dma_start3A_111 : memref<1x1x5600xi32, #tpu.memory_space<hbm>> -> memref<5600xi32, #tpu.memory_space<hbm>>
      tpu.enqueue_dma source(%dma_start3A_112 : memref<5600xi32, #tpu.memory_space<hbm>>) target(%dma_start3A_110 : memref<5600xi32, #tpu.memory_space<vmem>>) target_semaphore(%arg9 : memref<!tpu.dma_semaphore, #tpu.memory_space<semaphore_mem>>)
      %dma_start3A_113 = arith.constant 1 : i32
      %dma_start3A_114 = arith.constant 3 : i32
      %dma_start3A_115 = arith.constant 1 : i32
      %dma_start3A_116 = arith.constant 0 : i32
      %dma_start3A_117 = tpu.memref_slice %arg6[%dma_start3A_115, %dma_start3A_116] : memref<2x5600xi32, #tpu.memory_space<vmem>> -> memref<1x5600xi32, #tpu.memory_space<vmem>>
      %dma_start3A_118 = tpu.memref_squeeze %dma_start3A_117 : memref<1x5600xi32, #tpu.memory_space<vmem>> -> memref<5600xi32, #tpu.memory_space<vmem>>
      %dma_start3A_119 = tpu.memref_slice %arg3[%dma_start3A_113, %dma_start3A_114, %mul3A_100] : memref<2x6x280000xi32, #tpu.memory_space<hbm>> -> memref<1x1x5600xi32, #tpu.memory_space<hbm>>
      %dma_start3A_120 = tpu.memref_squeeze %dma_start3A_119 : memref<1x1x5600xi32, #tpu.memory_space<hbm>> -> memref<5600xi32, #tpu.memory_space<hbm>>
      %dma_start3A_121 = arith.constant 0 : i32
      %dma_start3A_122 = tpu.memref_slice %arg6[%dma_start3A_115, %dma_start3A_121] : memref<2x5600xi32, #tpu.memory_space<vmem>> -> memref<1x5600xi32, #tpu.memory_space<vmem>>
      %dma_start3A_123 = tpu.memref_squeeze %dma_start3A_122 : memref<1x5600xi32, #tpu.memory_space<vmem>> -> memref<5600xi32, #tpu.memory_space<vmem>>
      %dma_start3A_124 = tpu.memref_slice %arg3[%dma_start3A_113, %dma_start3A_114, %mul3A_100] : memref<2x6x280000xi32, #tpu.memory_space<hbm>> -> memref<1x1x5600xi32, #tpu.memory_space<hbm>>
      %dma_start3A_125 = tpu.memref_squeeze %dma_start3A_124 : memref<1x1x5600xi32, #tpu.memory_space<hbm>> -> memref<5600xi32, #tpu.memory_space<hbm>>
      tpu.enqueue_dma source(%dma_start3A_125 : memref<5600xi32, #tpu.memory_space<hbm>>) target(%dma_start3A_123 : memref<5600xi32, #tpu.memory_space<vmem>>) target_semaphore(%arg9 : memref<!tpu.dma_semaphore, #tpu.memory_space<semaphore_mem>>)
      %dma_start3A_126 = arith.constant 1 : i32
      %dma_start3A_127 = arith.constant 0 : i32
      %dma_start3A_128 = tpu.memref_slice %arg4[%dma_start3A_126, %add3A, %dma_start3A_127, %mul3A_100] : memref<2x32x2x280000xf32, #tpu.memory_space<hbm>> -> memref<1x1x2x5600xf32, #tpu.memory_space<hbm>>
      %dma_start3A_129 = tpu.memref_squeeze %dma_start3A_128 : memref<1x1x2x5600xf32, #tpu.memory_space<hbm>> -> memref<2x5600xf32, #tpu.memory_space<hbm>>
      %dma_start3A_130 = arith.constant 0 : i32
      %dma_start3A_131 = tpu.memref_slice %arg4[%dma_start3A_126, %add3A, %dma_start3A_130, %mul3A_100] : memref<2x32x2x280000xf32, #tpu.memory_space<hbm>> -> memref<1x1x2x5600xf32, #tpu.memory_space<hbm>>
      %dma_start3A_132 = tpu.memref_squeeze %dma_start3A_131 : memref<1x1x2x5600xf32, #tpu.memory_space<hbm>> -> memref<2x5600xf32, #tpu.memory_space<hbm>>
      tpu.enqueue_dma source(%dma_start3A_132 : memref<2x5600xf32, #tpu.memory_space<hbm>>) target(%arg8 : memref<2x5600xf32, #tpu.memory_space<vmem>>) target_semaphore(%arg9 : memref<!tpu.dma_semaphore, #tpu.memory_space<semaphore_mem>>)
      %dma_wait3A = arith.constant 1 : i32
      %dma_wait3A_133 = arith.constant 2 : i32
      %dma_wait3A_134 = arith.constant 0 : i32
      %dma_wait3A_135 = arith.constant 0 : i32
      %dma_wait3A_136 = tpu.memref_slice %arg6[%dma_wait3A_134, %dma_wait3A_135] : memref<2x5600xi32, #tpu.memory_space<vmem>> -> memref<1x5600xi32, #tpu.memory_space<vmem>>
      %dma_wait3A_137 = tpu.memref_squeeze %dma_wait3A_136 : memref<1x5600xi32, #tpu.memory_space<vmem>> -> memref<5600xi32, #tpu.memory_space<vmem>>
      %dma_wait3A_138 = tpu.memref_slice %arg3[%dma_wait3A, %dma_wait3A_133, %mul3A_100] : memref<2x6x280000xi32, #tpu.memory_space<hbm>> -> memref<1x1x5600xi32, #tpu.memory_space<hbm>>
      %dma_wait3A_139 = tpu.memref_squeeze %dma_wait3A_138 : memref<1x1x5600xi32, #tpu.memory_space<hbm>> -> memref<5600xi32, #tpu.memory_space<hbm>>
      %dma_wait3A_140 = arith.constant 0 : i32
      %dma_wait3A_141 = tpu.memref_slice %arg6[%dma_wait3A_134, %dma_wait3A_140] : memref<2x5600xi32, #tpu.memory_space<vmem>> -> memref<1x5600xi32, #tpu.memory_space<vmem>>
      %dma_wait3A_142 = tpu.memref_squeeze %dma_wait3A_141 : memref<1x5600xi32, #tpu.memory_space<vmem>> -> memref<5600xi32, #tpu.memory_space<vmem>>
      %dma_wait3A_143 = tpu.memref_slice %arg3[%dma_wait3A, %dma_wait3A_133, %mul3A_100] : memref<2x6x280000xi32, #tpu.memory_space<hbm>> -> memref<1x1x5600xi32, #tpu.memory_space<hbm>>
      %dma_wait3A_144 = tpu.memref_squeeze %dma_wait3A_143 : memref<1x1x5600xi32, #tpu.memory_space<hbm>> -> memref<5600xi32, #tpu.memory_space<hbm>>
      tpu.wait_dma2 semaphore(%arg9 : memref<!tpu.dma_semaphore, #tpu.memory_space<semaphore_mem>>) src(%dma_wait3A_144 : memref<5600xi32, #tpu.memory_space<hbm>>) dst(%dma_wait3A_142 : memref<5600xi32, #tpu.memory_space<vmem>>)
      %dma_wait3A_145 = arith.constant 1 : i32
      %dma_wait3A_146 = arith.constant 3 : i32
      %dma_wait3A_147 = arith.constant 1 : i32
      %dma_wait3A_148 = arith.constant 0 : i32
      %dma_wait3A_149 = tpu.memref_slice %arg6[%dma_wait3A_147, %dma_wait3A_148] : memref<2x5600xi32, #tpu.memory_space<vmem>> -> memref<1x5600xi32, #tpu.memory_space<vmem>>
      %dma_wait3A_150 = tpu.memref_squeeze %dma_wait3A_149 : memref<1x5600xi32, #tpu.memory_space<vmem>> -> memref<5600xi32, #tpu.memory_space<vmem>>
      %dma_wait3A_151 = tpu.memref_slice %arg3[%dma_wait3A_145, %dma_wait3A_146, %mul3A_100] : memref<2x6x280000xi32, #tpu.memory_space<hbm>> -> memref<1x1x5600xi32, #tpu.memory_space<hbm>>
      %dma_wait3A_152 = tpu.memref_squeeze %dma_wait3A_151 : memref<1x1x5600xi32, #tpu.memory_space<hbm>> -> memref<5600xi32, #tpu.memory_space<hbm>>
      %dma_wait3A_153 = arith.constant 0 : i32
      %dma_wait3A_154 = tpu.memref_slice %arg6[%dma_wait3A_147, %dma_wait3A_153] : memref<2x5600xi32, #tpu.memory_space<vmem>> -> memref<1x5600xi32, #tpu.memory_space<vmem>>
      %dma_wait3A_155 = tpu.memref_squeeze %dma_wait3A_154 : memref<1x5600xi32, #tpu.memory_space<vmem>> -> memref<5600xi32, #tpu.memory_space<vmem>>
      %dma_wait3A_156 = tpu.memref_slice %arg3[%dma_wait3A_145, %dma_wait3A_146, %mul3A_100] : memref<2x6x280000xi32, #tpu.memory_space<hbm>> -> memref<1x1x5600xi32, #tpu.memory_space<hbm>>
      %dma_wait3A_157 = tpu.memref_squeeze %dma_wait3A_156 : memref<1x1x5600xi32, #tpu.memory_space<hbm>> -> memref<5600xi32, #tpu.memory_space<hbm>>
      tpu.wait_dma2 semaphore(%arg9 : memref<!tpu.dma_semaphore, #tpu.memory_space<semaphore_mem>>) src(%dma_wait3A_157 : memref<5600xi32, #tpu.memory_space<hbm>>) dst(%dma_wait3A_155 : memref<5600xi32, #tpu.memory_space<vmem>>)
      %dma_wait3A_158 = arith.constant 1 : i32
      %dma_wait3A_159 = arith.constant 0 : i32
      %dma_wait3A_160 = tpu.memref_slice %arg4[%dma_wait3A_158, %add3A, %dma_wait3A_159, %mul3A_100] : memref<2x32x2x280000xf32, #tpu.memory_space<hbm>> -> memref<1x1x2x5600xf32, #tpu.memory_space<hbm>>
      %dma_wait3A_161 = tpu.memref_squeeze %dma_wait3A_160 : memref<1x1x2x5600xf32, #tpu.memory_space<hbm>> -> memref<2x5600xf32, #tpu.memory_space<hbm>>
      %dma_wait3A_162 = arith.constant 0 : i32
      %dma_wait3A_163 = tpu.memref_slice %arg4[%dma_wait3A_158, %add3A, %dma_wait3A_162, %mul3A_100] : memref<2x32x2x280000xf32, #tpu.memory_space<hbm>> -> memref<1x1x2x5600xf32, #tpu.memory_space<hbm>>
      %dma_wait3A_164 = tpu.memref_squeeze %dma_wait3A_163 : memref<1x1x2x5600xf32, #tpu.memory_space<hbm>> -> memref<2x5600xf32, #tpu.memory_space<hbm>>
      tpu.wait_dma2 semaphore(%arg9 : memref<!tpu.dma_semaphore, #tpu.memory_space<semaphore_mem>>) src(%dma_wait3A_164 : memref<2x5600xf32, #tpu.memory_space<hbm>>) dst(%arg8 : memref<2x5600xf32, #tpu.memory_space<vmem>>)
      %scan3A_165 = arith.constant 0 : i32
      %scan3A_166 = arith.constant 0 : i32
      %scan3A_167 = arith.constant 350 : i32
      %scan3A_168 = arith.addi %scan3A_166, %scan3A_167 : i32
      %scan3A_169 = arith.constant 1 : i32
      scf.for %scan3A_172 = %scan3A_166 to %scan3A_168 step %scan3A_169  : i32 {
        %mul3A_173 = arith.constant 16 : i32
        %mul3A_174 = arith.muli %scan3A_172, %mul3A_173 : i32
        %get3A = arith.constant 0 : i32
        %get3A_175 = arith.index_cast %get3A : i32 to index
        %get3A_176 = arith.index_cast %mul3A_174 : i32 to index
        %get3A_177 = tpu.vector_load %arg6[%get3A_175, %get3A_176] {strides = array<i32>} : memref<2x5600xi32, #tpu.memory_space<vmem>>, vector<16xi32>,
        %get3A_178 = arith.constant 1 : i32
        %get3A_179 = arith.index_cast %get3A_178 : i32 to index
        %get3A_180 = arith.index_cast %mul3A_174 : i32 to index
        %get3A_181 = tpu.vector_load %arg6[%get3A_179, %get3A_180] {strides = array<i32>} : memref<2x5600xi32, #tpu.memory_space<vmem>>, vector<16xi32>,
        %lt3A = arith.constant 22400 : i32
        %lt3A_182 = vector.broadcast %lt3A : i32 to vector<16xi32>
        %lt3A_183 = arith.cmpi slt, %get3A_177, %lt3A_182 : vector<16xi32>
        %lt3A_184 = arith.constant 22400 : i32
        %lt3A_185 = vector.broadcast %lt3A_184 : i32 to vector<16xi32>
        %lt3A_186 = arith.cmpi slt, %get3A_181, %lt3A_185 : vector<16xi32>
        %eq3A = arith.constant 22400 : i32
        %eq3A_187 = vector.broadcast %eq3A : i32 to vector<16xi32>
        %eq3A_188 = arith.cmpi eq, %get3A_177, %eq3A_187 : vector<16xi32>
        %select_n3A = arith.select %eq3A_188, %broadcast_in_dim3A_3, %broadcast_in_dim3A_1 : vector<16xi1>, vector<16xf32>
        %eq3A_189 = arith.constant 22400 : i32
        %eq3A_190 = vector.broadcast %eq3A_189 : i32 to vector<16xi32>
        %eq3A_191 = arith.cmpi eq, %get3A_181, %eq3A_190 : vector<16xi32>
        %select_n3A_192 = arith.select %eq3A_191, %broadcast_in_dim3A_3, %broadcast_in_dim3A_1 : vector<16xi1>, vector<16xf32>
        %min3A = arith.constant 22399 : i32
        %min3A_193 = vector.broadcast %min3A : i32 to vector<16xi32>
        %min3A_194 = arith.minsi %get3A_177, %min3A_193 : vector<16xi32>
        %min3A_195 = arith.constant 22399 : i32
        %min3A_196 = vector.broadcast %min3A_195 : i32 to vector<16xi32>
        %min3A_197 = arith.minsi %get3A_181, %min3A_196 : vector<16xi32>
        %broadcast_in_dim3A_198 = arith.constant 0 : i32
        %broadcast_in_dim3A_199 = vector.broadcast %broadcast_in_dim3A_198 : i32 to vector<16xi32>
        %broadcast_in_dim3A_200 = arith.constant 1 : i32
        %broadcast_in_dim3A_201 = vector.broadcast %broadcast_in_dim3A_200 : i32 to vector<16xi32>
        %broadcast_in_dim3A_202 = arith.constant 0 : i32
        %broadcast_in_dim3A_203 = vector.broadcast %broadcast_in_dim3A_202 : i32 to vector<16xi32>
        %gather3A = tpu.vector_load_idx %arg5[%broadcast_in_dim3A_199, %broadcast_in_dim3A_203, %min3A_194] : memref<2x2x22400xf32, #tpu.memory_space<vmem>>[vector<16xi32>, vector<16xi32>, vector<16xi32>], vector<16xf32>,
        %gather3A_204 = tpu.vector_load_idx %arg5[%broadcast_in_dim3A_201, %broadcast_in_dim3A_203, %min3A_197] : memref<2x2x22400xf32, #tpu.memory_space<vmem>>[vector<16xi32>, vector<16xi32>, vector<16xi32>], vector<16xf32>,
        %select_n3A_205 = arith.select %lt3A_183, %gather3A, %select_n3A : vector<16xi1>, vector<16xf32>
        %select_n3A_206 = arith.select %lt3A_186, %gather3A_204, %select_n3A_192 : vector<16xi1>, vector<16xf32>
        %max3A = arith.maximumf %select_n3A_205, %select_n3A_206 : vector<16xf32>
        %get3A_207 = arith.constant 0 : i32
        %get3A_208 = arith.index_cast %get3A_207 : i32 to index
        %get3A_209 = arith.index_cast %mul3A_174 : i32 to index
        %get3A_210 = tpu.vector_load %arg8[%get3A_208, %get3A_209] {strides = array<i32>} : memref<2x5600xf32, #tpu.memory_space<vmem>>, vector<16xf32>,
        %max3A_211 = arith.maximumf %max3A, %get3A_210 : vector<16xf32>
        %swap3A = arith.constant 0 : i32
        %swap3A_212 = arith.index_cast %swap3A : i32 to index
        %swap3A_213 = arith.index_cast %mul3A_174 : i32 to index
        %swap3A_214 = tpu.vector_load %arg7[%swap3A_212, %swap3A_213] {strides = array<i32>} : memref<2x5600xf32, #tpu.memory_space<vmem>>, vector<16xf32>,
        tpu.vector_store %arg7[%swap3A_212, %swap3A_213], %max3A_211 {strides = array<i32>} : memref<2x5600xf32, #tpu.memory_space<vmem>>, vector<16xf32>,
        %broadcast_in_dim3A_215 = arith.constant 1 : i32
        %broadcast_in_dim3A_216 = vector.broadcast %broadcast_in_dim3A_215 : i32 to vector<16xi32>
        %gather3A_217 = tpu.vector_load_idx %arg5[%broadcast_in_dim3A_199, %broadcast_in_dim3A_216, %min3A_194] : memref<2x2x22400xf32, #tpu.memory_space<vmem>>[vector<16xi32>, vector<16xi32>, vector<16xi32>], vector<16xf32>,
        %gather3A_218 = tpu.vector_load_idx %arg5[%broadcast_in_dim3A_201, %broadcast_in_dim3A_216, %min3A_197] : memref<2x2x22400xf32, #tpu.memory_space<vmem>>[vector<16xi32>, vector<16xi32>, vector<16xi32>], vector<16xf32>,
        %select_n3A_219 = arith.select %lt3A_183, %gather3A_217, %select_n3A : vector<16xi1>, vector<16xf32>
        %select_n3A_220 = arith.select %lt3A_186, %gather3A_218, %select_n3A_192 : vector<16xi1>, vector<16xf32>
        %max3A_221 = arith.maximumf %select_n3A_219, %select_n3A_220 : vector<16xf32>
        %get3A_222 = arith.constant 1 : i32
        %get3A_223 = arith.index_cast %get3A_222 : i32 to index
        %get3A_224 = arith.index_cast %mul3A_174 : i32 to index
        %get3A_225 = tpu.vector_load %arg8[%get3A_223, %get3A_224] {strides = array<i32>} : memref<2x5600xf32, #tpu.memory_space<vmem>>, vector<16xf32>,
        %max3A_226 = arith.maximumf %max3A_221, %get3A_225 : vector<16xf32>
        %swap3A_227 = arith.constant 1 : i32
        %swap3A_228 = arith.index_cast %swap3A_227 : i32 to index
        %swap3A_229 = arith.index_cast %mul3A_174 : i32 to index
        %swap3A_230 = tpu.vector_load %arg7[%swap3A_228, %swap3A_229] {strides = array<i32>} : memref<2x5600xf32, #tpu.memory_space<vmem>>, vector<16xf32>,
        tpu.vector_store %arg7[%swap3A_228, %swap3A_229], %max3A_226 {strides = array<i32>} : memref<2x5600xf32, #tpu.memory_space<vmem>>, vector<16xf32>,
      }
      %scan3A_170 = arith.constant 350 : i32
      %run_scoped3A_171 = arith.constant 1 : i32
      "tpu.region"() ({
        %run_scoped3A_172 = tpu.sem_alloc : memref<!tpu.dma_semaphore, #tpu.memory_space<semaphore_mem>>
        %dma_start3A_173 = arith.constant 0 : i32
        %dma_start3A_174 = tpu.memref_slice %arg4[%run_scoped3A_171, %add3A, %dma_start3A_173, %mul3A_100] : memref<2x32x2x280000xf32, #tpu.memory_space<hbm>> -> memref<1x1x2x5600xf32, #tpu.memory_space<hbm>>
        %dma_start3A_175 = tpu.memref_squeeze %dma_start3A_174 : memref<1x1x2x5600xf32, #tpu.memory_space<hbm>> -> memref<2x5600xf32, #tpu.memory_space<hbm>>
        %dma_start3A_176 = arith.constant 0 : i32
        %dma_start3A_177 = tpu.memref_slice %arg4[%run_scoped3A_171, %add3A, %dma_start3A_176, %mul3A_100] : memref<2x32x2x280000xf32, #tpu.memory_space<hbm>> -> memref<1x1x2x5600xf32, #tpu.memory_space<hbm>>
        %dma_start3A_178 = tpu.memref_squeeze %dma_start3A_177 : memref<1x1x2x5600xf32, #tpu.memory_space<hbm>> -> memref<2x5600xf32, #tpu.memory_space<hbm>>
        tpu.enqueue_dma source(%arg7 : memref<2x5600xf32, #tpu.memory_space<vmem>>) target(%dma_start3A_178 : memref<2x5600xf32, #tpu.memory_space<hbm>>) target_semaphore(%run_scoped3A_172 : memref<!tpu.dma_semaphore, #tpu.memory_space<semaphore_mem>>)
        %dma_wait3A_179 = arith.constant 0 : i32
        %dma_wait3A_180 = tpu.memref_slice %arg4[%run_scoped3A_171, %add3A, %dma_wait3A_179, %mul3A_100] : memref<2x32x2x280000xf32, #tpu.memory_space<hbm>> -> memref<1x1x2x5600xf32, #tpu.memory_space<hbm>>
        %dma_wait3A_181 = tpu.memref_squeeze %dma_wait3A_180 : memref<1x1x2x5600xf32, #tpu.memory_space<hbm>> -> memref<2x5600xf32, #tpu.memory_space<hbm>>
        %dma_wait3A_182 = arith.constant 0 : i32
        %dma_wait3A_183 = tpu.memref_slice %arg4[%run_scoped3A_171, %add3A, %dma_wait3A_182, %mul3A_100] : memref<2x32x2x280000xf32, #tpu.memory_space<hbm>> -> memref<1x1x2x5600xf32, #tpu.memory_space<hbm>>
        %dma_wait3A_184 = tpu.memref_squeeze %dma_wait3A_183 : memref<1x1x2x5600xf32, #tpu.memory_space<hbm>> -> memref<2x5600xf32, #tpu.memory_space<hbm>>
        tpu.wait_dma2 semaphore(%run_scoped3A_172 : memref<!tpu.dma_semaphore, #tpu.memory_space<semaphore_mem>>) src(%arg7 : memref<2x5600xf32, #tpu.memory_space<vmem>>) dst(%dma_wait3A_184 : memref<2x5600xf32, #tpu.memory_space<hbm>>)
        tpu.yield
      }) : () -> ()
    }
    %scan3A_65 = arith.constant 50 : i32
    %mul3A_66 = arith.constant 2 : i32
    %mul3A_67 = arith.muli %add3A, %mul3A_66 : i32
    %run_scoped3A_68 = arith.constant 0 : i32
    %run_scoped3A_69 = arith.constant 4 : i32
    %run_scoped3A_70 = arith.constant 0 : i32
    "tpu.region"() ({
      %run_scoped3A_98 = tpu.sem_alloc : memref<!tpu.dma_semaphore, #tpu.memory_space<semaphore_mem>>
      %dma_start3A = arith.constant 0 : i32
      %dma_start3A_99 = arith.constant 0 : i32
      %dma_start3A_100 = tpu.memref_slice %arg5[%run_scoped3A_70, %dma_start3A, %dma_start3A_99] : memref<2x2x22400xf32, #tpu.memory_space<vmem>> -> memref<1x2x22400xf32, #tpu.memory_space<vmem>>
      %dma_start3A_101 = tpu.memref_squeeze %dma_start3A_100 : memref<1x2x22400xf32, #tpu.memory_space<vmem>> -> memref<2x22400xf32, #tpu.memory_space<vmem>>
      %dma_start3A_102 = arith.constant 0 : i32
      %dma_start3A_103 = tpu.memref_slice %arg2[%run_scoped3A_68, %run_scoped3A_69, %mul3A_67, %dma_start3A_102] : memref<2x6x64x22400xf32, #tpu.memory_space<hbm>> -> memref<1x1x2x22400xf32, #tpu.memory_space<hbm>>
      %dma_start3A_104 = tpu.memref_squeeze %dma_start3A_103 : memref<1x1x2x22400xf32, #tpu.memory_space<hbm>> -> memref<2x22400xf32, #tpu.memory_space<hbm>>
      %dma_start3A_105 = arith.constant 0 : i32
      %dma_start3A_106 = arith.constant 0 : i32
      %dma_start3A_107 = tpu.memref_slice %arg5[%run_scoped3A_70, %dma_start3A_105, %dma_start3A_106] : memref<2x2x22400xf32, #tpu.memory_space<vmem>> -> memref<1x2x22400xf32, #tpu.memory_space<vmem>>
      %dma_start3A_108 = tpu.memref_squeeze %dma_start3A_107 : memref<1x2x22400xf32, #tpu.memory_space<vmem>> -> memref<2x22400xf32, #tpu.memory_space<vmem>>
      %dma_start3A_109 = arith.constant 0 : i32
      %dma_start3A_110 = tpu.memref_slice %arg2[%run_scoped3A_68, %run_scoped3A_69, %mul3A_67, %dma_start3A_109] : memref<2x6x64x22400xf32, #tpu.memory_space<hbm>> -> memref<1x1x2x22400xf32, #tpu.memory_space<hbm>>
      %dma_start3A_111 = tpu.memref_squeeze %dma_start3A_110 : memref<1x1x2x22400xf32, #tpu.memory_space<hbm>> -> memref<2x22400xf32, #tpu.memory_space<hbm>>
      tpu.enqueue_dma source(%dma_start3A_111 : memref<2x22400xf32, #tpu.memory_space<hbm>>) target(%dma_start3A_108 : memref<2x22400xf32, #tpu.memory_space<vmem>>) target_semaphore(%run_scoped3A_98 : memref<!tpu.dma_semaphore, #tpu.memory_space<semaphore_mem>>)
      %dma_wait3A = arith.constant 0 : i32
      %dma_wait3A_112 = arith.constant 0 : i32
      %dma_wait3A_113 = tpu.memref_slice %arg5[%run_scoped3A_70, %dma_wait3A, %dma_wait3A_112] : memref<2x2x22400xf32, #tpu.memory_space<vmem>> -> memref<1x2x22400xf32, #tpu.memory_space<vmem>>
      %dma_wait3A_114 = tpu.memref_squeeze %dma_wait3A_113 : memref<1x2x22400xf32, #tpu.memory_space<vmem>> -> memref<2x22400xf32, #tpu.memory_space<vmem>>
      %dma_wait3A_115 = arith.constant 0 : i32
      %dma_wait3A_116 = tpu.memref_slice %arg2[%run_scoped3A_68, %run_scoped3A_69, %mul3A_67, %dma_wait3A_115] : memref<2x6x64x22400xf32, #tpu.memory_space<hbm>> -> memref<1x1x2x22400xf32, #tpu.memory_space<hbm>>
      %dma_wait3A_117 = tpu.memref_squeeze %dma_wait3A_116 : memref<1x1x2x22400xf32, #tpu.memory_space<hbm>> -> memref<2x22400xf32, #tpu.memory_space<hbm>>
      %dma_wait3A_118 = arith.constant 0 : i32
      %dma_wait3A_119 = arith.constant 0 : i32
      %dma_wait3A_120 = tpu.memref_slice %arg5[%run_scoped3A_70, %dma_wait3A_118, %dma_wait3A_119] : memref<2x2x22400xf32, #tpu.memory_space<vmem>> -> memref<1x2x22400xf32, #tpu.memory_space<vmem>>
      %dma_wait3A_121 = tpu.memref_squeeze %dma_wait3A_120 : memref<1x2x22400xf32, #tpu.memory_space<vmem>> -> memref<2x22400xf32, #tpu.memory_space<vmem>>
      %dma_wait3A_122 = arith.constant 0 : i32
      %dma_wait3A_123 = tpu.memref_slice %arg2[%run_scoped3A_68, %run_scoped3A_69, %mul3A_67, %dma_wait3A_122] : memref<2x6x64x22400xf32, #tpu.memory_space<hbm>> -> memref<1x1x2x22400xf32, #tpu.memory_space<hbm>>
      %dma_wait3A_124 = tpu.memref_squeeze %dma_wait3A_123 : memref<1x1x2x22400xf32, #tpu.memory_space<hbm>> -> memref<2x22400xf32, #tpu.memory_space<hbm>>
      tpu.wait_dma2 semaphore(%run_scoped3A_98 : memref<!tpu.dma_semaphore, #tpu.memory_space<semaphore_mem>>) src(%dma_wait3A_124 : memref<2x22400xf32, #tpu.memory_space<hbm>>) dst(%dma_wait3A_121 : memref<2x22400xf32, #tpu.memory_space<vmem>>)
      tpu.yield
    }) : () -> ()
    %mul3A_71 = arith.constant 2 : i32
    %mul3A_72 = arith.muli %add3A, %mul3A_71 : i32
    %run_scoped3A_73 = arith.constant 0 : i32
    %run_scoped3A_74 = arith.constant 5 : i32
    %run_scoped3A_75 = arith.constant 1 : i32
    "tpu.region"() ({
      %run_scoped3A_98 = tpu.sem_alloc : memref<!tpu.dma_semaphore, #tpu.memory_space<semaphore_mem>>
      %dma_start3A = arith.constant 0 : i32
      %dma_start3A_99 = arith.constant 0 : i32
      %dma_start3A_100 = tpu.memref_slice %arg5[%run_scoped3A_75, %dma_start3A, %dma_start3A_99] : memref<2x2x22400xf32, #tpu.memory_space<vmem>> -> memref<1x2x22400xf32, #tpu.memory_space<vmem>>
      %dma_start3A_101 = tpu.memref_squeeze %dma_start3A_100 : memref<1x2x22400xf32, #tpu.memory_space<vmem>> -> memref<2x22400xf32, #tpu.memory_space<vmem>>
      %dma_start3A_102 = arith.constant 0 : i32
      %dma_start3A_103 = tpu.memref_slice %arg2[%run_scoped3A_73, %run_scoped3A_74, %mul3A_72, %dma_start3A_102] : memref<2x6x64x22400xf32, #tpu.memory_space<hbm>> -> memref<1x1x2x22400xf32, #tpu.memory_space<hbm>>
      %dma_start3A_104 = tpu.memref_squeeze %dma_start3A_103 : memref<1x1x2x22400xf32, #tpu.memory_space<hbm>> -> memref<2x22400xf32, #tpu.memory_space<hbm>>
      %dma_start3A_105 = arith.constant 0 : i32
      %dma_start3A_106 = arith.constant 0 : i32
      %dma_start3A_107 = tpu.memref_slice %arg5[%run_scoped3A_75, %dma_start3A_105, %dma_start3A_106] : memref<2x2x22400xf32, #tpu.memory_space<vmem>> -> memref<1x2x22400xf32, #tpu.memory_space<vmem>>
      %dma_start3A_108 = tpu.memref_squeeze %dma_start3A_107 : memref<1x2x22400xf32, #tpu.memory_space<vmem>> -> memref<2x22400xf32, #tpu.memory_space<vmem>>
      %dma_start3A_109 = arith.constant 0 : i32
      %dma_start3A_110 = tpu.memref_slice %arg2[%run_scoped3A_73, %run_scoped3A_74, %mul3A_72, %dma_start3A_109] : memref<2x6x64x22400xf32, #tpu.memory_space<hbm>> -> memref<1x1x2x22400xf32, #tpu.memory_space<hbm>>
      %dma_start3A_111 = tpu.memref_squeeze %dma_start3A_110 : memref<1x1x2x22400xf32, #tpu.memory_space<hbm>> -> memref<2x22400xf32, #tpu.memory_space<hbm>>
      tpu.enqueue_dma source(%dma_start3A_111 : memref<2x22400xf32, #tpu.memory_space<hbm>>) target(%dma_start3A_108 : memref<2x22400xf32, #tpu.memory_space<vmem>>) target_semaphore(%run_scoped3A_98 : memref<!tpu.dma_semaphore, #tpu.memory_space<semaphore_mem>>)
      %dma_wait3A = arith.constant 0 : i32
      %dma_wait3A_112 = arith.constant 0 : i32
      %dma_wait3A_113 = tpu.memref_slice %arg5[%run_scoped3A_75, %dma_wait3A, %dma_wait3A_112] : memref<2x2x22400xf32, #tpu.memory_space<vmem>> -> memref<1x2x22400xf32, #tpu.memory_space<vmem>>
      %dma_wait3A_114 = tpu.memref_squeeze %dma_wait3A_113 : memref<1x2x22400xf32, #tpu.memory_space<vmem>> -> memref<2x22400xf32, #tpu.memory_space<vmem>>
      %dma_wait3A_115 = arith.constant 0 : i32
      %dma_wait3A_116 = tpu.memref_slice %arg2[%run_scoped3A_73, %run_scoped3A_74, %mul3A_72, %dma_wait3A_115] : memref<2x6x64x22400xf32, #tpu.memory_space<hbm>> -> memref<1x1x2x22400xf32, #tpu.memory_space<hbm>>
      %dma_wait3A_117 = tpu.memref_squeeze %dma_wait3A_116 : memref<1x1x2x22400xf32, #tpu.memory_space<hbm>> -> memref<2x22400xf32, #tpu.memory_space<hbm>>
      %dma_wait3A_118 = arith.constant 0 : i32
      %dma_wait3A_119 = arith.constant 0 : i32
      %dma_wait3A_120 = tpu.memref_slice %arg5[%run_scoped3A_75, %dma_wait3A_118, %dma_wait3A_119] : memref<2x2x22400xf32, #tpu.memory_space<vmem>> -> memref<1x2x22400xf32, #tpu.memory_space<vmem>>
      %dma_wait3A_121 = tpu.memref_squeeze %dma_wait3A_120 : memref<1x2x22400xf32, #tpu.memory_space<vmem>> -> memref<2x22400xf32, #tpu.memory_space<vmem>>
      %dma_wait3A_122 = arith.constant 0 : i32
      %dma_wait3A_123 = tpu.memref_slice %arg2[%run_scoped3A_73, %run_scoped3A_74, %mul3A_72, %dma_wait3A_122] : memref<2x6x64x22400xf32, #tpu.memory_space<hbm>> -> memref<1x1x2x22400xf32, #tpu.memory_space<hbm>>
      %dma_wait3A_124 = tpu.memref_squeeze %dma_wait3A_123 : memref<1x1x2x22400xf32, #tpu.memory_space<hbm>> -> memref<2x22400xf32, #tpu.memory_space<hbm>>
      tpu.wait_dma2 semaphore(%run_scoped3A_98 : memref<!tpu.dma_semaphore, #tpu.memory_space<semaphore_mem>>) src(%dma_wait3A_124 : memref<2x22400xf32, #tpu.memory_space<hbm>>) dst(%dma_wait3A_121 : memref<2x22400xf32, #tpu.memory_space<vmem>>)
      tpu.yield
    }) : () -> ()
    %scan3A_76 = arith.constant 0 : i32
    %scan3A_77 = arith.constant 0 : i32
    %scan3A_78 = arith.constant 50 : i32
    %scan3A_79 = arith.addi %scan3A_77, %scan3A_78 : i32
    %scan3A_80 = arith.constant 1 : i32
    scf.for %scan3A_98 = %scan3A_77 to %scan3A_79 step %scan3A_80  : i32 {
      %mul3A_99 = arith.constant 5600 : i32
      %mul3A_100 = arith.muli %scan3A_98, %mul3A_99 : i32
      %dma_start3A = arith.constant 0 : i32
      %dma_start3A_101 = arith.constant 4 : i32
      %dma_start3A_102 = arith.constant 0 : i32
      %dma_start3A_103 = arith.constant 0 : i32
      %dma_start3A_104 = tpu.memref_slice %arg6[%dma_start3A_102, %dma_start3A_103] : memref<2x5600xi32, #tpu.memory_space<vmem>> -> memref<1x5600xi32, #tpu.memory_space<vmem>>
      %dma_start3A_105 = tpu.memref_squeeze %dma_start3A_104 : memref<1x5600xi32, #tpu.memory_space<vmem>> -> memref<5600xi32, #tpu.memory_space<vmem>>
      %dma_start3A_106 = tpu.memref_slice %arg3[%dma_start3A, %dma_start3A_101, %mul3A_100] : memref<2x6x280000xi32, #tpu.memory_space<hbm>> -> memref<1x1x5600xi32, #tpu.memory_space<hbm>>
      %dma_start3A_107 = tpu.memref_squeeze %dma_start3A_106 : memref<1x1x5600xi32, #tpu.memory_space<hbm>> -> memref<5600xi32, #tpu.memory_space<hbm>>
      %dma_start3A_108 = arith.constant 0 : i32
      %dma_start3A_109 = tpu.memref_slice %arg6[%dma_start3A_102, %dma_start3A_108] : memref<2x5600xi32, #tpu.memory_space<vmem>> -> memref<1x5600xi32, #tpu.memory_space<vmem>>
      %dma_start3A_110 = tpu.memref_squeeze %dma_start3A_109 : memref<1x5600xi32, #tpu.memory_space<vmem>> -> memref<5600xi32, #tpu.memory_space<vmem>>
      %dma_start3A_111 = tpu.memref_slice %arg3[%dma_start3A, %dma_start3A_101, %mul3A_100] : memref<2x6x280000xi32, #tpu.memory_space<hbm>> -> memref<1x1x5600xi32, #tpu.memory_space<hbm>>
      %dma_start3A_112 = tpu.memref_squeeze %dma_start3A_111 : memref<1x1x5600xi32, #tpu.memory_space<hbm>> -> memref<5600xi32, #tpu.memory_space<hbm>>
      tpu.enqueue_dma source(%dma_start3A_112 : memref<5600xi32, #tpu.memory_space<hbm>>) target(%dma_start3A_110 : memref<5600xi32, #tpu.memory_space<vmem>>) target_semaphore(%arg9 : memref<!tpu.dma_semaphore, #tpu.memory_space<semaphore_mem>>)
      %dma_start3A_113 = arith.constant 0 : i32
      %dma_start3A_114 = arith.constant 5 : i32
      %dma_start3A_115 = arith.constant 1 : i32
      %dma_start3A_116 = arith.constant 0 : i32
      %dma_start3A_117 = tpu.memref_slice %arg6[%dma_start3A_115, %dma_start3A_116] : memref<2x5600xi32, #tpu.memory_space<vmem>> -> memref<1x5600xi32, #tpu.memory_space<vmem>>
      %dma_start3A_118 = tpu.memref_squeeze %dma_start3A_117 : memref<1x5600xi32, #tpu.memory_space<vmem>> -> memref<5600xi32, #tpu.memory_space<vmem>>
      %dma_start3A_119 = tpu.memref_slice %arg3[%dma_start3A_113, %dma_start3A_114, %mul3A_100] : memref<2x6x280000xi32, #tpu.memory_space<hbm>> -> memref<1x1x5600xi32, #tpu.memory_space<hbm>>
      %dma_start3A_120 = tpu.memref_squeeze %dma_start3A_119 : memref<1x1x5600xi32, #tpu.memory_space<hbm>> -> memref<5600xi32, #tpu.memory_space<hbm>>
      %dma_start3A_121 = arith.constant 0 : i32
      %dma_start3A_122 = tpu.memref_slice %arg6[%dma_start3A_115, %dma_start3A_121] : memref<2x5600xi32, #tpu.memory_space<vmem>> -> memref<1x5600xi32, #tpu.memory_space<vmem>>
      %dma_start3A_123 = tpu.memref_squeeze %dma_start3A_122 : memref<1x5600xi32, #tpu.memory_space<vmem>> -> memref<5600xi32, #tpu.memory_space<vmem>>
      %dma_start3A_124 = tpu.memref_slice %arg3[%dma_start3A_113, %dma_start3A_114, %mul3A_100] : memref<2x6x280000xi32, #tpu.memory_space<hbm>> -> memref<1x1x5600xi32, #tpu.memory_space<hbm>>
      %dma_start3A_125 = tpu.memref_squeeze %dma_start3A_124 : memref<1x1x5600xi32, #tpu.memory_space<hbm>> -> memref<5600xi32, #tpu.memory_space<hbm>>
      tpu.enqueue_dma source(%dma_start3A_125 : memref<5600xi32, #tpu.memory_space<hbm>>) target(%dma_start3A_123 : memref<5600xi32, #tpu.memory_space<vmem>>) target_semaphore(%arg9 : memref<!tpu.dma_semaphore, #tpu.memory_space<semaphore_mem>>)
      %dma_start3A_126 = arith.constant 0 : i32
      %dma_start3A_127 = arith.constant 0 : i32
      %dma_start3A_128 = tpu.memref_slice %arg4[%dma_start3A_126, %add3A, %dma_start3A_127, %mul3A_100] : memref<2x32x2x280000xf32, #tpu.memory_space<hbm>> -> memref<1x1x2x5600xf32, #tpu.memory_space<hbm>>
      %dma_start3A_129 = tpu.memref_squeeze %dma_start3A_128 : memref<1x1x2x5600xf32, #tpu.memory_space<hbm>> -> memref<2x5600xf32, #tpu.memory_space<hbm>>
      %dma_start3A_130 = arith.constant 0 : i32
      %dma_start3A_131 = tpu.memref_slice %arg4[%dma_start3A_126, %add3A, %dma_start3A_130, %mul3A_100] : memref<2x32x2x280000xf32, #tpu.memory_space<hbm>> -> memref<1x1x2x5600xf32, #tpu.memory_space<hbm>>
      %dma_start3A_132 = tpu.memref_squeeze %dma_start3A_131 : memref<1x1x2x5600xf32, #tpu.memory_space<hbm>> -> memref<2x5600xf32, #tpu.memory_space<hbm>>
      tpu.enqueue_dma source(%dma_start3A_132 : memref<2x5600xf32, #tpu.memory_space<hbm>>) target(%arg8 : memref<2x5600xf32, #tpu.memory_space<vmem>>) target_semaphore(%arg9 : memref<!tpu.dma_semaphore, #tpu.memory_space<semaphore_mem>>)
      %dma_wait3A = arith.constant 0 : i32
      %dma_wait3A_133 = arith.constant 4 : i32
      %dma_wait3A_134 = arith.constant 0 : i32
      %dma_wait3A_135 = arith.constant 0 : i32
      %dma_wait3A_136 = tpu.memref_slice %arg6[%dma_wait3A_134, %dma_wait3A_135] : memref<2x5600xi32, #tpu.memory_space<vmem>> -> memref<1x5600xi32, #tpu.memory_space<vmem>>
      %dma_wait3A_137 = tpu.memref_squeeze %dma_wait3A_136 : memref<1x5600xi32, #tpu.memory_space<vmem>> -> memref<5600xi32, #tpu.memory_space<vmem>>
      %dma_wait3A_138 = tpu.memref_slice %arg3[%dma_wait3A, %dma_wait3A_133, %mul3A_100] : memref<2x6x280000xi32, #tpu.memory_space<hbm>> -> memref<1x1x5600xi32, #tpu.memory_space<hbm>>
      %dma_wait3A_139 = tpu.memref_squeeze %dma_wait3A_138 : memref<1x1x5600xi32, #tpu.memory_space<hbm>> -> memref<5600xi32, #tpu.memory_space<hbm>>
      %dma_wait3A_140 = arith.constant 0 : i32
      %dma_wait3A_141 = tpu.memref_slice %arg6[%dma_wait3A_134, %dma_wait3A_140] : memref<2x5600xi32, #tpu.memory_space<vmem>> -> memref<1x5600xi32, #tpu.memory_space<vmem>>
      %dma_wait3A_142 = tpu.memref_squeeze %dma_wait3A_141 : memref<1x5600xi32, #tpu.memory_space<vmem>> -> memref<5600xi32, #tpu.memory_space<vmem>>
      %dma_wait3A_143 = tpu.memref_slice %arg3[%dma_wait3A, %dma_wait3A_133, %mul3A_100] : memref<2x6x280000xi32, #tpu.memory_space<hbm>> -> memref<1x1x5600xi32, #tpu.memory_space<hbm>>
      %dma_wait3A_144 = tpu.memref_squeeze %dma_wait3A_143 : memref<1x1x5600xi32, #tpu.memory_space<hbm>> -> memref<5600xi32, #tpu.memory_space<hbm>>
      tpu.wait_dma2 semaphore(%arg9 : memref<!tpu.dma_semaphore, #tpu.memory_space<semaphore_mem>>) src(%dma_wait3A_144 : memref<5600xi32, #tpu.memory_space<hbm>>) dst(%dma_wait3A_142 : memref<5600xi32, #tpu.memory_space<vmem>>)
      %dma_wait3A_145 = arith.constant 0 : i32
      %dma_wait3A_146 = arith.constant 5 : i32
      %dma_wait3A_147 = arith.constant 1 : i32
      %dma_wait3A_148 = arith.constant 0 : i32
      %dma_wait3A_149 = tpu.memref_slice %arg6[%dma_wait3A_147, %dma_wait3A_148] : memref<2x5600xi32, #tpu.memory_space<vmem>> -> memref<1x5600xi32, #tpu.memory_space<vmem>>
      %dma_wait3A_150 = tpu.memref_squeeze %dma_wait3A_149 : memref<1x5600xi32, #tpu.memory_space<vmem>> -> memref<5600xi32, #tpu.memory_space<vmem>>
      %dma_wait3A_151 = tpu.memref_slice %arg3[%dma_wait3A_145, %dma_wait3A_146, %mul3A_100] : memref<2x6x280000xi32, #tpu.memory_space<hbm>> -> memref<1x1x5600xi32, #tpu.memory_space<hbm>>
      %dma_wait3A_152 = tpu.memref_squeeze %dma_wait3A_151 : memref<1x1x5600xi32, #tpu.memory_space<hbm>> -> memref<5600xi32, #tpu.memory_space<hbm>>
      %dma_wait3A_153 = arith.constant 0 : i32
      %dma_wait3A_154 = tpu.memref_slice %arg6[%dma_wait3A_147, %dma_wait3A_153] : memref<2x5600xi32, #tpu.memory_space<vmem>> -> memref<1x5600xi32, #tpu.memory_space<vmem>>
      %dma_wait3A_155 = tpu.memref_squeeze %dma_wait3A_154 : memref<1x5600xi32, #tpu.memory_space<vmem>> -> memref<5600xi32, #tpu.memory_space<vmem>>
      %dma_wait3A_156 = tpu.memref_slice %arg3[%dma_wait3A_145, %dma_wait3A_146, %mul3A_100] : memref<2x6x280000xi32, #tpu.memory_space<hbm>> -> memref<1x1x5600xi32, #tpu.memory_space<hbm>>
      %dma_wait3A_157 = tpu.memref_squeeze %dma_wait3A_156 : memref<1x1x5600xi32, #tpu.memory_space<hbm>> -> memref<5600xi32, #tpu.memory_space<hbm>>
      tpu.wait_dma2 semaphore(%arg9 : memref<!tpu.dma_semaphore, #tpu.memory_space<semaphore_mem>>) src(%dma_wait3A_157 : memref<5600xi32, #tpu.memory_space<hbm>>) dst(%dma_wait3A_155 : memref<5600xi32, #tpu.memory_space<vmem>>)
      %dma_wait3A_158 = arith.constant 0 : i32
      %dma_wait3A_159 = arith.constant 0 : i32
      %dma_wait3A_160 = tpu.memref_slice %arg4[%dma_wait3A_158, %add3A, %dma_wait3A_159, %mul3A_100] : memref<2x32x2x280000xf32, #tpu.memory_space<hbm>> -> memref<1x1x2x5600xf32, #tpu.memory_space<hbm>>
      %dma_wait3A_161 = tpu.memref_squeeze %dma_wait3A_160 : memref<1x1x2x5600xf32, #tpu.memory_space<hbm>> -> memref<2x5600xf32, #tpu.memory_space<hbm>>
      %dma_wait3A_162 = arith.constant 0 : i32
      %dma_wait3A_163 = tpu.memref_slice %arg4[%dma_wait3A_158, %add3A, %dma_wait3A_162, %mul3A_100] : memref<2x32x2x280000xf32, #tpu.memory_space<hbm>> -> memref<1x1x2x5600xf32, #tpu.memory_space<hbm>>
      %dma_wait3A_164 = tpu.memref_squeeze %dma_wait3A_163 : memref<1x1x2x5600xf32, #tpu.memory_space<hbm>> -> memref<2x5600xf32, #tpu.memory_space<hbm>>
      tpu.wait_dma2 semaphore(%arg9 : memref<!tpu.dma_semaphore, #tpu.memory_space<semaphore_mem>>) src(%dma_wait3A_164 : memref<2x5600xf32, #tpu.memory_space<hbm>>) dst(%arg8 : memref<2x5600xf32, #tpu.memory_space<vmem>>)
      %scan3A_165 = arith.constant 0 : i32
      %scan3A_166 = arith.constant 0 : i32
      %scan3A_167 = arith.constant 350 : i32
      %scan3A_168 = arith.addi %scan3A_166, %scan3A_167 : i32
      %scan3A_169 = arith.constant 1 : i32
      scf.for %scan3A_172 = %scan3A_166 to %scan3A_168 step %scan3A_169  : i32 {
        %mul3A_173 = arith.constant 16 : i32
        %mul3A_174 = arith.muli %scan3A_172, %mul3A_173 : i32
        %get3A = arith.constant 0 : i32
        %get3A_175 = arith.index_cast %get3A : i32 to index
        %get3A_176 = arith.index_cast %mul3A_174 : i32 to index
        %get3A_177 = tpu.vector_load %arg6[%get3A_175, %get3A_176] {strides = array<i32>} : memref<2x5600xi32, #tpu.memory_space<vmem>>, vector<16xi32>,
        %get3A_178 = arith.constant 1 : i32
        %get3A_179 = arith.index_cast %get3A_178 : i32 to index
        %get3A_180 = arith.index_cast %mul3A_174 : i32 to index
        %get3A_181 = tpu.vector_load %arg6[%get3A_179, %get3A_180] {strides = array<i32>} : memref<2x5600xi32, #tpu.memory_space<vmem>>, vector<16xi32>,
        %lt3A = arith.constant 22400 : i32
        %lt3A_182 = vector.broadcast %lt3A : i32 to vector<16xi32>
        %lt3A_183 = arith.cmpi slt, %get3A_177, %lt3A_182 : vector<16xi32>
        %lt3A_184 = arith.constant 22400 : i32
        %lt3A_185 = vector.broadcast %lt3A_184 : i32 to vector<16xi32>
        %lt3A_186 = arith.cmpi slt, %get3A_181, %lt3A_185 : vector<16xi32>
        %eq3A = arith.constant 22400 : i32
        %eq3A_187 = vector.broadcast %eq3A : i32 to vector<16xi32>
        %eq3A_188 = arith.cmpi eq, %get3A_177, %eq3A_187 : vector<16xi32>
        %select_n3A = arith.select %eq3A_188, %broadcast_in_dim3A_3, %broadcast_in_dim3A_1 : vector<16xi1>, vector<16xf32>
        %eq3A_189 = arith.constant 22400 : i32
        %eq3A_190 = vector.broadcast %eq3A_189 : i32 to vector<16xi32>
        %eq3A_191 = arith.cmpi eq, %get3A_181, %eq3A_190 : vector<16xi32>
        %select_n3A_192 = arith.select %eq3A_191, %broadcast_in_dim3A_3, %broadcast_in_dim3A_1 : vector<16xi1>, vector<16xf32>
        %min3A = arith.constant 22399 : i32
        %min3A_193 = vector.broadcast %min3A : i32 to vector<16xi32>
        %min3A_194 = arith.minsi %get3A_177, %min3A_193 : vector<16xi32>
        %min3A_195 = arith.constant 22399 : i32
        %min3A_196 = vector.broadcast %min3A_195 : i32 to vector<16xi32>
        %min3A_197 = arith.minsi %get3A_181, %min3A_196 : vector<16xi32>
        %broadcast_in_dim3A_198 = arith.constant 0 : i32
        %broadcast_in_dim3A_199 = vector.broadcast %broadcast_in_dim3A_198 : i32 to vector<16xi32>
        %broadcast_in_dim3A_200 = arith.constant 1 : i32
        %broadcast_in_dim3A_201 = vector.broadcast %broadcast_in_dim3A_200 : i32 to vector<16xi32>
        %broadcast_in_dim3A_202 = arith.constant 0 : i32
        %broadcast_in_dim3A_203 = vector.broadcast %broadcast_in_dim3A_202 : i32 to vector<16xi32>
        %gather3A = tpu.vector_load_idx %arg5[%broadcast_in_dim3A_199, %broadcast_in_dim3A_203, %min3A_194] : memref<2x2x22400xf32, #tpu.memory_space<vmem>>[vector<16xi32>, vector<16xi32>, vector<16xi32>], vector<16xf32>,
        %gather3A_204 = tpu.vector_load_idx %arg5[%broadcast_in_dim3A_201, %broadcast_in_dim3A_203, %min3A_197] : memref<2x2x22400xf32, #tpu.memory_space<vmem>>[vector<16xi32>, vector<16xi32>, vector<16xi32>], vector<16xf32>,
        %select_n3A_205 = arith.select %lt3A_183, %gather3A, %select_n3A : vector<16xi1>, vector<16xf32>
        %select_n3A_206 = arith.select %lt3A_186, %gather3A_204, %select_n3A_192 : vector<16xi1>, vector<16xf32>
        %max3A = arith.maximumf %select_n3A_205, %select_n3A_206 : vector<16xf32>
        %get3A_207 = arith.constant 0 : i32
        %get3A_208 = arith.index_cast %get3A_207 : i32 to index
        %get3A_209 = arith.index_cast %mul3A_174 : i32 to index
        %get3A_210 = tpu.vector_load %arg8[%get3A_208, %get3A_209] {strides = array<i32>} : memref<2x5600xf32, #tpu.memory_space<vmem>>, vector<16xf32>,
        %max3A_211 = arith.maximumf %max3A, %get3A_210 : vector<16xf32>
        %swap3A = arith.constant 0 : i32
        %swap3A_212 = arith.index_cast %swap3A : i32 to index
        %swap3A_213 = arith.index_cast %mul3A_174 : i32 to index
        %swap3A_214 = tpu.vector_load %arg7[%swap3A_212, %swap3A_213] {strides = array<i32>} : memref<2x5600xf32, #tpu.memory_space<vmem>>, vector<16xf32>,
        tpu.vector_store %arg7[%swap3A_212, %swap3A_213], %max3A_211 {strides = array<i32>} : memref<2x5600xf32, #tpu.memory_space<vmem>>, vector<16xf32>,
        %broadcast_in_dim3A_215 = arith.constant 1 : i32
        %broadcast_in_dim3A_216 = vector.broadcast %broadcast_in_dim3A_215 : i32 to vector<16xi32>
        %gather3A_217 = tpu.vector_load_idx %arg5[%broadcast_in_dim3A_199, %broadcast_in_dim3A_216, %min3A_194] : memref<2x2x22400xf32, #tpu.memory_space<vmem>>[vector<16xi32>, vector<16xi32>, vector<16xi32>], vector<16xf32>,
        %gather3A_218 = tpu.vector_load_idx %arg5[%broadcast_in_dim3A_201, %broadcast_in_dim3A_216, %min3A_197] : memref<2x2x22400xf32, #tpu.memory_space<vmem>>[vector<16xi32>, vector<16xi32>, vector<16xi32>], vector<16xf32>,
        %select_n3A_219 = arith.select %lt3A_183, %gather3A_217, %select_n3A : vector<16xi1>, vector<16xf32>
        %select_n3A_220 = arith.select %lt3A_186, %gather3A_218, %select_n3A_192 : vector<16xi1>, vector<16xf32>
        %max3A_221 = arith.maximumf %select_n3A_219, %select_n3A_220 : vector<16xf32>
        %get3A_222 = arith.constant 1 : i32
        %get3A_223 = arith.index_cast %get3A_222 : i32 to index
        %get3A_224 = arith.index_cast %mul3A_174 : i32 to index
        %get3A_225 = tpu.vector_load %arg8[%get3A_223, %get3A_224] {strides = array<i32>} : memref<2x5600xf32, #tpu.memory_space<vmem>>, vector<16xf32>,
        %max3A_226 = arith.maximumf %max3A_221, %get3A_225 : vector<16xf32>
        %swap3A_227 = arith.constant 1 : i32
        %swap3A_228 = arith.index_cast %swap3A_227 : i32 to index
        %swap3A_229 = arith.index_cast %mul3A_174 : i32 to index
        %swap3A_230 = tpu.vector_load %arg7[%swap3A_228, %swap3A_229] {strides = array<i32>} : memref<2x5600xf32, #tpu.memory_space<vmem>>, vector<16xf32>,
        tpu.vector_store %arg7[%swap3A_228, %swap3A_229], %max3A_226 {strides = array<i32>} : memref<2x5600xf32, #tpu.memory_space<vmem>>, vector<16xf32>,
      }
      %scan3A_170 = arith.constant 350 : i32
      %run_scoped3A_171 = arith.constant 0 : i32
      "tpu.region"() ({
        %run_scoped3A_172 = tpu.sem_alloc : memref<!tpu.dma_semaphore, #tpu.memory_space<semaphore_mem>>
        %dma_start3A_173 = arith.constant 0 : i32
        %dma_start3A_174 = tpu.memref_slice %arg4[%run_scoped3A_171, %add3A, %dma_start3A_173, %mul3A_100] : memref<2x32x2x280000xf32, #tpu.memory_space<hbm>> -> memref<1x1x2x5600xf32, #tpu.memory_space<hbm>>
        %dma_start3A_175 = tpu.memref_squeeze %dma_start3A_174 : memref<1x1x2x5600xf32, #tpu.memory_space<hbm>> -> memref<2x5600xf32, #tpu.memory_space<hbm>>
        %dma_start3A_176 = arith.constant 0 : i32
        %dma_start3A_177 = tpu.memref_slice %arg4[%run_scoped3A_171, %add3A, %dma_start3A_176, %mul3A_100] : memref<2x32x2x280000xf32, #tpu.memory_space<hbm>> -> memref<1x1x2x5600xf32, #tpu.memory_space<hbm>>
        %dma_start3A_178 = tpu.memref_squeeze %dma_start3A_177 : memref<1x1x2x5600xf32, #tpu.memory_space<hbm>> -> memref<2x5600xf32, #tpu.memory_space<hbm>>
        tpu.enqueue_dma source(%arg7 : memref<2x5600xf32, #tpu.memory_space<vmem>>) target(%dma_start3A_178 : memref<2x5600xf32, #tpu.memory_space<hbm>>) target_semaphore(%run_scoped3A_172 : memref<!tpu.dma_semaphore, #tpu.memory_space<semaphore_mem>>)
        %dma_wait3A_179 = arith.constant 0 : i32
        %dma_wait3A_180 = tpu.memref_slice %arg4[%run_scoped3A_171, %add3A, %dma_wait3A_179, %mul3A_100] : memref<2x32x2x280000xf32, #tpu.memory_space<hbm>> -> memref<1x1x2x5600xf32, #tpu.memory_space<hbm>>
        %dma_wait3A_181 = tpu.memref_squeeze %dma_wait3A_180 : memref<1x1x2x5600xf32, #tpu.memory_space<hbm>> -> memref<2x5600xf32, #tpu.memory_space<hbm>>
        %dma_wait3A_182 = arith.constant 0 : i32
        %dma_wait3A_183 = tpu.memref_slice %arg4[%run_scoped3A_171, %add3A, %dma_wait3A_182, %mul3A_100] : memref<2x32x2x280000xf32, #tpu.memory_space<hbm>> -> memref<1x1x2x5600xf32, #tpu.memory_space<hbm>>
        %dma_wait3A_184 = tpu.memref_squeeze %dma_wait3A_183 : memref<1x1x2x5600xf32, #tpu.memory_space<hbm>> -> memref<2x5600xf32, #tpu.memory_space<hbm>>
        tpu.wait_dma2 semaphore(%run_scoped3A_172 : memref<!tpu.dma_semaphore, #tpu.memory_space<semaphore_mem>>) src(%arg7 : memref<2x5600xf32, #tpu.memory_space<vmem>>) dst(%dma_wait3A_184 : memref<2x5600xf32, #tpu.memory_space<hbm>>)
        tpu.yield
      }) : () -> ()
    }
    %scan3A_81 = arith.constant 50 : i32
    %mul3A_82 = arith.constant 2 : i32
    %mul3A_83 = arith.muli %add3A, %mul3A_82 : i32
    %run_scoped3A_84 = arith.constant 1 : i32
    %run_scoped3A_85 = arith.constant 4 : i32
    %run_scoped3A_86 = arith.constant 0 : i32
    "tpu.region"() ({
      %run_scoped3A_98 = tpu.sem_alloc : memref<!tpu.dma_semaphore, #tpu.memory_space<semaphore_mem>>
      %dma_start3A = arith.constant 0 : i32
      %dma_start3A_99 = arith.constant 0 : i32
      %dma_start3A_100 = tpu.memref_slice %arg5[%run_scoped3A_86, %dma_start3A, %dma_start3A_99] : memref<2x2x22400xf32, #tpu.memory_space<vmem>> -> memref<1x2x22400xf32, #tpu.memory_space<vmem>>
      %dma_start3A_101 = tpu.memref_squeeze %dma_start3A_100 : memref<1x2x22400xf32, #tpu.memory_space<vmem>> -> memref<2x22400xf32, #tpu.memory_space<vmem>>
      %dma_start3A_102 = arith.constant 0 : i32
      %dma_start3A_103 = tpu.memref_slice %arg2[%run_scoped3A_84, %run_scoped3A_85, %mul3A_83, %dma_start3A_102] : memref<2x6x64x22400xf32, #tpu.memory_space<hbm>> -> memref<1x1x2x22400xf32, #tpu.memory_space<hbm>>
      %dma_start3A_104 = tpu.memref_squeeze %dma_start3A_103 : memref<1x1x2x22400xf32, #tpu.memory_space<hbm>> -> memref<2x22400xf32, #tpu.memory_space<hbm>>
      %dma_start3A_105 = arith.constant 0 : i32
      %dma_start3A_106 = arith.constant 0 : i32
      %dma_start3A_107 = tpu.memref_slice %arg5[%run_scoped3A_86, %dma_start3A_105, %dma_start3A_106] : memref<2x2x22400xf32, #tpu.memory_space<vmem>> -> memref<1x2x22400xf32, #tpu.memory_space<vmem>>
      %dma_start3A_108 = tpu.memref_squeeze %dma_start3A_107 : memref<1x2x22400xf32, #tpu.memory_space<vmem>> -> memref<2x22400xf32, #tpu.memory_space<vmem>>
      %dma_start3A_109 = arith.constant 0 : i32
      %dma_start3A_110 = tpu.memref_slice %arg2[%run_scoped3A_84, %run_scoped3A_85, %mul3A_83, %dma_start3A_109] : memref<2x6x64x22400xf32, #tpu.memory_space<hbm>> -> memref<1x1x2x22400xf32, #tpu.memory_space<hbm>>
      %dma_start3A_111 = tpu.memref_squeeze %dma_start3A_110 : memref<1x1x2x22400xf32, #tpu.memory_space<hbm>> -> memref<2x22400xf32, #tpu.memory_space<hbm>>
      tpu.enqueue_dma source(%dma_start3A_111 : memref<2x22400xf32, #tpu.memory_space<hbm>>) target(%dma_start3A_108 : memref<2x22400xf32, #tpu.memory_space<vmem>>) target_semaphore(%run_scoped3A_98 : memref<!tpu.dma_semaphore, #tpu.memory_space<semaphore_mem>>)
      %dma_wait3A = arith.constant 0 : i32
      %dma_wait3A_112 = arith.constant 0 : i32
      %dma_wait3A_113 = tpu.memref_slice %arg5[%run_scoped3A_86, %dma_wait3A, %dma_wait3A_112] : memref<2x2x22400xf32, #tpu.memory_space<vmem>> -> memref<1x2x22400xf32, #tpu.memory_space<vmem>>
      %dma_wait3A_114 = tpu.memref_squeeze %dma_wait3A_113 : memref<1x2x22400xf32, #tpu.memory_space<vmem>> -> memref<2x22400xf32, #tpu.memory_space<vmem>>
      %dma_wait3A_115 = arith.constant 0 : i32
      %dma_wait3A_116 = tpu.memref_slice %arg2[%run_scoped3A_84, %run_scoped3A_85, %mul3A_83, %dma_wait3A_115] : memref<2x6x64x22400xf32, #tpu.memory_space<hbm>> -> memref<1x1x2x22400xf32, #tpu.memory_space<hbm>>
      %dma_wait3A_117 = tpu.memref_squeeze %dma_wait3A_116 : memref<1x1x2x22400xf32, #tpu.memory_space<hbm>> -> memref<2x22400xf32, #tpu.memory_space<hbm>>
      %dma_wait3A_118 = arith.constant 0 : i32
      %dma_wait3A_119 = arith.constant 0 : i32
      %dma_wait3A_120 = tpu.memref_slice %arg5[%run_scoped3A_86, %dma_wait3A_118, %dma_wait3A_119] : memref<2x2x22400xf32, #tpu.memory_space<vmem>> -> memref<1x2x22400xf32, #tpu.memory_space<vmem>>
      %dma_wait3A_121 = tpu.memref_squeeze %dma_wait3A_120 : memref<1x2x22400xf32, #tpu.memory_space<vmem>> -> memref<2x22400xf32, #tpu.memory_space<vmem>>
      %dma_wait3A_122 = arith.constant 0 : i32
      %dma_wait3A_123 = tpu.memref_slice %arg2[%run_scoped3A_84, %run_scoped3A_85, %mul3A_83, %dma_wait3A_122] : memref<2x6x64x22400xf32, #tpu.memory_space<hbm>> -> memref<1x1x2x22400xf32, #tpu.memory_space<hbm>>
      %dma_wait3A_124 = tpu.memref_squeeze %dma_wait3A_123 : memref<1x1x2x22400xf32, #tpu.memory_space<hbm>> -> memref<2x22400xf32, #tpu.memory_space<hbm>>
      tpu.wait_dma2 semaphore(%run_scoped3A_98 : memref<!tpu.dma_semaphore, #tpu.memory_space<semaphore_mem>>) src(%dma_wait3A_124 : memref<2x22400xf32, #tpu.memory_space<hbm>>) dst(%dma_wait3A_121 : memref<2x22400xf32, #tpu.memory_space<vmem>>)
      tpu.yield
    }) : () -> ()
    %mul3A_87 = arith.constant 2 : i32
    %mul3A_88 = arith.muli %add3A, %mul3A_87 : i32
    %run_scoped3A_89 = arith.constant 1 : i32
    %run_scoped3A_90 = arith.constant 5 : i32
    %run_scoped3A_91 = arith.constant 1 : i32
    "tpu.region"() ({
      %run_scoped3A_98 = tpu.sem_alloc : memref<!tpu.dma_semaphore, #tpu.memory_space<semaphore_mem>>
      %dma_start3A = arith.constant 0 : i32
      %dma_start3A_99 = arith.constant 0 : i32
      %dma_start3A_100 = tpu.memref_slice %arg5[%run_scoped3A_91, %dma_start3A, %dma_start3A_99] : memref<2x2x22400xf32, #tpu.memory_space<vmem>> -> memref<1x2x22400xf32, #tpu.memory_space<vmem>>
      %dma_start3A_101 = tpu.memref_squeeze %dma_start3A_100 : memref<1x2x22400xf32, #tpu.memory_space<vmem>> -> memref<2x22400xf32, #tpu.memory_space<vmem>>
      %dma_start3A_102 = arith.constant 0 : i32
      %dma_start3A_103 = tpu.memref_slice %arg2[%run_scoped3A_89, %run_scoped3A_90, %mul3A_88, %dma_start3A_102] : memref<2x6x64x22400xf32, #tpu.memory_space<hbm>> -> memref<1x1x2x22400xf32, #tpu.memory_space<hbm>>
      %dma_start3A_104 = tpu.memref_squeeze %dma_start3A_103 : memref<1x1x2x22400xf32, #tpu.memory_space<hbm>> -> memref<2x22400xf32, #tpu.memory_space<hbm>>
      %dma_start3A_105 = arith.constant 0 : i32
      %dma_start3A_106 = arith.constant 0 : i32
      %dma_start3A_107 = tpu.memref_slice %arg5[%run_scoped3A_91, %dma_start3A_105, %dma_start3A_106] : memref<2x2x22400xf32, #tpu.memory_space<vmem>> -> memref<1x2x22400xf32, #tpu.memory_space<vmem>>
      %dma_start3A_108 = tpu.memref_squeeze %dma_start3A_107 : memref<1x2x22400xf32, #tpu.memory_space<vmem>> -> memref<2x22400xf32, #tpu.memory_space<vmem>>
      %dma_start3A_109 = arith.constant 0 : i32
      %dma_start3A_110 = tpu.memref_slice %arg2[%run_scoped3A_89, %run_scoped3A_90, %mul3A_88, %dma_start3A_109] : memref<2x6x64x22400xf32, #tpu.memory_space<hbm>> -> memref<1x1x2x22400xf32, #tpu.memory_space<hbm>>
      %dma_start3A_111 = tpu.memref_squeeze %dma_start3A_110 : memref<1x1x2x22400xf32, #tpu.memory_space<hbm>> -> memref<2x22400xf32, #tpu.memory_space<hbm>>
      tpu.enqueue_dma source(%dma_start3A_111 : memref<2x22400xf32, #tpu.memory_space<hbm>>) target(%dma_start3A_108 : memref<2x22400xf32, #tpu.memory_space<vmem>>) target_semaphore(%run_scoped3A_98 : memref<!tpu.dma_semaphore, #tpu.memory_space<semaphore_mem>>)
      %dma_wait3A = arith.constant 0 : i32
      %dma_wait3A_112 = arith.constant 0 : i32
      %dma_wait3A_113 = tpu.memref_slice %arg5[%run_scoped3A_91, %dma_wait3A, %dma_wait3A_112] : memref<2x2x22400xf32, #tpu.memory_space<vmem>> -> memref<1x2x22400xf32, #tpu.memory_space<vmem>>
      %dma_wait3A_114 = tpu.memref_squeeze %dma_wait3A_113 : memref<1x2x22400xf32, #tpu.memory_space<vmem>> -> memref<2x22400xf32, #tpu.memory_space<vmem>>
      %dma_wait3A_115 = arith.constant 0 : i32
      %dma_wait3A_116 = tpu.memref_slice %arg2[%run_scoped3A_89, %run_scoped3A_90, %mul3A_88, %dma_wait3A_115] : memref<2x6x64x22400xf32, #tpu.memory_space<hbm>> -> memref<1x1x2x22400xf32, #tpu.memory_space<hbm>>
      %dma_wait3A_117 = tpu.memref_squeeze %dma_wait3A_116 : memref<1x1x2x22400xf32, #tpu.memory_space<hbm>> -> memref<2x22400xf32, #tpu.memory_space<hbm>>
      %dma_wait3A_118 = arith.constant 0 : i32
      %dma_wait3A_119 = arith.constant 0 : i32
      %dma_wait3A_120 = tpu.memref_slice %arg5[%run_scoped3A_91, %dma_wait3A_118, %dma_wait3A_119] : memref<2x2x22400xf32, #tpu.memory_space<vmem>> -> memref<1x2x22400xf32, #tpu.memory_space<vmem>>
      %dma_wait3A_121 = tpu.memref_squeeze %dma_wait3A_120 : memref<1x2x22400xf32, #tpu.memory_space<vmem>> -> memref<2x22400xf32, #tpu.memory_space<vmem>>
      %dma_wait3A_122 = arith.constant 0 : i32
      %dma_wait3A_123 = tpu.memref_slice %arg2[%run_scoped3A_89, %run_scoped3A_90, %mul3A_88, %dma_wait3A_122] : memref<2x6x64x22400xf32, #tpu.memory_space<hbm>> -> memref<1x1x2x22400xf32, #tpu.memory_space<hbm>>
      %dma_wait3A_124 = tpu.memref_squeeze %dma_wait3A_123 : memref<1x1x2x22400xf32, #tpu.memory_space<hbm>> -> memref<2x22400xf32, #tpu.memory_space<hbm>>
      tpu.wait_dma2 semaphore(%run_scoped3A_98 : memref<!tpu.dma_semaphore, #tpu.memory_space<semaphore_mem>>) src(%dma_wait3A_124 : memref<2x22400xf32, #tpu.memory_space<hbm>>) dst(%dma_wait3A_121 : memref<2x22400xf32, #tpu.memory_space<vmem>>)
      tpu.yield
    }) : () -> ()
    %scan3A_92 = arith.constant 0 : i32
    %scan3A_93 = arith.constant 0 : i32
    %scan3A_94 = arith.constant 50 : i32
    %scan3A_95 = arith.addi %scan3A_93, %scan3A_94 : i32
    %scan3A_96 = arith.constant 1 : i32
    scf.for %scan3A_98 = %scan3A_93 to %scan3A_95 step %scan3A_96  : i32 {
      %mul3A_99 = arith.constant 5600 : i32
      %mul3A_100 = arith.muli %scan3A_98, %mul3A_99 : i32
      %dma_start3A = arith.constant 1 : i32
      %dma_start3A_101 = arith.constant 4 : i32
      %dma_start3A_102 = arith.constant 0 : i32
      %dma_start3A_103 = arith.constant 0 : i32
      %dma_start3A_104 = tpu.memref_slice %arg6[%dma_start3A_102, %dma_start3A_103] : memref<2x5600xi32, #tpu.memory_space<vmem>> -> memref<1x5600xi32, #tpu.memory_space<vmem>>
      %dma_start3A_105 = tpu.memref_squeeze %dma_start3A_104 : memref<1x5600xi32, #tpu.memory_space<vmem>> -> memref<5600xi32, #tpu.memory_space<vmem>>
      %dma_start3A_106 = tpu.memref_slice %arg3[%dma_start3A, %dma_start3A_101, %mul3A_100] : memref<2x6x280000xi32, #tpu.memory_space<hbm>> -> memref<1x1x5600xi32, #tpu.memory_space<hbm>>
      %dma_start3A_107 = tpu.memref_squeeze %dma_start3A_106 : memref<1x1x5600xi32, #tpu.memory_space<hbm>> -> memref<5600xi32, #tpu.memory_space<hbm>>
      %dma_start3A_108 = arith.constant 0 : i32
      %dma_start3A_109 = tpu.memref_slice %arg6[%dma_start3A_102, %dma_start3A_108] : memref<2x5600xi32, #tpu.memory_space<vmem>> -> memref<1x5600xi32, #tpu.memory_space<vmem>>
      %dma_start3A_110 = tpu.memref_squeeze %dma_start3A_109 : memref<1x5600xi32, #tpu.memory_space<vmem>> -> memref<5600xi32, #tpu.memory_space<vmem>>
      %dma_start3A_111 = tpu.memref_slice %arg3[%dma_start3A, %dma_start3A_101, %mul3A_100] : memref<2x6x280000xi32, #tpu.memory_space<hbm>> -> memref<1x1x5600xi32, #tpu.memory_space<hbm>>
      %dma_start3A_112 = tpu.memref_squeeze %dma_start3A_111 : memref<1x1x5600xi32, #tpu.memory_space<hbm>> -> memref<5600xi32, #tpu.memory_space<hbm>>
      tpu.enqueue_dma source(%dma_start3A_112 : memref<5600xi32, #tpu.memory_space<hbm>>) target(%dma_start3A_110 : memref<5600xi32, #tpu.memory_space<vmem>>) target_semaphore(%arg9 : memref<!tpu.dma_semaphore, #tpu.memory_space<semaphore_mem>>)
      %dma_start3A_113 = arith.constant 1 : i32
      %dma_start3A_114 = arith.constant 5 : i32
      %dma_start3A_115 = arith.constant 1 : i32
      %dma_start3A_116 = arith.constant 0 : i32
      %dma_start3A_117 = tpu.memref_slice %arg6[%dma_start3A_115, %dma_start3A_116] : memref<2x5600xi32, #tpu.memory_space<vmem>> -> memref<1x5600xi32, #tpu.memory_space<vmem>>
      %dma_start3A_118 = tpu.memref_squeeze %dma_start3A_117 : memref<1x5600xi32, #tpu.memory_space<vmem>> -> memref<5600xi32, #tpu.memory_space<vmem>>
      %dma_start3A_119 = tpu.memref_slice %arg3[%dma_start3A_113, %dma_start3A_114, %mul3A_100] : memref<2x6x280000xi32, #tpu.memory_space<hbm>> -> memref<1x1x5600xi32, #tpu.memory_space<hbm>>
      %dma_start3A_120 = tpu.memref_squeeze %dma_start3A_119 : memref<1x1x5600xi32, #tpu.memory_space<hbm>> -> memref<5600xi32, #tpu.memory_space<hbm>>
      %dma_start3A_121 = arith.constant 0 : i32
      %dma_start3A_122 = tpu.memref_slice %arg6[%dma_start3A_115, %dma_start3A_121] : memref<2x5600xi32, #tpu.memory_space<vmem>> -> memref<1x5600xi32, #tpu.memory_space<vmem>>
      %dma_start3A_123 = tpu.memref_squeeze %dma_start3A_122 : memref<1x5600xi32, #tpu.memory_space<vmem>> -> memref<5600xi32, #tpu.memory_space<vmem>>
      %dma_start3A_124 = tpu.memref_slice %arg3[%dma_start3A_113, %dma_start3A_114, %mul3A_100] : memref<2x6x280000xi32, #tpu.memory_space<hbm>> -> memref<1x1x5600xi32, #tpu.memory_space<hbm>>
      %dma_start3A_125 = tpu.memref_squeeze %dma_start3A_124 : memref<1x1x5600xi32, #tpu.memory_space<hbm>> -> memref<5600xi32, #tpu.memory_space<hbm>>
      tpu.enqueue_dma source(%dma_start3A_125 : memref<5600xi32, #tpu.memory_space<hbm>>) target(%dma_start3A_123 : memref<5600xi32, #tpu.memory_space<vmem>>) target_semaphore(%arg9 : memref<!tpu.dma_semaphore, #tpu.memory_space<semaphore_mem>>)
      %dma_start3A_126 = arith.constant 1 : i32
      %dma_start3A_127 = arith.constant 0 : i32
      %dma_start3A_128 = tpu.memref_slice %arg4[%dma_start3A_126, %add3A, %dma_start3A_127, %mul3A_100] : memref<2x32x2x280000xf32, #tpu.memory_space<hbm>> -> memref<1x1x2x5600xf32, #tpu.memory_space<hbm>>
      %dma_start3A_129 = tpu.memref_squeeze %dma_start3A_128 : memref<1x1x2x5600xf32, #tpu.memory_space<hbm>> -> memref<2x5600xf32, #tpu.memory_space<hbm>>
      %dma_start3A_130 = arith.constant 0 : i32
      %dma_start3A_131 = tpu.memref_slice %arg4[%dma_start3A_126, %add3A, %dma_start3A_130, %mul3A_100] : memref<2x32x2x280000xf32, #tpu.memory_space<hbm>> -> memref<1x1x2x5600xf32, #tpu.memory_space<hbm>>
      %dma_start3A_132 = tpu.memref_squeeze %dma_start3A_131 : memref<1x1x2x5600xf32, #tpu.memory_space<hbm>> -> memref<2x5600xf32, #tpu.memory_space<hbm>>
      tpu.enqueue_dma source(%dma_start3A_132 : memref<2x5600xf32, #tpu.memory_space<hbm>>) target(%arg8 : memref<2x5600xf32, #tpu.memory_space<vmem>>) target_semaphore(%arg9 : memref<!tpu.dma_semaphore, #tpu.memory_space<semaphore_mem>>)
      %dma_wait3A = arith.constant 1 : i32
      %dma_wait3A_133 = arith.constant 4 : i32
      %dma_wait3A_134 = arith.constant 0 : i32
      %dma_wait3A_135 = arith.constant 0 : i32
      %dma_wait3A_136 = tpu.memref_slice %arg6[%dma_wait3A_134, %dma_wait3A_135] : memref<2x5600xi32, #tpu.memory_space<vmem>> -> memref<1x5600xi32, #tpu.memory_space<vmem>>
      %dma_wait3A_137 = tpu.memref_squeeze %dma_wait3A_136 : memref<1x5600xi32, #tpu.memory_space<vmem>> -> memref<5600xi32, #tpu.memory_space<vmem>>
      %dma_wait3A_138 = tpu.memref_slice %arg3[%dma_wait3A, %dma_wait3A_133, %mul3A_100] : memref<2x6x280000xi32, #tpu.memory_space<hbm>> -> memref<1x1x5600xi32, #tpu.memory_space<hbm>>
      %dma_wait3A_139 = tpu.memref_squeeze %dma_wait3A_138 : memref<1x1x5600xi32, #tpu.memory_space<hbm>> -> memref<5600xi32, #tpu.memory_space<hbm>>
      %dma_wait3A_140 = arith.constant 0 : i32
      %dma_wait3A_141 = tpu.memref_slice %arg6[%dma_wait3A_134, %dma_wait3A_140] : memref<2x5600xi32, #tpu.memory_space<vmem>> -> memref<1x5600xi32, #tpu.memory_space<vmem>>
      %dma_wait3A_142 = tpu.memref_squeeze %dma_wait3A_141 : memref<1x5600xi32, #tpu.memory_space<vmem>> -> memref<5600xi32, #tpu.memory_space<vmem>>
      %dma_wait3A_143 = tpu.memref_slice %arg3[%dma_wait3A, %dma_wait3A_133, %mul3A_100] : memref<2x6x280000xi32, #tpu.memory_space<hbm>> -> memref<1x1x5600xi32, #tpu.memory_space<hbm>>
      %dma_wait3A_144 = tpu.memref_squeeze %dma_wait3A_143 : memref<1x1x5600xi32, #tpu.memory_space<hbm>> -> memref<5600xi32, #tpu.memory_space<hbm>>
      tpu.wait_dma2 semaphore(%arg9 : memref<!tpu.dma_semaphore, #tpu.memory_space<semaphore_mem>>) src(%dma_wait3A_144 : memref<5600xi32, #tpu.memory_space<hbm>>) dst(%dma_wait3A_142 : memref<5600xi32, #tpu.memory_space<vmem>>)
      %dma_wait3A_145 = arith.constant 1 : i32
      %dma_wait3A_146 = arith.constant 5 : i32
      %dma_wait3A_147 = arith.constant 1 : i32
      %dma_wait3A_148 = arith.constant 0 : i32
      %dma_wait3A_149 = tpu.memref_slice %arg6[%dma_wait3A_147, %dma_wait3A_148] : memref<2x5600xi32, #tpu.memory_space<vmem>> -> memref<1x5600xi32, #tpu.memory_space<vmem>>
      %dma_wait3A_150 = tpu.memref_squeeze %dma_wait3A_149 : memref<1x5600xi32, #tpu.memory_space<vmem>> -> memref<5600xi32, #tpu.memory_space<vmem>>
      %dma_wait3A_151 = tpu.memref_slice %arg3[%dma_wait3A_145, %dma_wait3A_146, %mul3A_100] : memref<2x6x280000xi32, #tpu.memory_space<hbm>> -> memref<1x1x5600xi32, #tpu.memory_space<hbm>>
      %dma_wait3A_152 = tpu.memref_squeeze %dma_wait3A_151 : memref<1x1x5600xi32, #tpu.memory_space<hbm>> -> memref<5600xi32, #tpu.memory_space<hbm>>
      %dma_wait3A_153 = arith.constant 0 : i32
      %dma_wait3A_154 = tpu.memref_slice %arg6[%dma_wait3A_147, %dma_wait3A_153] : memref<2x5600xi32, #tpu.memory_space<vmem>> -> memref<1x5600xi32, #tpu.memory_space<vmem>>
      %dma_wait3A_155 = tpu.memref_squeeze %dma_wait3A_154 : memref<1x5600xi32, #tpu.memory_space<vmem>> -> memref<5600xi32, #tpu.memory_space<vmem>>
      %dma_wait3A_156 = tpu.memref_slice %arg3[%dma_wait3A_145, %dma_wait3A_146, %mul3A_100] : memref<2x6x280000xi32, #tpu.memory_space<hbm>> -> memref<1x1x5600xi32, #tpu.memory_space<hbm>>
      %dma_wait3A_157 = tpu.memref_squeeze %dma_wait3A_156 : memref<1x1x5600xi32, #tpu.memory_space<hbm>> -> memref<5600xi32, #tpu.memory_space<hbm>>
      tpu.wait_dma2 semaphore(%arg9 : memref<!tpu.dma_semaphore, #tpu.memory_space<semaphore_mem>>) src(%dma_wait3A_157 : memref<5600xi32, #tpu.memory_space<hbm>>) dst(%dma_wait3A_155 : memref<5600xi32, #tpu.memory_space<vmem>>)
      %dma_wait3A_158 = arith.constant 1 : i32
      %dma_wait3A_159 = arith.constant 0 : i32
      %dma_wait3A_160 = tpu.memref_slice %arg4[%dma_wait3A_158, %add3A, %dma_wait3A_159, %mul3A_100] : memref<2x32x2x280000xf32, #tpu.memory_space<hbm>> -> memref<1x1x2x5600xf32, #tpu.memory_space<hbm>>
      %dma_wait3A_161 = tpu.memref_squeeze %dma_wait3A_160 : memref<1x1x2x5600xf32, #tpu.memory_space<hbm>> -> memref<2x5600xf32, #tpu.memory_space<hbm>>
      %dma_wait3A_162 = arith.constant 0 : i32
      %dma_wait3A_163 = tpu.memref_slice %arg4[%dma_wait3A_158, %add3A, %dma_wait3A_162, %mul3A_100] : memref<2x32x2x280000xf32, #tpu.memory_space<hbm>> -> memref<1x1x2x5600xf32, #tpu.memory_space<hbm>>
      %dma_wait3A_164 = tpu.memref_squeeze %dma_wait3A_163 : memref<1x1x2x5600xf32, #tpu.memory_space<hbm>> -> memref<2x5600xf32, #tpu.memory_space<hbm>>
      tpu.wait_dma2 semaphore(%arg9 : memref<!tpu.dma_semaphore, #tpu.memory_space<semaphore_mem>>) src(%dma_wait3A_164 : memref<2x5600xf32, #tpu.memory_space<hbm>>) dst(%arg8 : memref<2x5600xf32, #tpu.memory_space<vmem>>)
      %scan3A_165 = arith.constant 0 : i32
      %scan3A_166 = arith.constant 0 : i32
      %scan3A_167 = arith.constant 350 : i32
      %scan3A_168 = arith.addi %scan3A_166, %scan3A_167 : i32
      %scan3A_169 = arith.constant 1 : i32
      scf.for %scan3A_172 = %scan3A_166 to %scan3A_168 step %scan3A_169  : i32 {
        %mul3A_173 = arith.constant 16 : i32
        %mul3A_174 = arith.muli %scan3A_172, %mul3A_173 : i32
        %get3A = arith.constant 0 : i32
        %get3A_175 = arith.index_cast %get3A : i32 to index
        %get3A_176 = arith.index_cast %mul3A_174 : i32 to index
        %get3A_177 = tpu.vector_load %arg6[%get3A_175, %get3A_176] {strides = array<i32>} : memref<2x5600xi32, #tpu.memory_space<vmem>>, vector<16xi32>,
        %get3A_178 = arith.constant 1 : i32
        %get3A_179 = arith.index_cast %get3A_178 : i32 to index
        %get3A_180 = arith.index_cast %mul3A_174 : i32 to index
        %get3A_181 = tpu.vector_load %arg6[%get3A_179, %get3A_180] {strides = array<i32>} : memref<2x5600xi32, #tpu.memory_space<vmem>>, vector<16xi32>,
        %lt3A = arith.constant 22400 : i32
        %lt3A_182 = vector.broadcast %lt3A : i32 to vector<16xi32>
        %lt3A_183 = arith.cmpi slt, %get3A_177, %lt3A_182 : vector<16xi32>
        %lt3A_184 = arith.constant 22400 : i32
        %lt3A_185 = vector.broadcast %lt3A_184 : i32 to vector<16xi32>
        %lt3A_186 = arith.cmpi slt, %get3A_181, %lt3A_185 : vector<16xi32>
        %eq3A = arith.constant 22400 : i32
        %eq3A_187 = vector.broadcast %eq3A : i32 to vector<16xi32>
        %eq3A_188 = arith.cmpi eq, %get3A_177, %eq3A_187 : vector<16xi32>
        %select_n3A = arith.select %eq3A_188, %broadcast_in_dim3A_3, %broadcast_in_dim3A_1 : vector<16xi1>, vector<16xf32>
        %eq3A_189 = arith.constant 22400 : i32
        %eq3A_190 = vector.broadcast %eq3A_189 : i32 to vector<16xi32>
        %eq3A_191 = arith.cmpi eq, %get3A_181, %eq3A_190 : vector<16xi32>
        %select_n3A_192 = arith.select %eq3A_191, %broadcast_in_dim3A_3, %broadcast_in_dim3A_1 : vector<16xi1>, vector<16xf32>
        %min3A = arith.constant 22399 : i32
        %min3A_193 = vector.broadcast %min3A : i32 to vector<16xi32>
        %min3A_194 = arith.minsi %get3A_177, %min3A_193 : vector<16xi32>
        %min3A_195 = arith.constant 22399 : i32
        %min3A_196 = vector.broadcast %min3A_195 : i32 to vector<16xi32>
        %min3A_197 = arith.minsi %get3A_181, %min3A_196 : vector<16xi32>
        %broadcast_in_dim3A_198 = arith.constant 0 : i32
        %broadcast_in_dim3A_199 = vector.broadcast %broadcast_in_dim3A_198 : i32 to vector<16xi32>
        %broadcast_in_dim3A_200 = arith.constant 1 : i32
        %broadcast_in_dim3A_201 = vector.broadcast %broadcast_in_dim3A_200 : i32 to vector<16xi32>
        %broadcast_in_dim3A_202 = arith.constant 0 : i32
        %broadcast_in_dim3A_203 = vector.broadcast %broadcast_in_dim3A_202 : i32 to vector<16xi32>
        %gather3A = tpu.vector_load_idx %arg5[%broadcast_in_dim3A_199, %broadcast_in_dim3A_203, %min3A_194] : memref<2x2x22400xf32, #tpu.memory_space<vmem>>[vector<16xi32>, vector<16xi32>, vector<16xi32>], vector<16xf32>,
        %gather3A_204 = tpu.vector_load_idx %arg5[%broadcast_in_dim3A_201, %broadcast_in_dim3A_203, %min3A_197] : memref<2x2x22400xf32, #tpu.memory_space<vmem>>[vector<16xi32>, vector<16xi32>, vector<16xi32>], vector<16xf32>,
        %select_n3A_205 = arith.select %lt3A_183, %gather3A, %select_n3A : vector<16xi1>, vector<16xf32>
        %select_n3A_206 = arith.select %lt3A_186, %gather3A_204, %select_n3A_192 : vector<16xi1>, vector<16xf32>
        %max3A = arith.maximumf %select_n3A_205, %select_n3A_206 : vector<16xf32>
        %get3A_207 = arith.constant 0 : i32
        %get3A_208 = arith.index_cast %get3A_207 : i32 to index
        %get3A_209 = arith.index_cast %mul3A_174 : i32 to index
        %get3A_210 = tpu.vector_load %arg8[%get3A_208, %get3A_209] {strides = array<i32>} : memref<2x5600xf32, #tpu.memory_space<vmem>>, vector<16xf32>,
        %max3A_211 = arith.maximumf %max3A, %get3A_210 : vector<16xf32>
        %swap3A = arith.constant 0 : i32
        %swap3A_212 = arith.index_cast %swap3A : i32 to index
        %swap3A_213 = arith.index_cast %mul3A_174 : i32 to index
        %swap3A_214 = tpu.vector_load %arg7[%swap3A_212, %swap3A_213] {strides = array<i32>} : memref<2x5600xf32, #tpu.memory_space<vmem>>, vector<16xf32>,
        tpu.vector_store %arg7[%swap3A_212, %swap3A_213], %max3A_211 {strides = array<i32>} : memref<2x5600xf32, #tpu.memory_space<vmem>>, vector<16xf32>,
        %broadcast_in_dim3A_215 = arith.constant 1 : i32
        %broadcast_in_dim3A_216 = vector.broadcast %broadcast_in_dim3A_215 : i32 to vector<16xi32>
        %gather3A_217 = tpu.vector_load_idx %arg5[%broadcast_in_dim3A_199, %broadcast_in_dim3A_216, %min3A_194] : memref<2x2x22400xf32, #tpu.memory_space<vmem>>[vector<16xi32>, vector<16xi32>, vector<16xi32>], vector<16xf32>,
        %gather3A_218 = tpu.vector_load_idx %arg5[%broadcast_in_dim3A_201, %broadcast_in_dim3A_216, %min3A_197] : memref<2x2x22400xf32, #tpu.memory_space<vmem>>[vector<16xi32>, vector<16xi32>, vector<16xi32>], vector<16xf32>,
        %select_n3A_219 = arith.select %lt3A_183, %gather3A_217, %select_n3A : vector<16xi1>, vector<16xf32>
        %select_n3A_220 = arith.select %lt3A_186, %gather3A_218, %select_n3A_192 : vector<16xi1>, vector<16xf32>
        %max3A_221 = arith.maximumf %select_n3A_219, %select_n3A_220 : vector<16xf32>
        %get3A_222 = arith.constant 1 : i32
        %get3A_223 = arith.index_cast %get3A_222 : i32 to index
        %get3A_224 = arith.index_cast %mul3A_174 : i32 to index
        %get3A_225 = tpu.vector_load %arg8[%get3A_223, %get3A_224] {strides = array<i32>} : memref<2x5600xf32, #tpu.memory_space<vmem>>, vector<16xf32>,
        %max3A_226 = arith.maximumf %max3A_221, %get3A_225 : vector<16xf32>
        %swap3A_227 = arith.constant 1 : i32
        %swap3A_228 = arith.index_cast %swap3A_227 : i32 to index
        %swap3A_229 = arith.index_cast %mul3A_174 : i32 to index
        %swap3A_230 = tpu.vector_load %arg7[%swap3A_228, %swap3A_229] {strides = array<i32>} : memref<2x5600xf32, #tpu.memory_space<vmem>>, vector<16xf32>,
        tpu.vector_store %arg7[%swap3A_228, %swap3A_229], %max3A_226 {strides = array<i32>} : memref<2x5600xf32, #tpu.memory_space<vmem>>, vector<16xf32>,
      }
      %scan3A_170 = arith.constant 350 : i32
      %run_scoped3A_171 = arith.constant 1 : i32
      "tpu.region"() ({
        %run_scoped3A_172 = tpu.sem_alloc : memref<!tpu.dma_semaphore, #tpu.memory_space<semaphore_mem>>
        %dma_start3A_173 = arith.constant 0 : i32
        %dma_start3A_174 = tpu.memref_slice %arg4[%run_scoped3A_171, %add3A, %dma_start3A_173, %mul3A_100] : memref<2x32x2x280000xf32, #tpu.memory_space<hbm>> -> memref<1x1x2x5600xf32, #tpu.memory_space<hbm>>
        %dma_start3A_175 = tpu.memref_squeeze %dma_start3A_174 : memref<1x1x2x5600xf32, #tpu.memory_space<hbm>> -> memref<2x5600xf32, #tpu.memory_space<hbm>>
        %dma_start3A_176 = arith.constant 0 : i32
        %dma_start3A_177 = tpu.memref_slice %arg4[%run_scoped3A_171, %add3A, %dma_start3A_176, %mul3A_100] : memref<2x32x2x280000xf32, #tpu.memory_space<hbm>> -> memref<1x1x2x5600xf32, #tpu.memory_space<hbm>>
        %dma_start3A_178 = tpu.memref_squeeze %dma_start3A_177 : memref<1x1x2x5600xf32, #tpu.memory_space<hbm>> -> memref<2x5600xf32, #tpu.memory_space<hbm>>
        tpu.enqueue_dma source(%arg7 : memref<2x5600xf32, #tpu.memory_space<vmem>>) target(%dma_start3A_178 : memref<2x5600xf32, #tpu.memory_space<hbm>>) target_semaphore(%run_scoped3A_172 : memref<!tpu.dma_semaphore, #tpu.memory_space<semaphore_mem>>)
        %dma_wait3A_179 = arith.constant 0 : i32
        %dma_wait3A_180 = tpu.memref_slice %arg4[%run_scoped3A_171, %add3A, %dma_wait3A_179, %mul3A_100] : memref<2x32x2x280000xf32, #tpu.memory_space<hbm>> -> memref<1x1x2x5600xf32, #tpu.memory_space<hbm>>
        %dma_wait3A_181 = tpu.memref_squeeze %dma_wait3A_180 : memref<1x1x2x5600xf32, #tpu.memory_space<hbm>> -> memref<2x5600xf32, #tpu.memory_space<hbm>>
        %dma_wait3A_182 = arith.constant 0 : i32
        %dma_wait3A_183 = tpu.memref_slice %arg4[%run_scoped3A_171, %add3A, %dma_wait3A_182, %mul3A_100] : memref<2x32x2x280000xf32, #tpu.memory_space<hbm>> -> memref<1x1x2x5600xf32, #tpu.memory_space<hbm>>
        %dma_wait3A_184 = tpu.memref_squeeze %dma_wait3A_183 : memref<1x1x2x5600xf32, #tpu.memory_space<hbm>> -> memref<2x5600xf32, #tpu.memory_space<hbm>>
        tpu.wait_dma2 semaphore(%run_scoped3A_172 : memref<!tpu.dma_semaphore, #tpu.memory_space<semaphore_mem>>) src(%arg7 : memref<2x5600xf32, #tpu.memory_space<vmem>>) dst(%dma_wait3A_184 : memref<2x5600xf32, #tpu.memory_space<hbm>>)
        tpu.yield
      }) : () -> ()
    }
    %scan3A_97 = arith.constant 50 : i32
    return
  }
}

module attributes {stable_mosaic.version = 14 : i64} {
  func.func @_project_body(%arg0: i32, %arg1: i32, %arg2: memref<1x200x200xf32, #tpu.memory_space<vmem>>, %arg3: memref<1x200x200xf32, #tpu.memory_space<vmem>>, %arg4: memref<1x200x200xf32, #tpu.memory_space<vmem>>, %arg5: memref<2x6x32xf32, #tpu.memory_space<smem>>, %arg6: memref<2x6x2xi32, #tpu.memory_space<smem>>, %arg7: memref<1x1x7x200x200xi32, #tpu.memory_space<vmem>>) attributes {dimension_semantics = [#tpu.dimension_semantics<arbitrary>, #tpu.dimension_semantics<arbitrary>], iteration_bounds = array<i64: 2, 6>, scalar_prefetch = 0 : i64, scratch_operands = 0 : i64, tpu.core_type = #tpu.core_type<tc>, window_params = [{transform_indices = @transform_0, window_bounds = array<i64: 1, 200, 200>}, {transform_indices = @transform_1, window_bounds = array<i64: 1, 200, 200>}, {transform_indices = @transform_2, window_bounds = array<i64: 1, 200, 200>}, {transform_indices = @transform_3, window_bounds = array<i64: 2, 6, 32>}, {transform_indices = @transform_4, window_bounds = array<i64: 2, 6, 2>}, {transform_indices = @transform_5, window_bounds = array<i64: 1, 1, 7, 200, 200>}]} {
    %get3A = arith.index_cast %arg0 : i32 to index
    %get3A_0 = arith.index_cast %arg1 : i32 to index
    %get3A_1 = arith.constant 0 : index
    %get3A_2 = memref.load %arg5[%get3A, %get3A_0, %get3A_1] : memref<2x6x32xf32, #tpu.memory_space<smem>>
    %get3A_3 = arith.index_cast %arg0 : i32 to index
    %get3A_4 = arith.index_cast %arg1 : i32 to index
    %get3A_5 = arith.constant 1 : index
    %get3A_6 = memref.load %arg5[%get3A_3, %get3A_4, %get3A_5] : memref<2x6x32xf32, #tpu.memory_space<smem>>
    %get3A_7 = arith.index_cast %arg0 : i32 to index
    %get3A_8 = arith.index_cast %arg1 : i32 to index
    %get3A_9 = arith.constant 2 : index
    %get3A_10 = memref.load %arg5[%get3A_7, %get3A_8, %get3A_9] : memref<2x6x32xf32, #tpu.memory_space<smem>>
    %get3A_11 = arith.index_cast %arg0 : i32 to index
    %get3A_12 = arith.index_cast %arg1 : i32 to index
    %get3A_13 = arith.constant 3 : index
    %get3A_14 = memref.load %arg5[%get3A_11, %get3A_12, %get3A_13] : memref<2x6x32xf32, #tpu.memory_space<smem>>
    %get3A_15 = arith.index_cast %arg0 : i32 to index
    %get3A_16 = arith.index_cast %arg1 : i32 to index
    %get3A_17 = arith.constant 4 : index
    %get3A_18 = memref.load %arg5[%get3A_15, %get3A_16, %get3A_17] : memref<2x6x32xf32, #tpu.memory_space<smem>>
    %get3A_19 = arith.index_cast %arg0 : i32 to index
    %get3A_20 = arith.index_cast %arg1 : i32 to index
    %get3A_21 = arith.constant 5 : index
    %get3A_22 = memref.load %arg5[%get3A_19, %get3A_20, %get3A_21] : memref<2x6x32xf32, #tpu.memory_space<smem>>
    %get3A_23 = arith.index_cast %arg0 : i32 to index
    %get3A_24 = arith.index_cast %arg1 : i32 to index
    %get3A_25 = arith.constant 6 : index
    %get3A_26 = memref.load %arg5[%get3A_23, %get3A_24, %get3A_25] : memref<2x6x32xf32, #tpu.memory_space<smem>>
    %get3A_27 = arith.index_cast %arg0 : i32 to index
    %get3A_28 = arith.index_cast %arg1 : i32 to index
    %get3A_29 = arith.constant 7 : index
    %get3A_30 = memref.load %arg5[%get3A_27, %get3A_28, %get3A_29] : memref<2x6x32xf32, #tpu.memory_space<smem>>
    %get3A_31 = arith.index_cast %arg0 : i32 to index
    %get3A_32 = arith.index_cast %arg1 : i32 to index
    %get3A_33 = arith.constant 8 : index
    %get3A_34 = memref.load %arg5[%get3A_31, %get3A_32, %get3A_33] : memref<2x6x32xf32, #tpu.memory_space<smem>>
    %get3A_35 = arith.index_cast %arg0 : i32 to index
    %get3A_36 = arith.index_cast %arg1 : i32 to index
    %get3A_37 = arith.constant 9 : index
    %get3A_38 = memref.load %arg5[%get3A_35, %get3A_36, %get3A_37] : memref<2x6x32xf32, #tpu.memory_space<smem>>
    %get3A_39 = arith.index_cast %arg0 : i32 to index
    %get3A_40 = arith.index_cast %arg1 : i32 to index
    %get3A_41 = arith.constant 10 : index
    %get3A_42 = memref.load %arg5[%get3A_39, %get3A_40, %get3A_41] : memref<2x6x32xf32, #tpu.memory_space<smem>>
    %get3A_43 = arith.index_cast %arg0 : i32 to index
    %get3A_44 = arith.index_cast %arg1 : i32 to index
    %get3A_45 = arith.constant 11 : index
    %get3A_46 = memref.load %arg5[%get3A_43, %get3A_44, %get3A_45] : memref<2x6x32xf32, #tpu.memory_space<smem>>
    %get3A_47 = arith.index_cast %arg0 : i32 to index
    %get3A_48 = arith.index_cast %arg1 : i32 to index
    %get3A_49 = arith.constant 12 : index
    %get3A_50 = memref.load %arg5[%get3A_47, %get3A_48, %get3A_49] : memref<2x6x32xf32, #tpu.memory_space<smem>>
    %get3A_51 = arith.index_cast %arg0 : i32 to index
    %get3A_52 = arith.index_cast %arg1 : i32 to index
    %get3A_53 = arith.constant 13 : index
    %get3A_54 = memref.load %arg5[%get3A_51, %get3A_52, %get3A_53] : memref<2x6x32xf32, #tpu.memory_space<smem>>
    %get3A_55 = arith.index_cast %arg0 : i32 to index
    %get3A_56 = arith.index_cast %arg1 : i32 to index
    %get3A_57 = arith.constant 14 : index
    %get3A_58 = memref.load %arg5[%get3A_55, %get3A_56, %get3A_57] : memref<2x6x32xf32, #tpu.memory_space<smem>>
    %get3A_59 = arith.index_cast %arg0 : i32 to index
    %get3A_60 = arith.index_cast %arg1 : i32 to index
    %get3A_61 = arith.constant 15 : index
    %get3A_62 = memref.load %arg5[%get3A_59, %get3A_60, %get3A_61] : memref<2x6x32xf32, #tpu.memory_space<smem>>
    %get3A_63 = arith.index_cast %arg0 : i32 to index
    %get3A_64 = arith.index_cast %arg1 : i32 to index
    %get3A_65 = arith.constant 16 : index
    %get3A_66 = memref.load %arg5[%get3A_63, %get3A_64, %get3A_65] : memref<2x6x32xf32, #tpu.memory_space<smem>>
    %get3A_67 = arith.index_cast %arg0 : i32 to index
    %get3A_68 = arith.index_cast %arg1 : i32 to index
    %get3A_69 = arith.constant 17 : index
    %get3A_70 = memref.load %arg5[%get3A_67, %get3A_68, %get3A_69] : memref<2x6x32xf32, #tpu.memory_space<smem>>
    %get3A_71 = arith.index_cast %arg0 : i32 to index
    %get3A_72 = arith.index_cast %arg1 : i32 to index
    %get3A_73 = arith.constant 18 : index
    %get3A_74 = memref.load %arg5[%get3A_71, %get3A_72, %get3A_73] : memref<2x6x32xf32, #tpu.memory_space<smem>>
    %get3A_75 = arith.index_cast %arg0 : i32 to index
    %get3A_76 = arith.index_cast %arg1 : i32 to index
    %get3A_77 = arith.constant 19 : index
    %get3A_78 = memref.load %arg5[%get3A_75, %get3A_76, %get3A_77] : memref<2x6x32xf32, #tpu.memory_space<smem>>
    %get3A_79 = arith.index_cast %arg0 : i32 to index
    %get3A_80 = arith.index_cast %arg1 : i32 to index
    %get3A_81 = arith.constant 20 : index
    %get3A_82 = memref.load %arg5[%get3A_79, %get3A_80, %get3A_81] : memref<2x6x32xf32, #tpu.memory_space<smem>>
    %get3A_83 = arith.index_cast %arg0 : i32 to index
    %get3A_84 = arith.index_cast %arg1 : i32 to index
    %get3A_85 = arith.constant 21 : index
    %get3A_86 = memref.load %arg5[%get3A_83, %get3A_84, %get3A_85] : memref<2x6x32xf32, #tpu.memory_space<smem>>
    %get3A_87 = arith.index_cast %arg0 : i32 to index
    %get3A_88 = arith.index_cast %arg1 : i32 to index
    %get3A_89 = arith.constant 22 : index
    %get3A_90 = memref.load %arg5[%get3A_87, %get3A_88, %get3A_89] : memref<2x6x32xf32, #tpu.memory_space<smem>>
    %get3A_91 = arith.index_cast %arg0 : i32 to index
    %get3A_92 = arith.index_cast %arg1 : i32 to index
    %get3A_93 = arith.constant 23 : index
    %get3A_94 = memref.load %arg5[%get3A_91, %get3A_92, %get3A_93] : memref<2x6x32xf32, #tpu.memory_space<smem>>
    %get3A_95 = arith.index_cast %arg0 : i32 to index
    %get3A_96 = arith.index_cast %arg1 : i32 to index
    %get3A_97 = arith.constant 24 : index
    %get3A_98 = memref.load %arg5[%get3A_95, %get3A_96, %get3A_97] : memref<2x6x32xf32, #tpu.memory_space<smem>>
    %get3A_99 = arith.index_cast %arg0 : i32 to index
    %get3A_100 = arith.index_cast %arg1 : i32 to index
    %get3A_101 = arith.constant 25 : index
    %get3A_102 = memref.load %arg5[%get3A_99, %get3A_100, %get3A_101] : memref<2x6x32xf32, #tpu.memory_space<smem>>
    %gt3A = arith.constant 5.000000e-01 : f32
    %gt3A_103 = arith.cmpf ogt, %get3A_102, %gt3A : f32
    %get3A_104 = arith.index_cast %arg0 : i32 to index
    %get3A_105 = arith.index_cast %arg1 : i32 to index
    %get3A_106 = arith.constant 26 : index
    %get3A_107 = memref.load %arg5[%get3A_104, %get3A_105, %get3A_106] : memref<2x6x32xf32, #tpu.memory_space<smem>>
    %get3A_108 = arith.index_cast %arg0 : i32 to index
    %get3A_109 = arith.index_cast %arg1 : i32 to index
    %get3A_110 = arith.constant 27 : index
    %get3A_111 = memref.load %arg5[%get3A_108, %get3A_109, %get3A_110] : memref<2x6x32xf32, #tpu.memory_space<smem>>
    %get3A_112 = arith.index_cast %arg0 : i32 to index
    %get3A_113 = arith.index_cast %arg1 : i32 to index
    %get3A_114 = arith.constant 28 : index
    %get3A_115 = memref.load %arg5[%get3A_112, %get3A_113, %get3A_114] : memref<2x6x32xf32, #tpu.memory_space<smem>>
    %get3A_116 = arith.index_cast %arg0 : i32 to index
    %get3A_117 = arith.index_cast %arg1 : i32 to index
    %get3A_118 = arith.constant 29 : index
    %get3A_119 = memref.load %arg5[%get3A_116, %get3A_117, %get3A_118] : memref<2x6x32xf32, #tpu.memory_space<smem>>
    %get3A_120 = arith.index_cast %arg0 : i32 to index
    %get3A_121 = arith.index_cast %arg1 : i32 to index
    %get3A_122 = arith.constant 30 : index
    %get3A_123 = memref.load %arg5[%get3A_120, %get3A_121, %get3A_122] : memref<2x6x32xf32, #tpu.memory_space<smem>>
    %get3A_124 = arith.index_cast %arg0 : i32 to index
    %get3A_125 = arith.index_cast %arg1 : i32 to index
    %get3A_126 = arith.constant 31 : index
    %get3A_127 = memref.load %arg5[%get3A_124, %get3A_125, %get3A_126] : memref<2x6x32xf32, #tpu.memory_space<smem>>
    %get3A_128 = arith.index_cast %arg0 : i32 to index
    %get3A_129 = arith.index_cast %arg1 : i32 to index
    %get3A_130 = arith.constant 1 : index
    %get3A_131 = memref.load %arg6[%get3A_128, %get3A_129, %get3A_130] : memref<2x6x2xi32, #tpu.memory_space<smem>>
    %eq3A = arith.constant 1 : i32
    %eq3A_132 = arith.cmpi eq, %get3A_131, %eq3A : i32
    %get3A_133 = arith.constant 0 : index
    %get3A_134 = arith.constant 0 : index
    %get3A_135 = arith.constant 0 : index
    %get3A_136 = vector.load %arg2[%get3A_133, %get3A_134, %get3A_135] : memref<1x200x200xf32, #tpu.memory_space<vmem>>, vector<1x200x200xf32>
    %get3A_137 = vector.shape_cast %get3A_136 : vector<1x200x200xf32> to vector<200x200xf32>
    %get3A_138 = arith.constant 0 : index
    %get3A_139 = arith.constant 0 : index
    %get3A_140 = arith.constant 0 : index
    %get3A_141 = vector.load %arg3[%get3A_138, %get3A_139, %get3A_140] : memref<1x200x200xf32, #tpu.memory_space<vmem>>, vector<1x200x200xf32>
    %get3A_142 = vector.shape_cast %get3A_141 : vector<1x200x200xf32> to vector<200x200xf32>
    %get3A_143 = arith.constant 0 : index
    %get3A_144 = arith.constant 0 : index
    %get3A_145 = arith.constant 0 : index
    %get3A_146 = vector.load %arg4[%get3A_143, %get3A_144, %get3A_145] : memref<1x200x200xf32, #tpu.memory_space<vmem>>, vector<1x200x200xf32>
    %get3A_147 = vector.shape_cast %get3A_146 : vector<1x200x200xf32> to vector<200x200xf32>
    %convert_element_type3A = arith.truncf %get3A_137 : vector<200x200xf32> to vector<200x200xbf16>
    %convert_element_type3A_148 = arith.extf %convert_element_type3A : vector<200x200xbf16> to vector<200x200xf32>
    %convert_element_type3A_149 = arith.truncf %get3A_142 : vector<200x200xf32> to vector<200x200xbf16>
    %convert_element_type3A_150 = arith.extf %convert_element_type3A_149 : vector<200x200xbf16> to vector<200x200xf32>
    %add3A = arith.constant 2.000000e+00 : f32
    %add3A_151 = vector.broadcast %add3A : f32 to vector<200x200xf32>
    %add3A_152 = arith.addf %get3A_147, %add3A_151 : vector<200x200xf32>
    %convert_element_type3A_153 = arith.truncf %add3A_152 : vector<200x200xf32> to vector<200x200xbf16>
    %convert_element_type3A_154 = arith.extf %convert_element_type3A_153 : vector<200x200xbf16> to vector<200x200xf32>
    %convert_element_type3A_155 = arith.truncf %get3A_2 : f32 to bf16
    %convert_element_type3A_156 = arith.extf %convert_element_type3A_155 : bf16 to f32
    %mul3A = vector.broadcast %convert_element_type3A_156 : f32 to vector<200x200xf32>
    %mul3A_157 = arith.mulf %mul3A, %convert_element_type3A_148 : vector<200x200xf32>
    %convert_element_type3A_158 = arith.truncf %get3A_6 : f32 to bf16
    %convert_element_type3A_159 = arith.extf %convert_element_type3A_158 : bf16 to f32
    %mul3A_160 = vector.broadcast %convert_element_type3A_159 : f32 to vector<200x200xf32>
    %mul3A_161 = arith.mulf %mul3A_160, %convert_element_type3A_150 : vector<200x200xf32>
    %add3A_162 = arith.addf %mul3A_157, %mul3A_161 : vector<200x200xf32>
    %convert_element_type3A_163 = arith.truncf %get3A_10 : f32 to bf16
    %convert_element_type3A_164 = arith.extf %convert_element_type3A_163 : bf16 to f32
    %mul3A_165 = vector.broadcast %convert_element_type3A_164 : f32 to vector<200x200xf32>
    %mul3A_166 = arith.mulf %mul3A_165, %convert_element_type3A_154 : vector<200x200xf32>
    %add3A_167 = arith.addf %add3A_162, %mul3A_166 : vector<200x200xf32>
    %add3A_168 = vector.broadcast %get3A_14 : f32 to vector<200x200xf32>
    %add3A_169 = arith.addf %add3A_167, %add3A_168 : vector<200x200xf32>
    %convert_element_type3A_170 = arith.truncf %get3A_18 : f32 to bf16
    %convert_element_type3A_171 = arith.extf %convert_element_type3A_170 : bf16 to f32
    %mul3A_172 = vector.broadcast %convert_element_type3A_171 : f32 to vector<200x200xf32>
    %mul3A_173 = arith.mulf %mul3A_172, %convert_element_type3A_148 : vector<200x200xf32>
    %convert_element_type3A_174 = arith.truncf %get3A_22 : f32 to bf16
    %convert_element_type3A_175 = arith.extf %convert_element_type3A_174 : bf16 to f32
    %mul3A_176 = vector.broadcast %convert_element_type3A_175 : f32 to vector<200x200xf32>
    %mul3A_177 = arith.mulf %mul3A_176, %convert_element_type3A_150 : vector<200x200xf32>
    %add3A_178 = arith.addf %mul3A_173, %mul3A_177 : vector<200x200xf32>
    %convert_element_type3A_179 = arith.truncf %get3A_26 : f32 to bf16
    %convert_element_type3A_180 = arith.extf %convert_element_type3A_179 : bf16 to f32
    %mul3A_181 = vector.broadcast %convert_element_type3A_180 : f32 to vector<200x200xf32>
    %mul3A_182 = arith.mulf %mul3A_181, %convert_element_type3A_154 : vector<200x200xf32>
    %add3A_183 = arith.addf %add3A_178, %mul3A_182 : vector<200x200xf32>
    %add3A_184 = vector.broadcast %get3A_30 : f32 to vector<200x200xf32>
    %add3A_185 = arith.addf %add3A_183, %add3A_184 : vector<200x200xf32>
    %convert_element_type3A_186 = arith.truncf %get3A_34 : f32 to bf16
    %convert_element_type3A_187 = arith.extf %convert_element_type3A_186 : bf16 to f32
    %mul3A_188 = vector.broadcast %convert_element_type3A_187 : f32 to vector<200x200xf32>
    %mul3A_189 = arith.mulf %mul3A_188, %convert_element_type3A_148 : vector<200x200xf32>
    %convert_element_type3A_190 = arith.truncf %get3A_38 : f32 to bf16
    %convert_element_type3A_191 = arith.extf %convert_element_type3A_190 : bf16 to f32
    %mul3A_192 = vector.broadcast %convert_element_type3A_191 : f32 to vector<200x200xf32>
    %mul3A_193 = arith.mulf %mul3A_192, %convert_element_type3A_150 : vector<200x200xf32>
    %add3A_194 = arith.addf %mul3A_189, %mul3A_193 : vector<200x200xf32>
    %convert_element_type3A_195 = arith.truncf %get3A_42 : f32 to bf16
    %convert_element_type3A_196 = arith.extf %convert_element_type3A_195 : bf16 to f32
    %mul3A_197 = vector.broadcast %convert_element_type3A_196 : f32 to vector<200x200xf32>
    %mul3A_198 = arith.mulf %mul3A_197, %convert_element_type3A_154 : vector<200x200xf32>
    %add3A_199 = arith.addf %add3A_194, %mul3A_198 : vector<200x200xf32>
    %add3A_200 = vector.broadcast %get3A_46 : f32 to vector<200x200xf32>
    %add3A_201 = arith.addf %add3A_199, %add3A_200 : vector<200x200xf32>
    %gt3A_202 = arith.constant 0.000000e+00 : f32
    %gt3A_203 = vector.broadcast %gt3A_202 : f32 to vector<200x200xf32>
    %gt3A_204 = arith.cmpf ogt, %add3A_201, %gt3A_203 : vector<200x200xf32>
    %convert_element_type3A_205 = arith.extui %gt3A_204 : vector<200x200xi1> to vector<200x200xi32>
    %convert_element_type3A_206 = arith.sitofp %convert_element_type3A_205 : vector<200x200xi32> to vector<200x200xf32>
    %mul3A_207 = arith.mulf %add3A_169, %convert_element_type3A_206 : vector<200x200xf32>
    %div3A = arith.divf %mul3A_207, %add3A_201 : vector<200x200xf32>
    %mul3A_208 = arith.mulf %add3A_185, %convert_element_type3A_206 : vector<200x200xf32>
    %div3A_209 = arith.divf %mul3A_208, %add3A_201 : vector<200x200xf32>
    %sub3A = vector.broadcast %get3A_58 : f32 to vector<200x200xf32>
    %sub3A_210 = arith.subf %div3A, %sub3A : vector<200x200xf32>
    %div3A_211 = vector.broadcast %get3A_50 : f32 to vector<200x200xf32>
    %div3A_212 = arith.divf %sub3A_210, %div3A_211 : vector<200x200xf32>
    %sub3A_213 = vector.broadcast %get3A_62 : f32 to vector<200x200xf32>
    %sub3A_214 = arith.subf %div3A_209, %sub3A_213 : vector<200x200xf32>
    %div3A_215 = vector.broadcast %get3A_54 : f32 to vector<200x200xf32>
    %div3A_216 = arith.divf %sub3A_214, %div3A_215 : vector<200x200xf32>
    %mul3A_217 = arith.mulf %div3A_212, %div3A_212 : vector<200x200xf32>
    %mul3A_218 = arith.mulf %div3A_216, %div3A_216 : vector<200x200xf32>
    %add3A_219 = arith.addf %mul3A_217, %mul3A_218 : vector<200x200xf32>
    %sqrt3A = math.sqrt %add3A_219 : vector<200x200xf32>
    %gt3A_220 = arith.constant 2.41421366 : f32
    %gt3A_221 = vector.broadcast %gt3A_220 : f32 to vector<200x200xf32>
    %gt3A_222 = arith.cmpf ogt, %sqrt3A, %gt3A_221 : vector<200x200xf32>
    %gt3A_223 = arith.constant 0.414213568 : f32
    %gt3A_224 = vector.broadcast %gt3A_223 : f32 to vector<200x200xf32>
    %gt3A_225 = arith.cmpf ogt, %sqrt3A, %gt3A_224 : vector<200x200xf32>
    %div3A_226 = arith.constant -1.000000e+00 : f32
    %div3A_227 = vector.broadcast %div3A_226 : f32 to vector<200x200xf32>
    %div3A_228 = arith.divf %div3A_227, %sqrt3A : vector<200x200xf32>
    %sub3A_229 = arith.constant 1.000000e+00 : f32
    %sub3A_230 = vector.broadcast %sub3A_229 : f32 to vector<200x200xf32>
    %sub3A_231 = arith.subf %sqrt3A, %sub3A_230 : vector<200x200xf32>
    %add3A_232 = arith.constant 1.000000e+00 : f32
    %add3A_233 = vector.broadcast %add3A_232 : f32 to vector<200x200xf32>
    %add3A_234 = arith.addf %sqrt3A, %add3A_233 : vector<200x200xf32>
    %div3A_235 = arith.divf %sub3A_231, %add3A_234 : vector<200x200xf32>
    %select_n3A = arith.select %gt3A_225, %div3A_235, %sqrt3A : vector<200x200xi1>, vector<200x200xf32>
    %select_n3A_236 = arith.select %gt3A_222, %div3A_228, %select_n3A : vector<200x200xi1>, vector<200x200xf32>
    %jit3A = arith.constant 0.785398185 : f32
    %jit3A_237 = arith.constant 0.000000e+00 : f32
    %broadcast_in_dim3A = vector.broadcast %jit3A : f32 to vector<200x200xf32>
    %broadcast_in_dim3A_238 = vector.broadcast %jit3A_237 : f32 to vector<200x200xf32>
    %select_n3A_239 = arith.select %gt3A_225, %broadcast_in_dim3A, %broadcast_in_dim3A_238 : vector<200x200xi1>, vector<200x200xf32>
    %jit3A_240 = arith.constant 1.57079637 : f32
    %broadcast_in_dim3A_241 = vector.broadcast %jit3A_240 : f32 to vector<200x200xf32>
    %select_n3A_242 = arith.select %gt3A_222, %broadcast_in_dim3A_241, %select_n3A_239 : vector<200x200xi1>, vector<200x200xf32>
    %mul3A_243 = arith.mulf %select_n3A_236, %select_n3A_236 : vector<200x200xf32>
    %mul3A_244 = arith.constant 0.0805374458 : f32
    %mul3A_245 = vector.broadcast %mul3A_244 : f32 to vector<200x200xf32>
    %mul3A_246 = arith.mulf %mul3A_245, %mul3A_243 : vector<200x200xf32>
    %sub3A_247 = arith.constant 0.138776854 : f32
    %sub3A_248 = vector.broadcast %sub3A_247 : f32 to vector<200x200xf32>
    %sub3A_249 = arith.subf %mul3A_246, %sub3A_248 : vector<200x200xf32>
    %mul3A_250 = arith.mulf %sub3A_249, %mul3A_243 : vector<200x200xf32>
    %add3A_251 = arith.constant 0.199777111 : f32
    %add3A_252 = vector.broadcast %add3A_251 : f32 to vector<200x200xf32>
    %add3A_253 = arith.addf %mul3A_250, %add3A_252 : vector<200x200xf32>
    %mul3A_254 = arith.mulf %add3A_253, %mul3A_243 : vector<200x200xf32>
    %sub3A_255 = arith.constant 0.333329499 : f32
    %sub3A_256 = vector.broadcast %sub3A_255 : f32 to vector<200x200xf32>
    %sub3A_257 = arith.subf %mul3A_254, %sub3A_256 : vector<200x200xf32>
    %mul3A_258 = arith.mulf %sub3A_257, %mul3A_243 : vector<200x200xf32>
    %mul3A_259 = arith.mulf %mul3A_258, %select_n3A_236 : vector<200x200xf32>
    %add3A_260 = arith.addf %mul3A_259, %select_n3A_236 : vector<200x200xf32>
    %add3A_261 = arith.addf %select_n3A_242, %add3A_260 : vector<200x200xf32>
    %mul3A_262 = arith.mulf %add3A_261, %add3A_261 : vector<200x200xf32>
    %mul3A_263 = arith.mulf %mul3A_262, %mul3A_262 : vector<200x200xf32>
    %mul3A_264 = vector.broadcast %get3A_66 : f32 to vector<200x200xf32>
    %mul3A_265 = arith.mulf %mul3A_264, %mul3A_262 : vector<200x200xf32>
    %add3A_266 = arith.constant 1.000000e+00 : f32
    %add3A_267 = vector.broadcast %add3A_266 : f32 to vector<200x200xf32>
    %add3A_268 = arith.addf %add3A_267, %mul3A_265 : vector<200x200xf32>
    %mul3A_269 = vector.broadcast %get3A_70 : f32 to vector<200x200xf32>
    %mul3A_270 = arith.mulf %mul3A_269, %mul3A_263 : vector<200x200xf32>
    %add3A_271 = arith.addf %add3A_268, %mul3A_270 : vector<200x200xf32>
    %mul3A_272 = vector.broadcast %get3A_74 : f32 to vector<200x200xf32>
    %mul3A_273 = arith.mulf %mul3A_272, %mul3A_263 : vector<200x200xf32>
    %mul3A_274 = arith.mulf %mul3A_273, %mul3A_262 : vector<200x200xf32>
    %add3A_275 = arith.addf %add3A_271, %mul3A_274 : vector<200x200xf32>
    %mul3A_276 = vector.broadcast %get3A_78 : f32 to vector<200x200xf32>
    %mul3A_277 = arith.mulf %mul3A_276, %mul3A_263 : vector<200x200xf32>
    %mul3A_278 = arith.mulf %mul3A_277, %mul3A_263 : vector<200x200xf32>
    %add3A_279 = arith.addf %add3A_275, %mul3A_278 : vector<200x200xf32>
    %mul3A_280 = arith.mulf %add3A_261, %add3A_279 : vector<200x200xf32>
    %div3A_281 = arith.divf %mul3A_280, %sqrt3A : vector<200x200xf32>
    %mul3A_282 = arith.mulf %div3A_212, %div3A_281 : vector<200x200xf32>
    %mul3A_283 = vector.broadcast %get3A_50 : f32 to vector<200x200xf32>
    %mul3A_284 = arith.mulf %mul3A_282, %mul3A_283 : vector<200x200xf32>
    %add3A_285 = vector.broadcast %get3A_58 : f32 to vector<200x200xf32>
    %add3A_286 = arith.addf %mul3A_284, %add3A_285 : vector<200x200xf32>
    %mul3A_287 = arith.mulf %add3A_286, %convert_element_type3A_206 : vector<200x200xf32>
    %mul3A_288 = arith.mulf %div3A_216, %div3A_281 : vector<200x200xf32>
    %mul3A_289 = vector.broadcast %get3A_54 : f32 to vector<200x200xf32>
    %mul3A_290 = arith.mulf %mul3A_288, %mul3A_289 : vector<200x200xf32>
    %add3A_291 = vector.broadcast %get3A_62 : f32 to vector<200x200xf32>
    %add3A_292 = arith.addf %mul3A_290, %add3A_291 : vector<200x200xf32>
    %mul3A_293 = arith.mulf %add3A_292, %convert_element_type3A_206 : vector<200x200xf32>
    %mul3A_294 = arith.mulf %div3A_212, %div3A_212 : vector<200x200xf32>
    %mul3A_295 = arith.mulf %div3A_216, %div3A_216 : vector<200x200xf32>
    %add3A_296 = arith.addf %mul3A_294, %mul3A_295 : vector<200x200xf32>
    %mul3A_297 = vector.broadcast %get3A_82 : f32 to vector<200x200xf32>
    %mul3A_298 = arith.mulf %mul3A_297, %add3A_296 : vector<200x200xf32>
    %add3A_299 = arith.constant 1.000000e+00 : f32
    %add3A_300 = vector.broadcast %add3A_299 : f32 to vector<200x200xf32>
    %add3A_301 = arith.addf %add3A_300, %mul3A_298 : vector<200x200xf32>
    %mul3A_302 = vector.broadcast %get3A_86 : f32 to vector<200x200xf32>
    %mul3A_303 = arith.mulf %mul3A_302, %add3A_296 : vector<200x200xf32>
    %mul3A_304 = arith.mulf %mul3A_303, %add3A_296 : vector<200x200xf32>
    %add3A_305 = arith.addf %add3A_301, %mul3A_304 : vector<200x200xf32>
    %mul3A_306 = vector.broadcast %get3A_90 : f32 to vector<200x200xf32>
    %mul3A_307 = arith.mulf %mul3A_306, %add3A_296 : vector<200x200xf32>
    %mul3A_308 = arith.mulf %mul3A_307, %add3A_296 : vector<200x200xf32>
    %mul3A_309 = arith.mulf %mul3A_308, %add3A_296 : vector<200x200xf32>
    %add3A_310 = arith.addf %add3A_305, %mul3A_309 : vector<200x200xf32>
    %mul3A_311 = arith.mulf %div3A_212, %add3A_310 : vector<200x200xf32>
    %mul3A_312 = arith.constant 2.000000e+00 : f32
    %mul3A_313 = arith.mulf %mul3A_312, %get3A_94 : f32
    %mul3A_314 = vector.broadcast %mul3A_313 : f32 to vector<200x200xf32>
    %mul3A_315 = arith.mulf %mul3A_314, %div3A_212 : vector<200x200xf32>
    %mul3A_316 = arith.mulf %mul3A_315, %div3A_216 : vector<200x200xf32>
    %mul3A_317 = arith.constant 2.000000e+00 : f32
    %mul3A_318 = vector.broadcast %mul3A_317 : f32 to vector<200x200xf32>
    %mul3A_319 = arith.mulf %mul3A_318, %div3A_212 : vector<200x200xf32>
    %mul3A_320 = arith.mulf %mul3A_319, %div3A_212 : vector<200x200xf32>
    %add3A_321 = arith.addf %add3A_296, %mul3A_320 : vector<200x200xf32>
    %mul3A_322 = vector.broadcast %get3A_98 : f32 to vector<200x200xf32>
    %mul3A_323 = arith.mulf %mul3A_322, %add3A_321 : vector<200x200xf32>
    %add3A_324 = arith.addf %mul3A_316, %mul3A_323 : vector<200x200xf32>
    %add3A_325 = arith.addf %mul3A_311, %add3A_324 : vector<200x200xf32>
    %mul3A_326 = vector.broadcast %get3A_50 : f32 to vector<200x200xf32>
    %mul3A_327 = arith.mulf %add3A_325, %mul3A_326 : vector<200x200xf32>
    %add3A_328 = vector.broadcast %get3A_58 : f32 to vector<200x200xf32>
    %add3A_329 = arith.addf %mul3A_327, %add3A_328 : vector<200x200xf32>
    %mul3A_330 = arith.mulf %div3A_216, %add3A_310 : vector<200x200xf32>
    %mul3A_331 = arith.constant 2.000000e+00 : f32
    %mul3A_332 = vector.broadcast %mul3A_331 : f32 to vector<200x200xf32>
    %mul3A_333 = arith.mulf %mul3A_332, %div3A_216 : vector<200x200xf32>
    %mul3A_334 = arith.mulf %mul3A_333, %div3A_216 : vector<200x200xf32>
    %add3A_335 = arith.addf %add3A_296, %mul3A_334 : vector<200x200xf32>
    %mul3A_336 = vector.broadcast %get3A_94 : f32 to vector<200x200xf32>
    %mul3A_337 = arith.mulf %mul3A_336, %add3A_335 : vector<200x200xf32>
    %mul3A_338 = arith.constant 2.000000e+00 : f32
    %mul3A_339 = arith.mulf %mul3A_338, %get3A_98 : f32
    %mul3A_340 = vector.broadcast %mul3A_339 : f32 to vector<200x200xf32>
    %mul3A_341 = arith.mulf %mul3A_340, %div3A_212 : vector<200x200xf32>
    %mul3A_342 = arith.mulf %mul3A_341, %div3A_216 : vector<200x200xf32>
    %add3A_343 = arith.addf %mul3A_337, %mul3A_342 : vector<200x200xf32>
    %add3A_344 = arith.addf %mul3A_330, %add3A_343 : vector<200x200xf32>
    %mul3A_345 = vector.broadcast %get3A_54 : f32 to vector<200x200xf32>
    %mul3A_346 = arith.mulf %add3A_344, %mul3A_345 : vector<200x200xf32>
    %add3A_347 = vector.broadcast %get3A_62 : f32 to vector<200x200xf32>
    %add3A_348 = arith.addf %mul3A_346, %add3A_347 : vector<200x200xf32>
    %mul3A_349 = arith.mulf %add3A_329, %convert_element_type3A_206 : vector<200x200xf32>
    %mul3A_350 = arith.mulf %add3A_348, %convert_element_type3A_206 : vector<200x200xf32>
    %select_n3A_351 = arith.select %gt3A_103, %mul3A_287, %mul3A_349 : vector<200x200xf32>
    %convert_element_type3A_352 = arith.truncf %select_n3A_351 : vector<200x200xf32> to vector<200x200xbf16>
    %convert_element_type3A_353 = arith.extf %convert_element_type3A_352 : vector<200x200xbf16> to vector<200x200xf32>
    %select_n3A_354 = arith.select %gt3A_103, %mul3A_293, %mul3A_350 : vector<200x200xf32>
    %convert_element_type3A_355 = arith.truncf %select_n3A_354 : vector<200x200xf32> to vector<200x200xbf16>
    %convert_element_type3A_356 = arith.extf %convert_element_type3A_355 : vector<200x200xbf16> to vector<200x200xf32>
    %convert_element_type3A_357 = arith.truncf %get3A_107 : f32 to bf16
    %convert_element_type3A_358 = arith.extf %convert_element_type3A_357 : bf16 to f32
    %mul3A_359 = vector.broadcast %convert_element_type3A_358 : f32 to vector<200x200xf32>
    %mul3A_360 = arith.mulf %mul3A_359, %convert_element_type3A_353 : vector<200x200xf32>
    %convert_element_type3A_361 = arith.truncf %get3A_111 : f32 to bf16
    %convert_element_type3A_362 = arith.extf %convert_element_type3A_361 : bf16 to f32
    %mul3A_363 = vector.broadcast %convert_element_type3A_362 : f32 to vector<200x200xf32>
    %mul3A_364 = arith.mulf %mul3A_363, %convert_element_type3A_356 : vector<200x200xf32>
    %add3A_365 = arith.addf %mul3A_360, %mul3A_364 : vector<200x200xf32>
    %add3A_366 = vector.broadcast %get3A_123 : f32 to vector<200x200xf32>
    %add3A_367 = arith.addf %add3A_365, %add3A_366 : vector<200x200xf32>
    %convert_element_type3A_368 = arith.truncf %get3A_115 : f32 to bf16
    %convert_element_type3A_369 = arith.extf %convert_element_type3A_368 : bf16 to f32
    %mul3A_370 = vector.broadcast %convert_element_type3A_369 : f32 to vector<200x200xf32>
    %mul3A_371 = arith.mulf %mul3A_370, %convert_element_type3A_353 : vector<200x200xf32>
    %convert_element_type3A_372 = arith.truncf %get3A_119 : f32 to bf16
    %convert_element_type3A_373 = arith.extf %convert_element_type3A_372 : bf16 to f32
    %mul3A_374 = vector.broadcast %convert_element_type3A_373 : f32 to vector<200x200xf32>
    %mul3A_375 = arith.mulf %mul3A_374, %convert_element_type3A_356 : vector<200x200xf32>
    %add3A_376 = arith.addf %mul3A_371, %mul3A_375 : vector<200x200xf32>
    %add3A_377 = vector.broadcast %get3A_127 : f32 to vector<200x200xf32>
    %add3A_378 = arith.addf %add3A_376, %add3A_377 : vector<200x200xf32>
    %convert_element_type3A_379 = arith.fptosi %add3A_367 : vector<200x200xf32> to vector<200x200xi32>
    %convert_element_type3A_380 = arith.fptosi %add3A_378 : vector<200x200xf32> to vector<200x200xi32>
    %gt3A_381 = arith.constant 0 : i32
    %gt3A_382 = vector.broadcast %gt3A_381 : i32 to vector<200x200xi32>
    %gt3A_383 = arith.cmpi sgt, %convert_element_type3A_379, %gt3A_382 : vector<200x200xi32>
    %lt3A = arith.constant 200 : i32
    %lt3A_384 = vector.broadcast %lt3A : i32 to vector<200x200xi32>
    %lt3A_385 = arith.cmpi slt, %convert_element_type3A_379, %lt3A_384 : vector<200x200xi32>
    %and3A = arith.andi %gt3A_383, %lt3A_385 : vector<200x200xi1>
    %lt3A_386 = arith.constant 112 : i32
    %lt3A_387 = vector.broadcast %lt3A_386 : i32 to vector<200x200xi32>
    %lt3A_388 = arith.cmpi slt, %convert_element_type3A_380, %lt3A_387 : vector<200x200xi32>
    %and3A_389 = arith.andi %and3A, %lt3A_388 : vector<200x200xi1>
    %gt3A_390 = arith.constant 0 : i32
    %gt3A_391 = vector.broadcast %gt3A_390 : i32 to vector<200x200xi32>
    %gt3A_392 = arith.cmpi sgt, %convert_element_type3A_380, %gt3A_391 : vector<200x200xi32>
    %and3A_393 = arith.andi %and3A_389, %gt3A_392 : vector<200x200xi1>
    %jit3A_394 = arith.constant 0 : i32
    %jit3A_395 = arith.constant 199 : i32
    %max3A = vector.broadcast %jit3A_394 : i32 to vector<200x200xi32>
    %max3A_396 = arith.maxsi %max3A, %convert_element_type3A_379 : vector<200x200xi32>
    %min3A = vector.broadcast %jit3A_395 : i32 to vector<200x200xi32>
    %min3A_397 = arith.minsi %min3A, %max3A_396 : vector<200x200xi32>
    %jit3A_398 = arith.constant 0 : i32
    %jit3A_399 = arith.constant 111 : i32
    %max3A_400 = vector.broadcast %jit3A_398 : i32 to vector<200x200xi32>
    %max3A_401 = arith.maxsi %max3A_400, %convert_element_type3A_380 : vector<200x200xi32>
    %min3A_402 = vector.broadcast %jit3A_399 : i32 to vector<200x200xi32>
    %min3A_403 = arith.minsi %min3A_402, %max3A_401 : vector<200x200xi32>
    %mul3A_404 = arith.constant 200 : i32
    %mul3A_405 = vector.broadcast %mul3A_404 : i32 to vector<200x200xi32>
    %mul3A_406 = arith.muli %min3A_403, %mul3A_405 : vector<200x200xi32>
    %add3A_407 = arith.addi %mul3A_406, %min3A_397 : vector<200x200xi32>
    %jit3A_408 = arith.constant 22400 : i32
    %broadcast_in_dim3A_409 = vector.broadcast %jit3A_408 : i32 to vector<200x200xi32>
    %select_n3A_410 = arith.select %and3A_393, %add3A_407, %broadcast_in_dim3A_409 : vector<200x200xi1>, vector<200x200xi32>
    %jit3A_411 = arith.constant 22401 : i32
    %broadcast_in_dim3A_412 = vector.broadcast %jit3A_411 : i32 to vector<200x200xi32>
    %select_n3A_413 = arith.select %eq3A_132, %broadcast_in_dim3A_412, %select_n3A_410 : vector<200x200xi32>
    %swap3A = arith.constant 0 : index
    %swap3A_414 = arith.constant 0 : index
    %swap3A_415 = arith.constant 0 : index
    %swap3A_416 = arith.constant 0 : index
    %swap3A_417 = arith.constant 0 : index
    %swap3A_418 = vector.load %arg7[%swap3A, %swap3A_414, %swap3A_415, %swap3A_416, %swap3A_417] : memref<1x1x7x200x200xi32, #tpu.memory_space<vmem>>, vector<1x1x1x200x200xi32>
    %swap3A_419 = vector.shape_cast %swap3A_418 : vector<1x1x1x200x200xi32> to vector<200x200xi32>
    %swap3A_420 = vector.shape_cast %select_n3A_413 : vector<200x200xi32> to vector<1x1x1x200x200xi32>
    tpu.vector_store %arg7[%swap3A, %swap3A_414, %swap3A_415, %swap3A_416, %swap3A_417], %swap3A_420 {strides = array<i32>} : memref<1x1x7x200x200xi32, #tpu.memory_space<vmem>>, vector<1x1x1x200x200xi32>,
    %add3A_421 = arith.constant 1.500000e+00 : f32
    %add3A_422 = vector.broadcast %add3A_421 : f32 to vector<200x200xf32>
    %add3A_423 = arith.addf %get3A_147, %add3A_422 : vector<200x200xf32>
    %convert_element_type3A_424 = arith.truncf %add3A_423 : vector<200x200xf32> to vector<200x200xbf16>
    %convert_element_type3A_425 = arith.extf %convert_element_type3A_424 : vector<200x200xbf16> to vector<200x200xf32>
    %convert_element_type3A_426 = arith.truncf %get3A_2 : f32 to bf16
    %convert_element_type3A_427 = arith.extf %convert_element_type3A_426 : bf16 to f32
    %mul3A_428 = vector.broadcast %convert_element_type3A_427 : f32 to vector<200x200xf32>
    %mul3A_429 = arith.mulf %mul3A_428, %convert_element_type3A_148 : vector<200x200xf32>
    %convert_element_type3A_430 = arith.truncf %get3A_6 : f32 to bf16
    %convert_element_type3A_431 = arith.extf %convert_element_type3A_430 : bf16 to f32
    %mul3A_432 = vector.broadcast %convert_element_type3A_431 : f32 to vector<200x200xf32>
    %mul3A_433 = arith.mulf %mul3A_432, %convert_element_type3A_150 : vector<200x200xf32>
    %add3A_434 = arith.addf %mul3A_429, %mul3A_433 : vector<200x200xf32>
    %convert_element_type3A_435 = arith.truncf %get3A_10 : f32 to bf16
    %convert_element_type3A_436 = arith.extf %convert_element_type3A_435 : bf16 to f32
    %mul3A_437 = vector.broadcast %convert_element_type3A_436 : f32 to vector<200x200xf32>
    %mul3A_438 = arith.mulf %mul3A_437, %convert_element_type3A_425 : vector<200x200xf32>
    %add3A_439 = arith.addf %add3A_434, %mul3A_438 : vector<200x200xf32>
    %add3A_440 = vector.broadcast %get3A_14 : f32 to vector<200x200xf32>
    %add3A_441 = arith.addf %add3A_439, %add3A_440 : vector<200x200xf32>
    %convert_element_type3A_442 = arith.truncf %get3A_18 : f32 to bf16
    %convert_element_type3A_443 = arith.extf %convert_element_type3A_442 : bf16 to f32
    %mul3A_444 = vector.broadcast %convert_element_type3A_443 : f32 to vector<200x200xf32>
    %mul3A_445 = arith.mulf %mul3A_444, %convert_element_type3A_148 : vector<200x200xf32>
    %convert_element_type3A_446 = arith.truncf %get3A_22 : f32 to bf16
    %convert_element_type3A_447 = arith.extf %convert_element_type3A_446 : bf16 to f32
    %mul3A_448 = vector.broadcast %convert_element_type3A_447 : f32 to vector<200x200xf32>
    %mul3A_449 = arith.mulf %mul3A_448, %convert_element_type3A_150 : vector<200x200xf32>
    %add3A_450 = arith.addf %mul3A_445, %mul3A_449 : vector<200x200xf32>
    %convert_element_type3A_451 = arith.truncf %get3A_26 : f32 to bf16
    %convert_element_type3A_452 = arith.extf %convert_element_type3A_451 : bf16 to f32
    %mul3A_453 = vector.broadcast %convert_element_type3A_452 : f32 to vector<200x200xf32>
    %mul3A_454 = arith.mulf %mul3A_453, %convert_element_type3A_425 : vector<200x200xf32>
    %add3A_455 = arith.addf %add3A_450, %mul3A_454 : vector<200x200xf32>
    %add3A_456 = vector.broadcast %get3A_30 : f32 to vector<200x200xf32>
    %add3A_457 = arith.addf %add3A_455, %add3A_456 : vector<200x200xf32>
    %convert_element_type3A_458 = arith.truncf %get3A_34 : f32 to bf16
    %convert_element_type3A_459 = arith.extf %convert_element_type3A_458 : bf16 to f32
    %mul3A_460 = vector.broadcast %convert_element_type3A_459 : f32 to vector<200x200xf32>
    %mul3A_461 = arith.mulf %mul3A_460, %convert_element_type3A_148 : vector<200x200xf32>
    %convert_element_type3A_462 = arith.truncf %get3A_38 : f32 to bf16
    %convert_element_type3A_463 = arith.extf %convert_element_type3A_462 : bf16 to f32
    %mul3A_464 = vector.broadcast %convert_element_type3A_463 : f32 to vector<200x200xf32>
    %mul3A_465 = arith.mulf %mul3A_464, %convert_element_type3A_150 : vector<200x200xf32>
    %add3A_466 = arith.addf %mul3A_461, %mul3A_465 : vector<200x200xf32>
    %convert_element_type3A_467 = arith.truncf %get3A_42 : f32 to bf16
    %convert_element_type3A_468 = arith.extf %convert_element_type3A_467 : bf16 to f32
    %mul3A_469 = vector.broadcast %convert_element_type3A_468 : f32 to vector<200x200xf32>
    %mul3A_470 = arith.mulf %mul3A_469, %convert_element_type3A_425 : vector<200x200xf32>
    %add3A_471 = arith.addf %add3A_466, %mul3A_470 : vector<200x200xf32>
    %add3A_472 = vector.broadcast %get3A_46 : f32 to vector<200x200xf32>
    %add3A_473 = arith.addf %add3A_471, %add3A_472 : vector<200x200xf32>
    %gt3A_474 = arith.constant 0.000000e+00 : f32
    %gt3A_475 = vector.broadcast %gt3A_474 : f32 to vector<200x200xf32>
    %gt3A_476 = arith.cmpf ogt, %add3A_473, %gt3A_475 : vector<200x200xf32>
    %convert_element_type3A_477 = arith.extui %gt3A_476 : vector<200x200xi1> to vector<200x200xi32>
    %convert_element_type3A_478 = arith.sitofp %convert_element_type3A_477 : vector<200x200xi32> to vector<200x200xf32>
    %mul3A_479 = arith.mulf %add3A_441, %convert_element_type3A_478 : vector<200x200xf32>
    %div3A_480 = arith.divf %mul3A_479, %add3A_473 : vector<200x200xf32>
    %mul3A_481 = arith.mulf %add3A_457, %convert_element_type3A_478 : vector<200x200xf32>
    %div3A_482 = arith.divf %mul3A_481, %add3A_473 : vector<200x200xf32>
    %sub3A_483 = vector.broadcast %get3A_58 : f32 to vector<200x200xf32>
    %sub3A_484 = arith.subf %div3A_480, %sub3A_483 : vector<200x200xf32>
    %div3A_485 = vector.broadcast %get3A_50 : f32 to vector<200x200xf32>
    %div3A_486 = arith.divf %sub3A_484, %div3A_485 : vector<200x200xf32>
    %sub3A_487 = vector.broadcast %get3A_62 : f32 to vector<200x200xf32>
    %sub3A_488 = arith.subf %div3A_482, %sub3A_487 : vector<200x200xf32>
    %div3A_489 = vector.broadcast %get3A_54 : f32 to vector<200x200xf32>
    %div3A_490 = arith.divf %sub3A_488, %div3A_489 : vector<200x200xf32>
    %mul3A_491 = arith.mulf %div3A_486, %div3A_486 : vector<200x200xf32>
    %mul3A_492 = arith.mulf %div3A_490, %div3A_490 : vector<200x200xf32>
    %add3A_493 = arith.addf %mul3A_491, %mul3A_492 : vector<200x200xf32>
    %sqrt3A_494 = math.sqrt %add3A_493 : vector<200x200xf32>
    %gt3A_495 = arith.constant 2.41421366 : f32
    %gt3A_496 = vector.broadcast %gt3A_495 : f32 to vector<200x200xf32>
    %gt3A_497 = arith.cmpf ogt, %sqrt3A_494, %gt3A_496 : vector<200x200xf32>
    %gt3A_498 = arith.constant 0.414213568 : f32
    %gt3A_499 = vector.broadcast %gt3A_498 : f32 to vector<200x200xf32>
    %gt3A_500 = arith.cmpf ogt, %sqrt3A_494, %gt3A_499 : vector<200x200xf32>
    %div3A_501 = arith.constant -1.000000e+00 : f32
    %div3A_502 = vector.broadcast %div3A_501 : f32 to vector<200x200xf32>
    %div3A_503 = arith.divf %div3A_502, %sqrt3A_494 : vector<200x200xf32>
    %sub3A_504 = arith.constant 1.000000e+00 : f32
    %sub3A_505 = vector.broadcast %sub3A_504 : f32 to vector<200x200xf32>
    %sub3A_506 = arith.subf %sqrt3A_494, %sub3A_505 : vector<200x200xf32>
    %add3A_507 = arith.constant 1.000000e+00 : f32
    %add3A_508 = vector.broadcast %add3A_507 : f32 to vector<200x200xf32>
    %add3A_509 = arith.addf %sqrt3A_494, %add3A_508 : vector<200x200xf32>
    %div3A_510 = arith.divf %sub3A_506, %add3A_509 : vector<200x200xf32>
    %select_n3A_511 = arith.select %gt3A_500, %div3A_510, %sqrt3A_494 : vector<200x200xi1>, vector<200x200xf32>
    %select_n3A_512 = arith.select %gt3A_497, %div3A_503, %select_n3A_511 : vector<200x200xi1>, vector<200x200xf32>
    %jit3A_513 = arith.constant 0.785398185 : f32
    %jit3A_514 = arith.constant 0.000000e+00 : f32
    %broadcast_in_dim3A_515 = vector.broadcast %jit3A_513 : f32 to vector<200x200xf32>
    %broadcast_in_dim3A_516 = vector.broadcast %jit3A_514 : f32 to vector<200x200xf32>
    %select_n3A_517 = arith.select %gt3A_500, %broadcast_in_dim3A_515, %broadcast_in_dim3A_516 : vector<200x200xi1>, vector<200x200xf32>
    %jit3A_518 = arith.constant 1.57079637 : f32
    %broadcast_in_dim3A_519 = vector.broadcast %jit3A_518 : f32 to vector<200x200xf32>
    %select_n3A_520 = arith.select %gt3A_497, %broadcast_in_dim3A_519, %select_n3A_517 : vector<200x200xi1>, vector<200x200xf32>
    %mul3A_521 = arith.mulf %select_n3A_512, %select_n3A_512 : vector<200x200xf32>
    %mul3A_522 = arith.constant 0.0805374458 : f32
    %mul3A_523 = vector.broadcast %mul3A_522 : f32 to vector<200x200xf32>
    %mul3A_524 = arith.mulf %mul3A_523, %mul3A_521 : vector<200x200xf32>
    %sub3A_525 = arith.constant 0.138776854 : f32
    %sub3A_526 = vector.broadcast %sub3A_525 : f32 to vector<200x200xf32>
    %sub3A_527 = arith.subf %mul3A_524, %sub3A_526 : vector<200x200xf32>
    %mul3A_528 = arith.mulf %sub3A_527, %mul3A_521 : vector<200x200xf32>
    %add3A_529 = arith.constant 0.199777111 : f32
    %add3A_530 = vector.broadcast %add3A_529 : f32 to vector<200x200xf32>
    %add3A_531 = arith.addf %mul3A_528, %add3A_530 : vector<200x200xf32>
    %mul3A_532 = arith.mulf %add3A_531, %mul3A_521 : vector<200x200xf32>
    %sub3A_533 = arith.constant 0.333329499 : f32
    %sub3A_534 = vector.broadcast %sub3A_533 : f32 to vector<200x200xf32>
    %sub3A_535 = arith.subf %mul3A_532, %sub3A_534 : vector<200x200xf32>
    %mul3A_536 = arith.mulf %sub3A_535, %mul3A_521 : vector<200x200xf32>
    %mul3A_537 = arith.mulf %mul3A_536, %select_n3A_512 : vector<200x200xf32>
    %add3A_538 = arith.addf %mul3A_537, %select_n3A_512 : vector<200x200xf32>
    %add3A_539 = arith.addf %select_n3A_520, %add3A_538 : vector<200x200xf32>
    %mul3A_540 = arith.mulf %add3A_539, %add3A_539 : vector<200x200xf32>
    %mul3A_541 = arith.mulf %mul3A_540, %mul3A_540 : vector<200x200xf32>
    %mul3A_542 = vector.broadcast %get3A_66 : f32 to vector<200x200xf32>
    %mul3A_543 = arith.mulf %mul3A_542, %mul3A_540 : vector<200x200xf32>
    %add3A_544 = arith.constant 1.000000e+00 : f32
    %add3A_545 = vector.broadcast %add3A_544 : f32 to vector<200x200xf32>
    %add3A_546 = arith.addf %add3A_545, %mul3A_543 : vector<200x200xf32>
    %mul3A_547 = vector.broadcast %get3A_70 : f32 to vector<200x200xf32>
    %mul3A_548 = arith.mulf %mul3A_547, %mul3A_541 : vector<200x200xf32>
    %add3A_549 = arith.addf %add3A_546, %mul3A_548 : vector<200x200xf32>
    %mul3A_550 = vector.broadcast %get3A_74 : f32 to vector<200x200xf32>
    %mul3A_551 = arith.mulf %mul3A_550, %mul3A_541 : vector<200x200xf32>
    %mul3A_552 = arith.mulf %mul3A_551, %mul3A_540 : vector<200x200xf32>
    %add3A_553 = arith.addf %add3A_549, %mul3A_552 : vector<200x200xf32>
    %mul3A_554 = vector.broadcast %get3A_78 : f32 to vector<200x200xf32>
    %mul3A_555 = arith.mulf %mul3A_554, %mul3A_541 : vector<200x200xf32>
    %mul3A_556 = arith.mulf %mul3A_555, %mul3A_541 : vector<200x200xf32>
    %add3A_557 = arith.addf %add3A_553, %mul3A_556 : vector<200x200xf32>
    %mul3A_558 = arith.mulf %add3A_539, %add3A_557 : vector<200x200xf32>
    %div3A_559 = arith.divf %mul3A_558, %sqrt3A_494 : vector<200x200xf32>
    %mul3A_560 = arith.mulf %div3A_486, %div3A_559 : vector<200x200xf32>
    %mul3A_561 = vector.broadcast %get3A_50 : f32 to vector<200x200xf32>
    %mul3A_562 = arith.mulf %mul3A_560, %mul3A_561 : vector<200x200xf32>
    %add3A_563 = vector.broadcast %get3A_58 : f32 to vector<200x200xf32>
    %add3A_564 = arith.addf %mul3A_562, %add3A_563 : vector<200x200xf32>
    %mul3A_565 = arith.mulf %add3A_564, %convert_element_type3A_478 : vector<200x200xf32>
    %mul3A_566 = arith.mulf %div3A_490, %div3A_559 : vector<200x200xf32>
    %mul3A_567 = vector.broadcast %get3A_54 : f32 to vector<200x200xf32>
    %mul3A_568 = arith.mulf %mul3A_566, %mul3A_567 : vector<200x200xf32>
    %add3A_569 = vector.broadcast %get3A_62 : f32 to vector<200x200xf32>
    %add3A_570 = arith.addf %mul3A_568, %add3A_569 : vector<200x200xf32>
    %mul3A_571 = arith.mulf %add3A_570, %convert_element_type3A_478 : vector<200x200xf32>
    %mul3A_572 = arith.mulf %div3A_486, %div3A_486 : vector<200x200xf32>
    %mul3A_573 = arith.mulf %div3A_490, %div3A_490 : vector<200x200xf32>
    %add3A_574 = arith.addf %mul3A_572, %mul3A_573 : vector<200x200xf32>
    %mul3A_575 = vector.broadcast %get3A_82 : f32 to vector<200x200xf32>
    %mul3A_576 = arith.mulf %mul3A_575, %add3A_574 : vector<200x200xf32>
    %add3A_577 = arith.constant 1.000000e+00 : f32
    %add3A_578 = vector.broadcast %add3A_577 : f32 to vector<200x200xf32>
    %add3A_579 = arith.addf %add3A_578, %mul3A_576 : vector<200x200xf32>
    %mul3A_580 = vector.broadcast %get3A_86 : f32 to vector<200x200xf32>
    %mul3A_581 = arith.mulf %mul3A_580, %add3A_574 : vector<200x200xf32>
    %mul3A_582 = arith.mulf %mul3A_581, %add3A_574 : vector<200x200xf32>
    %add3A_583 = arith.addf %add3A_579, %mul3A_582 : vector<200x200xf32>
    %mul3A_584 = vector.broadcast %get3A_90 : f32 to vector<200x200xf32>
    %mul3A_585 = arith.mulf %mul3A_584, %add3A_574 : vector<200x200xf32>
    %mul3A_586 = arith.mulf %mul3A_585, %add3A_574 : vector<200x200xf32>
    %mul3A_587 = arith.mulf %mul3A_586, %add3A_574 : vector<200x200xf32>
    %add3A_588 = arith.addf %add3A_583, %mul3A_587 : vector<200x200xf32>
    %mul3A_589 = arith.mulf %div3A_486, %add3A_588 : vector<200x200xf32>
    %mul3A_590 = arith.constant 2.000000e+00 : f32
    %mul3A_591 = arith.mulf %mul3A_590, %get3A_94 : f32
    %mul3A_592 = vector.broadcast %mul3A_591 : f32 to vector<200x200xf32>
    %mul3A_593 = arith.mulf %mul3A_592, %div3A_486 : vector<200x200xf32>
    %mul3A_594 = arith.mulf %mul3A_593, %div3A_490 : vector<200x200xf32>
    %mul3A_595 = arith.constant 2.000000e+00 : f32
    %mul3A_596 = vector.broadcast %mul3A_595 : f32 to vector<200x200xf32>
    %mul3A_597 = arith.mulf %mul3A_596, %div3A_486 : vector<200x200xf32>
    %mul3A_598 = arith.mulf %mul3A_597, %div3A_486 : vector<200x200xf32>
    %add3A_599 = arith.addf %add3A_574, %mul3A_598 : vector<200x200xf32>
    %mul3A_600 = vector.broadcast %get3A_98 : f32 to vector<200x200xf32>
    %mul3A_601 = arith.mulf %mul3A_600, %add3A_599 : vector<200x200xf32>
    %add3A_602 = arith.addf %mul3A_594, %mul3A_601 : vector<200x200xf32>
    %add3A_603 = arith.addf %mul3A_589, %add3A_602 : vector<200x200xf32>
    %mul3A_604 = vector.broadcast %get3A_50 : f32 to vector<200x200xf32>
    %mul3A_605 = arith.mulf %add3A_603, %mul3A_604 : vector<200x200xf32>
    %add3A_606 = vector.broadcast %get3A_58 : f32 to vector<200x200xf32>
    %add3A_607 = arith.addf %mul3A_605, %add3A_606 : vector<200x200xf32>
    %mul3A_608 = arith.mulf %div3A_490, %add3A_588 : vector<200x200xf32>
    %mul3A_609 = arith.constant 2.000000e+00 : f32
    %mul3A_610 = vector.broadcast %mul3A_609 : f32 to vector<200x200xf32>
    %mul3A_611 = arith.mulf %mul3A_610, %div3A_490 : vector<200x200xf32>
    %mul3A_612 = arith.mulf %mul3A_611, %div3A_490 : vector<200x200xf32>
    %add3A_613 = arith.addf %add3A_574, %mul3A_612 : vector<200x200xf32>
    %mul3A_614 = vector.broadcast %get3A_94 : f32 to vector<200x200xf32>
    %mul3A_615 = arith.mulf %mul3A_614, %add3A_613 : vector<200x200xf32>
    %mul3A_616 = arith.constant 2.000000e+00 : f32
    %mul3A_617 = arith.mulf %mul3A_616, %get3A_98 : f32
    %mul3A_618 = vector.broadcast %mul3A_617 : f32 to vector<200x200xf32>
    %mul3A_619 = arith.mulf %mul3A_618, %div3A_486 : vector<200x200xf32>
    %mul3A_620 = arith.mulf %mul3A_619, %div3A_490 : vector<200x200xf32>
    %add3A_621 = arith.addf %mul3A_615, %mul3A_620 : vector<200x200xf32>
    %add3A_622 = arith.addf %mul3A_608, %add3A_621 : vector<200x200xf32>
    %mul3A_623 = vector.broadcast %get3A_54 : f32 to vector<200x200xf32>
    %mul3A_624 = arith.mulf %add3A_622, %mul3A_623 : vector<200x200xf32>
    %add3A_625 = vector.broadcast %get3A_62 : f32 to vector<200x200xf32>
    %add3A_626 = arith.addf %mul3A_624, %add3A_625 : vector<200x200xf32>
    %mul3A_627 = arith.mulf %add3A_607, %convert_element_type3A_478 : vector<200x200xf32>
    %mul3A_628 = arith.mulf %add3A_626, %convert_element_type3A_478 : vector<200x200xf32>
    %select_n3A_629 = arith.select %gt3A_103, %mul3A_565, %mul3A_627 : vector<200x200xf32>
    %convert_element_type3A_630 = arith.truncf %select_n3A_629 : vector<200x200xf32> to vector<200x200xbf16>
    %convert_element_type3A_631 = arith.extf %convert_element_type3A_630 : vector<200x200xbf16> to vector<200x200xf32>
    %select_n3A_632 = arith.select %gt3A_103, %mul3A_571, %mul3A_628 : vector<200x200xf32>
    %convert_element_type3A_633 = arith.truncf %select_n3A_632 : vector<200x200xf32> to vector<200x200xbf16>
    %convert_element_type3A_634 = arith.extf %convert_element_type3A_633 : vector<200x200xbf16> to vector<200x200xf32>
    %convert_element_type3A_635 = arith.truncf %get3A_107 : f32 to bf16
    %convert_element_type3A_636 = arith.extf %convert_element_type3A_635 : bf16 to f32
    %mul3A_637 = vector.broadcast %convert_element_type3A_636 : f32 to vector<200x200xf32>
    %mul3A_638 = arith.mulf %mul3A_637, %convert_element_type3A_631 : vector<200x200xf32>
    %convert_element_type3A_639 = arith.truncf %get3A_111 : f32 to bf16
    %convert_element_type3A_640 = arith.extf %convert_element_type3A_639 : bf16 to f32
    %mul3A_641 = vector.broadcast %convert_element_type3A_640 : f32 to vector<200x200xf32>
    %mul3A_642 = arith.mulf %mul3A_641, %convert_element_type3A_634 : vector<200x200xf32>
    %add3A_643 = arith.addf %mul3A_638, %mul3A_642 : vector<200x200xf32>
    %add3A_644 = vector.broadcast %get3A_123 : f32 to vector<200x200xf32>
    %add3A_645 = arith.addf %add3A_643, %add3A_644 : vector<200x200xf32>
    %convert_element_type3A_646 = arith.truncf %get3A_115 : f32 to bf16
    %convert_element_type3A_647 = arith.extf %convert_element_type3A_646 : bf16 to f32
    %mul3A_648 = vector.broadcast %convert_element_type3A_647 : f32 to vector<200x200xf32>
    %mul3A_649 = arith.mulf %mul3A_648, %convert_element_type3A_631 : vector<200x200xf32>
    %convert_element_type3A_650 = arith.truncf %get3A_119 : f32 to bf16
    %convert_element_type3A_651 = arith.extf %convert_element_type3A_650 : bf16 to f32
    %mul3A_652 = vector.broadcast %convert_element_type3A_651 : f32 to vector<200x200xf32>
    %mul3A_653 = arith.mulf %mul3A_652, %convert_element_type3A_634 : vector<200x200xf32>
    %add3A_654 = arith.addf %mul3A_649, %mul3A_653 : vector<200x200xf32>
    %add3A_655 = vector.broadcast %get3A_127 : f32 to vector<200x200xf32>
    %add3A_656 = arith.addf %add3A_654, %add3A_655 : vector<200x200xf32>
    %convert_element_type3A_657 = arith.fptosi %add3A_645 : vector<200x200xf32> to vector<200x200xi32>
    %convert_element_type3A_658 = arith.fptosi %add3A_656 : vector<200x200xf32> to vector<200x200xi32>
    %gt3A_659 = arith.constant 0 : i32
    %gt3A_660 = vector.broadcast %gt3A_659 : i32 to vector<200x200xi32>
    %gt3A_661 = arith.cmpi sgt, %convert_element_type3A_657, %gt3A_660 : vector<200x200xi32>
    %lt3A_662 = arith.constant 200 : i32
    %lt3A_663 = vector.broadcast %lt3A_662 : i32 to vector<200x200xi32>
    %lt3A_664 = arith.cmpi slt, %convert_element_type3A_657, %lt3A_663 : vector<200x200xi32>
    %and3A_665 = arith.andi %gt3A_661, %lt3A_664 : vector<200x200xi1>
    %lt3A_666 = arith.constant 112 : i32
    %lt3A_667 = vector.broadcast %lt3A_666 : i32 to vector<200x200xi32>
    %lt3A_668 = arith.cmpi slt, %convert_element_type3A_658, %lt3A_667 : vector<200x200xi32>
    %and3A_669 = arith.andi %and3A_665, %lt3A_668 : vector<200x200xi1>
    %gt3A_670 = arith.constant 0 : i32
    %gt3A_671 = vector.broadcast %gt3A_670 : i32 to vector<200x200xi32>
    %gt3A_672 = arith.cmpi sgt, %convert_element_type3A_658, %gt3A_671 : vector<200x200xi32>
    %and3A_673 = arith.andi %and3A_669, %gt3A_672 : vector<200x200xi1>
    %jit3A_674 = arith.constant 0 : i32
    %jit3A_675 = arith.constant 199 : i32
    %max3A_676 = vector.broadcast %jit3A_674 : i32 to vector<200x200xi32>
    %max3A_677 = arith.maxsi %max3A_676, %convert_element_type3A_657 : vector<200x200xi32>
    %min3A_678 = vector.broadcast %jit3A_675 : i32 to vector<200x200xi32>
    %min3A_679 = arith.minsi %min3A_678, %max3A_677 : vector<200x200xi32>
    %jit3A_680 = arith.constant 0 : i32
    %jit3A_681 = arith.constant 111 : i32
    %max3A_682 = vector.broadcast %jit3A_680 : i32 to vector<200x200xi32>
    %max3A_683 = arith.maxsi %max3A_682, %convert_element_type3A_658 : vector<200x200xi32>
    %min3A_684 = vector.broadcast %jit3A_681 : i32 to vector<200x200xi32>
    %min3A_685 = arith.minsi %min3A_684, %max3A_683 : vector<200x200xi32>
    %mul3A_686 = arith.constant 200 : i32
    %mul3A_687 = vector.broadcast %mul3A_686 : i32 to vector<200x200xi32>
    %mul3A_688 = arith.muli %min3A_685, %mul3A_687 : vector<200x200xi32>
    %add3A_689 = arith.addi %mul3A_688, %min3A_679 : vector<200x200xi32>
    %jit3A_690 = arith.constant 22400 : i32
    %broadcast_in_dim3A_691 = vector.broadcast %jit3A_690 : i32 to vector<200x200xi32>
    %select_n3A_692 = arith.select %and3A_673, %add3A_689, %broadcast_in_dim3A_691 : vector<200x200xi1>, vector<200x200xi32>
    %jit3A_693 = arith.constant 22401 : i32
    %broadcast_in_dim3A_694 = vector.broadcast %jit3A_693 : i32 to vector<200x200xi32>
    %select_n3A_695 = arith.select %eq3A_132, %broadcast_in_dim3A_694, %select_n3A_692 : vector<200x200xi32>
    %swap3A_696 = arith.constant 0 : index
    %swap3A_697 = arith.constant 0 : index
    %swap3A_698 = arith.constant 1 : index
    %swap3A_699 = arith.constant 0 : index
    %swap3A_700 = arith.constant 0 : index
    %swap3A_701 = vector.load %arg7[%swap3A_696, %swap3A_697, %swap3A_698, %swap3A_699, %swap3A_700] : memref<1x1x7x200x200xi32, #tpu.memory_space<vmem>>, vector<1x1x1x200x200xi32>
    %swap3A_702 = vector.shape_cast %swap3A_701 : vector<1x1x1x200x200xi32> to vector<200x200xi32>
    %swap3A_703 = vector.shape_cast %select_n3A_695 : vector<200x200xi32> to vector<1x1x1x200x200xi32>
    tpu.vector_store %arg7[%swap3A_696, %swap3A_697, %swap3A_698, %swap3A_699, %swap3A_700], %swap3A_703 {strides = array<i32>} : memref<1x1x7x200x200xi32, #tpu.memory_space<vmem>>, vector<1x1x1x200x200xi32>,
    %add3A_704 = arith.constant 1.000000e+00 : f32
    %add3A_705 = vector.broadcast %add3A_704 : f32 to vector<200x200xf32>
    %add3A_706 = arith.addf %get3A_147, %add3A_705 : vector<200x200xf32>
    %convert_element_type3A_707 = arith.truncf %add3A_706 : vector<200x200xf32> to vector<200x200xbf16>
    %convert_element_type3A_708 = arith.extf %convert_element_type3A_707 : vector<200x200xbf16> to vector<200x200xf32>
    %convert_element_type3A_709 = arith.truncf %get3A_2 : f32 to bf16
    %convert_element_type3A_710 = arith.extf %convert_element_type3A_709 : bf16 to f32
    %mul3A_711 = vector.broadcast %convert_element_type3A_710 : f32 to vector<200x200xf32>
    %mul3A_712 = arith.mulf %mul3A_711, %convert_element_type3A_148 : vector<200x200xf32>
    %convert_element_type3A_713 = arith.truncf %get3A_6 : f32 to bf16
    %convert_element_type3A_714 = arith.extf %convert_element_type3A_713 : bf16 to f32
    %mul3A_715 = vector.broadcast %convert_element_type3A_714 : f32 to vector<200x200xf32>
    %mul3A_716 = arith.mulf %mul3A_715, %convert_element_type3A_150 : vector<200x200xf32>
    %add3A_717 = arith.addf %mul3A_712, %mul3A_716 : vector<200x200xf32>
    %convert_element_type3A_718 = arith.truncf %get3A_10 : f32 to bf16
    %convert_element_type3A_719 = arith.extf %convert_element_type3A_718 : bf16 to f32
    %mul3A_720 = vector.broadcast %convert_element_type3A_719 : f32 to vector<200x200xf32>
    %mul3A_721 = arith.mulf %mul3A_720, %convert_element_type3A_708 : vector<200x200xf32>
    %add3A_722 = arith.addf %add3A_717, %mul3A_721 : vector<200x200xf32>
    %add3A_723 = vector.broadcast %get3A_14 : f32 to vector<200x200xf32>
    %add3A_724 = arith.addf %add3A_722, %add3A_723 : vector<200x200xf32>
    %convert_element_type3A_725 = arith.truncf %get3A_18 : f32 to bf16
    %convert_element_type3A_726 = arith.extf %convert_element_type3A_725 : bf16 to f32
    %mul3A_727 = vector.broadcast %convert_element_type3A_726 : f32 to vector<200x200xf32>
    %mul3A_728 = arith.mulf %mul3A_727, %convert_element_type3A_148 : vector<200x200xf32>
    %convert_element_type3A_729 = arith.truncf %get3A_22 : f32 to bf16
    %convert_element_type3A_730 = arith.extf %convert_element_type3A_729 : bf16 to f32
    %mul3A_731 = vector.broadcast %convert_element_type3A_730 : f32 to vector<200x200xf32>
    %mul3A_732 = arith.mulf %mul3A_731, %convert_element_type3A_150 : vector<200x200xf32>
    %add3A_733 = arith.addf %mul3A_728, %mul3A_732 : vector<200x200xf32>
    %convert_element_type3A_734 = arith.truncf %get3A_26 : f32 to bf16
    %convert_element_type3A_735 = arith.extf %convert_element_type3A_734 : bf16 to f32
    %mul3A_736 = vector.broadcast %convert_element_type3A_735 : f32 to vector<200x200xf32>
    %mul3A_737 = arith.mulf %mul3A_736, %convert_element_type3A_708 : vector<200x200xf32>
    %add3A_738 = arith.addf %add3A_733, %mul3A_737 : vector<200x200xf32>
    %add3A_739 = vector.broadcast %get3A_30 : f32 to vector<200x200xf32>
    %add3A_740 = arith.addf %add3A_738, %add3A_739 : vector<200x200xf32>
    %convert_element_type3A_741 = arith.truncf %get3A_34 : f32 to bf16
    %convert_element_type3A_742 = arith.extf %convert_element_type3A_741 : bf16 to f32
    %mul3A_743 = vector.broadcast %convert_element_type3A_742 : f32 to vector<200x200xf32>
    %mul3A_744 = arith.mulf %mul3A_743, %convert_element_type3A_148 : vector<200x200xf32>
    %convert_element_type3A_745 = arith.truncf %get3A_38 : f32 to bf16
    %convert_element_type3A_746 = arith.extf %convert_element_type3A_745 : bf16 to f32
    %mul3A_747 = vector.broadcast %convert_element_type3A_746 : f32 to vector<200x200xf32>
    %mul3A_748 = arith.mulf %mul3A_747, %convert_element_type3A_150 : vector<200x200xf32>
    %add3A_749 = arith.addf %mul3A_744, %mul3A_748 : vector<200x200xf32>
    %convert_element_type3A_750 = arith.truncf %get3A_42 : f32 to bf16
    %convert_element_type3A_751 = arith.extf %convert_element_type3A_750 : bf16 to f32
    %mul3A_752 = vector.broadcast %convert_element_type3A_751 : f32 to vector<200x200xf32>
    %mul3A_753 = arith.mulf %mul3A_752, %convert_element_type3A_708 : vector<200x200xf32>
    %add3A_754 = arith.addf %add3A_749, %mul3A_753 : vector<200x200xf32>
    %add3A_755 = vector.broadcast %get3A_46 : f32 to vector<200x200xf32>
    %add3A_756 = arith.addf %add3A_754, %add3A_755 : vector<200x200xf32>
    %gt3A_757 = arith.constant 0.000000e+00 : f32
    %gt3A_758 = vector.broadcast %gt3A_757 : f32 to vector<200x200xf32>
    %gt3A_759 = arith.cmpf ogt, %add3A_756, %gt3A_758 : vector<200x200xf32>
    %convert_element_type3A_760 = arith.extui %gt3A_759 : vector<200x200xi1> to vector<200x200xi32>
    %convert_element_type3A_761 = arith.sitofp %convert_element_type3A_760 : vector<200x200xi32> to vector<200x200xf32>
    %mul3A_762 = arith.mulf %add3A_724, %convert_element_type3A_761 : vector<200x200xf32>
    %div3A_763 = arith.divf %mul3A_762, %add3A_756 : vector<200x200xf32>
    %mul3A_764 = arith.mulf %add3A_740, %convert_element_type3A_761 : vector<200x200xf32>
    %div3A_765 = arith.divf %mul3A_764, %add3A_756 : vector<200x200xf32>
    %sub3A_766 = vector.broadcast %get3A_58 : f32 to vector<200x200xf32>
    %sub3A_767 = arith.subf %div3A_763, %sub3A_766 : vector<200x200xf32>
    %div3A_768 = vector.broadcast %get3A_50 : f32 to vector<200x200xf32>
    %div3A_769 = arith.divf %sub3A_767, %div3A_768 : vector<200x200xf32>
    %sub3A_770 = vector.broadcast %get3A_62 : f32 to vector<200x200xf32>
    %sub3A_771 = arith.subf %div3A_765, %sub3A_770 : vector<200x200xf32>
    %div3A_772 = vector.broadcast %get3A_54 : f32 to vector<200x200xf32>
    %div3A_773 = arith.divf %sub3A_771, %div3A_772 : vector<200x200xf32>
    %mul3A_774 = arith.mulf %div3A_769, %div3A_769 : vector<200x200xf32>
    %mul3A_775 = arith.mulf %div3A_773, %div3A_773 : vector<200x200xf32>
    %add3A_776 = arith.addf %mul3A_774, %mul3A_775 : vector<200x200xf32>
    %sqrt3A_777 = math.sqrt %add3A_776 : vector<200x200xf32>
    %gt3A_778 = arith.constant 2.41421366 : f32
    %gt3A_779 = vector.broadcast %gt3A_778 : f32 to vector<200x200xf32>
    %gt3A_780 = arith.cmpf ogt, %sqrt3A_777, %gt3A_779 : vector<200x200xf32>
    %gt3A_781 = arith.constant 0.414213568 : f32
    %gt3A_782 = vector.broadcast %gt3A_781 : f32 to vector<200x200xf32>
    %gt3A_783 = arith.cmpf ogt, %sqrt3A_777, %gt3A_782 : vector<200x200xf32>
    %div3A_784 = arith.constant -1.000000e+00 : f32
    %div3A_785 = vector.broadcast %div3A_784 : f32 to vector<200x200xf32>
    %div3A_786 = arith.divf %div3A_785, %sqrt3A_777 : vector<200x200xf32>
    %sub3A_787 = arith.constant 1.000000e+00 : f32
    %sub3A_788 = vector.broadcast %sub3A_787 : f32 to vector<200x200xf32>
    %sub3A_789 = arith.subf %sqrt3A_777, %sub3A_788 : vector<200x200xf32>
    %add3A_790 = arith.constant 1.000000e+00 : f32
    %add3A_791 = vector.broadcast %add3A_790 : f32 to vector<200x200xf32>
    %add3A_792 = arith.addf %sqrt3A_777, %add3A_791 : vector<200x200xf32>
    %div3A_793 = arith.divf %sub3A_789, %add3A_792 : vector<200x200xf32>
    %select_n3A_794 = arith.select %gt3A_783, %div3A_793, %sqrt3A_777 : vector<200x200xi1>, vector<200x200xf32>
    %select_n3A_795 = arith.select %gt3A_780, %div3A_786, %select_n3A_794 : vector<200x200xi1>, vector<200x200xf32>
    %jit3A_796 = arith.constant 0.785398185 : f32
    %jit3A_797 = arith.constant 0.000000e+00 : f32
    %broadcast_in_dim3A_798 = vector.broadcast %jit3A_796 : f32 to vector<200x200xf32>
    %broadcast_in_dim3A_799 = vector.broadcast %jit3A_797 : f32 to vector<200x200xf32>
    %select_n3A_800 = arith.select %gt3A_783, %broadcast_in_dim3A_798, %broadcast_in_dim3A_799 : vector<200x200xi1>, vector<200x200xf32>
    %jit3A_801 = arith.constant 1.57079637 : f32
    %broadcast_in_dim3A_802 = vector.broadcast %jit3A_801 : f32 to vector<200x200xf32>
    %select_n3A_803 = arith.select %gt3A_780, %broadcast_in_dim3A_802, %select_n3A_800 : vector<200x200xi1>, vector<200x200xf32>
    %mul3A_804 = arith.mulf %select_n3A_795, %select_n3A_795 : vector<200x200xf32>
    %mul3A_805 = arith.constant 0.0805374458 : f32
    %mul3A_806 = vector.broadcast %mul3A_805 : f32 to vector<200x200xf32>
    %mul3A_807 = arith.mulf %mul3A_806, %mul3A_804 : vector<200x200xf32>
    %sub3A_808 = arith.constant 0.138776854 : f32
    %sub3A_809 = vector.broadcast %sub3A_808 : f32 to vector<200x200xf32>
    %sub3A_810 = arith.subf %mul3A_807, %sub3A_809 : vector<200x200xf32>
    %mul3A_811 = arith.mulf %sub3A_810, %mul3A_804 : vector<200x200xf32>
    %add3A_812 = arith.constant 0.199777111 : f32
    %add3A_813 = vector.broadcast %add3A_812 : f32 to vector<200x200xf32>
    %add3A_814 = arith.addf %mul3A_811, %add3A_813 : vector<200x200xf32>
    %mul3A_815 = arith.mulf %add3A_814, %mul3A_804 : vector<200x200xf32>
    %sub3A_816 = arith.constant 0.333329499 : f32
    %sub3A_817 = vector.broadcast %sub3A_816 : f32 to vector<200x200xf32>
    %sub3A_818 = arith.subf %mul3A_815, %sub3A_817 : vector<200x200xf32>
    %mul3A_819 = arith.mulf %sub3A_818, %mul3A_804 : vector<200x200xf32>
    %mul3A_820 = arith.mulf %mul3A_819, %select_n3A_795 : vector<200x200xf32>
    %add3A_821 = arith.addf %mul3A_820, %select_n3A_795 : vector<200x200xf32>
    %add3A_822 = arith.addf %select_n3A_803, %add3A_821 : vector<200x200xf32>
    %mul3A_823 = arith.mulf %add3A_822, %add3A_822 : vector<200x200xf32>
    %mul3A_824 = arith.mulf %mul3A_823, %mul3A_823 : vector<200x200xf32>
    %mul3A_825 = vector.broadcast %get3A_66 : f32 to vector<200x200xf32>
    %mul3A_826 = arith.mulf %mul3A_825, %mul3A_823 : vector<200x200xf32>
    %add3A_827 = arith.constant 1.000000e+00 : f32
    %add3A_828 = vector.broadcast %add3A_827 : f32 to vector<200x200xf32>
    %add3A_829 = arith.addf %add3A_828, %mul3A_826 : vector<200x200xf32>
    %mul3A_830 = vector.broadcast %get3A_70 : f32 to vector<200x200xf32>
    %mul3A_831 = arith.mulf %mul3A_830, %mul3A_824 : vector<200x200xf32>
    %add3A_832 = arith.addf %add3A_829, %mul3A_831 : vector<200x200xf32>
    %mul3A_833 = vector.broadcast %get3A_74 : f32 to vector<200x200xf32>
    %mul3A_834 = arith.mulf %mul3A_833, %mul3A_824 : vector<200x200xf32>
    %mul3A_835 = arith.mulf %mul3A_834, %mul3A_823 : vector<200x200xf32>
    %add3A_836 = arith.addf %add3A_832, %mul3A_835 : vector<200x200xf32>
    %mul3A_837 = vector.broadcast %get3A_78 : f32 to vector<200x200xf32>
    %mul3A_838 = arith.mulf %mul3A_837, %mul3A_824 : vector<200x200xf32>
    %mul3A_839 = arith.mulf %mul3A_838, %mul3A_824 : vector<200x200xf32>
    %add3A_840 = arith.addf %add3A_836, %mul3A_839 : vector<200x200xf32>
    %mul3A_841 = arith.mulf %add3A_822, %add3A_840 : vector<200x200xf32>
    %div3A_842 = arith.divf %mul3A_841, %sqrt3A_777 : vector<200x200xf32>
    %mul3A_843 = arith.mulf %div3A_769, %div3A_842 : vector<200x200xf32>
    %mul3A_844 = vector.broadcast %get3A_50 : f32 to vector<200x200xf32>
    %mul3A_845 = arith.mulf %mul3A_843, %mul3A_844 : vector<200x200xf32>
    %add3A_846 = vector.broadcast %get3A_58 : f32 to vector<200x200xf32>
    %add3A_847 = arith.addf %mul3A_845, %add3A_846 : vector<200x200xf32>
    %mul3A_848 = arith.mulf %add3A_847, %convert_element_type3A_761 : vector<200x200xf32>
    %mul3A_849 = arith.mulf %div3A_773, %div3A_842 : vector<200x200xf32>
    %mul3A_850 = vector.broadcast %get3A_54 : f32 to vector<200x200xf32>
    %mul3A_851 = arith.mulf %mul3A_849, %mul3A_850 : vector<200x200xf32>
    %add3A_852 = vector.broadcast %get3A_62 : f32 to vector<200x200xf32>
    %add3A_853 = arith.addf %mul3A_851, %add3A_852 : vector<200x200xf32>
    %mul3A_854 = arith.mulf %add3A_853, %convert_element_type3A_761 : vector<200x200xf32>
    %mul3A_855 = arith.mulf %div3A_769, %div3A_769 : vector<200x200xf32>
    %mul3A_856 = arith.mulf %div3A_773, %div3A_773 : vector<200x200xf32>
    %add3A_857 = arith.addf %mul3A_855, %mul3A_856 : vector<200x200xf32>
    %mul3A_858 = vector.broadcast %get3A_82 : f32 to vector<200x200xf32>
    %mul3A_859 = arith.mulf %mul3A_858, %add3A_857 : vector<200x200xf32>
    %add3A_860 = arith.constant 1.000000e+00 : f32
    %add3A_861 = vector.broadcast %add3A_860 : f32 to vector<200x200xf32>
    %add3A_862 = arith.addf %add3A_861, %mul3A_859 : vector<200x200xf32>
    %mul3A_863 = vector.broadcast %get3A_86 : f32 to vector<200x200xf32>
    %mul3A_864 = arith.mulf %mul3A_863, %add3A_857 : vector<200x200xf32>
    %mul3A_865 = arith.mulf %mul3A_864, %add3A_857 : vector<200x200xf32>
    %add3A_866 = arith.addf %add3A_862, %mul3A_865 : vector<200x200xf32>
    %mul3A_867 = vector.broadcast %get3A_90 : f32 to vector<200x200xf32>
    %mul3A_868 = arith.mulf %mul3A_867, %add3A_857 : vector<200x200xf32>
    %mul3A_869 = arith.mulf %mul3A_868, %add3A_857 : vector<200x200xf32>
    %mul3A_870 = arith.mulf %mul3A_869, %add3A_857 : vector<200x200xf32>
    %add3A_871 = arith.addf %add3A_866, %mul3A_870 : vector<200x200xf32>
    %mul3A_872 = arith.mulf %div3A_769, %add3A_871 : vector<200x200xf32>
    %mul3A_873 = arith.constant 2.000000e+00 : f32
    %mul3A_874 = arith.mulf %mul3A_873, %get3A_94 : f32
    %mul3A_875 = vector.broadcast %mul3A_874 : f32 to vector<200x200xf32>
    %mul3A_876 = arith.mulf %mul3A_875, %div3A_769 : vector<200x200xf32>
    %mul3A_877 = arith.mulf %mul3A_876, %div3A_773 : vector<200x200xf32>
    %mul3A_878 = arith.constant 2.000000e+00 : f32
    %mul3A_879 = vector.broadcast %mul3A_878 : f32 to vector<200x200xf32>
    %mul3A_880 = arith.mulf %mul3A_879, %div3A_769 : vector<200x200xf32>
    %mul3A_881 = arith.mulf %mul3A_880, %div3A_769 : vector<200x200xf32>
    %add3A_882 = arith.addf %add3A_857, %mul3A_881 : vector<200x200xf32>
    %mul3A_883 = vector.broadcast %get3A_98 : f32 to vector<200x200xf32>
    %mul3A_884 = arith.mulf %mul3A_883, %add3A_882 : vector<200x200xf32>
    %add3A_885 = arith.addf %mul3A_877, %mul3A_884 : vector<200x200xf32>
    %add3A_886 = arith.addf %mul3A_872, %add3A_885 : vector<200x200xf32>
    %mul3A_887 = vector.broadcast %get3A_50 : f32 to vector<200x200xf32>
    %mul3A_888 = arith.mulf %add3A_886, %mul3A_887 : vector<200x200xf32>
    %add3A_889 = vector.broadcast %get3A_58 : f32 to vector<200x200xf32>
    %add3A_890 = arith.addf %mul3A_888, %add3A_889 : vector<200x200xf32>
    %mul3A_891 = arith.mulf %div3A_773, %add3A_871 : vector<200x200xf32>
    %mul3A_892 = arith.constant 2.000000e+00 : f32
    %mul3A_893 = vector.broadcast %mul3A_892 : f32 to vector<200x200xf32>
    %mul3A_894 = arith.mulf %mul3A_893, %div3A_773 : vector<200x200xf32>
    %mul3A_895 = arith.mulf %mul3A_894, %div3A_773 : vector<200x200xf32>
    %add3A_896 = arith.addf %add3A_857, %mul3A_895 : vector<200x200xf32>
    %mul3A_897 = vector.broadcast %get3A_94 : f32 to vector<200x200xf32>
    %mul3A_898 = arith.mulf %mul3A_897, %add3A_896 : vector<200x200xf32>
    %mul3A_899 = arith.constant 2.000000e+00 : f32
    %mul3A_900 = arith.mulf %mul3A_899, %get3A_98 : f32
    %mul3A_901 = vector.broadcast %mul3A_900 : f32 to vector<200x200xf32>
    %mul3A_902 = arith.mulf %mul3A_901, %div3A_769 : vector<200x200xf32>
    %mul3A_903 = arith.mulf %mul3A_902, %div3A_773 : vector<200x200xf32>
    %add3A_904 = arith.addf %mul3A_898, %mul3A_903 : vector<200x200xf32>
    %add3A_905 = arith.addf %mul3A_891, %add3A_904 : vector<200x200xf32>
    %mul3A_906 = vector.broadcast %get3A_54 : f32 to vector<200x200xf32>
    %mul3A_907 = arith.mulf %add3A_905, %mul3A_906 : vector<200x200xf32>
    %add3A_908 = vector.broadcast %get3A_62 : f32 to vector<200x200xf32>
    %add3A_909 = arith.addf %mul3A_907, %add3A_908 : vector<200x200xf32>
    %mul3A_910 = arith.mulf %add3A_890, %convert_element_type3A_761 : vector<200x200xf32>
    %mul3A_911 = arith.mulf %add3A_909, %convert_element_type3A_761 : vector<200x200xf32>
    %select_n3A_912 = arith.select %gt3A_103, %mul3A_848, %mul3A_910 : vector<200x200xf32>
    %convert_element_type3A_913 = arith.truncf %select_n3A_912 : vector<200x200xf32> to vector<200x200xbf16>
    %convert_element_type3A_914 = arith.extf %convert_element_type3A_913 : vector<200x200xbf16> to vector<200x200xf32>
    %select_n3A_915 = arith.select %gt3A_103, %mul3A_854, %mul3A_911 : vector<200x200xf32>
    %convert_element_type3A_916 = arith.truncf %select_n3A_915 : vector<200x200xf32> to vector<200x200xbf16>
    %convert_element_type3A_917 = arith.extf %convert_element_type3A_916 : vector<200x200xbf16> to vector<200x200xf32>
    %convert_element_type3A_918 = arith.truncf %get3A_107 : f32 to bf16
    %convert_element_type3A_919 = arith.extf %convert_element_type3A_918 : bf16 to f32
    %mul3A_920 = vector.broadcast %convert_element_type3A_919 : f32 to vector<200x200xf32>
    %mul3A_921 = arith.mulf %mul3A_920, %convert_element_type3A_914 : vector<200x200xf32>
    %convert_element_type3A_922 = arith.truncf %get3A_111 : f32 to bf16
    %convert_element_type3A_923 = arith.extf %convert_element_type3A_922 : bf16 to f32
    %mul3A_924 = vector.broadcast %convert_element_type3A_923 : f32 to vector<200x200xf32>
    %mul3A_925 = arith.mulf %mul3A_924, %convert_element_type3A_917 : vector<200x200xf32>
    %add3A_926 = arith.addf %mul3A_921, %mul3A_925 : vector<200x200xf32>
    %add3A_927 = vector.broadcast %get3A_123 : f32 to vector<200x200xf32>
    %add3A_928 = arith.addf %add3A_926, %add3A_927 : vector<200x200xf32>
    %convert_element_type3A_929 = arith.truncf %get3A_115 : f32 to bf16
    %convert_element_type3A_930 = arith.extf %convert_element_type3A_929 : bf16 to f32
    %mul3A_931 = vector.broadcast %convert_element_type3A_930 : f32 to vector<200x200xf32>
    %mul3A_932 = arith.mulf %mul3A_931, %convert_element_type3A_914 : vector<200x200xf32>
    %convert_element_type3A_933 = arith.truncf %get3A_119 : f32 to bf16
    %convert_element_type3A_934 = arith.extf %convert_element_type3A_933 : bf16 to f32
    %mul3A_935 = vector.broadcast %convert_element_type3A_934 : f32 to vector<200x200xf32>
    %mul3A_936 = arith.mulf %mul3A_935, %convert_element_type3A_917 : vector<200x200xf32>
    %add3A_937 = arith.addf %mul3A_932, %mul3A_936 : vector<200x200xf32>
    %add3A_938 = vector.broadcast %get3A_127 : f32 to vector<200x200xf32>
    %add3A_939 = arith.addf %add3A_937, %add3A_938 : vector<200x200xf32>
    %convert_element_type3A_940 = arith.fptosi %add3A_928 : vector<200x200xf32> to vector<200x200xi32>
    %convert_element_type3A_941 = arith.fptosi %add3A_939 : vector<200x200xf32> to vector<200x200xi32>
    %gt3A_942 = arith.constant 0 : i32
    %gt3A_943 = vector.broadcast %gt3A_942 : i32 to vector<200x200xi32>
    %gt3A_944 = arith.cmpi sgt, %convert_element_type3A_940, %gt3A_943 : vector<200x200xi32>
    %lt3A_945 = arith.constant 200 : i32
    %lt3A_946 = vector.broadcast %lt3A_945 : i32 to vector<200x200xi32>
    %lt3A_947 = arith.cmpi slt, %convert_element_type3A_940, %lt3A_946 : vector<200x200xi32>
    %and3A_948 = arith.andi %gt3A_944, %lt3A_947 : vector<200x200xi1>
    %lt3A_949 = arith.constant 112 : i32
    %lt3A_950 = vector.broadcast %lt3A_949 : i32 to vector<200x200xi32>
    %lt3A_951 = arith.cmpi slt, %convert_element_type3A_941, %lt3A_950 : vector<200x200xi32>
    %and3A_952 = arith.andi %and3A_948, %lt3A_951 : vector<200x200xi1>
    %gt3A_953 = arith.constant 0 : i32
    %gt3A_954 = vector.broadcast %gt3A_953 : i32 to vector<200x200xi32>
    %gt3A_955 = arith.cmpi sgt, %convert_element_type3A_941, %gt3A_954 : vector<200x200xi32>
    %and3A_956 = arith.andi %and3A_952, %gt3A_955 : vector<200x200xi1>
    %jit3A_957 = arith.constant 0 : i32
    %jit3A_958 = arith.constant 199 : i32
    %max3A_959 = vector.broadcast %jit3A_957 : i32 to vector<200x200xi32>
    %max3A_960 = arith.maxsi %max3A_959, %convert_element_type3A_940 : vector<200x200xi32>
    %min3A_961 = vector.broadcast %jit3A_958 : i32 to vector<200x200xi32>
    %min3A_962 = arith.minsi %min3A_961, %max3A_960 : vector<200x200xi32>
    %jit3A_963 = arith.constant 0 : i32
    %jit3A_964 = arith.constant 111 : i32
    %max3A_965 = vector.broadcast %jit3A_963 : i32 to vector<200x200xi32>
    %max3A_966 = arith.maxsi %max3A_965, %convert_element_type3A_941 : vector<200x200xi32>
    %min3A_967 = vector.broadcast %jit3A_964 : i32 to vector<200x200xi32>
    %min3A_968 = arith.minsi %min3A_967, %max3A_966 : vector<200x200xi32>
    %mul3A_969 = arith.constant 200 : i32
    %mul3A_970 = vector.broadcast %mul3A_969 : i32 to vector<200x200xi32>
    %mul3A_971 = arith.muli %min3A_968, %mul3A_970 : vector<200x200xi32>
    %add3A_972 = arith.addi %mul3A_971, %min3A_962 : vector<200x200xi32>
    %jit3A_973 = arith.constant 22400 : i32
    %broadcast_in_dim3A_974 = vector.broadcast %jit3A_973 : i32 to vector<200x200xi32>
    %select_n3A_975 = arith.select %and3A_956, %add3A_972, %broadcast_in_dim3A_974 : vector<200x200xi1>, vector<200x200xi32>
    %jit3A_976 = arith.constant 22401 : i32
    %broadcast_in_dim3A_977 = vector.broadcast %jit3A_976 : i32 to vector<200x200xi32>
    %select_n3A_978 = arith.select %eq3A_132, %broadcast_in_dim3A_977, %select_n3A_975 : vector<200x200xi32>
    %swap3A_979 = arith.constant 0 : index
    %swap3A_980 = arith.constant 0 : index
    %swap3A_981 = arith.constant 2 : index
    %swap3A_982 = arith.constant 0 : index
    %swap3A_983 = arith.constant 0 : index
    %swap3A_984 = vector.load %arg7[%swap3A_979, %swap3A_980, %swap3A_981, %swap3A_982, %swap3A_983] : memref<1x1x7x200x200xi32, #tpu.memory_space<vmem>>, vector<1x1x1x200x200xi32>
    %swap3A_985 = vector.shape_cast %swap3A_984 : vector<1x1x1x200x200xi32> to vector<200x200xi32>
    %swap3A_986 = vector.shape_cast %select_n3A_978 : vector<200x200xi32> to vector<1x1x1x200x200xi32>
    tpu.vector_store %arg7[%swap3A_979, %swap3A_980, %swap3A_981, %swap3A_982, %swap3A_983], %swap3A_986 {strides = array<i32>} : memref<1x1x7x200x200xi32, #tpu.memory_space<vmem>>, vector<1x1x1x200x200xi32>,
    %add3A_987 = arith.constant 5.000000e-01 : f32
    %add3A_988 = vector.broadcast %add3A_987 : f32 to vector<200x200xf32>
    %add3A_989 = arith.addf %get3A_147, %add3A_988 : vector<200x200xf32>
    %convert_element_type3A_990 = arith.truncf %add3A_989 : vector<200x200xf32> to vector<200x200xbf16>
    %convert_element_type3A_991 = arith.extf %convert_element_type3A_990 : vector<200x200xbf16> to vector<200x200xf32>
    %convert_element_type3A_992 = arith.truncf %get3A_2 : f32 to bf16
    %convert_element_type3A_993 = arith.extf %convert_element_type3A_992 : bf16 to f32
    %mul3A_994 = vector.broadcast %convert_element_type3A_993 : f32 to vector<200x200xf32>
    %mul3A_995 = arith.mulf %mul3A_994, %convert_element_type3A_148 : vector<200x200xf32>
    %convert_element_type3A_996 = arith.truncf %get3A_6 : f32 to bf16
    %convert_element_type3A_997 = arith.extf %convert_element_type3A_996 : bf16 to f32
    %mul3A_998 = vector.broadcast %convert_element_type3A_997 : f32 to vector<200x200xf32>
    %mul3A_999 = arith.mulf %mul3A_998, %convert_element_type3A_150 : vector<200x200xf32>
    %add3A_1000 = arith.addf %mul3A_995, %mul3A_999 : vector<200x200xf32>
    %convert_element_type3A_1001 = arith.truncf %get3A_10 : f32 to bf16
    %convert_element_type3A_1002 = arith.extf %convert_element_type3A_1001 : bf16 to f32
    %mul3A_1003 = vector.broadcast %convert_element_type3A_1002 : f32 to vector<200x200xf32>
    %mul3A_1004 = arith.mulf %mul3A_1003, %convert_element_type3A_991 : vector<200x200xf32>
    %add3A_1005 = arith.addf %add3A_1000, %mul3A_1004 : vector<200x200xf32>
    %add3A_1006 = vector.broadcast %get3A_14 : f32 to vector<200x200xf32>
    %add3A_1007 = arith.addf %add3A_1005, %add3A_1006 : vector<200x200xf32>
    %convert_element_type3A_1008 = arith.truncf %get3A_18 : f32 to bf16
    %convert_element_type3A_1009 = arith.extf %convert_element_type3A_1008 : bf16 to f32
    %mul3A_1010 = vector.broadcast %convert_element_type3A_1009 : f32 to vector<200x200xf32>
    %mul3A_1011 = arith.mulf %mul3A_1010, %convert_element_type3A_148 : vector<200x200xf32>
    %convert_element_type3A_1012 = arith.truncf %get3A_22 : f32 to bf16
    %convert_element_type3A_1013 = arith.extf %convert_element_type3A_1012 : bf16 to f32
    %mul3A_1014 = vector.broadcast %convert_element_type3A_1013 : f32 to vector<200x200xf32>
    %mul3A_1015 = arith.mulf %mul3A_1014, %convert_element_type3A_150 : vector<200x200xf32>
    %add3A_1016 = arith.addf %mul3A_1011, %mul3A_1015 : vector<200x200xf32>
    %convert_element_type3A_1017 = arith.truncf %get3A_26 : f32 to bf16
    %convert_element_type3A_1018 = arith.extf %convert_element_type3A_1017 : bf16 to f32
    %mul3A_1019 = vector.broadcast %convert_element_type3A_1018 : f32 to vector<200x200xf32>
    %mul3A_1020 = arith.mulf %mul3A_1019, %convert_element_type3A_991 : vector<200x200xf32>
    %add3A_1021 = arith.addf %add3A_1016, %mul3A_1020 : vector<200x200xf32>
    %add3A_1022 = vector.broadcast %get3A_30 : f32 to vector<200x200xf32>
    %add3A_1023 = arith.addf %add3A_1021, %add3A_1022 : vector<200x200xf32>
    %convert_element_type3A_1024 = arith.truncf %get3A_34 : f32 to bf16
    %convert_element_type3A_1025 = arith.extf %convert_element_type3A_1024 : bf16 to f32
    %mul3A_1026 = vector.broadcast %convert_element_type3A_1025 : f32 to vector<200x200xf32>
    %mul3A_1027 = arith.mulf %mul3A_1026, %convert_element_type3A_148 : vector<200x200xf32>
    %convert_element_type3A_1028 = arith.truncf %get3A_38 : f32 to bf16
    %convert_element_type3A_1029 = arith.extf %convert_element_type3A_1028 : bf16 to f32
    %mul3A_1030 = vector.broadcast %convert_element_type3A_1029 : f32 to vector<200x200xf32>
    %mul3A_1031 = arith.mulf %mul3A_1030, %convert_element_type3A_150 : vector<200x200xf32>
    %add3A_1032 = arith.addf %mul3A_1027, %mul3A_1031 : vector<200x200xf32>
    %convert_element_type3A_1033 = arith.truncf %get3A_42 : f32 to bf16
    %convert_element_type3A_1034 = arith.extf %convert_element_type3A_1033 : bf16 to f32
    %mul3A_1035 = vector.broadcast %convert_element_type3A_1034 : f32 to vector<200x200xf32>
    %mul3A_1036 = arith.mulf %mul3A_1035, %convert_element_type3A_991 : vector<200x200xf32>
    %add3A_1037 = arith.addf %add3A_1032, %mul3A_1036 : vector<200x200xf32>
    %add3A_1038 = vector.broadcast %get3A_46 : f32 to vector<200x200xf32>
    %add3A_1039 = arith.addf %add3A_1037, %add3A_1038 : vector<200x200xf32>
    %gt3A_1040 = arith.constant 0.000000e+00 : f32
    %gt3A_1041 = vector.broadcast %gt3A_1040 : f32 to vector<200x200xf32>
    %gt3A_1042 = arith.cmpf ogt, %add3A_1039, %gt3A_1041 : vector<200x200xf32>
    %convert_element_type3A_1043 = arith.extui %gt3A_1042 : vector<200x200xi1> to vector<200x200xi32>
    %convert_element_type3A_1044 = arith.sitofp %convert_element_type3A_1043 : vector<200x200xi32> to vector<200x200xf32>
    %mul3A_1045 = arith.mulf %add3A_1007, %convert_element_type3A_1044 : vector<200x200xf32>
    %div3A_1046 = arith.divf %mul3A_1045, %add3A_1039 : vector<200x200xf32>
    %mul3A_1047 = arith.mulf %add3A_1023, %convert_element_type3A_1044 : vector<200x200xf32>
    %div3A_1048 = arith.divf %mul3A_1047, %add3A_1039 : vector<200x200xf32>
    %sub3A_1049 = vector.broadcast %get3A_58 : f32 to vector<200x200xf32>
    %sub3A_1050 = arith.subf %div3A_1046, %sub3A_1049 : vector<200x200xf32>
    %div3A_1051 = vector.broadcast %get3A_50 : f32 to vector<200x200xf32>
    %div3A_1052 = arith.divf %sub3A_1050, %div3A_1051 : vector<200x200xf32>
    %sub3A_1053 = vector.broadcast %get3A_62 : f32 to vector<200x200xf32>
    %sub3A_1054 = arith.subf %div3A_1048, %sub3A_1053 : vector<200x200xf32>
    %div3A_1055 = vector.broadcast %get3A_54 : f32 to vector<200x200xf32>
    %div3A_1056 = arith.divf %sub3A_1054, %div3A_1055 : vector<200x200xf32>
    %mul3A_1057 = arith.mulf %div3A_1052, %div3A_1052 : vector<200x200xf32>
    %mul3A_1058 = arith.mulf %div3A_1056, %div3A_1056 : vector<200x200xf32>
    %add3A_1059 = arith.addf %mul3A_1057, %mul3A_1058 : vector<200x200xf32>
    %sqrt3A_1060 = math.sqrt %add3A_1059 : vector<200x200xf32>
    %gt3A_1061 = arith.constant 2.41421366 : f32
    %gt3A_1062 = vector.broadcast %gt3A_1061 : f32 to vector<200x200xf32>
    %gt3A_1063 = arith.cmpf ogt, %sqrt3A_1060, %gt3A_1062 : vector<200x200xf32>
    %gt3A_1064 = arith.constant 0.414213568 : f32
    %gt3A_1065 = vector.broadcast %gt3A_1064 : f32 to vector<200x200xf32>
    %gt3A_1066 = arith.cmpf ogt, %sqrt3A_1060, %gt3A_1065 : vector<200x200xf32>
    %div3A_1067 = arith.constant -1.000000e+00 : f32
    %div3A_1068 = vector.broadcast %div3A_1067 : f32 to vector<200x200xf32>
    %div3A_1069 = arith.divf %div3A_1068, %sqrt3A_1060 : vector<200x200xf32>
    %sub3A_1070 = arith.constant 1.000000e+00 : f32
    %sub3A_1071 = vector.broadcast %sub3A_1070 : f32 to vector<200x200xf32>
    %sub3A_1072 = arith.subf %sqrt3A_1060, %sub3A_1071 : vector<200x200xf32>
    %add3A_1073 = arith.constant 1.000000e+00 : f32
    %add3A_1074 = vector.broadcast %add3A_1073 : f32 to vector<200x200xf32>
    %add3A_1075 = arith.addf %sqrt3A_1060, %add3A_1074 : vector<200x200xf32>
    %div3A_1076 = arith.divf %sub3A_1072, %add3A_1075 : vector<200x200xf32>
    %select_n3A_1077 = arith.select %gt3A_1066, %div3A_1076, %sqrt3A_1060 : vector<200x200xi1>, vector<200x200xf32>
    %select_n3A_1078 = arith.select %gt3A_1063, %div3A_1069, %select_n3A_1077 : vector<200x200xi1>, vector<200x200xf32>
    %jit3A_1079 = arith.constant 0.785398185 : f32
    %jit3A_1080 = arith.constant 0.000000e+00 : f32
    %broadcast_in_dim3A_1081 = vector.broadcast %jit3A_1079 : f32 to vector<200x200xf32>
    %broadcast_in_dim3A_1082 = vector.broadcast %jit3A_1080 : f32 to vector<200x200xf32>
    %select_n3A_1083 = arith.select %gt3A_1066, %broadcast_in_dim3A_1081, %broadcast_in_dim3A_1082 : vector<200x200xi1>, vector<200x200xf32>
    %jit3A_1084 = arith.constant 1.57079637 : f32
    %broadcast_in_dim3A_1085 = vector.broadcast %jit3A_1084 : f32 to vector<200x200xf32>
    %select_n3A_1086 = arith.select %gt3A_1063, %broadcast_in_dim3A_1085, %select_n3A_1083 : vector<200x200xi1>, vector<200x200xf32>
    %mul3A_1087 = arith.mulf %select_n3A_1078, %select_n3A_1078 : vector<200x200xf32>
    %mul3A_1088 = arith.constant 0.0805374458 : f32
    %mul3A_1089 = vector.broadcast %mul3A_1088 : f32 to vector<200x200xf32>
    %mul3A_1090 = arith.mulf %mul3A_1089, %mul3A_1087 : vector<200x200xf32>
    %sub3A_1091 = arith.constant 0.138776854 : f32
    %sub3A_1092 = vector.broadcast %sub3A_1091 : f32 to vector<200x200xf32>
    %sub3A_1093 = arith.subf %mul3A_1090, %sub3A_1092 : vector<200x200xf32>
    %mul3A_1094 = arith.mulf %sub3A_1093, %mul3A_1087 : vector<200x200xf32>
    %add3A_1095 = arith.constant 0.199777111 : f32
    %add3A_1096 = vector.broadcast %add3A_1095 : f32 to vector<200x200xf32>
    %add3A_1097 = arith.addf %mul3A_1094, %add3A_1096 : vector<200x200xf32>
    %mul3A_1098 = arith.mulf %add3A_1097, %mul3A_1087 : vector<200x200xf32>
    %sub3A_1099 = arith.constant 0.333329499 : f32
    %sub3A_1100 = vector.broadcast %sub3A_1099 : f32 to vector<200x200xf32>
    %sub3A_1101 = arith.subf %mul3A_1098, %sub3A_1100 : vector<200x200xf32>
    %mul3A_1102 = arith.mulf %sub3A_1101, %mul3A_1087 : vector<200x200xf32>
    %mul3A_1103 = arith.mulf %mul3A_1102, %select_n3A_1078 : vector<200x200xf32>
    %add3A_1104 = arith.addf %mul3A_1103, %select_n3A_1078 : vector<200x200xf32>
    %add3A_1105 = arith.addf %select_n3A_1086, %add3A_1104 : vector<200x200xf32>
    %mul3A_1106 = arith.mulf %add3A_1105, %add3A_1105 : vector<200x200xf32>
    %mul3A_1107 = arith.mulf %mul3A_1106, %mul3A_1106 : vector<200x200xf32>
    %mul3A_1108 = vector.broadcast %get3A_66 : f32 to vector<200x200xf32>
    %mul3A_1109 = arith.mulf %mul3A_1108, %mul3A_1106 : vector<200x200xf32>
    %add3A_1110 = arith.constant 1.000000e+00 : f32
    %add3A_1111 = vector.broadcast %add3A_1110 : f32 to vector<200x200xf32>
    %add3A_1112 = arith.addf %add3A_1111, %mul3A_1109 : vector<200x200xf32>
    %mul3A_1113 = vector.broadcast %get3A_70 : f32 to vector<200x200xf32>
    %mul3A_1114 = arith.mulf %mul3A_1113, %mul3A_1107 : vector<200x200xf32>
    %add3A_1115 = arith.addf %add3A_1112, %mul3A_1114 : vector<200x200xf32>
    %mul3A_1116 = vector.broadcast %get3A_74 : f32 to vector<200x200xf32>
    %mul3A_1117 = arith.mulf %mul3A_1116, %mul3A_1107 : vector<200x200xf32>
    %mul3A_1118 = arith.mulf %mul3A_1117, %mul3A_1106 : vector<200x200xf32>
    %add3A_1119 = arith.addf %add3A_1115, %mul3A_1118 : vector<200x200xf32>
    %mul3A_1120 = vector.broadcast %get3A_78 : f32 to vector<200x200xf32>
    %mul3A_1121 = arith.mulf %mul3A_1120, %mul3A_1107 : vector<200x200xf32>
    %mul3A_1122 = arith.mulf %mul3A_1121, %mul3A_1107 : vector<200x200xf32>
    %add3A_1123 = arith.addf %add3A_1119, %mul3A_1122 : vector<200x200xf32>
    %mul3A_1124 = arith.mulf %add3A_1105, %add3A_1123 : vector<200x200xf32>
    %div3A_1125 = arith.divf %mul3A_1124, %sqrt3A_1060 : vector<200x200xf32>
    %mul3A_1126 = arith.mulf %div3A_1052, %div3A_1125 : vector<200x200xf32>
    %mul3A_1127 = vector.broadcast %get3A_50 : f32 to vector<200x200xf32>
    %mul3A_1128 = arith.mulf %mul3A_1126, %mul3A_1127 : vector<200x200xf32>
    %add3A_1129 = vector.broadcast %get3A_58 : f32 to vector<200x200xf32>
    %add3A_1130 = arith.addf %mul3A_1128, %add3A_1129 : vector<200x200xf32>
    %mul3A_1131 = arith.mulf %add3A_1130, %convert_element_type3A_1044 : vector<200x200xf32>
    %mul3A_1132 = arith.mulf %div3A_1056, %div3A_1125 : vector<200x200xf32>
    %mul3A_1133 = vector.broadcast %get3A_54 : f32 to vector<200x200xf32>
    %mul3A_1134 = arith.mulf %mul3A_1132, %mul3A_1133 : vector<200x200xf32>
    %add3A_1135 = vector.broadcast %get3A_62 : f32 to vector<200x200xf32>
    %add3A_1136 = arith.addf %mul3A_1134, %add3A_1135 : vector<200x200xf32>
    %mul3A_1137 = arith.mulf %add3A_1136, %convert_element_type3A_1044 : vector<200x200xf32>
    %mul3A_1138 = arith.mulf %div3A_1052, %div3A_1052 : vector<200x200xf32>
    %mul3A_1139 = arith.mulf %div3A_1056, %div3A_1056 : vector<200x200xf32>
    %add3A_1140 = arith.addf %mul3A_1138, %mul3A_1139 : vector<200x200xf32>
    %mul3A_1141 = vector.broadcast %get3A_82 : f32 to vector<200x200xf32>
    %mul3A_1142 = arith.mulf %mul3A_1141, %add3A_1140 : vector<200x200xf32>
    %add3A_1143 = arith.constant 1.000000e+00 : f32
    %add3A_1144 = vector.broadcast %add3A_1143 : f32 to vector<200x200xf32>
    %add3A_1145 = arith.addf %add3A_1144, %mul3A_1142 : vector<200x200xf32>
    %mul3A_1146 = vector.broadcast %get3A_86 : f32 to vector<200x200xf32>
    %mul3A_1147 = arith.mulf %mul3A_1146, %add3A_1140 : vector<200x200xf32>
    %mul3A_1148 = arith.mulf %mul3A_1147, %add3A_1140 : vector<200x200xf32>
    %add3A_1149 = arith.addf %add3A_1145, %mul3A_1148 : vector<200x200xf32>
    %mul3A_1150 = vector.broadcast %get3A_90 : f32 to vector<200x200xf32>
    %mul3A_1151 = arith.mulf %mul3A_1150, %add3A_1140 : vector<200x200xf32>
    %mul3A_1152 = arith.mulf %mul3A_1151, %add3A_1140 : vector<200x200xf32>
    %mul3A_1153 = arith.mulf %mul3A_1152, %add3A_1140 : vector<200x200xf32>
    %add3A_1154 = arith.addf %add3A_1149, %mul3A_1153 : vector<200x200xf32>
    %mul3A_1155 = arith.mulf %div3A_1052, %add3A_1154 : vector<200x200xf32>
    %mul3A_1156 = arith.constant 2.000000e+00 : f32
    %mul3A_1157 = arith.mulf %mul3A_1156, %get3A_94 : f32
    %mul3A_1158 = vector.broadcast %mul3A_1157 : f32 to vector<200x200xf32>
    %mul3A_1159 = arith.mulf %mul3A_1158, %div3A_1052 : vector<200x200xf32>
    %mul3A_1160 = arith.mulf %mul3A_1159, %div3A_1056 : vector<200x200xf32>
    %mul3A_1161 = arith.constant 2.000000e+00 : f32
    %mul3A_1162 = vector.broadcast %mul3A_1161 : f32 to vector<200x200xf32>
    %mul3A_1163 = arith.mulf %mul3A_1162, %div3A_1052 : vector<200x200xf32>
    %mul3A_1164 = arith.mulf %mul3A_1163, %div3A_1052 : vector<200x200xf32>
    %add3A_1165 = arith.addf %add3A_1140, %mul3A_1164 : vector<200x200xf32>
    %mul3A_1166 = vector.broadcast %get3A_98 : f32 to vector<200x200xf32>
    %mul3A_1167 = arith.mulf %mul3A_1166, %add3A_1165 : vector<200x200xf32>
    %add3A_1168 = arith.addf %mul3A_1160, %mul3A_1167 : vector<200x200xf32>
    %add3A_1169 = arith.addf %mul3A_1155, %add3A_1168 : vector<200x200xf32>
    %mul3A_1170 = vector.broadcast %get3A_50 : f32 to vector<200x200xf32>
    %mul3A_1171 = arith.mulf %add3A_1169, %mul3A_1170 : vector<200x200xf32>
    %add3A_1172 = vector.broadcast %get3A_58 : f32 to vector<200x200xf32>
    %add3A_1173 = arith.addf %mul3A_1171, %add3A_1172 : vector<200x200xf32>
    %mul3A_1174 = arith.mulf %div3A_1056, %add3A_1154 : vector<200x200xf32>
    %mul3A_1175 = arith.constant 2.000000e+00 : f32
    %mul3A_1176 = vector.broadcast %mul3A_1175 : f32 to vector<200x200xf32>
    %mul3A_1177 = arith.mulf %mul3A_1176, %div3A_1056 : vector<200x200xf32>
    %mul3A_1178 = arith.mulf %mul3A_1177, %div3A_1056 : vector<200x200xf32>
    %add3A_1179 = arith.addf %add3A_1140, %mul3A_1178 : vector<200x200xf32>
    %mul3A_1180 = vector.broadcast %get3A_94 : f32 to vector<200x200xf32>
    %mul3A_1181 = arith.mulf %mul3A_1180, %add3A_1179 : vector<200x200xf32>
    %mul3A_1182 = arith.constant 2.000000e+00 : f32
    %mul3A_1183 = arith.mulf %mul3A_1182, %get3A_98 : f32
    %mul3A_1184 = vector.broadcast %mul3A_1183 : f32 to vector<200x200xf32>
    %mul3A_1185 = arith.mulf %mul3A_1184, %div3A_1052 : vector<200x200xf32>
    %mul3A_1186 = arith.mulf %mul3A_1185, %div3A_1056 : vector<200x200xf32>
    %add3A_1187 = arith.addf %mul3A_1181, %mul3A_1186 : vector<200x200xf32>
    %add3A_1188 = arith.addf %mul3A_1174, %add3A_1187 : vector<200x200xf32>
    %mul3A_1189 = vector.broadcast %get3A_54 : f32 to vector<200x200xf32>
    %mul3A_1190 = arith.mulf %add3A_1188, %mul3A_1189 : vector<200x200xf32>
    %add3A_1191 = vector.broadcast %get3A_62 : f32 to vector<200x200xf32>
    %add3A_1192 = arith.addf %mul3A_1190, %add3A_1191 : vector<200x200xf32>
    %mul3A_1193 = arith.mulf %add3A_1173, %convert_element_type3A_1044 : vector<200x200xf32>
    %mul3A_1194 = arith.mulf %add3A_1192, %convert_element_type3A_1044 : vector<200x200xf32>
    %select_n3A_1195 = arith.select %gt3A_103, %mul3A_1131, %mul3A_1193 : vector<200x200xf32>
    %convert_element_type3A_1196 = arith.truncf %select_n3A_1195 : vector<200x200xf32> to vector<200x200xbf16>
    %convert_element_type3A_1197 = arith.extf %convert_element_type3A_1196 : vector<200x200xbf16> to vector<200x200xf32>
    %select_n3A_1198 = arith.select %gt3A_103, %mul3A_1137, %mul3A_1194 : vector<200x200xf32>
    %convert_element_type3A_1199 = arith.truncf %select_n3A_1198 : vector<200x200xf32> to vector<200x200xbf16>
    %convert_element_type3A_1200 = arith.extf %convert_element_type3A_1199 : vector<200x200xbf16> to vector<200x200xf32>
    %convert_element_type3A_1201 = arith.truncf %get3A_107 : f32 to bf16
    %convert_element_type3A_1202 = arith.extf %convert_element_type3A_1201 : bf16 to f32
    %mul3A_1203 = vector.broadcast %convert_element_type3A_1202 : f32 to vector<200x200xf32>
    %mul3A_1204 = arith.mulf %mul3A_1203, %convert_element_type3A_1197 : vector<200x200xf32>
    %convert_element_type3A_1205 = arith.truncf %get3A_111 : f32 to bf16
    %convert_element_type3A_1206 = arith.extf %convert_element_type3A_1205 : bf16 to f32
    %mul3A_1207 = vector.broadcast %convert_element_type3A_1206 : f32 to vector<200x200xf32>
    %mul3A_1208 = arith.mulf %mul3A_1207, %convert_element_type3A_1200 : vector<200x200xf32>
    %add3A_1209 = arith.addf %mul3A_1204, %mul3A_1208 : vector<200x200xf32>
    %add3A_1210 = vector.broadcast %get3A_123 : f32 to vector<200x200xf32>
    %add3A_1211 = arith.addf %add3A_1209, %add3A_1210 : vector<200x200xf32>
    %convert_element_type3A_1212 = arith.truncf %get3A_115 : f32 to bf16
    %convert_element_type3A_1213 = arith.extf %convert_element_type3A_1212 : bf16 to f32
    %mul3A_1214 = vector.broadcast %convert_element_type3A_1213 : f32 to vector<200x200xf32>
    %mul3A_1215 = arith.mulf %mul3A_1214, %convert_element_type3A_1197 : vector<200x200xf32>
    %convert_element_type3A_1216 = arith.truncf %get3A_119 : f32 to bf16
    %convert_element_type3A_1217 = arith.extf %convert_element_type3A_1216 : bf16 to f32
    %mul3A_1218 = vector.broadcast %convert_element_type3A_1217 : f32 to vector<200x200xf32>
    %mul3A_1219 = arith.mulf %mul3A_1218, %convert_element_type3A_1200 : vector<200x200xf32>
    %add3A_1220 = arith.addf %mul3A_1215, %mul3A_1219 : vector<200x200xf32>
    %add3A_1221 = vector.broadcast %get3A_127 : f32 to vector<200x200xf32>
    %add3A_1222 = arith.addf %add3A_1220, %add3A_1221 : vector<200x200xf32>
    %convert_element_type3A_1223 = arith.fptosi %add3A_1211 : vector<200x200xf32> to vector<200x200xi32>
    %convert_element_type3A_1224 = arith.fptosi %add3A_1222 : vector<200x200xf32> to vector<200x200xi32>
    %gt3A_1225 = arith.constant 0 : i32
    %gt3A_1226 = vector.broadcast %gt3A_1225 : i32 to vector<200x200xi32>
    %gt3A_1227 = arith.cmpi sgt, %convert_element_type3A_1223, %gt3A_1226 : vector<200x200xi32>
    %lt3A_1228 = arith.constant 200 : i32
    %lt3A_1229 = vector.broadcast %lt3A_1228 : i32 to vector<200x200xi32>
    %lt3A_1230 = arith.cmpi slt, %convert_element_type3A_1223, %lt3A_1229 : vector<200x200xi32>
    %and3A_1231 = arith.andi %gt3A_1227, %lt3A_1230 : vector<200x200xi1>
    %lt3A_1232 = arith.constant 112 : i32
    %lt3A_1233 = vector.broadcast %lt3A_1232 : i32 to vector<200x200xi32>
    %lt3A_1234 = arith.cmpi slt, %convert_element_type3A_1224, %lt3A_1233 : vector<200x200xi32>
    %and3A_1235 = arith.andi %and3A_1231, %lt3A_1234 : vector<200x200xi1>
    %gt3A_1236 = arith.constant 0 : i32
    %gt3A_1237 = vector.broadcast %gt3A_1236 : i32 to vector<200x200xi32>
    %gt3A_1238 = arith.cmpi sgt, %convert_element_type3A_1224, %gt3A_1237 : vector<200x200xi32>
    %and3A_1239 = arith.andi %and3A_1235, %gt3A_1238 : vector<200x200xi1>
    %jit3A_1240 = arith.constant 0 : i32
    %jit3A_1241 = arith.constant 199 : i32
    %max3A_1242 = vector.broadcast %jit3A_1240 : i32 to vector<200x200xi32>
    %max3A_1243 = arith.maxsi %max3A_1242, %convert_element_type3A_1223 : vector<200x200xi32>
    %min3A_1244 = vector.broadcast %jit3A_1241 : i32 to vector<200x200xi32>
    %min3A_1245 = arith.minsi %min3A_1244, %max3A_1243 : vector<200x200xi32>
    %jit3A_1246 = arith.constant 0 : i32
    %jit3A_1247 = arith.constant 111 : i32
    %max3A_1248 = vector.broadcast %jit3A_1246 : i32 to vector<200x200xi32>
    %max3A_1249 = arith.maxsi %max3A_1248, %convert_element_type3A_1224 : vector<200x200xi32>
    %min3A_1250 = vector.broadcast %jit3A_1247 : i32 to vector<200x200xi32>
    %min3A_1251 = arith.minsi %min3A_1250, %max3A_1249 : vector<200x200xi32>
    %mul3A_1252 = arith.constant 200 : i32
    %mul3A_1253 = vector.broadcast %mul3A_1252 : i32 to vector<200x200xi32>
    %mul3A_1254 = arith.muli %min3A_1251, %mul3A_1253 : vector<200x200xi32>
    %add3A_1255 = arith.addi %mul3A_1254, %min3A_1245 : vector<200x200xi32>
    %jit3A_1256 = arith.constant 22400 : i32
    %broadcast_in_dim3A_1257 = vector.broadcast %jit3A_1256 : i32 to vector<200x200xi32>
    %select_n3A_1258 = arith.select %and3A_1239, %add3A_1255, %broadcast_in_dim3A_1257 : vector<200x200xi1>, vector<200x200xi32>
    %jit3A_1259 = arith.constant 22401 : i32
    %broadcast_in_dim3A_1260 = vector.broadcast %jit3A_1259 : i32 to vector<200x200xi32>
    %select_n3A_1261 = arith.select %eq3A_132, %broadcast_in_dim3A_1260, %select_n3A_1258 : vector<200x200xi32>
    %swap3A_1262 = arith.constant 0 : index
    %swap3A_1263 = arith.constant 0 : index
    %swap3A_1264 = arith.constant 3 : index
    %swap3A_1265 = arith.constant 0 : index
    %swap3A_1266 = arith.constant 0 : index
    %swap3A_1267 = vector.load %arg7[%swap3A_1262, %swap3A_1263, %swap3A_1264, %swap3A_1265, %swap3A_1266] : memref<1x1x7x200x200xi32, #tpu.memory_space<vmem>>, vector<1x1x1x200x200xi32>
    %swap3A_1268 = vector.shape_cast %swap3A_1267 : vector<1x1x1x200x200xi32> to vector<200x200xi32>
    %swap3A_1269 = vector.shape_cast %select_n3A_1261 : vector<200x200xi32> to vector<1x1x1x200x200xi32>
    tpu.vector_store %arg7[%swap3A_1262, %swap3A_1263, %swap3A_1264, %swap3A_1265, %swap3A_1266], %swap3A_1269 {strides = array<i32>} : memref<1x1x7x200x200xi32, #tpu.memory_space<vmem>>, vector<1x1x1x200x200xi32>,
    %add3A_1270 = arith.constant 0.000000e+00 : f32
    %add3A_1271 = vector.broadcast %add3A_1270 : f32 to vector<200x200xf32>
    %add3A_1272 = arith.addf %get3A_147, %add3A_1271 : vector<200x200xf32>
    %convert_element_type3A_1273 = arith.truncf %add3A_1272 : vector<200x200xf32> to vector<200x200xbf16>
    %convert_element_type3A_1274 = arith.extf %convert_element_type3A_1273 : vector<200x200xbf16> to vector<200x200xf32>
    %convert_element_type3A_1275 = arith.truncf %get3A_2 : f32 to bf16
    %convert_element_type3A_1276 = arith.extf %convert_element_type3A_1275 : bf16 to f32
    %mul3A_1277 = vector.broadcast %convert_element_type3A_1276 : f32 to vector<200x200xf32>
    %mul3A_1278 = arith.mulf %mul3A_1277, %convert_element_type3A_148 : vector<200x200xf32>
    %convert_element_type3A_1279 = arith.truncf %get3A_6 : f32 to bf16
    %convert_element_type3A_1280 = arith.extf %convert_element_type3A_1279 : bf16 to f32
    %mul3A_1281 = vector.broadcast %convert_element_type3A_1280 : f32 to vector<200x200xf32>
    %mul3A_1282 = arith.mulf %mul3A_1281, %convert_element_type3A_150 : vector<200x200xf32>
    %add3A_1283 = arith.addf %mul3A_1278, %mul3A_1282 : vector<200x200xf32>
    %convert_element_type3A_1284 = arith.truncf %get3A_10 : f32 to bf16
    %convert_element_type3A_1285 = arith.extf %convert_element_type3A_1284 : bf16 to f32
    %mul3A_1286 = vector.broadcast %convert_element_type3A_1285 : f32 to vector<200x200xf32>
    %mul3A_1287 = arith.mulf %mul3A_1286, %convert_element_type3A_1274 : vector<200x200xf32>
    %add3A_1288 = arith.addf %add3A_1283, %mul3A_1287 : vector<200x200xf32>
    %add3A_1289 = vector.broadcast %get3A_14 : f32 to vector<200x200xf32>
    %add3A_1290 = arith.addf %add3A_1288, %add3A_1289 : vector<200x200xf32>
    %convert_element_type3A_1291 = arith.truncf %get3A_18 : f32 to bf16
    %convert_element_type3A_1292 = arith.extf %convert_element_type3A_1291 : bf16 to f32
    %mul3A_1293 = vector.broadcast %convert_element_type3A_1292 : f32 to vector<200x200xf32>
    %mul3A_1294 = arith.mulf %mul3A_1293, %convert_element_type3A_148 : vector<200x200xf32>
    %convert_element_type3A_1295 = arith.truncf %get3A_22 : f32 to bf16
    %convert_element_type3A_1296 = arith.extf %convert_element_type3A_1295 : bf16 to f32
    %mul3A_1297 = vector.broadcast %convert_element_type3A_1296 : f32 to vector<200x200xf32>
    %mul3A_1298 = arith.mulf %mul3A_1297, %convert_element_type3A_150 : vector<200x200xf32>
    %add3A_1299 = arith.addf %mul3A_1294, %mul3A_1298 : vector<200x200xf32>
    %convert_element_type3A_1300 = arith.truncf %get3A_26 : f32 to bf16
    %convert_element_type3A_1301 = arith.extf %convert_element_type3A_1300 : bf16 to f32
    %mul3A_1302 = vector.broadcast %convert_element_type3A_1301 : f32 to vector<200x200xf32>
    %mul3A_1303 = arith.mulf %mul3A_1302, %convert_element_type3A_1274 : vector<200x200xf32>
    %add3A_1304 = arith.addf %add3A_1299, %mul3A_1303 : vector<200x200xf32>
    %add3A_1305 = vector.broadcast %get3A_30 : f32 to vector<200x200xf32>
    %add3A_1306 = arith.addf %add3A_1304, %add3A_1305 : vector<200x200xf32>
    %convert_element_type3A_1307 = arith.truncf %get3A_34 : f32 to bf16
    %convert_element_type3A_1308 = arith.extf %convert_element_type3A_1307 : bf16 to f32
    %mul3A_1309 = vector.broadcast %convert_element_type3A_1308 : f32 to vector<200x200xf32>
    %mul3A_1310 = arith.mulf %mul3A_1309, %convert_element_type3A_148 : vector<200x200xf32>
    %convert_element_type3A_1311 = arith.truncf %get3A_38 : f32 to bf16
    %convert_element_type3A_1312 = arith.extf %convert_element_type3A_1311 : bf16 to f32
    %mul3A_1313 = vector.broadcast %convert_element_type3A_1312 : f32 to vector<200x200xf32>
    %mul3A_1314 = arith.mulf %mul3A_1313, %convert_element_type3A_150 : vector<200x200xf32>
    %add3A_1315 = arith.addf %mul3A_1310, %mul3A_1314 : vector<200x200xf32>
    %convert_element_type3A_1316 = arith.truncf %get3A_42 : f32 to bf16
    %convert_element_type3A_1317 = arith.extf %convert_element_type3A_1316 : bf16 to f32
    %mul3A_1318 = vector.broadcast %convert_element_type3A_1317 : f32 to vector<200x200xf32>
    %mul3A_1319 = arith.mulf %mul3A_1318, %convert_element_type3A_1274 : vector<200x200xf32>
    %add3A_1320 = arith.addf %add3A_1315, %mul3A_1319 : vector<200x200xf32>
    %add3A_1321 = vector.broadcast %get3A_46 : f32 to vector<200x200xf32>
    %add3A_1322 = arith.addf %add3A_1320, %add3A_1321 : vector<200x200xf32>
    %gt3A_1323 = arith.constant 0.000000e+00 : f32
    %gt3A_1324 = vector.broadcast %gt3A_1323 : f32 to vector<200x200xf32>
    %gt3A_1325 = arith.cmpf ogt, %add3A_1322, %gt3A_1324 : vector<200x200xf32>
    %convert_element_type3A_1326 = arith.extui %gt3A_1325 : vector<200x200xi1> to vector<200x200xi32>
    %convert_element_type3A_1327 = arith.sitofp %convert_element_type3A_1326 : vector<200x200xi32> to vector<200x200xf32>
    %mul3A_1328 = arith.mulf %add3A_1290, %convert_element_type3A_1327 : vector<200x200xf32>
    %div3A_1329 = arith.divf %mul3A_1328, %add3A_1322 : vector<200x200xf32>
    %mul3A_1330 = arith.mulf %add3A_1306, %convert_element_type3A_1327 : vector<200x200xf32>
    %div3A_1331 = arith.divf %mul3A_1330, %add3A_1322 : vector<200x200xf32>
    %sub3A_1332 = vector.broadcast %get3A_58 : f32 to vector<200x200xf32>
    %sub3A_1333 = arith.subf %div3A_1329, %sub3A_1332 : vector<200x200xf32>
    %div3A_1334 = vector.broadcast %get3A_50 : f32 to vector<200x200xf32>
    %div3A_1335 = arith.divf %sub3A_1333, %div3A_1334 : vector<200x200xf32>
    %sub3A_1336 = vector.broadcast %get3A_62 : f32 to vector<200x200xf32>
    %sub3A_1337 = arith.subf %div3A_1331, %sub3A_1336 : vector<200x200xf32>
    %div3A_1338 = vector.broadcast %get3A_54 : f32 to vector<200x200xf32>
    %div3A_1339 = arith.divf %sub3A_1337, %div3A_1338 : vector<200x200xf32>
    %mul3A_1340 = arith.mulf %div3A_1335, %div3A_1335 : vector<200x200xf32>
    %mul3A_1341 = arith.mulf %div3A_1339, %div3A_1339 : vector<200x200xf32>
    %add3A_1342 = arith.addf %mul3A_1340, %mul3A_1341 : vector<200x200xf32>
    %sqrt3A_1343 = math.sqrt %add3A_1342 : vector<200x200xf32>
    %gt3A_1344 = arith.constant 2.41421366 : f32
    %gt3A_1345 = vector.broadcast %gt3A_1344 : f32 to vector<200x200xf32>
    %gt3A_1346 = arith.cmpf ogt, %sqrt3A_1343, %gt3A_1345 : vector<200x200xf32>
    %gt3A_1347 = arith.constant 0.414213568 : f32
    %gt3A_1348 = vector.broadcast %gt3A_1347 : f32 to vector<200x200xf32>
    %gt3A_1349 = arith.cmpf ogt, %sqrt3A_1343, %gt3A_1348 : vector<200x200xf32>
    %div3A_1350 = arith.constant -1.000000e+00 : f32
    %div3A_1351 = vector.broadcast %div3A_1350 : f32 to vector<200x200xf32>
    %div3A_1352 = arith.divf %div3A_1351, %sqrt3A_1343 : vector<200x200xf32>
    %sub3A_1353 = arith.constant 1.000000e+00 : f32
    %sub3A_1354 = vector.broadcast %sub3A_1353 : f32 to vector<200x200xf32>
    %sub3A_1355 = arith.subf %sqrt3A_1343, %sub3A_1354 : vector<200x200xf32>
    %add3A_1356 = arith.constant 1.000000e+00 : f32
    %add3A_1357 = vector.broadcast %add3A_1356 : f32 to vector<200x200xf32>
    %add3A_1358 = arith.addf %sqrt3A_1343, %add3A_1357 : vector<200x200xf32>
    %div3A_1359 = arith.divf %sub3A_1355, %add3A_1358 : vector<200x200xf32>
    %select_n3A_1360 = arith.select %gt3A_1349, %div3A_1359, %sqrt3A_1343 : vector<200x200xi1>, vector<200x200xf32>
    %select_n3A_1361 = arith.select %gt3A_1346, %div3A_1352, %select_n3A_1360 : vector<200x200xi1>, vector<200x200xf32>
    %jit3A_1362 = arith.constant 0.785398185 : f32
    %jit3A_1363 = arith.constant 0.000000e+00 : f32
    %broadcast_in_dim3A_1364 = vector.broadcast %jit3A_1362 : f32 to vector<200x200xf32>
    %broadcast_in_dim3A_1365 = vector.broadcast %jit3A_1363 : f32 to vector<200x200xf32>
    %select_n3A_1366 = arith.select %gt3A_1349, %broadcast_in_dim3A_1364, %broadcast_in_dim3A_1365 : vector<200x200xi1>, vector<200x200xf32>
    %jit3A_1367 = arith.constant 1.57079637 : f32
    %broadcast_in_dim3A_1368 = vector.broadcast %jit3A_1367 : f32 to vector<200x200xf32>
    %select_n3A_1369 = arith.select %gt3A_1346, %broadcast_in_dim3A_1368, %select_n3A_1366 : vector<200x200xi1>, vector<200x200xf32>
    %mul3A_1370 = arith.mulf %select_n3A_1361, %select_n3A_1361 : vector<200x200xf32>
    %mul3A_1371 = arith.constant 0.0805374458 : f32
    %mul3A_1372 = vector.broadcast %mul3A_1371 : f32 to vector<200x200xf32>
    %mul3A_1373 = arith.mulf %mul3A_1372, %mul3A_1370 : vector<200x200xf32>
    %sub3A_1374 = arith.constant 0.138776854 : f32
    %sub3A_1375 = vector.broadcast %sub3A_1374 : f32 to vector<200x200xf32>
    %sub3A_1376 = arith.subf %mul3A_1373, %sub3A_1375 : vector<200x200xf32>
    %mul3A_1377 = arith.mulf %sub3A_1376, %mul3A_1370 : vector<200x200xf32>
    %add3A_1378 = arith.constant 0.199777111 : f32
    %add3A_1379 = vector.broadcast %add3A_1378 : f32 to vector<200x200xf32>
    %add3A_1380 = arith.addf %mul3A_1377, %add3A_1379 : vector<200x200xf32>
    %mul3A_1381 = arith.mulf %add3A_1380, %mul3A_1370 : vector<200x200xf32>
    %sub3A_1382 = arith.constant 0.333329499 : f32
    %sub3A_1383 = vector.broadcast %sub3A_1382 : f32 to vector<200x200xf32>
    %sub3A_1384 = arith.subf %mul3A_1381, %sub3A_1383 : vector<200x200xf32>
    %mul3A_1385 = arith.mulf %sub3A_1384, %mul3A_1370 : vector<200x200xf32>
    %mul3A_1386 = arith.mulf %mul3A_1385, %select_n3A_1361 : vector<200x200xf32>
    %add3A_1387 = arith.addf %mul3A_1386, %select_n3A_1361 : vector<200x200xf32>
    %add3A_1388 = arith.addf %select_n3A_1369, %add3A_1387 : vector<200x200xf32>
    %mul3A_1389 = arith.mulf %add3A_1388, %add3A_1388 : vector<200x200xf32>
    %mul3A_1390 = arith.mulf %mul3A_1389, %mul3A_1389 : vector<200x200xf32>
    %mul3A_1391 = vector.broadcast %get3A_66 : f32 to vector<200x200xf32>
    %mul3A_1392 = arith.mulf %mul3A_1391, %mul3A_1389 : vector<200x200xf32>
    %add3A_1393 = arith.constant 1.000000e+00 : f32
    %add3A_1394 = vector.broadcast %add3A_1393 : f32 to vector<200x200xf32>
    %add3A_1395 = arith.addf %add3A_1394, %mul3A_1392 : vector<200x200xf32>
    %mul3A_1396 = vector.broadcast %get3A_70 : f32 to vector<200x200xf32>
    %mul3A_1397 = arith.mulf %mul3A_1396, %mul3A_1390 : vector<200x200xf32>
    %add3A_1398 = arith.addf %add3A_1395, %mul3A_1397 : vector<200x200xf32>
    %mul3A_1399 = vector.broadcast %get3A_74 : f32 to vector<200x200xf32>
    %mul3A_1400 = arith.mulf %mul3A_1399, %mul3A_1390 : vector<200x200xf32>
    %mul3A_1401 = arith.mulf %mul3A_1400, %mul3A_1389 : vector<200x200xf32>
    %add3A_1402 = arith.addf %add3A_1398, %mul3A_1401 : vector<200x200xf32>
    %mul3A_1403 = vector.broadcast %get3A_78 : f32 to vector<200x200xf32>
    %mul3A_1404 = arith.mulf %mul3A_1403, %mul3A_1390 : vector<200x200xf32>
    %mul3A_1405 = arith.mulf %mul3A_1404, %mul3A_1390 : vector<200x200xf32>
    %add3A_1406 = arith.addf %add3A_1402, %mul3A_1405 : vector<200x200xf32>
    %mul3A_1407 = arith.mulf %add3A_1388, %add3A_1406 : vector<200x200xf32>
    %div3A_1408 = arith.divf %mul3A_1407, %sqrt3A_1343 : vector<200x200xf32>
    %mul3A_1409 = arith.mulf %div3A_1335, %div3A_1408 : vector<200x200xf32>
    %mul3A_1410 = vector.broadcast %get3A_50 : f32 to vector<200x200xf32>
    %mul3A_1411 = arith.mulf %mul3A_1409, %mul3A_1410 : vector<200x200xf32>
    %add3A_1412 = vector.broadcast %get3A_58 : f32 to vector<200x200xf32>
    %add3A_1413 = arith.addf %mul3A_1411, %add3A_1412 : vector<200x200xf32>
    %mul3A_1414 = arith.mulf %add3A_1413, %convert_element_type3A_1327 : vector<200x200xf32>
    %mul3A_1415 = arith.mulf %div3A_1339, %div3A_1408 : vector<200x200xf32>
    %mul3A_1416 = vector.broadcast %get3A_54 : f32 to vector<200x200xf32>
    %mul3A_1417 = arith.mulf %mul3A_1415, %mul3A_1416 : vector<200x200xf32>
    %add3A_1418 = vector.broadcast %get3A_62 : f32 to vector<200x200xf32>
    %add3A_1419 = arith.addf %mul3A_1417, %add3A_1418 : vector<200x200xf32>
    %mul3A_1420 = arith.mulf %add3A_1419, %convert_element_type3A_1327 : vector<200x200xf32>
    %mul3A_1421 = arith.mulf %div3A_1335, %div3A_1335 : vector<200x200xf32>
    %mul3A_1422 = arith.mulf %div3A_1339, %div3A_1339 : vector<200x200xf32>
    %add3A_1423 = arith.addf %mul3A_1421, %mul3A_1422 : vector<200x200xf32>
    %mul3A_1424 = vector.broadcast %get3A_82 : f32 to vector<200x200xf32>
    %mul3A_1425 = arith.mulf %mul3A_1424, %add3A_1423 : vector<200x200xf32>
    %add3A_1426 = arith.constant 1.000000e+00 : f32
    %add3A_1427 = vector.broadcast %add3A_1426 : f32 to vector<200x200xf32>
    %add3A_1428 = arith.addf %add3A_1427, %mul3A_1425 : vector<200x200xf32>
    %mul3A_1429 = vector.broadcast %get3A_86 : f32 to vector<200x200xf32>
    %mul3A_1430 = arith.mulf %mul3A_1429, %add3A_1423 : vector<200x200xf32>
    %mul3A_1431 = arith.mulf %mul3A_1430, %add3A_1423 : vector<200x200xf32>
    %add3A_1432 = arith.addf %add3A_1428, %mul3A_1431 : vector<200x200xf32>
    %mul3A_1433 = vector.broadcast %get3A_90 : f32 to vector<200x200xf32>
    %mul3A_1434 = arith.mulf %mul3A_1433, %add3A_1423 : vector<200x200xf32>
    %mul3A_1435 = arith.mulf %mul3A_1434, %add3A_1423 : vector<200x200xf32>
    %mul3A_1436 = arith.mulf %mul3A_1435, %add3A_1423 : vector<200x200xf32>
    %add3A_1437 = arith.addf %add3A_1432, %mul3A_1436 : vector<200x200xf32>
    %mul3A_1438 = arith.mulf %div3A_1335, %add3A_1437 : vector<200x200xf32>
    %mul3A_1439 = arith.constant 2.000000e+00 : f32
    %mul3A_1440 = arith.mulf %mul3A_1439, %get3A_94 : f32
    %mul3A_1441 = vector.broadcast %mul3A_1440 : f32 to vector<200x200xf32>
    %mul3A_1442 = arith.mulf %mul3A_1441, %div3A_1335 : vector<200x200xf32>
    %mul3A_1443 = arith.mulf %mul3A_1442, %div3A_1339 : vector<200x200xf32>
    %mul3A_1444 = arith.constant 2.000000e+00 : f32
    %mul3A_1445 = vector.broadcast %mul3A_1444 : f32 to vector<200x200xf32>
    %mul3A_1446 = arith.mulf %mul3A_1445, %div3A_1335 : vector<200x200xf32>
    %mul3A_1447 = arith.mulf %mul3A_1446, %div3A_1335 : vector<200x200xf32>
    %add3A_1448 = arith.addf %add3A_1423, %mul3A_1447 : vector<200x200xf32>
    %mul3A_1449 = vector.broadcast %get3A_98 : f32 to vector<200x200xf32>
    %mul3A_1450 = arith.mulf %mul3A_1449, %add3A_1448 : vector<200x200xf32>
    %add3A_1451 = arith.addf %mul3A_1443, %mul3A_1450 : vector<200x200xf32>
    %add3A_1452 = arith.addf %mul3A_1438, %add3A_1451 : vector<200x200xf32>
    %mul3A_1453 = vector.broadcast %get3A_50 : f32 to vector<200x200xf32>
    %mul3A_1454 = arith.mulf %add3A_1452, %mul3A_1453 : vector<200x200xf32>
    %add3A_1455 = vector.broadcast %get3A_58 : f32 to vector<200x200xf32>
    %add3A_1456 = arith.addf %mul3A_1454, %add3A_1455 : vector<200x200xf32>
    %mul3A_1457 = arith.mulf %div3A_1339, %add3A_1437 : vector<200x200xf32>
    %mul3A_1458 = arith.constant 2.000000e+00 : f32
    %mul3A_1459 = vector.broadcast %mul3A_1458 : f32 to vector<200x200xf32>
    %mul3A_1460 = arith.mulf %mul3A_1459, %div3A_1339 : vector<200x200xf32>
    %mul3A_1461 = arith.mulf %mul3A_1460, %div3A_1339 : vector<200x200xf32>
    %add3A_1462 = arith.addf %add3A_1423, %mul3A_1461 : vector<200x200xf32>
    %mul3A_1463 = vector.broadcast %get3A_94 : f32 to vector<200x200xf32>
    %mul3A_1464 = arith.mulf %mul3A_1463, %add3A_1462 : vector<200x200xf32>
    %mul3A_1465 = arith.constant 2.000000e+00 : f32
    %mul3A_1466 = arith.mulf %mul3A_1465, %get3A_98 : f32
    %mul3A_1467 = vector.broadcast %mul3A_1466 : f32 to vector<200x200xf32>
    %mul3A_1468 = arith.mulf %mul3A_1467, %div3A_1335 : vector<200x200xf32>
    %mul3A_1469 = arith.mulf %mul3A_1468, %div3A_1339 : vector<200x200xf32>
    %add3A_1470 = arith.addf %mul3A_1464, %mul3A_1469 : vector<200x200xf32>
    %add3A_1471 = arith.addf %mul3A_1457, %add3A_1470 : vector<200x200xf32>
    %mul3A_1472 = vector.broadcast %get3A_54 : f32 to vector<200x200xf32>
    %mul3A_1473 = arith.mulf %add3A_1471, %mul3A_1472 : vector<200x200xf32>
    %add3A_1474 = vector.broadcast %get3A_62 : f32 to vector<200x200xf32>
    %add3A_1475 = arith.addf %mul3A_1473, %add3A_1474 : vector<200x200xf32>
    %mul3A_1476 = arith.mulf %add3A_1456, %convert_element_type3A_1327 : vector<200x200xf32>
    %mul3A_1477 = arith.mulf %add3A_1475, %convert_element_type3A_1327 : vector<200x200xf32>
    %select_n3A_1478 = arith.select %gt3A_103, %mul3A_1414, %mul3A_1476 : vector<200x200xf32>
    %convert_element_type3A_1479 = arith.truncf %select_n3A_1478 : vector<200x200xf32> to vector<200x200xbf16>
    %convert_element_type3A_1480 = arith.extf %convert_element_type3A_1479 : vector<200x200xbf16> to vector<200x200xf32>
    %select_n3A_1481 = arith.select %gt3A_103, %mul3A_1420, %mul3A_1477 : vector<200x200xf32>
    %convert_element_type3A_1482 = arith.truncf %select_n3A_1481 : vector<200x200xf32> to vector<200x200xbf16>
    %convert_element_type3A_1483 = arith.extf %convert_element_type3A_1482 : vector<200x200xbf16> to vector<200x200xf32>
    %convert_element_type3A_1484 = arith.truncf %get3A_107 : f32 to bf16
    %convert_element_type3A_1485 = arith.extf %convert_element_type3A_1484 : bf16 to f32
    %mul3A_1486 = vector.broadcast %convert_element_type3A_1485 : f32 to vector<200x200xf32>
    %mul3A_1487 = arith.mulf %mul3A_1486, %convert_element_type3A_1480 : vector<200x200xf32>
    %convert_element_type3A_1488 = arith.truncf %get3A_111 : f32 to bf16
    %convert_element_type3A_1489 = arith.extf %convert_element_type3A_1488 : bf16 to f32
    %mul3A_1490 = vector.broadcast %convert_element_type3A_1489 : f32 to vector<200x200xf32>
    %mul3A_1491 = arith.mulf %mul3A_1490, %convert_element_type3A_1483 : vector<200x200xf32>
    %add3A_1492 = arith.addf %mul3A_1487, %mul3A_1491 : vector<200x200xf32>
    %add3A_1493 = vector.broadcast %get3A_123 : f32 to vector<200x200xf32>
    %add3A_1494 = arith.addf %add3A_1492, %add3A_1493 : vector<200x200xf32>
    %convert_element_type3A_1495 = arith.truncf %get3A_115 : f32 to bf16
    %convert_element_type3A_1496 = arith.extf %convert_element_type3A_1495 : bf16 to f32
    %mul3A_1497 = vector.broadcast %convert_element_type3A_1496 : f32 to vector<200x200xf32>
    %mul3A_1498 = arith.mulf %mul3A_1497, %convert_element_type3A_1480 : vector<200x200xf32>
    %convert_element_type3A_1499 = arith.truncf %get3A_119 : f32 to bf16
    %convert_element_type3A_1500 = arith.extf %convert_element_type3A_1499 : bf16 to f32
    %mul3A_1501 = vector.broadcast %convert_element_type3A_1500 : f32 to vector<200x200xf32>
    %mul3A_1502 = arith.mulf %mul3A_1501, %convert_element_type3A_1483 : vector<200x200xf32>
    %add3A_1503 = arith.addf %mul3A_1498, %mul3A_1502 : vector<200x200xf32>
    %add3A_1504 = vector.broadcast %get3A_127 : f32 to vector<200x200xf32>
    %add3A_1505 = arith.addf %add3A_1503, %add3A_1504 : vector<200x200xf32>
    %convert_element_type3A_1506 = arith.fptosi %add3A_1494 : vector<200x200xf32> to vector<200x200xi32>
    %convert_element_type3A_1507 = arith.fptosi %add3A_1505 : vector<200x200xf32> to vector<200x200xi32>
    %gt3A_1508 = arith.constant 0 : i32
    %gt3A_1509 = vector.broadcast %gt3A_1508 : i32 to vector<200x200xi32>
    %gt3A_1510 = arith.cmpi sgt, %convert_element_type3A_1506, %gt3A_1509 : vector<200x200xi32>
    %lt3A_1511 = arith.constant 200 : i32
    %lt3A_1512 = vector.broadcast %lt3A_1511 : i32 to vector<200x200xi32>
    %lt3A_1513 = arith.cmpi slt, %convert_element_type3A_1506, %lt3A_1512 : vector<200x200xi32>
    %and3A_1514 = arith.andi %gt3A_1510, %lt3A_1513 : vector<200x200xi1>
    %lt3A_1515 = arith.constant 112 : i32
    %lt3A_1516 = vector.broadcast %lt3A_1515 : i32 to vector<200x200xi32>
    %lt3A_1517 = arith.cmpi slt, %convert_element_type3A_1507, %lt3A_1516 : vector<200x200xi32>
    %and3A_1518 = arith.andi %and3A_1514, %lt3A_1517 : vector<200x200xi1>
    %gt3A_1519 = arith.constant 0 : i32
    %gt3A_1520 = vector.broadcast %gt3A_1519 : i32 to vector<200x200xi32>
    %gt3A_1521 = arith.cmpi sgt, %convert_element_type3A_1507, %gt3A_1520 : vector<200x200xi32>
    %and3A_1522 = arith.andi %and3A_1518, %gt3A_1521 : vector<200x200xi1>
    %jit3A_1523 = arith.constant 0 : i32
    %jit3A_1524 = arith.constant 199 : i32
    %max3A_1525 = vector.broadcast %jit3A_1523 : i32 to vector<200x200xi32>
    %max3A_1526 = arith.maxsi %max3A_1525, %convert_element_type3A_1506 : vector<200x200xi32>
    %min3A_1527 = vector.broadcast %jit3A_1524 : i32 to vector<200x200xi32>
    %min3A_1528 = arith.minsi %min3A_1527, %max3A_1526 : vector<200x200xi32>
    %jit3A_1529 = arith.constant 0 : i32
    %jit3A_1530 = arith.constant 111 : i32
    %max3A_1531 = vector.broadcast %jit3A_1529 : i32 to vector<200x200xi32>
    %max3A_1532 = arith.maxsi %max3A_1531, %convert_element_type3A_1507 : vector<200x200xi32>
    %min3A_1533 = vector.broadcast %jit3A_1530 : i32 to vector<200x200xi32>
    %min3A_1534 = arith.minsi %min3A_1533, %max3A_1532 : vector<200x200xi32>
    %mul3A_1535 = arith.constant 200 : i32
    %mul3A_1536 = vector.broadcast %mul3A_1535 : i32 to vector<200x200xi32>
    %mul3A_1537 = arith.muli %min3A_1534, %mul3A_1536 : vector<200x200xi32>
    %add3A_1538 = arith.addi %mul3A_1537, %min3A_1528 : vector<200x200xi32>
    %jit3A_1539 = arith.constant 22400 : i32
    %broadcast_in_dim3A_1540 = vector.broadcast %jit3A_1539 : i32 to vector<200x200xi32>
    %select_n3A_1541 = arith.select %and3A_1522, %add3A_1538, %broadcast_in_dim3A_1540 : vector<200x200xi1>, vector<200x200xi32>
    %jit3A_1542 = arith.constant 22401 : i32
    %broadcast_in_dim3A_1543 = vector.broadcast %jit3A_1542 : i32 to vector<200x200xi32>
    %select_n3A_1544 = arith.select %eq3A_132, %broadcast_in_dim3A_1543, %select_n3A_1541 : vector<200x200xi32>
    %swap3A_1545 = arith.constant 0 : index
    %swap3A_1546 = arith.constant 0 : index
    %swap3A_1547 = arith.constant 4 : index
    %swap3A_1548 = arith.constant 0 : index
    %swap3A_1549 = arith.constant 0 : index
    %swap3A_1550 = vector.load %arg7[%swap3A_1545, %swap3A_1546, %swap3A_1547, %swap3A_1548, %swap3A_1549] : memref<1x1x7x200x200xi32, #tpu.memory_space<vmem>>, vector<1x1x1x200x200xi32>
    %swap3A_1551 = vector.shape_cast %swap3A_1550 : vector<1x1x1x200x200xi32> to vector<200x200xi32>
    %swap3A_1552 = vector.shape_cast %select_n3A_1544 : vector<200x200xi32> to vector<1x1x1x200x200xi32>
    tpu.vector_store %arg7[%swap3A_1545, %swap3A_1546, %swap3A_1547, %swap3A_1548, %swap3A_1549], %swap3A_1552 {strides = array<i32>} : memref<1x1x7x200x200xi32, #tpu.memory_space<vmem>>, vector<1x1x1x200x200xi32>,
    %add3A_1553 = arith.constant -5.000000e-01 : f32
    %add3A_1554 = vector.broadcast %add3A_1553 : f32 to vector<200x200xf32>
    %add3A_1555 = arith.addf %get3A_147, %add3A_1554 : vector<200x200xf32>
    %convert_element_type3A_1556 = arith.truncf %add3A_1555 : vector<200x200xf32> to vector<200x200xbf16>
    %convert_element_type3A_1557 = arith.extf %convert_element_type3A_1556 : vector<200x200xbf16> to vector<200x200xf32>
    %convert_element_type3A_1558 = arith.truncf %get3A_2 : f32 to bf16
    %convert_element_type3A_1559 = arith.extf %convert_element_type3A_1558 : bf16 to f32
    %mul3A_1560 = vector.broadcast %convert_element_type3A_1559 : f32 to vector<200x200xf32>
    %mul3A_1561 = arith.mulf %mul3A_1560, %convert_element_type3A_148 : vector<200x200xf32>
    %convert_element_type3A_1562 = arith.truncf %get3A_6 : f32 to bf16
    %convert_element_type3A_1563 = arith.extf %convert_element_type3A_1562 : bf16 to f32
    %mul3A_1564 = vector.broadcast %convert_element_type3A_1563 : f32 to vector<200x200xf32>
    %mul3A_1565 = arith.mulf %mul3A_1564, %convert_element_type3A_150 : vector<200x200xf32>
    %add3A_1566 = arith.addf %mul3A_1561, %mul3A_1565 : vector<200x200xf32>
    %convert_element_type3A_1567 = arith.truncf %get3A_10 : f32 to bf16
    %convert_element_type3A_1568 = arith.extf %convert_element_type3A_1567 : bf16 to f32
    %mul3A_1569 = vector.broadcast %convert_element_type3A_1568 : f32 to vector<200x200xf32>
    %mul3A_1570 = arith.mulf %mul3A_1569, %convert_element_type3A_1557 : vector<200x200xf32>
    %add3A_1571 = arith.addf %add3A_1566, %mul3A_1570 : vector<200x200xf32>
    %add3A_1572 = vector.broadcast %get3A_14 : f32 to vector<200x200xf32>
    %add3A_1573 = arith.addf %add3A_1571, %add3A_1572 : vector<200x200xf32>
    %convert_element_type3A_1574 = arith.truncf %get3A_18 : f32 to bf16
    %convert_element_type3A_1575 = arith.extf %convert_element_type3A_1574 : bf16 to f32
    %mul3A_1576 = vector.broadcast %convert_element_type3A_1575 : f32 to vector<200x200xf32>
    %mul3A_1577 = arith.mulf %mul3A_1576, %convert_element_type3A_148 : vector<200x200xf32>
    %convert_element_type3A_1578 = arith.truncf %get3A_22 : f32 to bf16
    %convert_element_type3A_1579 = arith.extf %convert_element_type3A_1578 : bf16 to f32
    %mul3A_1580 = vector.broadcast %convert_element_type3A_1579 : f32 to vector<200x200xf32>
    %mul3A_1581 = arith.mulf %mul3A_1580, %convert_element_type3A_150 : vector<200x200xf32>
    %add3A_1582 = arith.addf %mul3A_1577, %mul3A_1581 : vector<200x200xf32>
    %convert_element_type3A_1583 = arith.truncf %get3A_26 : f32 to bf16
    %convert_element_type3A_1584 = arith.extf %convert_element_type3A_1583 : bf16 to f32
    %mul3A_1585 = vector.broadcast %convert_element_type3A_1584 : f32 to vector<200x200xf32>
    %mul3A_1586 = arith.mulf %mul3A_1585, %convert_element_type3A_1557 : vector<200x200xf32>
    %add3A_1587 = arith.addf %add3A_1582, %mul3A_1586 : vector<200x200xf32>
    %add3A_1588 = vector.broadcast %get3A_30 : f32 to vector<200x200xf32>
    %add3A_1589 = arith.addf %add3A_1587, %add3A_1588 : vector<200x200xf32>
    %convert_element_type3A_1590 = arith.truncf %get3A_34 : f32 to bf16
    %convert_element_type3A_1591 = arith.extf %convert_element_type3A_1590 : bf16 to f32
    %mul3A_1592 = vector.broadcast %convert_element_type3A_1591 : f32 to vector<200x200xf32>
    %mul3A_1593 = arith.mulf %mul3A_1592, %convert_element_type3A_148 : vector<200x200xf32>
    %convert_element_type3A_1594 = arith.truncf %get3A_38 : f32 to bf16
    %convert_element_type3A_1595 = arith.extf %convert_element_type3A_1594 : bf16 to f32
    %mul3A_1596 = vector.broadcast %convert_element_type3A_1595 : f32 to vector<200x200xf32>
    %mul3A_1597 = arith.mulf %mul3A_1596, %convert_element_type3A_150 : vector<200x200xf32>
    %add3A_1598 = arith.addf %mul3A_1593, %mul3A_1597 : vector<200x200xf32>
    %convert_element_type3A_1599 = arith.truncf %get3A_42 : f32 to bf16
    %convert_element_type3A_1600 = arith.extf %convert_element_type3A_1599 : bf16 to f32
    %mul3A_1601 = vector.broadcast %convert_element_type3A_1600 : f32 to vector<200x200xf32>
    %mul3A_1602 = arith.mulf %mul3A_1601, %convert_element_type3A_1557 : vector<200x200xf32>
    %add3A_1603 = arith.addf %add3A_1598, %mul3A_1602 : vector<200x200xf32>
    %add3A_1604 = vector.broadcast %get3A_46 : f32 to vector<200x200xf32>
    %add3A_1605 = arith.addf %add3A_1603, %add3A_1604 : vector<200x200xf32>
    %gt3A_1606 = arith.constant 0.000000e+00 : f32
    %gt3A_1607 = vector.broadcast %gt3A_1606 : f32 to vector<200x200xf32>
    %gt3A_1608 = arith.cmpf ogt, %add3A_1605, %gt3A_1607 : vector<200x200xf32>
    %convert_element_type3A_1609 = arith.extui %gt3A_1608 : vector<200x200xi1> to vector<200x200xi32>
    %convert_element_type3A_1610 = arith.sitofp %convert_element_type3A_1609 : vector<200x200xi32> to vector<200x200xf32>
    %mul3A_1611 = arith.mulf %add3A_1573, %convert_element_type3A_1610 : vector<200x200xf32>
    %div3A_1612 = arith.divf %mul3A_1611, %add3A_1605 : vector<200x200xf32>
    %mul3A_1613 = arith.mulf %add3A_1589, %convert_element_type3A_1610 : vector<200x200xf32>
    %div3A_1614 = arith.divf %mul3A_1613, %add3A_1605 : vector<200x200xf32>
    %sub3A_1615 = vector.broadcast %get3A_58 : f32 to vector<200x200xf32>
    %sub3A_1616 = arith.subf %div3A_1612, %sub3A_1615 : vector<200x200xf32>
    %div3A_1617 = vector.broadcast %get3A_50 : f32 to vector<200x200xf32>
    %div3A_1618 = arith.divf %sub3A_1616, %div3A_1617 : vector<200x200xf32>
    %sub3A_1619 = vector.broadcast %get3A_62 : f32 to vector<200x200xf32>
    %sub3A_1620 = arith.subf %div3A_1614, %sub3A_1619 : vector<200x200xf32>
    %div3A_1621 = vector.broadcast %get3A_54 : f32 to vector<200x200xf32>
    %div3A_1622 = arith.divf %sub3A_1620, %div3A_1621 : vector<200x200xf32>
    %mul3A_1623 = arith.mulf %div3A_1618, %div3A_1618 : vector<200x200xf32>
    %mul3A_1624 = arith.mulf %div3A_1622, %div3A_1622 : vector<200x200xf32>
    %add3A_1625 = arith.addf %mul3A_1623, %mul3A_1624 : vector<200x200xf32>
    %sqrt3A_1626 = math.sqrt %add3A_1625 : vector<200x200xf32>
    %gt3A_1627 = arith.constant 2.41421366 : f32
    %gt3A_1628 = vector.broadcast %gt3A_1627 : f32 to vector<200x200xf32>
    %gt3A_1629 = arith.cmpf ogt, %sqrt3A_1626, %gt3A_1628 : vector<200x200xf32>
    %gt3A_1630 = arith.constant 0.414213568 : f32
    %gt3A_1631 = vector.broadcast %gt3A_1630 : f32 to vector<200x200xf32>
    %gt3A_1632 = arith.cmpf ogt, %sqrt3A_1626, %gt3A_1631 : vector<200x200xf32>
    %div3A_1633 = arith.constant -1.000000e+00 : f32
    %div3A_1634 = vector.broadcast %div3A_1633 : f32 to vector<200x200xf32>
    %div3A_1635 = arith.divf %div3A_1634, %sqrt3A_1626 : vector<200x200xf32>
    %sub3A_1636 = arith.constant 1.000000e+00 : f32
    %sub3A_1637 = vector.broadcast %sub3A_1636 : f32 to vector<200x200xf32>
    %sub3A_1638 = arith.subf %sqrt3A_1626, %sub3A_1637 : vector<200x200xf32>
    %add3A_1639 = arith.constant 1.000000e+00 : f32
    %add3A_1640 = vector.broadcast %add3A_1639 : f32 to vector<200x200xf32>
    %add3A_1641 = arith.addf %sqrt3A_1626, %add3A_1640 : vector<200x200xf32>
    %div3A_1642 = arith.divf %sub3A_1638, %add3A_1641 : vector<200x200xf32>
    %select_n3A_1643 = arith.select %gt3A_1632, %div3A_1642, %sqrt3A_1626 : vector<200x200xi1>, vector<200x200xf32>
    %select_n3A_1644 = arith.select %gt3A_1629, %div3A_1635, %select_n3A_1643 : vector<200x200xi1>, vector<200x200xf32>
    %jit3A_1645 = arith.constant 0.785398185 : f32
    %jit3A_1646 = arith.constant 0.000000e+00 : f32
    %broadcast_in_dim3A_1647 = vector.broadcast %jit3A_1645 : f32 to vector<200x200xf32>
    %broadcast_in_dim3A_1648 = vector.broadcast %jit3A_1646 : f32 to vector<200x200xf32>
    %select_n3A_1649 = arith.select %gt3A_1632, %broadcast_in_dim3A_1647, %broadcast_in_dim3A_1648 : vector<200x200xi1>, vector<200x200xf32>
    %jit3A_1650 = arith.constant 1.57079637 : f32
    %broadcast_in_dim3A_1651 = vector.broadcast %jit3A_1650 : f32 to vector<200x200xf32>
    %select_n3A_1652 = arith.select %gt3A_1629, %broadcast_in_dim3A_1651, %select_n3A_1649 : vector<200x200xi1>, vector<200x200xf32>
    %mul3A_1653 = arith.mulf %select_n3A_1644, %select_n3A_1644 : vector<200x200xf32>
    %mul3A_1654 = arith.constant 0.0805374458 : f32
    %mul3A_1655 = vector.broadcast %mul3A_1654 : f32 to vector<200x200xf32>
    %mul3A_1656 = arith.mulf %mul3A_1655, %mul3A_1653 : vector<200x200xf32>
    %sub3A_1657 = arith.constant 0.138776854 : f32
    %sub3A_1658 = vector.broadcast %sub3A_1657 : f32 to vector<200x200xf32>
    %sub3A_1659 = arith.subf %mul3A_1656, %sub3A_1658 : vector<200x200xf32>
    %mul3A_1660 = arith.mulf %sub3A_1659, %mul3A_1653 : vector<200x200xf32>
    %add3A_1661 = arith.constant 0.199777111 : f32
    %add3A_1662 = vector.broadcast %add3A_1661 : f32 to vector<200x200xf32>
    %add3A_1663 = arith.addf %mul3A_1660, %add3A_1662 : vector<200x200xf32>
    %mul3A_1664 = arith.mulf %add3A_1663, %mul3A_1653 : vector<200x200xf32>
    %sub3A_1665 = arith.constant 0.333329499 : f32
    %sub3A_1666 = vector.broadcast %sub3A_1665 : f32 to vector<200x200xf32>
    %sub3A_1667 = arith.subf %mul3A_1664, %sub3A_1666 : vector<200x200xf32>
    %mul3A_1668 = arith.mulf %sub3A_1667, %mul3A_1653 : vector<200x200xf32>
    %mul3A_1669 = arith.mulf %mul3A_1668, %select_n3A_1644 : vector<200x200xf32>
    %add3A_1670 = arith.addf %mul3A_1669, %select_n3A_1644 : vector<200x200xf32>
    %add3A_1671 = arith.addf %select_n3A_1652, %add3A_1670 : vector<200x200xf32>
    %mul3A_1672 = arith.mulf %add3A_1671, %add3A_1671 : vector<200x200xf32>
    %mul3A_1673 = arith.mulf %mul3A_1672, %mul3A_1672 : vector<200x200xf32>
    %mul3A_1674 = vector.broadcast %get3A_66 : f32 to vector<200x200xf32>
    %mul3A_1675 = arith.mulf %mul3A_1674, %mul3A_1672 : vector<200x200xf32>
    %add3A_1676 = arith.constant 1.000000e+00 : f32
    %add3A_1677 = vector.broadcast %add3A_1676 : f32 to vector<200x200xf32>
    %add3A_1678 = arith.addf %add3A_1677, %mul3A_1675 : vector<200x200xf32>
    %mul3A_1679 = vector.broadcast %get3A_70 : f32 to vector<200x200xf32>
    %mul3A_1680 = arith.mulf %mul3A_1679, %mul3A_1673 : vector<200x200xf32>
    %add3A_1681 = arith.addf %add3A_1678, %mul3A_1680 : vector<200x200xf32>
    %mul3A_1682 = vector.broadcast %get3A_74 : f32 to vector<200x200xf32>
    %mul3A_1683 = arith.mulf %mul3A_1682, %mul3A_1673 : vector<200x200xf32>
    %mul3A_1684 = arith.mulf %mul3A_1683, %mul3A_1672 : vector<200x200xf32>
    %add3A_1685 = arith.addf %add3A_1681, %mul3A_1684 : vector<200x200xf32>
    %mul3A_1686 = vector.broadcast %get3A_78 : f32 to vector<200x200xf32>
    %mul3A_1687 = arith.mulf %mul3A_1686, %mul3A_1673 : vector<200x200xf32>
    %mul3A_1688 = arith.mulf %mul3A_1687, %mul3A_1673 : vector<200x200xf32>
    %add3A_1689 = arith.addf %add3A_1685, %mul3A_1688 : vector<200x200xf32>
    %mul3A_1690 = arith.mulf %add3A_1671, %add3A_1689 : vector<200x200xf32>
    %div3A_1691 = arith.divf %mul3A_1690, %sqrt3A_1626 : vector<200x200xf32>
    %mul3A_1692 = arith.mulf %div3A_1618, %div3A_1691 : vector<200x200xf32>
    %mul3A_1693 = vector.broadcast %get3A_50 : f32 to vector<200x200xf32>
    %mul3A_1694 = arith.mulf %mul3A_1692, %mul3A_1693 : vector<200x200xf32>
    %add3A_1695 = vector.broadcast %get3A_58 : f32 to vector<200x200xf32>
    %add3A_1696 = arith.addf %mul3A_1694, %add3A_1695 : vector<200x200xf32>
    %mul3A_1697 = arith.mulf %add3A_1696, %convert_element_type3A_1610 : vector<200x200xf32>
    %mul3A_1698 = arith.mulf %div3A_1622, %div3A_1691 : vector<200x200xf32>
    %mul3A_1699 = vector.broadcast %get3A_54 : f32 to vector<200x200xf32>
    %mul3A_1700 = arith.mulf %mul3A_1698, %mul3A_1699 : vector<200x200xf32>
    %add3A_1701 = vector.broadcast %get3A_62 : f32 to vector<200x200xf32>
    %add3A_1702 = arith.addf %mul3A_1700, %add3A_1701 : vector<200x200xf32>
    %mul3A_1703 = arith.mulf %add3A_1702, %convert_element_type3A_1610 : vector<200x200xf32>
    %mul3A_1704 = arith.mulf %div3A_1618, %div3A_1618 : vector<200x200xf32>
    %mul3A_1705 = arith.mulf %div3A_1622, %div3A_1622 : vector<200x200xf32>
    %add3A_1706 = arith.addf %mul3A_1704, %mul3A_1705 : vector<200x200xf32>
    %mul3A_1707 = vector.broadcast %get3A_82 : f32 to vector<200x200xf32>
    %mul3A_1708 = arith.mulf %mul3A_1707, %add3A_1706 : vector<200x200xf32>
    %add3A_1709 = arith.constant 1.000000e+00 : f32
    %add3A_1710 = vector.broadcast %add3A_1709 : f32 to vector<200x200xf32>
    %add3A_1711 = arith.addf %add3A_1710, %mul3A_1708 : vector<200x200xf32>
    %mul3A_1712 = vector.broadcast %get3A_86 : f32 to vector<200x200xf32>
    %mul3A_1713 = arith.mulf %mul3A_1712, %add3A_1706 : vector<200x200xf32>
    %mul3A_1714 = arith.mulf %mul3A_1713, %add3A_1706 : vector<200x200xf32>
    %add3A_1715 = arith.addf %add3A_1711, %mul3A_1714 : vector<200x200xf32>
    %mul3A_1716 = vector.broadcast %get3A_90 : f32 to vector<200x200xf32>
    %mul3A_1717 = arith.mulf %mul3A_1716, %add3A_1706 : vector<200x200xf32>
    %mul3A_1718 = arith.mulf %mul3A_1717, %add3A_1706 : vector<200x200xf32>
    %mul3A_1719 = arith.mulf %mul3A_1718, %add3A_1706 : vector<200x200xf32>
    %add3A_1720 = arith.addf %add3A_1715, %mul3A_1719 : vector<200x200xf32>
    %mul3A_1721 = arith.mulf %div3A_1618, %add3A_1720 : vector<200x200xf32>
    %mul3A_1722 = arith.constant 2.000000e+00 : f32
    %mul3A_1723 = arith.mulf %mul3A_1722, %get3A_94 : f32
    %mul3A_1724 = vector.broadcast %mul3A_1723 : f32 to vector<200x200xf32>
    %mul3A_1725 = arith.mulf %mul3A_1724, %div3A_1618 : vector<200x200xf32>
    %mul3A_1726 = arith.mulf %mul3A_1725, %div3A_1622 : vector<200x200xf32>
    %mul3A_1727 = arith.constant 2.000000e+00 : f32
    %mul3A_1728 = vector.broadcast %mul3A_1727 : f32 to vector<200x200xf32>
    %mul3A_1729 = arith.mulf %mul3A_1728, %div3A_1618 : vector<200x200xf32>
    %mul3A_1730 = arith.mulf %mul3A_1729, %div3A_1618 : vector<200x200xf32>
    %add3A_1731 = arith.addf %add3A_1706, %mul3A_1730 : vector<200x200xf32>
    %mul3A_1732 = vector.broadcast %get3A_98 : f32 to vector<200x200xf32>
    %mul3A_1733 = arith.mulf %mul3A_1732, %add3A_1731 : vector<200x200xf32>
    %add3A_1734 = arith.addf %mul3A_1726, %mul3A_1733 : vector<200x200xf32>
    %add3A_1735 = arith.addf %mul3A_1721, %add3A_1734 : vector<200x200xf32>
    %mul3A_1736 = vector.broadcast %get3A_50 : f32 to vector<200x200xf32>
    %mul3A_1737 = arith.mulf %add3A_1735, %mul3A_1736 : vector<200x200xf32>
    %add3A_1738 = vector.broadcast %get3A_58 : f32 to vector<200x200xf32>
    %add3A_1739 = arith.addf %mul3A_1737, %add3A_1738 : vector<200x200xf32>
    %mul3A_1740 = arith.mulf %div3A_1622, %add3A_1720 : vector<200x200xf32>
    %mul3A_1741 = arith.constant 2.000000e+00 : f32
    %mul3A_1742 = vector.broadcast %mul3A_1741 : f32 to vector<200x200xf32>
    %mul3A_1743 = arith.mulf %mul3A_1742, %div3A_1622 : vector<200x200xf32>
    %mul3A_1744 = arith.mulf %mul3A_1743, %div3A_1622 : vector<200x200xf32>
    %add3A_1745 = arith.addf %add3A_1706, %mul3A_1744 : vector<200x200xf32>
    %mul3A_1746 = vector.broadcast %get3A_94 : f32 to vector<200x200xf32>
    %mul3A_1747 = arith.mulf %mul3A_1746, %add3A_1745 : vector<200x200xf32>
    %mul3A_1748 = arith.constant 2.000000e+00 : f32
    %mul3A_1749 = arith.mulf %mul3A_1748, %get3A_98 : f32
    %mul3A_1750 = vector.broadcast %mul3A_1749 : f32 to vector<200x200xf32>
    %mul3A_1751 = arith.mulf %mul3A_1750, %div3A_1618 : vector<200x200xf32>
    %mul3A_1752 = arith.mulf %mul3A_1751, %div3A_1622 : vector<200x200xf32>
    %add3A_1753 = arith.addf %mul3A_1747, %mul3A_1752 : vector<200x200xf32>
    %add3A_1754 = arith.addf %mul3A_1740, %add3A_1753 : vector<200x200xf32>
    %mul3A_1755 = vector.broadcast %get3A_54 : f32 to vector<200x200xf32>
    %mul3A_1756 = arith.mulf %add3A_1754, %mul3A_1755 : vector<200x200xf32>
    %add3A_1757 = vector.broadcast %get3A_62 : f32 to vector<200x200xf32>
    %add3A_1758 = arith.addf %mul3A_1756, %add3A_1757 : vector<200x200xf32>
    %mul3A_1759 = arith.mulf %add3A_1739, %convert_element_type3A_1610 : vector<200x200xf32>
    %mul3A_1760 = arith.mulf %add3A_1758, %convert_element_type3A_1610 : vector<200x200xf32>
    %select_n3A_1761 = arith.select %gt3A_103, %mul3A_1697, %mul3A_1759 : vector<200x200xf32>
    %convert_element_type3A_1762 = arith.truncf %select_n3A_1761 : vector<200x200xf32> to vector<200x200xbf16>
    %convert_element_type3A_1763 = arith.extf %convert_element_type3A_1762 : vector<200x200xbf16> to vector<200x200xf32>
    %select_n3A_1764 = arith.select %gt3A_103, %mul3A_1703, %mul3A_1760 : vector<200x200xf32>
    %convert_element_type3A_1765 = arith.truncf %select_n3A_1764 : vector<200x200xf32> to vector<200x200xbf16>
    %convert_element_type3A_1766 = arith.extf %convert_element_type3A_1765 : vector<200x200xbf16> to vector<200x200xf32>
    %convert_element_type3A_1767 = arith.truncf %get3A_107 : f32 to bf16
    %convert_element_type3A_1768 = arith.extf %convert_element_type3A_1767 : bf16 to f32
    %mul3A_1769 = vector.broadcast %convert_element_type3A_1768 : f32 to vector<200x200xf32>
    %mul3A_1770 = arith.mulf %mul3A_1769, %convert_element_type3A_1763 : vector<200x200xf32>
    %convert_element_type3A_1771 = arith.truncf %get3A_111 : f32 to bf16
    %convert_element_type3A_1772 = arith.extf %convert_element_type3A_1771 : bf16 to f32
    %mul3A_1773 = vector.broadcast %convert_element_type3A_1772 : f32 to vector<200x200xf32>
    %mul3A_1774 = arith.mulf %mul3A_1773, %convert_element_type3A_1766 : vector<200x200xf32>
    %add3A_1775 = arith.addf %mul3A_1770, %mul3A_1774 : vector<200x200xf32>
    %add3A_1776 = vector.broadcast %get3A_123 : f32 to vector<200x200xf32>
    %add3A_1777 = arith.addf %add3A_1775, %add3A_1776 : vector<200x200xf32>
    %convert_element_type3A_1778 = arith.truncf %get3A_115 : f32 to bf16
    %convert_element_type3A_1779 = arith.extf %convert_element_type3A_1778 : bf16 to f32
    %mul3A_1780 = vector.broadcast %convert_element_type3A_1779 : f32 to vector<200x200xf32>
    %mul3A_1781 = arith.mulf %mul3A_1780, %convert_element_type3A_1763 : vector<200x200xf32>
    %convert_element_type3A_1782 = arith.truncf %get3A_119 : f32 to bf16
    %convert_element_type3A_1783 = arith.extf %convert_element_type3A_1782 : bf16 to f32
    %mul3A_1784 = vector.broadcast %convert_element_type3A_1783 : f32 to vector<200x200xf32>
    %mul3A_1785 = arith.mulf %mul3A_1784, %convert_element_type3A_1766 : vector<200x200xf32>
    %add3A_1786 = arith.addf %mul3A_1781, %mul3A_1785 : vector<200x200xf32>
    %add3A_1787 = vector.broadcast %get3A_127 : f32 to vector<200x200xf32>
    %add3A_1788 = arith.addf %add3A_1786, %add3A_1787 : vector<200x200xf32>
    %convert_element_type3A_1789 = arith.fptosi %add3A_1777 : vector<200x200xf32> to vector<200x200xi32>
    %convert_element_type3A_1790 = arith.fptosi %add3A_1788 : vector<200x200xf32> to vector<200x200xi32>
    %gt3A_1791 = arith.constant 0 : i32
    %gt3A_1792 = vector.broadcast %gt3A_1791 : i32 to vector<200x200xi32>
    %gt3A_1793 = arith.cmpi sgt, %convert_element_type3A_1789, %gt3A_1792 : vector<200x200xi32>
    %lt3A_1794 = arith.constant 200 : i32
    %lt3A_1795 = vector.broadcast %lt3A_1794 : i32 to vector<200x200xi32>
    %lt3A_1796 = arith.cmpi slt, %convert_element_type3A_1789, %lt3A_1795 : vector<200x200xi32>
    %and3A_1797 = arith.andi %gt3A_1793, %lt3A_1796 : vector<200x200xi1>
    %lt3A_1798 = arith.constant 112 : i32
    %lt3A_1799 = vector.broadcast %lt3A_1798 : i32 to vector<200x200xi32>
    %lt3A_1800 = arith.cmpi slt, %convert_element_type3A_1790, %lt3A_1799 : vector<200x200xi32>
    %and3A_1801 = arith.andi %and3A_1797, %lt3A_1800 : vector<200x200xi1>
    %gt3A_1802 = arith.constant 0 : i32
    %gt3A_1803 = vector.broadcast %gt3A_1802 : i32 to vector<200x200xi32>
    %gt3A_1804 = arith.cmpi sgt, %convert_element_type3A_1790, %gt3A_1803 : vector<200x200xi32>
    %and3A_1805 = arith.andi %and3A_1801, %gt3A_1804 : vector<200x200xi1>
    %jit3A_1806 = arith.constant 0 : i32
    %jit3A_1807 = arith.constant 199 : i32
    %max3A_1808 = vector.broadcast %jit3A_1806 : i32 to vector<200x200xi32>
    %max3A_1809 = arith.maxsi %max3A_1808, %convert_element_type3A_1789 : vector<200x200xi32>
    %min3A_1810 = vector.broadcast %jit3A_1807 : i32 to vector<200x200xi32>
    %min3A_1811 = arith.minsi %min3A_1810, %max3A_1809 : vector<200x200xi32>
    %jit3A_1812 = arith.constant 0 : i32
    %jit3A_1813 = arith.constant 111 : i32
    %max3A_1814 = vector.broadcast %jit3A_1812 : i32 to vector<200x200xi32>
    %max3A_1815 = arith.maxsi %max3A_1814, %convert_element_type3A_1790 : vector<200x200xi32>
    %min3A_1816 = vector.broadcast %jit3A_1813 : i32 to vector<200x200xi32>
    %min3A_1817 = arith.minsi %min3A_1816, %max3A_1815 : vector<200x200xi32>
    %mul3A_1818 = arith.constant 200 : i32
    %mul3A_1819 = vector.broadcast %mul3A_1818 : i32 to vector<200x200xi32>
    %mul3A_1820 = arith.muli %min3A_1817, %mul3A_1819 : vector<200x200xi32>
    %add3A_1821 = arith.addi %mul3A_1820, %min3A_1811 : vector<200x200xi32>
    %jit3A_1822 = arith.constant 22400 : i32
    %broadcast_in_dim3A_1823 = vector.broadcast %jit3A_1822 : i32 to vector<200x200xi32>
    %select_n3A_1824 = arith.select %and3A_1805, %add3A_1821, %broadcast_in_dim3A_1823 : vector<200x200xi1>, vector<200x200xi32>
    %jit3A_1825 = arith.constant 22401 : i32
    %broadcast_in_dim3A_1826 = vector.broadcast %jit3A_1825 : i32 to vector<200x200xi32>
    %select_n3A_1827 = arith.select %eq3A_132, %broadcast_in_dim3A_1826, %select_n3A_1824 : vector<200x200xi32>
    %swap3A_1828 = arith.constant 0 : index
    %swap3A_1829 = arith.constant 0 : index
    %swap3A_1830 = arith.constant 5 : index
    %swap3A_1831 = arith.constant 0 : index
    %swap3A_1832 = arith.constant 0 : index
    %swap3A_1833 = vector.load %arg7[%swap3A_1828, %swap3A_1829, %swap3A_1830, %swap3A_1831, %swap3A_1832] : memref<1x1x7x200x200xi32, #tpu.memory_space<vmem>>, vector<1x1x1x200x200xi32>
    %swap3A_1834 = vector.shape_cast %swap3A_1833 : vector<1x1x1x200x200xi32> to vector<200x200xi32>
    %swap3A_1835 = vector.shape_cast %select_n3A_1827 : vector<200x200xi32> to vector<1x1x1x200x200xi32>
    tpu.vector_store %arg7[%swap3A_1828, %swap3A_1829, %swap3A_1830, %swap3A_1831, %swap3A_1832], %swap3A_1835 {strides = array<i32>} : memref<1x1x7x200x200xi32, #tpu.memory_space<vmem>>, vector<1x1x1x200x200xi32>,
    %add3A_1836 = arith.constant -1.000000e+00 : f32
    %add3A_1837 = vector.broadcast %add3A_1836 : f32 to vector<200x200xf32>
    %add3A_1838 = arith.addf %get3A_147, %add3A_1837 : vector<200x200xf32>
    %convert_element_type3A_1839 = arith.truncf %add3A_1838 : vector<200x200xf32> to vector<200x200xbf16>
    %convert_element_type3A_1840 = arith.extf %convert_element_type3A_1839 : vector<200x200xbf16> to vector<200x200xf32>
    %convert_element_type3A_1841 = arith.truncf %get3A_2 : f32 to bf16
    %convert_element_type3A_1842 = arith.extf %convert_element_type3A_1841 : bf16 to f32
    %mul3A_1843 = vector.broadcast %convert_element_type3A_1842 : f32 to vector<200x200xf32>
    %mul3A_1844 = arith.mulf %mul3A_1843, %convert_element_type3A_148 : vector<200x200xf32>
    %convert_element_type3A_1845 = arith.truncf %get3A_6 : f32 to bf16
    %convert_element_type3A_1846 = arith.extf %convert_element_type3A_1845 : bf16 to f32
    %mul3A_1847 = vector.broadcast %convert_element_type3A_1846 : f32 to vector<200x200xf32>
    %mul3A_1848 = arith.mulf %mul3A_1847, %convert_element_type3A_150 : vector<200x200xf32>
    %add3A_1849 = arith.addf %mul3A_1844, %mul3A_1848 : vector<200x200xf32>
    %convert_element_type3A_1850 = arith.truncf %get3A_10 : f32 to bf16
    %convert_element_type3A_1851 = arith.extf %convert_element_type3A_1850 : bf16 to f32
    %mul3A_1852 = vector.broadcast %convert_element_type3A_1851 : f32 to vector<200x200xf32>
    %mul3A_1853 = arith.mulf %mul3A_1852, %convert_element_type3A_1840 : vector<200x200xf32>
    %add3A_1854 = arith.addf %add3A_1849, %mul3A_1853 : vector<200x200xf32>
    %add3A_1855 = vector.broadcast %get3A_14 : f32 to vector<200x200xf32>
    %add3A_1856 = arith.addf %add3A_1854, %add3A_1855 : vector<200x200xf32>
    %convert_element_type3A_1857 = arith.truncf %get3A_18 : f32 to bf16
    %convert_element_type3A_1858 = arith.extf %convert_element_type3A_1857 : bf16 to f32
    %mul3A_1859 = vector.broadcast %convert_element_type3A_1858 : f32 to vector<200x200xf32>
    %mul3A_1860 = arith.mulf %mul3A_1859, %convert_element_type3A_148 : vector<200x200xf32>
    %convert_element_type3A_1861 = arith.truncf %get3A_22 : f32 to bf16
    %convert_element_type3A_1862 = arith.extf %convert_element_type3A_1861 : bf16 to f32
    %mul3A_1863 = vector.broadcast %convert_element_type3A_1862 : f32 to vector<200x200xf32>
    %mul3A_1864 = arith.mulf %mul3A_1863, %convert_element_type3A_150 : vector<200x200xf32>
    %add3A_1865 = arith.addf %mul3A_1860, %mul3A_1864 : vector<200x200xf32>
    %convert_element_type3A_1866 = arith.truncf %get3A_26 : f32 to bf16
    %convert_element_type3A_1867 = arith.extf %convert_element_type3A_1866 : bf16 to f32
    %mul3A_1868 = vector.broadcast %convert_element_type3A_1867 : f32 to vector<200x200xf32>
    %mul3A_1869 = arith.mulf %mul3A_1868, %convert_element_type3A_1840 : vector<200x200xf32>
    %add3A_1870 = arith.addf %add3A_1865, %mul3A_1869 : vector<200x200xf32>
    %add3A_1871 = vector.broadcast %get3A_30 : f32 to vector<200x200xf32>
    %add3A_1872 = arith.addf %add3A_1870, %add3A_1871 : vector<200x200xf32>
    %convert_element_type3A_1873 = arith.truncf %get3A_34 : f32 to bf16
    %convert_element_type3A_1874 = arith.extf %convert_element_type3A_1873 : bf16 to f32
    %mul3A_1875 = vector.broadcast %convert_element_type3A_1874 : f32 to vector<200x200xf32>
    %mul3A_1876 = arith.mulf %mul3A_1875, %convert_element_type3A_148 : vector<200x200xf32>
    %convert_element_type3A_1877 = arith.truncf %get3A_38 : f32 to bf16
    %convert_element_type3A_1878 = arith.extf %convert_element_type3A_1877 : bf16 to f32
    %mul3A_1879 = vector.broadcast %convert_element_type3A_1878 : f32 to vector<200x200xf32>
    %mul3A_1880 = arith.mulf %mul3A_1879, %convert_element_type3A_150 : vector<200x200xf32>
    %add3A_1881 = arith.addf %mul3A_1876, %mul3A_1880 : vector<200x200xf32>
    %convert_element_type3A_1882 = arith.truncf %get3A_42 : f32 to bf16
    %convert_element_type3A_1883 = arith.extf %convert_element_type3A_1882 : bf16 to f32
    %mul3A_1884 = vector.broadcast %convert_element_type3A_1883 : f32 to vector<200x200xf32>
    %mul3A_1885 = arith.mulf %mul3A_1884, %convert_element_type3A_1840 : vector<200x200xf32>
    %add3A_1886 = arith.addf %add3A_1881, %mul3A_1885 : vector<200x200xf32>
    %add3A_1887 = vector.broadcast %get3A_46 : f32 to vector<200x200xf32>
    %add3A_1888 = arith.addf %add3A_1886, %add3A_1887 : vector<200x200xf32>
    %gt3A_1889 = arith.constant 0.000000e+00 : f32
    %gt3A_1890 = vector.broadcast %gt3A_1889 : f32 to vector<200x200xf32>
    %gt3A_1891 = arith.cmpf ogt, %add3A_1888, %gt3A_1890 : vector<200x200xf32>
    %convert_element_type3A_1892 = arith.extui %gt3A_1891 : vector<200x200xi1> to vector<200x200xi32>
    %convert_element_type3A_1893 = arith.sitofp %convert_element_type3A_1892 : vector<200x200xi32> to vector<200x200xf32>
    %mul3A_1894 = arith.mulf %add3A_1856, %convert_element_type3A_1893 : vector<200x200xf32>
    %div3A_1895 = arith.divf %mul3A_1894, %add3A_1888 : vector<200x200xf32>
    %mul3A_1896 = arith.mulf %add3A_1872, %convert_element_type3A_1893 : vector<200x200xf32>
    %div3A_1897 = arith.divf %mul3A_1896, %add3A_1888 : vector<200x200xf32>
    %sub3A_1898 = vector.broadcast %get3A_58 : f32 to vector<200x200xf32>
    %sub3A_1899 = arith.subf %div3A_1895, %sub3A_1898 : vector<200x200xf32>
    %div3A_1900 = vector.broadcast %get3A_50 : f32 to vector<200x200xf32>
    %div3A_1901 = arith.divf %sub3A_1899, %div3A_1900 : vector<200x200xf32>
    %sub3A_1902 = vector.broadcast %get3A_62 : f32 to vector<200x200xf32>
    %sub3A_1903 = arith.subf %div3A_1897, %sub3A_1902 : vector<200x200xf32>
    %div3A_1904 = vector.broadcast %get3A_54 : f32 to vector<200x200xf32>
    %div3A_1905 = arith.divf %sub3A_1903, %div3A_1904 : vector<200x200xf32>
    %mul3A_1906 = arith.mulf %div3A_1901, %div3A_1901 : vector<200x200xf32>
    %mul3A_1907 = arith.mulf %div3A_1905, %div3A_1905 : vector<200x200xf32>
    %add3A_1908 = arith.addf %mul3A_1906, %mul3A_1907 : vector<200x200xf32>
    %sqrt3A_1909 = math.sqrt %add3A_1908 : vector<200x200xf32>
    %gt3A_1910 = arith.constant 2.41421366 : f32
    %gt3A_1911 = vector.broadcast %gt3A_1910 : f32 to vector<200x200xf32>
    %gt3A_1912 = arith.cmpf ogt, %sqrt3A_1909, %gt3A_1911 : vector<200x200xf32>
    %gt3A_1913 = arith.constant 0.414213568 : f32
    %gt3A_1914 = vector.broadcast %gt3A_1913 : f32 to vector<200x200xf32>
    %gt3A_1915 = arith.cmpf ogt, %sqrt3A_1909, %gt3A_1914 : vector<200x200xf32>
    %div3A_1916 = arith.constant -1.000000e+00 : f32
    %div3A_1917 = vector.broadcast %div3A_1916 : f32 to vector<200x200xf32>
    %div3A_1918 = arith.divf %div3A_1917, %sqrt3A_1909 : vector<200x200xf32>
    %sub3A_1919 = arith.constant 1.000000e+00 : f32
    %sub3A_1920 = vector.broadcast %sub3A_1919 : f32 to vector<200x200xf32>
    %sub3A_1921 = arith.subf %sqrt3A_1909, %sub3A_1920 : vector<200x200xf32>
    %add3A_1922 = arith.constant 1.000000e+00 : f32
    %add3A_1923 = vector.broadcast %add3A_1922 : f32 to vector<200x200xf32>
    %add3A_1924 = arith.addf %sqrt3A_1909, %add3A_1923 : vector<200x200xf32>
    %div3A_1925 = arith.divf %sub3A_1921, %add3A_1924 : vector<200x200xf32>
    %select_n3A_1926 = arith.select %gt3A_1915, %div3A_1925, %sqrt3A_1909 : vector<200x200xi1>, vector<200x200xf32>
    %select_n3A_1927 = arith.select %gt3A_1912, %div3A_1918, %select_n3A_1926 : vector<200x200xi1>, vector<200x200xf32>
    %jit3A_1928 = arith.constant 0.785398185 : f32
    %jit3A_1929 = arith.constant 0.000000e+00 : f32
    %broadcast_in_dim3A_1930 = vector.broadcast %jit3A_1928 : f32 to vector<200x200xf32>
    %broadcast_in_dim3A_1931 = vector.broadcast %jit3A_1929 : f32 to vector<200x200xf32>
    %select_n3A_1932 = arith.select %gt3A_1915, %broadcast_in_dim3A_1930, %broadcast_in_dim3A_1931 : vector<200x200xi1>, vector<200x200xf32>
    %jit3A_1933 = arith.constant 1.57079637 : f32
    %broadcast_in_dim3A_1934 = vector.broadcast %jit3A_1933 : f32 to vector<200x200xf32>
    %select_n3A_1935 = arith.select %gt3A_1912, %broadcast_in_dim3A_1934, %select_n3A_1932 : vector<200x200xi1>, vector<200x200xf32>
    %mul3A_1936 = arith.mulf %select_n3A_1927, %select_n3A_1927 : vector<200x200xf32>
    %mul3A_1937 = arith.constant 0.0805374458 : f32
    %mul3A_1938 = vector.broadcast %mul3A_1937 : f32 to vector<200x200xf32>
    %mul3A_1939 = arith.mulf %mul3A_1938, %mul3A_1936 : vector<200x200xf32>
    %sub3A_1940 = arith.constant 0.138776854 : f32
    %sub3A_1941 = vector.broadcast %sub3A_1940 : f32 to vector<200x200xf32>
    %sub3A_1942 = arith.subf %mul3A_1939, %sub3A_1941 : vector<200x200xf32>
    %mul3A_1943 = arith.mulf %sub3A_1942, %mul3A_1936 : vector<200x200xf32>
    %add3A_1944 = arith.constant 0.199777111 : f32
    %add3A_1945 = vector.broadcast %add3A_1944 : f32 to vector<200x200xf32>
    %add3A_1946 = arith.addf %mul3A_1943, %add3A_1945 : vector<200x200xf32>
    %mul3A_1947 = arith.mulf %add3A_1946, %mul3A_1936 : vector<200x200xf32>
    %sub3A_1948 = arith.constant 0.333329499 : f32
    %sub3A_1949 = vector.broadcast %sub3A_1948 : f32 to vector<200x200xf32>
    %sub3A_1950 = arith.subf %mul3A_1947, %sub3A_1949 : vector<200x200xf32>
    %mul3A_1951 = arith.mulf %sub3A_1950, %mul3A_1936 : vector<200x200xf32>
    %mul3A_1952 = arith.mulf %mul3A_1951, %select_n3A_1927 : vector<200x200xf32>
    %add3A_1953 = arith.addf %mul3A_1952, %select_n3A_1927 : vector<200x200xf32>
    %add3A_1954 = arith.addf %select_n3A_1935, %add3A_1953 : vector<200x200xf32>
    %mul3A_1955 = arith.mulf %add3A_1954, %add3A_1954 : vector<200x200xf32>
    %mul3A_1956 = arith.mulf %mul3A_1955, %mul3A_1955 : vector<200x200xf32>
    %mul3A_1957 = vector.broadcast %get3A_66 : f32 to vector<200x200xf32>
    %mul3A_1958 = arith.mulf %mul3A_1957, %mul3A_1955 : vector<200x200xf32>
    %add3A_1959 = arith.constant 1.000000e+00 : f32
    %add3A_1960 = vector.broadcast %add3A_1959 : f32 to vector<200x200xf32>
    %add3A_1961 = arith.addf %add3A_1960, %mul3A_1958 : vector<200x200xf32>
    %mul3A_1962 = vector.broadcast %get3A_70 : f32 to vector<200x200xf32>
    %mul3A_1963 = arith.mulf %mul3A_1962, %mul3A_1956 : vector<200x200xf32>
    %add3A_1964 = arith.addf %add3A_1961, %mul3A_1963 : vector<200x200xf32>
    %mul3A_1965 = vector.broadcast %get3A_74 : f32 to vector<200x200xf32>
    %mul3A_1966 = arith.mulf %mul3A_1965, %mul3A_1956 : vector<200x200xf32>
    %mul3A_1967 = arith.mulf %mul3A_1966, %mul3A_1955 : vector<200x200xf32>
    %add3A_1968 = arith.addf %add3A_1964, %mul3A_1967 : vector<200x200xf32>
    %mul3A_1969 = vector.broadcast %get3A_78 : f32 to vector<200x200xf32>
    %mul3A_1970 = arith.mulf %mul3A_1969, %mul3A_1956 : vector<200x200xf32>
    %mul3A_1971 = arith.mulf %mul3A_1970, %mul3A_1956 : vector<200x200xf32>
    %add3A_1972 = arith.addf %add3A_1968, %mul3A_1971 : vector<200x200xf32>
    %mul3A_1973 = arith.mulf %add3A_1954, %add3A_1972 : vector<200x200xf32>
    %div3A_1974 = arith.divf %mul3A_1973, %sqrt3A_1909 : vector<200x200xf32>
    %mul3A_1975 = arith.mulf %div3A_1901, %div3A_1974 : vector<200x200xf32>
    %mul3A_1976 = vector.broadcast %get3A_50 : f32 to vector<200x200xf32>
    %mul3A_1977 = arith.mulf %mul3A_1975, %mul3A_1976 : vector<200x200xf32>
    %add3A_1978 = vector.broadcast %get3A_58 : f32 to vector<200x200xf32>
    %add3A_1979 = arith.addf %mul3A_1977, %add3A_1978 : vector<200x200xf32>
    %mul3A_1980 = arith.mulf %add3A_1979, %convert_element_type3A_1893 : vector<200x200xf32>
    %mul3A_1981 = arith.mulf %div3A_1905, %div3A_1974 : vector<200x200xf32>
    %mul3A_1982 = vector.broadcast %get3A_54 : f32 to vector<200x200xf32>
    %mul3A_1983 = arith.mulf %mul3A_1981, %mul3A_1982 : vector<200x200xf32>
    %add3A_1984 = vector.broadcast %get3A_62 : f32 to vector<200x200xf32>
    %add3A_1985 = arith.addf %mul3A_1983, %add3A_1984 : vector<200x200xf32>
    %mul3A_1986 = arith.mulf %add3A_1985, %convert_element_type3A_1893 : vector<200x200xf32>
    %mul3A_1987 = arith.mulf %div3A_1901, %div3A_1901 : vector<200x200xf32>
    %mul3A_1988 = arith.mulf %div3A_1905, %div3A_1905 : vector<200x200xf32>
    %add3A_1989 = arith.addf %mul3A_1987, %mul3A_1988 : vector<200x200xf32>
    %mul3A_1990 = vector.broadcast %get3A_82 : f32 to vector<200x200xf32>
    %mul3A_1991 = arith.mulf %mul3A_1990, %add3A_1989 : vector<200x200xf32>
    %add3A_1992 = arith.constant 1.000000e+00 : f32
    %add3A_1993 = vector.broadcast %add3A_1992 : f32 to vector<200x200xf32>
    %add3A_1994 = arith.addf %add3A_1993, %mul3A_1991 : vector<200x200xf32>
    %mul3A_1995 = vector.broadcast %get3A_86 : f32 to vector<200x200xf32>
    %mul3A_1996 = arith.mulf %mul3A_1995, %add3A_1989 : vector<200x200xf32>
    %mul3A_1997 = arith.mulf %mul3A_1996, %add3A_1989 : vector<200x200xf32>
    %add3A_1998 = arith.addf %add3A_1994, %mul3A_1997 : vector<200x200xf32>
    %mul3A_1999 = vector.broadcast %get3A_90 : f32 to vector<200x200xf32>
    %mul3A_2000 = arith.mulf %mul3A_1999, %add3A_1989 : vector<200x200xf32>
    %mul3A_2001 = arith.mulf %mul3A_2000, %add3A_1989 : vector<200x200xf32>
    %mul3A_2002 = arith.mulf %mul3A_2001, %add3A_1989 : vector<200x200xf32>
    %add3A_2003 = arith.addf %add3A_1998, %mul3A_2002 : vector<200x200xf32>
    %mul3A_2004 = arith.mulf %div3A_1901, %add3A_2003 : vector<200x200xf32>
    %mul3A_2005 = arith.constant 2.000000e+00 : f32
    %mul3A_2006 = arith.mulf %mul3A_2005, %get3A_94 : f32
    %mul3A_2007 = vector.broadcast %mul3A_2006 : f32 to vector<200x200xf32>
    %mul3A_2008 = arith.mulf %mul3A_2007, %div3A_1901 : vector<200x200xf32>
    %mul3A_2009 = arith.mulf %mul3A_2008, %div3A_1905 : vector<200x200xf32>
    %mul3A_2010 = arith.constant 2.000000e+00 : f32
    %mul3A_2011 = vector.broadcast %mul3A_2010 : f32 to vector<200x200xf32>
    %mul3A_2012 = arith.mulf %mul3A_2011, %div3A_1901 : vector<200x200xf32>
    %mul3A_2013 = arith.mulf %mul3A_2012, %div3A_1901 : vector<200x200xf32>
    %add3A_2014 = arith.addf %add3A_1989, %mul3A_2013 : vector<200x200xf32>
    %mul3A_2015 = vector.broadcast %get3A_98 : f32 to vector<200x200xf32>
    %mul3A_2016 = arith.mulf %mul3A_2015, %add3A_2014 : vector<200x200xf32>
    %add3A_2017 = arith.addf %mul3A_2009, %mul3A_2016 : vector<200x200xf32>
    %add3A_2018 = arith.addf %mul3A_2004, %add3A_2017 : vector<200x200xf32>
    %mul3A_2019 = vector.broadcast %get3A_50 : f32 to vector<200x200xf32>
    %mul3A_2020 = arith.mulf %add3A_2018, %mul3A_2019 : vector<200x200xf32>
    %add3A_2021 = vector.broadcast %get3A_58 : f32 to vector<200x200xf32>
    %add3A_2022 = arith.addf %mul3A_2020, %add3A_2021 : vector<200x200xf32>
    %mul3A_2023 = arith.mulf %div3A_1905, %add3A_2003 : vector<200x200xf32>
    %mul3A_2024 = arith.constant 2.000000e+00 : f32
    %mul3A_2025 = vector.broadcast %mul3A_2024 : f32 to vector<200x200xf32>
    %mul3A_2026 = arith.mulf %mul3A_2025, %div3A_1905 : vector<200x200xf32>
    %mul3A_2027 = arith.mulf %mul3A_2026, %div3A_1905 : vector<200x200xf32>
    %add3A_2028 = arith.addf %add3A_1989, %mul3A_2027 : vector<200x200xf32>
    %mul3A_2029 = vector.broadcast %get3A_94 : f32 to vector<200x200xf32>
    %mul3A_2030 = arith.mulf %mul3A_2029, %add3A_2028 : vector<200x200xf32>
    %mul3A_2031 = arith.constant 2.000000e+00 : f32
    %mul3A_2032 = arith.mulf %mul3A_2031, %get3A_98 : f32
    %mul3A_2033 = vector.broadcast %mul3A_2032 : f32 to vector<200x200xf32>
    %mul3A_2034 = arith.mulf %mul3A_2033, %div3A_1901 : vector<200x200xf32>
    %mul3A_2035 = arith.mulf %mul3A_2034, %div3A_1905 : vector<200x200xf32>
    %add3A_2036 = arith.addf %mul3A_2030, %mul3A_2035 : vector<200x200xf32>
    %add3A_2037 = arith.addf %mul3A_2023, %add3A_2036 : vector<200x200xf32>
    %mul3A_2038 = vector.broadcast %get3A_54 : f32 to vector<200x200xf32>
    %mul3A_2039 = arith.mulf %add3A_2037, %mul3A_2038 : vector<200x200xf32>
    %add3A_2040 = vector.broadcast %get3A_62 : f32 to vector<200x200xf32>
    %add3A_2041 = arith.addf %mul3A_2039, %add3A_2040 : vector<200x200xf32>
    %mul3A_2042 = arith.mulf %add3A_2022, %convert_element_type3A_1893 : vector<200x200xf32>
    %mul3A_2043 = arith.mulf %add3A_2041, %convert_element_type3A_1893 : vector<200x200xf32>
    %select_n3A_2044 = arith.select %gt3A_103, %mul3A_1980, %mul3A_2042 : vector<200x200xf32>
    %convert_element_type3A_2045 = arith.truncf %select_n3A_2044 : vector<200x200xf32> to vector<200x200xbf16>
    %convert_element_type3A_2046 = arith.extf %convert_element_type3A_2045 : vector<200x200xbf16> to vector<200x200xf32>
    %select_n3A_2047 = arith.select %gt3A_103, %mul3A_1986, %mul3A_2043 : vector<200x200xf32>
    %convert_element_type3A_2048 = arith.truncf %select_n3A_2047 : vector<200x200xf32> to vector<200x200xbf16>
    %convert_element_type3A_2049 = arith.extf %convert_element_type3A_2048 : vector<200x200xbf16> to vector<200x200xf32>
    %convert_element_type3A_2050 = arith.truncf %get3A_107 : f32 to bf16
    %convert_element_type3A_2051 = arith.extf %convert_element_type3A_2050 : bf16 to f32
    %mul3A_2052 = vector.broadcast %convert_element_type3A_2051 : f32 to vector<200x200xf32>
    %mul3A_2053 = arith.mulf %mul3A_2052, %convert_element_type3A_2046 : vector<200x200xf32>
    %convert_element_type3A_2054 = arith.truncf %get3A_111 : f32 to bf16
    %convert_element_type3A_2055 = arith.extf %convert_element_type3A_2054 : bf16 to f32
    %mul3A_2056 = vector.broadcast %convert_element_type3A_2055 : f32 to vector<200x200xf32>
    %mul3A_2057 = arith.mulf %mul3A_2056, %convert_element_type3A_2049 : vector<200x200xf32>
    %add3A_2058 = arith.addf %mul3A_2053, %mul3A_2057 : vector<200x200xf32>
    %add3A_2059 = vector.broadcast %get3A_123 : f32 to vector<200x200xf32>
    %add3A_2060 = arith.addf %add3A_2058, %add3A_2059 : vector<200x200xf32>
    %convert_element_type3A_2061 = arith.truncf %get3A_115 : f32 to bf16
    %convert_element_type3A_2062 = arith.extf %convert_element_type3A_2061 : bf16 to f32
    %mul3A_2063 = vector.broadcast %convert_element_type3A_2062 : f32 to vector<200x200xf32>
    %mul3A_2064 = arith.mulf %mul3A_2063, %convert_element_type3A_2046 : vector<200x200xf32>
    %convert_element_type3A_2065 = arith.truncf %get3A_119 : f32 to bf16
    %convert_element_type3A_2066 = arith.extf %convert_element_type3A_2065 : bf16 to f32
    %mul3A_2067 = vector.broadcast %convert_element_type3A_2066 : f32 to vector<200x200xf32>
    %mul3A_2068 = arith.mulf %mul3A_2067, %convert_element_type3A_2049 : vector<200x200xf32>
    %add3A_2069 = arith.addf %mul3A_2064, %mul3A_2068 : vector<200x200xf32>
    %add3A_2070 = vector.broadcast %get3A_127 : f32 to vector<200x200xf32>
    %add3A_2071 = arith.addf %add3A_2069, %add3A_2070 : vector<200x200xf32>
    %convert_element_type3A_2072 = arith.fptosi %add3A_2060 : vector<200x200xf32> to vector<200x200xi32>
    %convert_element_type3A_2073 = arith.fptosi %add3A_2071 : vector<200x200xf32> to vector<200x200xi32>
    %gt3A_2074 = arith.constant 0 : i32
    %gt3A_2075 = vector.broadcast %gt3A_2074 : i32 to vector<200x200xi32>
    %gt3A_2076 = arith.cmpi sgt, %convert_element_type3A_2072, %gt3A_2075 : vector<200x200xi32>
    %lt3A_2077 = arith.constant 200 : i32
    %lt3A_2078 = vector.broadcast %lt3A_2077 : i32 to vector<200x200xi32>
    %lt3A_2079 = arith.cmpi slt, %convert_element_type3A_2072, %lt3A_2078 : vector<200x200xi32>
    %and3A_2080 = arith.andi %gt3A_2076, %lt3A_2079 : vector<200x200xi1>
    %lt3A_2081 = arith.constant 112 : i32
    %lt3A_2082 = vector.broadcast %lt3A_2081 : i32 to vector<200x200xi32>
    %lt3A_2083 = arith.cmpi slt, %convert_element_type3A_2073, %lt3A_2082 : vector<200x200xi32>
    %and3A_2084 = arith.andi %and3A_2080, %lt3A_2083 : vector<200x200xi1>
    %gt3A_2085 = arith.constant 0 : i32
    %gt3A_2086 = vector.broadcast %gt3A_2085 : i32 to vector<200x200xi32>
    %gt3A_2087 = arith.cmpi sgt, %convert_element_type3A_2073, %gt3A_2086 : vector<200x200xi32>
    %and3A_2088 = arith.andi %and3A_2084, %gt3A_2087 : vector<200x200xi1>
    %jit3A_2089 = arith.constant 0 : i32
    %jit3A_2090 = arith.constant 199 : i32
    %max3A_2091 = vector.broadcast %jit3A_2089 : i32 to vector<200x200xi32>
    %max3A_2092 = arith.maxsi %max3A_2091, %convert_element_type3A_2072 : vector<200x200xi32>
    %min3A_2093 = vector.broadcast %jit3A_2090 : i32 to vector<200x200xi32>
    %min3A_2094 = arith.minsi %min3A_2093, %max3A_2092 : vector<200x200xi32>
    %jit3A_2095 = arith.constant 0 : i32
    %jit3A_2096 = arith.constant 111 : i32
    %max3A_2097 = vector.broadcast %jit3A_2095 : i32 to vector<200x200xi32>
    %max3A_2098 = arith.maxsi %max3A_2097, %convert_element_type3A_2073 : vector<200x200xi32>
    %min3A_2099 = vector.broadcast %jit3A_2096 : i32 to vector<200x200xi32>
    %min3A_2100 = arith.minsi %min3A_2099, %max3A_2098 : vector<200x200xi32>
    %mul3A_2101 = arith.constant 200 : i32
    %mul3A_2102 = vector.broadcast %mul3A_2101 : i32 to vector<200x200xi32>
    %mul3A_2103 = arith.muli %min3A_2100, %mul3A_2102 : vector<200x200xi32>
    %add3A_2104 = arith.addi %mul3A_2103, %min3A_2094 : vector<200x200xi32>
    %jit3A_2105 = arith.constant 22400 : i32
    %broadcast_in_dim3A_2106 = vector.broadcast %jit3A_2105 : i32 to vector<200x200xi32>
    %select_n3A_2107 = arith.select %and3A_2088, %add3A_2104, %broadcast_in_dim3A_2106 : vector<200x200xi1>, vector<200x200xi32>
    %jit3A_2108 = arith.constant 22401 : i32
    %broadcast_in_dim3A_2109 = vector.broadcast %jit3A_2108 : i32 to vector<200x200xi32>
    %select_n3A_2110 = arith.select %eq3A_132, %broadcast_in_dim3A_2109, %select_n3A_2107 : vector<200x200xi32>
    %swap3A_2111 = arith.constant 0 : index
    %swap3A_2112 = arith.constant 0 : index
    %swap3A_2113 = arith.constant 6 : index
    %swap3A_2114 = arith.constant 0 : index
    %swap3A_2115 = arith.constant 0 : index
    %swap3A_2116 = vector.load %arg7[%swap3A_2111, %swap3A_2112, %swap3A_2113, %swap3A_2114, %swap3A_2115] : memref<1x1x7x200x200xi32, #tpu.memory_space<vmem>>, vector<1x1x1x200x200xi32>
    %swap3A_2117 = vector.shape_cast %swap3A_2116 : vector<1x1x1x200x200xi32> to vector<200x200xi32>
    %swap3A_2118 = vector.shape_cast %select_n3A_2110 : vector<200x200xi32> to vector<1x1x1x200x200xi32>
    tpu.vector_store %arg7[%swap3A_2111, %swap3A_2112, %swap3A_2113, %swap3A_2114, %swap3A_2115], %swap3A_2118 {strides = array<i32>} : memref<1x1x7x200x200xi32, #tpu.memory_space<vmem>>, vector<1x1x1x200x200xi32>,
    return
  }
  func.func @transform_0(%arg0: i32, %arg1: i32) -> (i32, i32, i32) {
    %c0_i32 = arith.constant 0 : i32
    %c0_i32_0 = arith.constant 0 : i32
    %c0_i32_1 = arith.constant 0 : i32
    return %arg0, %c0_i32, %c0_i32_0 : i32, i32, i32
  }
  func.func @transform_1(%arg0: i32, %arg1: i32) -> (i32, i32, i32) {
    %c0_i32 = arith.constant 0 : i32
    %c0_i32_0 = arith.constant 0 : i32
    %c0_i32_1 = arith.constant 0 : i32
    return %arg0, %c0_i32, %c0_i32_0 : i32, i32, i32
  }
  func.func @transform_2(%arg0: i32, %arg1: i32) -> (i32, i32, i32) {
    %c0_i32 = arith.constant 0 : i32
    %c0_i32_0 = arith.constant 0 : i32
    %c0_i32_1 = arith.constant 0 : i32
    return %arg0, %c0_i32, %c0_i32_0 : i32, i32, i32
  }
  func.func @transform_3(%arg0: i32, %arg1: i32) -> (i32, i32, i32) {
    %c0_i32 = arith.constant 0 : i32
    %c0_i32_0 = arith.constant 0 : i32
    %c0_i32_1 = arith.constant 0 : i32
    %c0_i32_2 = arith.constant 0 : i32
    return %c0_i32, %c0_i32_0, %c0_i32_1 : i32, i32, i32
  }
  func.func @transform_4(%arg0: i32, %arg1: i32) -> (i32, i32, i32) {
    %c0_i32 = arith.constant 0 : i32
    %c0_i32_0 = arith.constant 0 : i32
    %c0_i32_1 = arith.constant 0 : i32
    %c0_i32_2 = arith.constant 0 : i32
    return %c0_i32, %c0_i32_0, %c0_i32_1 : i32, i32, i32
  }
  func.func @transform_5(%arg0: i32, %arg1: i32) -> (i32, i32, i32, i32, i32) {
    %c0_i32 = arith.constant 0 : i32
    %c0_i32_0 = arith.constant 0 : i32
    %c0_i32_1 = arith.constant 0 : i32
    %c0_i32_2 = arith.constant 0 : i32
    return %arg0, %arg1, %c0_i32, %c0_i32_0, %c0_i32_1 : i32, i32, i32, i32, i32
  }
}

</mosaic_0001>

<sc_bundles>
// kernel: kernel.4.cloned.1.call-start
scs
__scs_entry_jumppad:
0x0: {  	(pc) =	sbr.rel $0x88, $3  }
0x1: {  	(tag) =	ssettag $0x0;
	lr =	simm.s32 $0x1  }
0x2: {  	[smem:$0x3F99] =	sst lr;
	_ =	strace $0xD0000000  }
0x3: {  	_ = 	snop  }
0x4: {  	_ = 	snop  }
0x5: {  	_ = 	snop  }
0x6: {  	_ = 	snop  }
0x7: {  	_ = 	snop  }
__scs_overlays_trampoline_lowered:
0x8: {  	[smem:$0x3FA8] =	sst s0  }
0x9: {  	[smem:$0x3FA9] =	sst s1  }
0xa: {  	[smem:$0x3FAA] =	sst s2  }
0xb: {  	[smem:$0x3FAB] =	sst s3  }
0xc: {  	[smem:$0x3FAC] =	sst s4  }
0xd: {  	[smem:$0x3FAD] =	sst s5  }
0xe: {  	[smem:$0x3FAE] =	sst s6  }
0xf: {  	[smem:$0x3FAF] =	sst s7  }
0x10: {  	[smem:$0x3FB0] =	sst s8  }
0x11: {  	[smem:$0x3FB1] =	sst s9;
	s0 =	simm.s32 @!p0 $0x0  }
0x12: {  	s1 =	sld [smem:$0x3F97];
	s0 =	simm.s32 @p0 $0x1  }
0x13: {  	[smem:$0x3FB2] =	sst s0;
	s0 =	simm.s32 @!p1 $0x0  }
0x14: {  	s2 =	sld [smem:$0x3F96];
	s0 =	simm.s32 @p1 $0x1  }
0x15: {  	[smem:$0x3FB3] =	sst s0;
	s0 =	simm.s32 @!p2 $0x0  }
0x16: {  	s3 =	sld [smem:$0x3FDB];
	s0 =	simm.s32 @p2 $0x1  }
0x17: {  	s4 =	simm.s32 $0x1BF5;
	[smem:$0x3FB5] =	sst s0  }
0x18: {  	s0 =	sld [smem:$0x3F98];
	_ =	swait.ge [sflag:s4], $0x0  }
0x19: {  	s7 =	sld [smem:$0x3F99]  }
0x1a: {  	s8 =	sadd.s32 $0xFFFFE003, lr  }
0x1b: {  	s9 =	sadd.s32 $0xFFFFFEF7, lr;
	s5 =	simm.s32 $0xFFFFFFFF;
	p2 =	slt.u32 s8, $0xFFFFF086  }
0x1c: {  	p1 =	slt.u32 s9, $0xF7A;
	s5 =	simm.s32 @!p2 $0x0  }
0x1d: {  	s5 =	simm.s32 @p1 $0x1;
	p0 =	seq.s32 s7, s2  }
0x1e: {  	s7 =	smul.u32 @!p0 $0xF7A, s2;
	p2 =	seq.s32 @!p0 s5, $0x0  }
0x1f: {  	s9 =	smul.u32 $0xF7A, s1;
	s8 =	simm.s32 @!p0 $0x1BF5;
	p2 =	por !p2, p0  }
0x20: {  	[sflag:s8] =	ssyncset.s32 @!p0 $0xFFFFF086;
	s6 =	sadd.s32 @!p0 s3, s7;
	s7 =	simm.s32 @!p0 $0x108  }
0x21: {  	s3 =	sadd.s32 s3, s9;
	s6 =	sadd.s32 @!p0 $0x88, s6;
	s7 =	simm.s32 @p2 $0x1082  }
0x22: {  	[simem:s7], [sflag:s8] =	dma.local @!p0 [hbm:s6], $0xF7A  }
0x23: {  	s9 =	sor.u32 $0xD0000000, s2;
	s6 =	simm.s32 $0x108;
	_ =	swait.ge @!p0 [sflag:s8], $0x0  }
0x24: {  	s3 =	sadd.s32 $0x88, s3;
	s6 =	simm.s32 @!p1 $0x1082;
	[sflag:s4] =	ssyncset.s32 $0xFFFFF086  }
0x25: {  	[simem:s6], [sflag:s4] =	dma.local [hbm:s3], $0xF7A  }
0x26: {  	[smem:$0x3F99] =	sst s1;
	(tag) =	ssettag s2;
	_ =	strace s9  }
0x27: {  	s1 =	sld [smem:$0x3FA9]  }
0x28: {  	s2 =	sld [smem:$0x3FAA]  }
0x29: {  	s4 =	sld [smem:$0x3FAC]  }
0x2a: {  	p0 =	seq.s32 s5, $0x0;
	s5 =	sld [smem:$0x3FAD]  }
0x2b: {  	s6 =	sld [smem:$0x3FAE]  }
0x2c: {  	s7 =	sld [smem:$0x3FAF]  }
0x2d: {  	s3 =	simm.s32 $0x108;
	s8 =	sld [smem:$0x3FB0]  }
0x2e: {  	s3 =	simm.s32 @!p0 $0x1082;
	s9 =	sld [smem:$0x3FB1]  }
0x2f: {  	lr =	sadd.s32 s0, s3;
	s0 =	sld [smem:$0x3FA8]  }
0x30: {  	s3 =	sld [smem:$0x3FAB]  }
0x31: {  	[smem:$0x3FB4] =	sst s10  }
0x32: {  	s10 =	sld [smem:$0x3FB2];
	_ =	sdelay $0x3  }
0x33: {  	p0 =	seq.s32 s10, $0x1;
	s10 =	sld [smem:$0x3FB4];
	_ =	sdelay $0x3  }
0x34: {  	[smem:$0x3FB4] =	sst s10  }
0x35: {  	s10 =	sld [smem:$0x3FB3];
	_ =	sdelay $0x3  }
0x36: {  	p1 =	seq.s32 s10, $0x1;
	s10 =	sld [smem:$0x3FB4];
	_ =	sdelay $0x3  }
0x37: {  	[smem:$0x3FB4] =	sst s10  }
0x38: {  	s10 =	sld [smem:$0x3FB5]  }
0x39: {  	_ = 	snop;
	(pc) =	sbr.ind lr, $3  }
0x3a: {  	_ = 	snop  }
0x3b: {  	_ = 	snop  }
0x3c: {  	p2 =	seq.s32 s10, $0x1;
	s10 =	sld [smem:$0x3FB4]  }
0x3d: {  	_ =	shalt  }
0x3e: {  	_ =	shalt  }
0x3f: {  	_ =	shalt  }
0x40: {  	_ =	shalt  }
0x41: {  	_ =	shalt  }
0x42: {  	_ =	shalt  }
0x43: {  	_ =	shalt  }
0x44: {  	_ =	shalt  }
0x45: {  	_ =	shalt  }
0x46: {  	_ =	shalt  }
0x47: {  	_ =	shalt  }
0x48: {  	_ =	shalt  }
0x49: {  	_ =	shalt  }
0x4a: {  	_ =	shalt  }
0x4b: {  	_ =	shalt  }
0x4c: {  	_ =	shalt  }
0x4d: {  	_ =	shalt  }
0x4e: {  	_ =	shalt  }
0x4f: {  	_ =	shalt  }
0x50: {  	_ =	shalt  }
0x51: {  	_ =	shalt  }
0x52: {  	_ =	shalt  }
0x53: {  	_ =	shalt  }
0x54: {  	_ =	shalt  }
0x55: {  	_ =	shalt  }
0x56: {  	_ =	shalt  }
0x57: {  	_ =	shalt  }
0x58: {  	_ =	shalt  }
0x59: {  	_ =	shalt  }
0x5a: {  	_ =	shalt  }
0x5b: {  	_ =	shalt  }
0x5c: {  	_ =	shalt  }
0x5d: {  	_ =	shalt  }
0x5e: {  	_ =	shalt  }
0x5f: {  	_ =	shalt  }
0x60: {  	_ =	shalt  }
0x61: {  	_ =	shalt  }
0x62: {  	_ =	shalt  }
0x63: {  	_ =	shalt  }
0x64: {  	_ =	shalt  }
0x65: {  	_ =	shalt  }
0x66: {  	_ =	shalt  }
0x67: {  	_ =	shalt  }
0x68: {  	_ =	shalt  }
0x69: {  	_ =	shalt  }
0x6a: {  	_ =	shalt  }
0x6b: {  	_ =	shalt  }
0x6c: {  	_ =	shalt  }
0x6d: {  	_ =	shalt  }
0x6e: {  	_ =	shalt  }
0x6f: {  	_ =	shalt  }
0x70: {  	_ =	shalt  }
0x71: {  	_ =	shalt  }
0x72: {  	_ =	shalt  }
0x73: {  	_ =	shalt  }
0x74: {  	_ =	shalt  }
0x75: {  	_ =	shalt  }
0x76: {  	_ =	shalt  }
0x77: {  	_ =	shalt  }
0x78: {  	_ =	shalt  }
0x79: {  	_ =	shalt  }
0x7a: {  	_ =	shalt  }
0x7b: {  	_ =	shalt  }
0x7c: {  	_ =	shalt  }
0x7d: {  	_ =	shalt  }
0x7e: {  	_ =	shalt  }
0x7f: {  	_ =	shalt  }
0x80: {  	_ =	shalt  }
0x81: {  	_ =	shalt  }
0x82: {  	_ =	shalt  }
0x83: {  	_ =	shalt  }
0x84: {  	_ =	shalt  }
0x85: {  	_ =	shalt  }
0x86: {  	_ =	shalt  }
0x87: {  	_ =	shalt  }
.Lfunc_end0:
.L_simem_size_0:
called_computation.1_lowered:
.L_overlay_start_0:
0x88: {  	s2 =	sld [smem:$0x3FD9]  }
0x89: {  	s3 =	sld [smem:$0x3FFE];
	_ =	sdelay $0x1  }
0x8a: {  	s1 =	srdreg.scid  }
0x8b: {  	s0 =	sand.u32 $0x1, s1  }
0x8c: {  	s17 =	sshll.u32 s0, $0xA;
	s2 =	sadd.s32 s3, s2  }
0x8d: {  	s2 =	sadd.s32 s2, s17  }
0x8e: {  	[smem:$0x3FC0] =	sst s2  }
0x8f: {  	_ = 	snop  }
0x90: {  	s2 =	sld [smem:$0x3FD0];
	(tm) =	ssettm $0x1  }
0x91: {  	s18 =	sld [smem:$0x3FFB];
	_ =	sdelay $0x3  }
0x92: {  	_ =	strace s18  }
0x93: {  	s3 =	sld [smem:$0x3FFC];
	_ =	sdelay $0x3  }
0x94: {  	_ =	strace s3  }
0x95: {  	s3 =	sld [smem:$0x3FFD];
	_ =	sdelay $0x3  }
0x96: {  	_ =	strace s3  }
0x97: {  	_ =	strace $0x8FFFFFFF  }
0x98: {  	s19 =	sld [smem:$0x3FDB];
	_ =	sdelay $0x1  }
0x99: {  	s4 =	simm.s32 $_scs_section_size  }
0x9a: {  	s5 =	simm.s32 $_size__tile_overlayer_lowered;
	s6 =	simm.s32 $_tile_overlayer_lowered  }
0x9b: {  	s22 =	simm.s32 $0x1BFF;
	s21 =	sshll.u32 s6, $0x1;
	s3 =	sadd.s32 s4, s19  }
0x9c: {  	s7 =	simm.s32 $0x0;
	s20 =	sshll.u32 s5, $0x1;
	s5 =	sadd.s32 s21, s3  }
0x9d: {  	[timem:s7], [sflag:s22] =	dma.local [hbm:s5], s20  }
0x9e: {  	_ =	swait.ge [sflag:s22], s20  }
0x9f: {  	s4 =	ssub.s32 $0x0, s20;
	[sflag:s22] =	ssyncset.done $0x0  }
0xa0: {  	[sflag:s22] =	ssyncadd.s32 s4;
	_ =	sdelay $0x1  }
0xa1: {  	s23 =	simm.s32 $0x1B8B  }
0xa2: {  	_ =	swait.ge [sflag:s23], $0x1  }
0xa3: {  	[sflag:s23] =	ssyncset.done $0x0  }
0xa4: {  	s25 =	simm.s32 $0x1B8E;
	s24 =	sld [smem:$0x3FFE];
	[sflag:s23] =	ssyncadd.s32 $0xFFFFFFFF  }
0xa5: {  	s26 =	simm.s32 $execute0_lowered;
	[smem:$0x3FD2] =	sst s25  }
0xa6: {  	s5 =	sshll.u32 s26, $0x1;
	_ =	strace $0x80000046;
	[dreg:$0x1] =	wrdreg $0xFFFFFFFF  }
0xa7: {  	s28 =	simm.s32 $_size_execute0_lowered;
	s3 =	sadd.s32 s3, s5;
	[dreg:$0x0] =	wrdreg $0x0  }
0xa8: {  	s5 =	sshll.u32 s28, $0x1;
	[dreg:$0x2] =	wrdreg s3  }
0xa9: {  	[dreg:$0x3] =	wrdreg s5  }
0xaa: {  	[dreg:$0x4] =	wrdreg $0xC0  }
0xab: {  	_ =	task [dreg:s7], $0x5FFFF  }
0xac: {  	[dreg:$0x1] =	wrdreg $0xFFFFFFFF  }
0xad: {  	[dreg:$0x0] =	wrdreg $0x60  }
0xae: {  	[dreg:$0x2] =	wrdreg s24  }
0xaf: {  	[dreg:$0x3] =	wrdreg s2  }
0xb0: {  	[dreg:$0x4] =	wrdreg $0x9  }
0xb1: {  	_ =	task.clear_ibuf [dreg:s7], $0x5FFFF;
	_ =	strace $0x90000046  }
0xb2: {  	s29 =	simm.s32 $0x9;
	_ =	strace $0x80000048  }
0xb3: {  	_ =	swait.ge [sflag:s29], $0x1  }
0xb4: {  	[sflag:s29] =	ssyncadd.s32 $0xFFFFFFFF  }
0xb5: {  	_ =	strace $0x90000048  }
0xb6: {  	_ =	sfence  }
0xb7: {  	s30 =	sld [smem:$0x0];
	_ =	sdelay $0x2  }
0xb8: {  	s31 =	sshll.u32 s1, $0xD;
	s1 =	sshrl.u32 s1, $0x2  }
0xb9: {  	s3 =	sand.u32 $0x4000, s31;
	s1 =	sadd.s32 s1, s30  }
0xba: {  	s0 =	sor.u32 s3, s0;
	s1 =	sshll.u32 s1, $0x11  }
0xbb: {  	s0 =	sor.u32 s1, s0  }
0xbc: {  	s0 =	sadd.s32 $0x8F2B, s0  }
0xbd: {  	[sflag:s0] =	ssyncadd.remote.s32 $0x1  }
0xbe: {  	_ =	sfence.sel $0xFFFF  }
0xbf: {  	[dreg:$0x0] =	wrdreg $0xFFFFFFFF;
	(pc) =	sbr.abs _section_cstart, $3  }
0xc0: {  	[dreg:$0x1] =	wrdreg $0xFFFFFFFF  }
0xc1: {  	_ =	task.clear_ibuf [dreg:s7], $0x2FFFF;
	_ =	strace $0x9FFFFFFF  }
0xc2: {  	(tm) =	ssettm $0x7FFFFFFF  }
0xc3: {  	_ =	shalt  }
tec
execute0_lowered:
.L_overlay_start_1:
0x0: {  	(tag) =	ssettag $0x1  }
0x1: {  	s0 =	srdreg.scid  }
0x2: {  	s2 =	stileid.u32;
	s1 =	rddreg [dreg:$0x0];
	s20 =	simm.s32 $0x2  }
0x3: {  	s21 =	simm.s32 $0xAF00;
	s22 =	simm.s32 $0x15E00;
	s28 =	simm.s32 $0x189C0  }
0x4: {  	s29 =	simm.s32 $0x1B580;
	s0 =	sand.u32 $0x1, s0;
	s3 =	sshll.u32 s2, $0x1  }
0x5: {  	s30 =	simm.s32 $0x0;
	s2 =	rddreg [dreg:$0x1];
	s5 =	sor.u32 s0, s3  }
0x6: {  	s3 =	simm.s32 $0x0;
	s0 =	ssub.s32 $0x2, s0;
	s4 =	smul.u32 $0xAF00, s5  }
0x7: {  	[smem:$0x7FF] =	sst s3;
	s5 =	smul.u32 $0x88B80, s5;
	s31 =	sshrl.u32 s0, $0x1  }
0x8: {  	_ =	strace $0x80000047;
	s0 =	ssub.s32 s0, s31;
	s4 =	sshrl.u32 s4, $0x3  }
0x9: {  	s10 =	sadd.s32 $0x1117000, s5;
	s19 =	smax.u32 s0, $0x1;
	s6 =	sadd.s32 s4, s1  }
0xa: {  	s4 =	sadd.s32 $0x1000, s1;
	s23 =	sadd.s32 $0x67A00, s6;
	s24 =	sadd.s32 $0x16E200, s6  }
0xb: {  	s25 =	sadd.s32 $0x93600, s6;
	s26 =	sadd.s32 $0x199E00, s6;
	s11 =	sadd.s32 $0xBF200, s6  }
0xc: {  	s12 =	sadd.s32 $0xEAE00, s6;
	s13 =	sadd.s32 $0x1C5A00, s6;
	[dreg:$0x3] =	wrdreg s23  }
0xd: {  	s14 =	sadd.s32 $0x1F1600, s6;
	s15 =	sadd.s32 $0x116A00, s6;
	[dreg:$0x4] =	wrdreg s24  }
0xe: {  	s16 =	sadd.s32 $0x142600, s6;
	s17 =	sadd.s32 $0x21D200, s6;
	[dreg:$0x5] =	wrdreg s25  }
0xf: {  	s18 =	sadd.s32 $0x248E00, s6;
	[dreg:$0x6] =	wrdreg s26;
	s23 =	simm.s32 $0x173E0  }
0x10: {  	v0 =	vimm.f32 $-Inf;
	s24 =	simm.s32 $0x1;
	s25 =	simm.s32 $0x15E0;
	s26 =	simm.s32 $0x445C0  }
.LBB2_1:
0x11: {  	s0 =	rddreg [dreg:$0x3]  }
0x12: {  	[tilespmem:s3], [sflag:$0x2] =	stream.linear.gather [hbm4b:s0+s3], $0xAF00, $0x38;
	[tilespmem:$0x1E140] =	vst v63  }
0x13: {  	_ =	swait.ge [sflag:s20], $0xAF00  }
0x14: {  	[sflag:s20] =	ssyncset.done $0x0  }
0x15: {  	s31 =	rddreg [dreg:$0x5];
	[sflag:s20] =	ssyncadd.s32 $0xFFFF5100  }
0x16: {  	[tilespmem:s21], [sflag:$0x2] =	stream.linear.gather [hbm4b:s31+s3], $0xAF00, $0x38;
	[tilespmem:$0x1E140] =	vst v63  }
0x17: {  	_ =	swait.ge [sflag:s20], $0xAF00  }
0x18: {  	[sflag:s20] =	ssyncset.done $0x0  }
0x19: {  	s1 =	simm.s32 $0x0;
	[sflag:s20] =	ssyncadd.s32 $0xFFFF5100  }
.LBB2_2:
0x1a: {  	s0 =	smul.u32 $0x15E0, s1;
	_ =	sdelay $0x1  }
0x1b: {  	s6 =	sshrl.u32 s0, $0x3  }
0x1c: {  	s7 =	simm.s32 $0x0;
	s6 =	sadd.s32 s4, s6  }
0x1d: {  	[tilespmem:s22], [sflag:$0x1] =	stream.linear.gather [hbm4b:s6+s7], $0x15E0, $0x38;
	[tilespmem:$0x1E140] =	vst v63  }
0x1e: {  	s6 =	sadd.s32 $0x88B8, s6  }
0x1f: {  	[tilespmem:s23], [sflag:$0x1] =	stream.linear.gather [hbm4b:s6+s7], $0x15E0, $0x38;
	[tilespmem:$0x1E140] =	vst v63  }
0x20: {  	_ =	swait.ge [sflag:s24], $0x15E0  }
0x21: {  	[sflag:s24] =	ssyncset.done $0x0  }
0x22: {  	[sflag:s24] =	ssyncadd.s32 $0xFFFFEA20  }
0x23: {  	_ =	swait.ge [sflag:s24], $0x15E0  }
0x24: {  	[sflag:s24] =	ssyncset.done $0x0  }
0x25: {  	s6 =	simm.s32 $0x0;
	[sflag:s24] =	ssyncadd.s32 $0xFFFFEA20  }
0x26: {  	v1 =	vld [tilespmem:s6+$0x173E0];
	_ =	sdelay $0x1  }
0x27: {  	v2 =	vld [tilespmem:s6+$0x15E00];
	_ =	sdelay $0x2  }
0x28: {  	vm0 =	vlt.s32 v1, $0x577F  }
0x29: {  	v4 =	vnsel vm0, $0x577F, v1  }
0x2a: {  	vm0 =	vlt.s32 v2, $0x577F;
	v3 =	vadd.s32 $0xAF00, v4  }
0x2b: {  	v5 =	vnsel vm0, $0x577F, v2;
	_ =	sdelay $0x3  }
0x2c: {  	v6 =	vld.idx.msk [tilespmem:v3+s3+$0x0], $0xffff  }
0x2d: {  	v7 =	vld.idx.msk [tilespmem:v5+s3+$0x0], $0xffff;
	_ =	sdelay $0x2  }
0x2e: {  	vm1 =	veq.s32 v1, $0x5780;
	vm2 =	veq.s32 v2, $0x5780;
	vm3 =	vlt.s32 v2, $0x5780  }
0x2f: {  	v8 =	vsel vm2, $0x0, v0;
	vm0 =	vlt.s32 v1, $0x5780;
	v3 =	vsel vm1, $0x0, v0  }
0x30: {  	s7 =	simm.s32 $0x10;
	v1 =	vsel vm3, v7, v8;
	v6 =	vsel vm0, v6, v3  }
0x31: {  	v2 =	vld [tilespmem:s7+$0x173E0];
	v5 =	vadd.s32 $0x5780, v5;
	v6 =	vmax.f32 v1, v6  }
0x32: {  	v1 =	vld [tilespmem:s7+$0x15E00];
	[tilespmem:s6+$0x189C0] =	vst v6;
	v6 =	vadd.s32 $0x10680, v4;
	_ =	sdelay $0x3  }
0x33: {  	v9 =	vld.idx.msk [tilespmem:v5+s3+$0x0], $0xffff  }
0x34: {  	v6 =	vld.idx.msk [tilespmem:v6+s3+$0x0], $0xffff  }
0x35: {  	vm4 =	vlt.s32 v2, $0x577F  }
0x36: {  	v4 =	vnsel vm4, $0x577F, v2  }
0x37: {  	vm1 =	veq.s32 v2, $0x5780;
	v7 =	vadd.s32 $0xAF00, v4;
	vm5 =	vlt.s32 v1, $0x577F  }
0x38: {  	s8 =	simm.s32 $0x80;
	vm2 =	veq.s32 v1, $0x5780;
	v5 =	vnsel vm5, $0x577F, v1;
	v8 =	vsel vm3, v9, v8  }
.LBB2_3:
0x39: {  	p0 =	sne.s32 s8, $0x5740;
	v3 =	vsel vm0, v6, v3;
	s31 =	smov.u32 s8;
	s8 =	sadd.s32 $0x40, s8  }
0x3a: {  	v3 =	vmax.f32 v8, v3  }
0x3b: {  	[tilespmem:s6+$0x19FA0] =	vst v3;
	s6 =	smov.u32 s7  }
0x3c: {  	v6 =	vld.idx.msk [tilespmem:v7+s3+$0x0], $0xffff  }
0x3d: {  	v7 =	vld.idx.msk [tilespmem:v5+s3+$0x0], $0xffff;
	_ =	sdelay $0x3  }
0x3e: {  	vm0 =	vlt.s32 v2, $0x5780;
	v4 =	vadd.s32 $0x10680, v4;
	v5 =	vadd.s32 $0x5780, v5  }
0x3f: {  	vm3 =	vlt.s32 v1, $0x5780;
	v8 =	vsel vm2, $0x0, v0;
	v3 =	vsel vm1, $0x0, v0  }
0x40: {  	s7 =	sshra.s32 s31, $0x2;
	v6 =	vsel vm0, v6, v3;
	v1 =	vsel vm3, v7, v8  }
0x41: {  	v6 =	vmax.f32 v1, v6;
	v2 =	vld [tilespmem:s7+$0x173E0]  }
0x42: {  	v1 =	vld [tilespmem:s7+$0x15E00];
	[tilespmem:s6+$0x189C0] =	vst v6  }
0x43: {  	v9 =	vld.idx.msk [tilespmem:v5+s3+$0x0], $0xffff  }
0x44: {  	v6 =	vld.idx.msk [tilespmem:v4+s3+$0x0], $0xffff  }
.Ltmp0:
0x45: {  	(pc) =	sbr.rel @p0 .LBB2_3-.Ltmp0, $4  }
0x46: {  	vm1 =	veq.s32 v2, $0x5780;
	vm4 =	vlt.s32 v2, $0x577F  }
0x47: {  	vm2 =	veq.s32 v1, $0x5780;
	vm5 =	vlt.s32 v1, $0x577F;
	v4 =	vnsel vm4, $0x577F, v2  }
0x48: {  	v5 =	vnsel vm5, $0x577F, v1;
	v7 =	vadd.s32 $0xAF00, v4  }
0x49: {  	v8 =	vsel vm3, v9, v8  }
0x4a: {  	_ = 	snop  }
0x4b: {  	v3 =	vsel vm0, v6, v3  }
0x4c: {  	v3 =	vmax.f32 v8, v3  }
0x4d: {  	[tilespmem:s6+$0x19FA0] =	vst v3  }
0x4e: {  	v3 =	vld.idx.msk [tilespmem:v7+s3+$0x0], $0xffff  }
0x4f: {  	v62 =	vld.idx.msk [tilespmem:v5+s3+$0x0], $0xffff;
	_ =	sdelay $0x2  }
0x50: {  	vm15 =	vlt.s32 v2, $0x5780;
	v2 =	vadd.s32 $0x5780, v5;
	v4 =	vadd.s32 $0x10680, v4  }
0x51: {  	vm3 =	vlt.s32 v1, $0x5780;
	v1 =	vsel vm2, $0x0, v0;
	v63 =	vsel vm1, $0x0, v0  }
0x52: {  	v6 =	vsel vm3, v62, v1;
	v3 =	vsel vm15, v3, v63  }
0x53: {  	v3 =	vmax.f32 v6, v3  }
0x54: {  	[tilespmem:s7+$0x189C0] =	vst v3  }
0x55: {  	v2 =	vld.idx.msk [tilespmem:v2+s3+$0x0], $0xffff  }
0x56: {  	v3 =	vld.idx.msk [tilespmem:v4+s3+$0x0], $0xffff;
	_ =	sdelay $0x4  }
0x57: {  	s0 =	sadd.s32 s5, s0;
	s1 =	sadd.s32 $0x1, s1;
	v1 =	vsel vm3, v2, v1;
	v2 =	vsel vm15, v3, v63  }
0x58: {  	s0 =	sshrl.u32 s0, $0x3;
	p0 =	sne.s32 s1, $0x32;
	v1 =	vmax.f32 v1, v2  }
.Ltmp1:
0x59: {  	s0 =	sadd.s32 s2, s0;
	[tilespmem:s7+$0x19FA0] =	vst v1;
	(pc) =	sbr.rel @p0 .LBB2_2-.Ltmp1, $4  }
0x5a: {  	[hbm4b:s0+s25] =	stream.strided.scatter [tilespmem:s28], [sflag:$0x2], $0x2BC0, s26, s25, $0x38;
	[tilespmem:$0x1E140] =	vst v63  }
0x5b: {  	_ =	swait.ge [sflag:s20], $0x2BC0  }
0x5c: {  	[sflag:s20] =	ssyncset.done $0x0  }
0x5d: {  	[sflag:s20] =	ssyncadd.s32 $0xFFFFD440  }
0x5e: {  	s1 =	simm.s32 $0x0;
	s0 =	rddreg [dreg:$0x4]  }
0x5f: {  	[tilespmem:s1], [sflag:$0x2] =	stream.linear.gather [hbm4b:s0+s1], $0xAF00, $0x38;
	[tilespmem:$0x1E140] =	vst v63  }
0x60: {  	_ =	swait.ge [sflag:s20], $0xAF00  }
0x61: {  	[sflag:s20] =	ssyncset.done $0x0  }
0x62: {  	s9 =	rddreg [dreg:$0x6];
	[sflag:s20] =	ssyncadd.s32 $0xFFFF5100  }
0x63: {  	[tilespmem:s21], [sflag:$0x2] =	stream.linear.gather [hbm4b:s9+s1], $0xAF00, $0x38;
	[tilespmem:$0x1E140] =	vst v63  }
0x64: {  	_ =	swait.ge [sflag:s20], $0xAF00  }
0x65: {  	[sflag:s20] =	ssyncset.done $0x0  }
0x66: {  	s31 =	simm.s32 $0x0;
	[sflag:s20] =	ssyncadd.s32 $0xFFFF5100  }
.LBB2_6:
0x67: {  	s0 =	smul.u32 $0x15E0, s31;
	_ =	sdelay $0x1  }
0x68: {  	s6 =	sshrl.u32 s0, $0x3  }
0x69: {  	s6 =	sadd.s32 s4, s6  }
0x6a: {  	s7 =	sadd.s32 $0x33450, s6  }
0x6b: {  	[tilespmem:s22], [sflag:$0x1] =	stream.linear.gather [hbm4b:s7+s1], $0x15E0, $0x38;
	[tilespmem:$0x1E140] =	vst v63  }
0x6c: {  	s6 =	sadd.s32 $0x3BD08, s6  }
0x6d: {  	[tilespmem:s23], [sflag:$0x1] =	stream.linear.gather [hbm4b:s6+s1], $0x15E0, $0x38;
	[tilespmem:$0x1E140] =	vst v63  }
0x6e: {  	_ =	swait.ge [sflag:s24], $0x15E0  }
0x6f: {  	[sflag:s24] =	ssyncset.done $0x0  }
0x70: {  	[sflag:s24] =	ssyncadd.s32 $0xFFFFEA20  }
0x71: {  	_ =	swait.ge [sflag:s24], $0x15E0  }
0x72: {  	[sflag:s24] =	ssyncset.done $0x0  }
0x73: {  	s6 =	simm.s32 $0x0;
	[sflag:s24] =	ssyncadd.s32 $0xFFFFEA20  }
0x74: {  	v1 =	vld [tilespmem:s6+$0x173E0];
	_ =	sdelay $0x1  }
0x75: {  	v2 =	vld [tilespmem:s6+$0x15E00];
	_ =	sdelay $0x2  }
0x76: {  	vm0 =	vlt.s32 v1, $0x577F  }
0x77: {  	v4 =	vnsel vm0, $0x577F, v1  }
0x78: {  	vm0 =	vlt.s32 v2, $0x577F;
	v3 =	vadd.s32 $0xAF00, v4  }
0x79: {  	v5 =	vnsel vm0, $0x577F, v2;
	_ =	sdelay $0x3  }
0x7a: {  	v6 =	vld.idx.msk [tilespmem:v3+s3+$0x0], $0xffff  }
0x7b: {  	v7 =	vld.idx.msk [tilespmem:v5+s3+$0x0], $0xffff;
	_ =	sdelay $0x2  }
0x7c: {  	vm1 =	veq.s32 v1, $0x5780;
	vm2 =	veq.s32 v2, $0x5780;
	vm3 =	vlt.s32 v2, $0x5780  }
0x7d: {  	v8 =	vsel vm2, $0x0, v0;
	vm0 =	vlt.s32 v1, $0x5780;
	v3 =	vsel vm1, $0x0, v0  }
0x7e: {  	s7 =	simm.s32 $0x10;
	v1 =	vsel vm3, v7, v8;
	v6 =	vsel vm0, v6, v3  }
0x7f: {  	v2 =	vld [tilespmem:s7+$0x173E0];
	v5 =	vadd.s32 $0x5780, v5;
	v6 =	vmax.f32 v1, v6  }
0x80: {  	v1 =	vld [tilespmem:s7+$0x15E00];
	[tilespmem:s6+$0x189C0] =	vst v6;
	v6 =	vadd.s32 $0x10680, v4;
	_ =	sdelay $0x3  }
0x81: {  	v9 =	vld.idx.msk [tilespmem:v5+s3+$0x0], $0xffff  }
0x82: {  	v6 =	vld.idx.msk [tilespmem:v6+s3+$0x0], $0xffff  }
0x83: {  	vm4 =	vlt.s32 v2, $0x577F  }
0x84: {  	v4 =	vnsel vm4, $0x577F, v2  }
0x85: {  	vm1 =	veq.s32 v2, $0x5780;
	v7 =	vadd.s32 $0xAF00, v4;
	vm5 =	vlt.s32 v1, $0x577F  }
0x86: {  	s8 =	simm.s32 $0x80;
	vm2 =	veq.s32 v1, $0x5780;
	v5 =	vnsel vm5, $0x577F, v1;
	v8 =	vsel vm3, v9, v8  }
.LBB2_7:
0x87: {  	p0 =	sne.s32 s8, $0x5740;
	v3 =	vsel vm0, v6, v3;
	s9 =	smov.u32 s8;
	s8 =	sadd.s32 $0x40, s8  }
0x88: {  	v3 =	vmax.f32 v8, v3  }
0x89: {  	[tilespmem:s6+$0x19FA0] =	vst v3;
	s6 =	smov.u32 s7  }
0x8a: {  	v6 =	vld.idx.msk [tilespmem:v7+s3+$0x0], $0xffff  }
0x8b: {  	v7 =	vld.idx.msk [tilespmem:v5+s3+$0x0], $0xffff;
	_ =	sdelay $0x3  }
0x8c: {  	vm0 =	vlt.s32 v2, $0x5780;
	v4 =	vadd.s32 $0x10680, v4;
	v5 =	vadd.s32 $0x5780, v5  }
0x8d: {  	vm3 =	vlt.s32 v1, $0x5780;
	v8 =	vsel vm2, $0x0, v0;
	v3 =	vsel vm1, $0x0, v0  }
0x8e: {  	s7 =	sshra.s32 s9, $0x2;
	v6 =	vsel vm0, v6, v3;
	v1 =	vsel vm3, v7, v8  }
0x8f: {  	v6 =	vmax.f32 v1, v6;
	v2 =	vld [tilespmem:s7+$0x173E0]  }
0x90: {  	v1 =	vld [tilespmem:s7+$0x15E00];
	[tilespmem:s6+$0x189C0] =	vst v6  }
0x91: {  	v9 =	vld.idx.msk [tilespmem:v5+s3+$0x0], $0xffff  }
0x92: {  	v6 =	vld.idx.msk [tilespmem:v4+s3+$0x0], $0xffff  }
.Ltmp2:
0x93: {  	(pc) =	sbr.rel @p0 .LBB2_7-.Ltmp2, $4  }
0x94: {  	vm1 =	veq.s32 v2, $0x5780;
	vm4 =	vlt.s32 v2, $0x577F  }
0x95: {  	vm2 =	veq.s32 v1, $0x5780;
	vm5 =	vlt.s32 v1, $0x577F;
	v4 =	vnsel vm4, $0x577F, v2  }
0x96: {  	v5 =	vnsel vm5, $0x577F, v1;
	v7 =	vadd.s32 $0xAF00, v4  }
0x97: {  	v8 =	vsel vm3, v9, v8  }
0x98: {  	_ = 	snop  }
0x99: {  	v3 =	vsel vm0, v6, v3  }
0x9a: {  	v3 =	vmax.f32 v8, v3  }
0x9b: {  	[tilespmem:s6+$0x19FA0] =	vst v3  }
0x9c: {  	v3 =	vld.idx.msk [tilespmem:v7+s3+$0x0], $0xffff  }
0x9d: {  	v62 =	vld.idx.msk [tilespmem:v5+s3+$0x0], $0xffff;
	_ =	sdelay $0x2  }
0x9e: {  	vm15 =	vlt.s32 v2, $0x5780;
	v2 =	vadd.s32 $0x5780, v5;
	v4 =	vadd.s32 $0x10680, v4  }
0x9f: {  	vm3 =	vlt.s32 v1, $0x5780;
	v1 =	vsel vm2, $0x0, v0;
	v63 =	vsel vm1, $0x0, v0  }
0xa0: {  	v6 =	vsel vm3, v62, v1;
	v3 =	vsel vm15, v3, v63  }
0xa1: {  	v3 =	vmax.f32 v6, v3  }
0xa2: {  	[tilespmem:s7+$0x189C0] =	vst v3  }
0xa3: {  	v2 =	vld.idx.msk [tilespmem:v2+s3+$0x0], $0xffff  }
0xa4: {  	v3 =	vld.idx.msk [tilespmem:v4+s3+$0x0], $0xffff;
	_ =	sdelay $0x4  }
0xa5: {  	s0 =	sadd.s32 s0, s10;
	s31 =	sadd.s32 $0x1, s31;
	v1 =	vsel vm3, v2, v1;
	v2 =	vsel vm15, v3, v63  }
0xa6: {  	s0 =	sshrl.u32 s0, $0x3;
	p0 =	sne.s32 s31, $0x32;
	v1 =	vmax.f32 v1, v2  }
.Ltmp3:
0xa7: {  	s0 =	sadd.s32 s2, s0;
	[tilespmem:s7+$0x19FA0] =	vst v1;
	(pc) =	sbr.rel @p0 .LBB2_6-.Ltmp3, $4  }
0xa8: {  	[hbm4b:s0+s25] =	stream.strided.scatter [tilespmem:s28], [sflag:$0x2], $0x2BC0, s26, s25, $0x38;
	[tilespmem:$0x1E140] =	vst v63  }
0xa9: {  	_ =	swait.ge [sflag:s20], $0x2BC0  }
0xaa: {  	[sflag:s20] =	ssyncset.done $0x0  }
0xab: {  	[sflag:s20] =	ssyncadd.s32 $0xFFFFD440  }
0xac: {  	s31 =	simm.s32 $0x0  }
0xad: {  	[tilespmem:s31], [sflag:$0x2] =	stream.linear.gather [hbm4b:s11+s31], $0xAF00, $0x38;
	[tilespmem:$0x1E140] =	vst v63  }
0xae: {  	_ =	swait.ge [sflag:s20], $0xAF00  }
0xaf: {  	[sflag:s20] =	ssyncset.done $0x0  }
0xb0: {  	[sflag:s20] =	ssyncadd.s32 $0xFFFF5100  }
0xb1: {  	[tilespmem:s21], [sflag:$0x2] =	stream.linear.gather [hbm4b:s12+s31], $0xAF00, $0x38;
	[tilespmem:$0x1E140] =	vst v63  }
0xb2: {  	_ =	swait.ge [sflag:s20], $0xAF00  }
0xb3: {  	[sflag:s20] =	ssyncset.done $0x0  }
0xb4: {  	s1 =	simm.s32 $0x0;
	[sflag:s20] =	ssyncadd.s32 $0xFFFF5100  }
.LBB2_10:
0xb5: {  	s0 =	smul.u32 $0x15E0, s1;
	_ =	sdelay $0x1  }
0xb6: {  	s6 =	sshrl.u32 s0, $0x3  }
0xb7: {  	s6 =	sadd.s32 s4, s6  }
0xb8: {  	s0 =	sadd.s32 s5, s0;
	s7 =	sadd.s32 $0x11170, s6  }
0xb9: {  	[tilespmem:s22], [sflag:$0x1] =	stream.linear.gather [hbm4b:s7+s31], $0x15E0, $0x38;
	[tilespmem:$0x1E140] =	vst v63  }
0xba: {  	s0 =	sshrl.u32 s0, $0x3;
	s6 =	sadd.s32 $0x19A28, s6  }
0xbb: {  	[tilespmem:s23], [sflag:$0x1] =	stream.linear.gather [hbm4b:s6+s31], $0x15E0, $0x38;
	[tilespmem:$0x1E140] =	vst v63  }
0xbc: {  	s0 =	sadd.s32 s2, s0  }
0xbd: {  	[tilespmem:s29], [sflag:$0x1] =	stream.strided.gather [hbm4b:s0+s25], $0x2BC0, s26, s25, $0x38;
	[tilespmem:$0x1E140] =	vst v63  }
0xbe: {  	_ =	swait.ge [sflag:s24], $0x15E0  }
0xbf: {  	[sflag:s24] =	ssyncset.done $0x0  }
0xc0: {  	[sflag:s24] =	ssyncadd.s32 $0xFFFFEA20  }
0xc1: {  	_ =	swait.ge [sflag:s24], $0x15E0  }
0xc2: {  	[sflag:s24] =	ssyncset.done $0x0  }
0xc3: {  	[sflag:s24] =	ssyncadd.s32 $0xFFFFEA20  }
0xc4: {  	_ =	swait.ge [sflag:s24], $0x2BC0  }
0xc5: {  	[sflag:s24] =	ssyncset.done $0x0  }
0xc6: {  	s6 =	simm.s32 $0x0;
	[sflag:s24] =	ssyncadd.s32 $0xFFFFD440  }
0xc7: {  	v1 =	vld [tilespmem:s6+$0x15E00]  }
0xc8: {  	v2 =	vld [tilespmem:s6+$0x173E0];
	_ =	sdelay $0x4  }
0xc9: {  	vm0 =	vlt.s32 v1, $0x577F;
	vm1 =	vlt.s32 v2, $0x577F  }
0xca: {  	v4 =	vnsel vm0, $0x577F, v1;
	v5 =	vnsel vm1, $0x577F, v2  }
0xcb: {  	v3 =	vadd.s32 $0xAF00, v5;
	_ =	sdelay $0x3  }
0xcc: {  	v6 =	vld.idx.msk [tilespmem:v4+s3+$0x0], $0xffff  }
0xcd: {  	v7 =	vld.idx.msk [tilespmem:v3+s3+$0x0], $0xffff;
	_ =	sdelay $0x1  }
0xce: {  	v8 =	vld [tilespmem:s6+$0x1B580];
	vm2 =	veq.s32 v2, $0x5780  }
0xcf: {  	vm3 =	vlt.s32 v2, $0x5780;
	vm1 =	veq.s32 v1, $0x5780;
	vm0 =	vlt.s32 v1, $0x5780  }
0xd0: {  	v9 =	vsel vm2, $0x0, v0;
	v5 =	vadd.s32 $0x10680, v5;
	v3 =	vsel vm1, $0x0, v0  }
0xd1: {  	v4 =	vadd.s32 $0x5780, v4;
	v1 =	vsel vm0, v6, v3;
	v2 =	vsel vm3, v7, v9  }
0xd2: {  	s7 =	simm.s32 $0x10;
	v2 =	vmax.f32 v1, v2  }
0xd3: {  	v1 =	vld [tilespmem:s7+$0x15E00];
	v6 =	vmax.f32 v2, v8  }
0xd4: {  	v2 =	vld [tilespmem:s7+$0x173E0];
	[tilespmem:s6+$0x189C0] =	vst v6  }
0xd5: {  	v8 =	vld.idx.msk [tilespmem:v5+s3+$0x0], $0xffff  }
0xd6: {  	v6 =	vld.idx.msk [tilespmem:v4+s3+$0x0], $0xffff;
	_ =	sdelay $0x1  }
0xd7: {  	v7 =	vld [tilespmem:s6+$0x1CB60];
	vm2 =	vlt.s32 v1, $0x577F  }
0xd8: {  	vm1 =	veq.s32 v1, $0x5780;
	v4 =	vnsel vm2, $0x577F, v1;
	vm4 =	vlt.s32 v2, $0x577F  }
0xd9: {  	s8 =	simm.s32 $0x80;
	vm2 =	veq.s32 v2, $0x5780;
	v5 =	vnsel vm4, $0x577F, v2;
	v8 =	vsel vm3, v8, v9  }
.LBB2_11:
0xda: {  	p0 =	sne.s32 s8, $0x5740;
	v9 =	vadd.s32 $0xAF00, v5;
	v3 =	vsel vm0, v6, v3;
	s9 =	smov.u32 s8;
	s8 =	sadd.s32 $0x40, s8  }
0xdb: {  	v3 =	vmax.f32 v3, v8  }
0xdc: {  	v3 =	vmax.f32 v3, v7  }
0xdd: {  	[tilespmem:s6+$0x19FA0] =	vst v3;
	s6 =	smov.u32 s7  }
0xde: {  	v6 =	vld.idx.msk [tilespmem:v4+s3+$0x0], $0xffff  }
0xdf: {  	v7 =	vld.idx.msk [tilespmem:v9+s3+$0x0], $0xffff;
	_ =	sdelay $0x2  }
0xe0: {  	v8 =	vld [tilespmem:s6+$0x1B580]  }
0xe1: {  	vm0 =	vlt.s32 v1, $0x5780;
	vm3 =	vlt.s32 v2, $0x5780;
	v3 =	vsel vm1, $0x0, v0  }
0xe2: {  	v5 =	vadd.s32 $0x10680, v5;
	v4 =	vadd.s32 $0x5780, v4;
	v9 =	vsel vm2, $0x0, v0  }
0xe3: {  	v1 =	vsel vm0, v6, v3;
	v2 =	vsel vm3, v7, v9  }
0xe4: {  	s7 =	sshra.s32 s9, $0x2;
	v2 =	vmax.f32 v1, v2  }
0xe5: {  	v1 =	vld [tilespmem:s7+$0x15E00];
	v6 =	vmax.f32 v2, v8  }
0xe6: {  	v2 =	vld [tilespmem:s7+$0x173E0];
	[tilespmem:s6+$0x189C0] =	vst v6  }
0xe7: {  	v8 =	vld.idx.msk [tilespmem:v5+s3+$0x0], $0xffff  }
0xe8: {  	v6 =	vld.idx.msk [tilespmem:v4+s3+$0x0], $0xffff  }
.Ltmp4:
0xe9: {  	(pc) =	sbr.rel @p0 .LBB2_11-.Ltmp4, $4  }
0xea: {  	vm1 =	veq.s32 v1, $0x5780;
	vm4 =	vlt.s32 v1, $0x577F;
	v7 =	vld [tilespmem:s6+$0x1CB60]  }
0xeb: {  	vm2 =	veq.s32 v2, $0x5780;
	v4 =	vnsel vm4, $0x577F, v1  }
0xec: {  	vm4 =	vlt.s32 v2, $0x577F  }
0xed: {  	v5 =	vnsel vm4, $0x577F, v2;
	v8 =	vsel vm3, v8, v9  }
0xee: {  	v9 =	vadd.s32 $0xAF00, v5;
	v3 =	vsel vm0, v6, v3  }
0xef: {  	v3 =	vmax.f32 v3, v8  }
0xf0: {  	v3 =	vmax.f32 v3, v7  }
0xf1: {  	[tilespmem:s6+$0x19FA0] =	vst v3  }
0xf2: {  	v3 =	vld.idx.msk [tilespmem:v4+s3+$0x0], $0xffff  }
0xf3: {  	v59 =	vld.idx.msk [tilespmem:v9+s3+$0x0], $0xffff;
	_ =	sdelay $0x1  }
0xf4: {  	v60 =	vld [tilespmem:s7+$0x1B580]  }
0xf5: {  	vm15 =	vlt.s32 v1, $0x5780;
	vm3 =	vlt.s32 v2, $0x5780  }
0xf6: {  	v1 =	vsel vm1, $0x0, v0;
	v2 =	vsel vm2, $0x0, v0;
	v61 =	vadd.s32 $0x10680, v5  }
0xf7: {  	v62 =	vadd.s32 $0x5780, v4;
	v3 =	vsel vm15, v3, v1;
	v6 =	vsel vm3, v59, v2  }
0xf8: {  	v3 =	vmax.f32 v3, v6  }
0xf9: {  	v3 =	vmax.f32 v3, v60  }
0xfa: {  	[tilespmem:s7+$0x189C0] =	vst v3  }
0xfb: {  	v3 =	vld.idx.msk [tilespmem:v61+s3+$0x0], $0xffff  }
0xfc: {  	v4 =	vld.idx.msk [tilespmem:v62+s3+$0x0], $0xffff;
	_ =	sdelay $0x1  }
0xfd: {  	v63 =	vld [tilespmem:s7+$0x1CB60];
	_ =	sdelay $0x2  }
0xfe: {  	v2 =	vsel vm3, v3, v2;
	v1 =	vsel vm15, v4, v1  }
0xff: {  	s1 =	sadd.s32 $0x1, s1;
	v1 =	vmax.f32 v1, v2  }
0x100: {  	p0 =	sne.s32 s1, $0x32;
	v1 =	vmax.f32 v1, v63  }
.Ltmp5:
0x101: {  	[tilespmem:s7+$0x19FA0] =	vst v1;
	(pc) =	sbr.rel @p0 .LBB2_10-.Ltmp5, $4  }
0x102: {  	[hbm4b:s0+s25] =	stream.strided.scatter [tilespmem:s28], [sflag:$0x2], $0x2BC0, s26, s25, $0x38;
	[tilespmem:$0x1E140] =	vst v63  }
0x103: {  	_ =	swait.ge [sflag:s20], $0x2BC0  }
0x104: {  	[sflag:s20] =	ssyncset.done $0x0  }
0x105: {  	[sflag:s20] =	ssyncadd.s32 $0xFFFFD440  }
0x106: {  	s31 =	simm.s32 $0x0  }
0x107: {  	[tilespmem:s31], [sflag:$0x2] =	stream.linear.gather [hbm4b:s13+s31], $0xAF00, $0x38;
	[tilespmem:$0x1E140] =	vst v63  }
0x108: {  	_ =	swait.ge [sflag:s20], $0xAF00  }
0x109: {  	[sflag:s20] =	ssyncset.done $0x0  }
0x10a: {  	[sflag:s20] =	ssyncadd.s32 $0xFFFF5100  }
0x10b: {  	[tilespmem:s21], [sflag:$0x2] =	stream.linear.gather [hbm4b:s14+s31], $0xAF00, $0x38;
	[tilespmem:$0x1E140] =	vst v63  }
0x10c: {  	_ =	swait.ge [sflag:s20], $0xAF00  }
0x10d: {  	[sflag:s20] =	ssyncset.done $0x0  }
0x10e: {  	s1 =	simm.s32 $0x0;
	[sflag:s20] =	ssyncadd.s32 $0xFFFF5100  }
.LBB2_14:
0x10f: {  	s0 =	smul.u32 $0x15E0, s1;
	_ =	sdelay $0x1  }
0x110: {  	s6 =	sshrl.u32 s0, $0x3  }
0x111: {  	s6 =	sadd.s32 s4, s6  }
0x112: {  	s0 =	sadd.s32 s0, s10;
	s7 =	sadd.s32 $0x445C0, s6  }
0x113: {  	[tilespmem:s22], [sflag:$0x1] =	stream.linear.gather [hbm4b:s7+s31], $0x15E0, $0x38;
	[tilespmem:$0x1E140] =	vst v63  }
0x114: {  	s0 =	sshrl.u32 s0, $0x3;
	s6 =	sadd.s32 $0x4CE78, s6  }
0x115: {  	[tilespmem:s23], [sflag:$0x1] =	stream.linear.gather [hbm4b:s6+s31], $0x15E0, $0x38;
	[tilespmem:$0x1E140] =	vst v63  }
0x116: {  	s0 =	sadd.s32 s2, s0  }
0x117: {  	[tilespmem:s29], [sflag:$0x1] =	stream.strided.gather [hbm4b:s0+s25], $0x2BC0, s26, s25, $0x38;
	[tilespmem:$0x1E140] =	vst v63  }
0x118: {  	_ =	swait.ge [sflag:s24], $0x15E0  }
0x119: {  	[sflag:s24] =	ssyncset.done $0x0  }
0x11a: {  	[sflag:s24] =	ssyncadd.s32 $0xFFFFEA20  }
0x11b: {  	_ =	swait.ge [sflag:s24], $0x15E0  }
0x11c: {  	[sflag:s24] =	ssyncset.done $0x0  }
0x11d: {  	[sflag:s24] =	ssyncadd.s32 $0xFFFFEA20  }
0x11e: {  	_ =	swait.ge [sflag:s24], $0x2BC0  }
0x11f: {  	[sflag:s24] =	ssyncset.done $0x0  }
0x120: {  	s6 =	simm.s32 $0x0;
	[sflag:s24] =	ssyncadd.s32 $0xFFFFD440  }
0x121: {  	v1 =	vld [tilespmem:s6+$0x15E00]  }
0x122: {  	v2 =	vld [tilespmem:s6+$0x173E0];
	_ =	sdelay $0x4  }
0x123: {  	vm0 =	vlt.s32 v1, $0x577F;
	vm1 =	vlt.s32 v2, $0x577F  }
0x124: {  	v4 =	vnsel vm0, $0x577F, v1;
	v5 =	vnsel vm1, $0x577F, v2  }
0x125: {  	v3 =	vadd.s32 $0xAF00, v5;
	_ =	sdelay $0x3  }
0x126: {  	v6 =	vld.idx.msk [tilespmem:v4+s3+$0x0], $0xffff  }
0x127: {  	v7 =	vld.idx.msk [tilespmem:v3+s3+$0x0], $0xffff;
	_ =	sdelay $0x1  }
0x128: {  	v8 =	vld [tilespmem:s6+$0x1B580];
	vm2 =	veq.s32 v2, $0x5780  }
0x129: {  	vm3 =	vlt.s32 v2, $0x5780;
	vm1 =	veq.s32 v1, $0x5780;
	vm0 =	vlt.s32 v1, $0x5780  }
0x12a: {  	v9 =	vsel vm2, $0x0, v0;
	v5 =	vadd.s32 $0x10680, v5;
	v3 =	vsel vm1, $0x0, v0  }
0x12b: {  	v4 =	vadd.s32 $0x5780, v4;
	v1 =	vsel vm0, v6, v3;
	v2 =	vsel vm3, v7, v9  }
0x12c: {  	s7 =	simm.s32 $0x10;
	v2 =	vmax.f32 v1, v2  }
0x12d: {  	v1 =	vld [tilespmem:s7+$0x15E00];
	v6 =	vmax.f32 v2, v8  }
0x12e: {  	v2 =	vld [tilespmem:s7+$0x173E0];
	[tilespmem:s6+$0x189C0] =	vst v6  }
0x12f: {  	v8 =	vld.idx.msk [tilespmem:v5+s3+$0x0], $0xffff  }
0x130: {  	v6 =	vld.idx.msk [tilespmem:v4+s3+$0x0], $0xffff;
	_ =	sdelay $0x1  }
0x131: {  	v7 =	vld [tilespmem:s6+$0x1CB60];
	vm2 =	vlt.s32 v1, $0x577F  }
0x132: {  	vm1 =	veq.s32 v1, $0x5780;
	v4 =	vnsel vm2, $0x577F, v1;
	vm4 =	vlt.s32 v2, $0x577F  }
0x133: {  	s8 =	simm.s32 $0x80;
	vm2 =	veq.s32 v2, $0x5780;
	v5 =	vnsel vm4, $0x577F, v2;
	v8 =	vsel vm3, v8, v9  }
.LBB2_15:
0x134: {  	p0 =	sne.s32 s8, $0x5740;
	v9 =	vadd.s32 $0xAF00, v5;
	v3 =	vsel vm0, v6, v3;
	s9 =	smov.u32 s8;
	s8 =	sadd.s32 $0x40, s8  }
0x135: {  	v3 =	vmax.f32 v3, v8  }
0x136: {  	v3 =	vmax.f32 v3, v7  }
0x137: {  	[tilespmem:s6+$0x19FA0] =	vst v3;
	s6 =	smov.u32 s7  }
0x138: {  	v6 =	vld.idx.msk [tilespmem:v4+s3+$0x0], $0xffff  }
0x139: {  	v7 =	vld.idx.msk [tilespmem:v9+s3+$0x0], $0xffff;
	_ =	sdelay $0x2  }
0x13a: {  	v8 =	vld [tilespmem:s6+$0x1B580]  }
0x13b: {  	vm0 =	vlt.s32 v1, $0x5780;
	vm3 =	vlt.s32 v2, $0x5780;
	v3 =	vsel vm1, $0x0, v0  }
0x13c: {  	v5 =	vadd.s32 $0x10680, v5;
	v4 =	vadd.s32 $0x5780, v4;
	v9 =	vsel vm2, $0x0, v0  }
0x13d: {  	v1 =	vsel vm0, v6, v3;
	v2 =	vsel vm3, v7, v9  }
0x13e: {  	s7 =	sshra.s32 s9, $0x2;
	v2 =	vmax.f32 v1, v2  }
0x13f: {  	v1 =	vld [tilespmem:s7+$0x15E00];
	v6 =	vmax.f32 v2, v8  }
0x140: {  	v2 =	vld [tilespmem:s7+$0x173E0];
	[tilespmem:s6+$0x189C0] =	vst v6  }
0x141: {  	v8 =	vld.idx.msk [tilespmem:v5+s3+$0x0], $0xffff  }
0x142: {  	v6 =	vld.idx.msk [tilespmem:v4+s3+$0x0], $0xffff  }
.Ltmp6:
0x143: {  	(pc) =	sbr.rel @p0 .LBB2_15-.Ltmp6, $4  }
0x144: {  	vm1 =	veq.s32 v1, $0x5780;
	vm4 =	vlt.s32 v1, $0x577F;
	v7 =	vld [tilespmem:s6+$0x1CB60]  }
0x145: {  	vm2 =	veq.s32 v2, $0x5780;
	v4 =	vnsel vm4, $0x577F, v1  }
0x146: {  	vm4 =	vlt.s32 v2, $0x577F  }
0x147: {  	v5 =	vnsel vm4, $0x577F, v2;
	v8 =	vsel vm3, v8, v9  }
0x148: {  	v9 =	vadd.s32 $0xAF00, v5;
	v3 =	vsel vm0, v6, v3  }
0x149: {  	v3 =	vmax.f32 v3, v8  }
0x14a: {  	v3 =	vmax.f32 v3, v7  }
0x14b: {  	[tilespmem:s6+$0x19FA0] =	vst v3  }
0x14c: {  	v3 =	vld.idx.msk [tilespmem:v4+s3+$0x0], $0xffff  }
0x14d: {  	v59 =	vld.idx.msk [tilespmem:v9+s3+$0x0], $0xffff;
	_ =	sdelay $0x1  }
0x14e: {  	v60 =	vld [tilespmem:s7+$0x1B580]  }
0x14f: {  	vm15 =	vlt.s32 v1, $0x5780;
	vm3 =	vlt.s32 v2, $0x5780  }
0x150: {  	v1 =	vsel vm1, $0x0, v0;
	v2 =	vsel vm2, $0x0, v0;
	v61 =	vadd.s32 $0x10680, v5  }
0x151: {  	v62 =	vadd.s32 $0x5780, v4;
	v3 =	vsel vm15, v3, v1;
	v6 =	vsel vm3, v59, v2  }
0x152: {  	v3 =	vmax.f32 v3, v6  }
0x153: {  	v3 =	vmax.f32 v3, v60  }
0x154: {  	[tilespmem:s7+$0x189C0] =	vst v3  }
0x155: {  	v3 =	vld.idx.msk [tilespmem:v61+s3+$0x0], $0xffff  }
0x156: {  	v4 =	vld.idx.msk [tilespmem:v62+s3+$0x0], $0xffff;
	_ =	sdelay $0x1  }
0x157: {  	v63 =	vld [tilespmem:s7+$0x1CB60];
	_ =	sdelay $0x2  }
0x158: {  	v2 =	vsel vm3, v3, v2;
	v1 =	vsel vm15, v4, v1  }
0x159: {  	s1 =	sadd.s32 $0x1, s1;
	v1 =	vmax.f32 v1, v2  }
0x15a: {  	p0 =	sne.s32 s1, $0x32;
	v1 =	vmax.f32 v1, v63  }
.Ltmp7:
0x15b: {  	[tilespmem:s7+$0x19FA0] =	vst v1;
	(pc) =	sbr.rel @p0 .LBB2_14-.Ltmp7, $4  }
0x15c: {  	[hbm4b:s0+s25] =	stream.strided.scatter [tilespmem:s28], [sflag:$0x2], $0x2BC0, s26, s25, $0x38;
	[tilespmem:$0x1E140] =	vst v63  }
0x15d: {  	_ =	swait.ge [sflag:s20], $0x2BC0  }
0x15e: {  	[sflag:s20] =	ssyncset.done $0x0  }
0x15f: {  	[sflag:s20] =	ssyncadd.s32 $0xFFFFD440  }
0x160: {  	s31 =	simm.s32 $0x0  }
0x161: {  	[tilespmem:s31], [sflag:$0x2] =	stream.linear.gather [hbm4b:s15+s31], $0xAF00, $0x38;
	[tilespmem:$0x1E140] =	vst v63  }
0x162: {  	_ =	swait.ge [sflag:s20], $0xAF00  }
0x163: {  	[sflag:s20] =	ssyncset.done $0x0  }
0x164: {  	[sflag:s20] =	ssyncadd.s32 $0xFFFF5100  }
0x165: {  	[tilespmem:s21], [sflag:$0x2] =	stream.linear.gather [hbm4b:s16+s31], $0xAF00, $0x38;
	[tilespmem:$0x1E140] =	vst v63  }
0x166: {  	_ =	swait.ge [sflag:s20], $0xAF00  }
0x167: {  	[sflag:s20] =	ssyncset.done $0x0  }
0x168: {  	s1 =	simm.s32 $0x0;
	[sflag:s20] =	ssyncadd.s32 $0xFFFF5100  }
.LBB2_18:
0x169: {  	s0 =	smul.u32 $0x15E0, s1;
	_ =	sdelay $0x1  }
0x16a: {  	s6 =	sshrl.u32 s0, $0x3  }
0x16b: {  	s6 =	sadd.s32 s4, s6  }
0x16c: {  	s0 =	sadd.s32 s5, s0;
	s7 =	sadd.s32 $0x222E0, s6  }
0x16d: {  	[tilespmem:s22], [sflag:$0x1] =	stream.linear.gather [hbm4b:s7+s31], $0x15E0, $0x38;
	[tilespmem:$0x1E140] =	vst v63  }
0x16e: {  	s0 =	sshrl.u32 s0, $0x3;
	s6 =	sadd.s32 $0x2AB98, s6  }
0x16f: {  	[tilespmem:s23], [sflag:$0x1] =	stream.linear.gather [hbm4b:s6+s31], $0x15E0, $0x38;
	[tilespmem:$0x1E140] =	vst v63  }
0x170: {  	s0 =	sadd.s32 s2, s0  }
0x171: {  	[tilespmem:s29], [sflag:$0x1] =	stream.strided.gather [hbm4b:s0+s25], $0x2BC0, s26, s25, $0x38;
	[tilespmem:$0x1E140] =	vst v63  }
0x172: {  	_ =	swait.ge [sflag:s24], $0x15E0  }
0x173: {  	[sflag:s24] =	ssyncset.done $0x0  }
0x174: {  	[sflag:s24] =	ssyncadd.s32 $0xFFFFEA20  }
0x175: {  	_ =	swait.ge [sflag:s24], $0x15E0  }
0x176: {  	[sflag:s24] =	ssyncset.done $0x0  }
0x177: {  	[sflag:s24] =	ssyncadd.s32 $0xFFFFEA20  }
0x178: {  	_ =	swait.ge [sflag:s24], $0x2BC0  }
0x179: {  	[sflag:s24] =	ssyncset.done $0x0  }
0x17a: {  	s6 =	simm.s32 $0x0;
	[sflag:s24] =	ssyncadd.s32 $0xFFFFD440  }
0x17b: {  	v1 =	vld [tilespmem:s6+$0x15E00]  }
0x17c: {  	v2 =	vld [tilespmem:s6+$0x173E0];
	_ =	sdelay $0x4  }
0x17d: {  	vm0 =	vlt.s32 v1, $0x577F;
	vm1 =	vlt.s32 v2, $0x577F  }
0x17e: {  	v4 =	vnsel vm0, $0x577F, v1;
	v5 =	vnsel vm1, $0x577F, v2  }
0x17f: {  	v3 =	vadd.s32 $0xAF00, v5;
	_ =	sdelay $0x3  }
0x180: {  	v6 =	vld.idx.msk [tilespmem:v4+s3+$0x0], $0xffff  }
0x181: {  	v7 =	vld.idx.msk [tilespmem:v3+s3+$0x0], $0xffff;
	_ =	sdelay $0x1  }
0x182: {  	v8 =	vld [tilespmem:s6+$0x1B580];
	vm2 =	veq.s32 v2, $0x5780  }
0x183: {  	vm3 =	vlt.s32 v2, $0x5780;
	vm1 =	veq.s32 v1, $0x5780;
	vm0 =	vlt.s32 v1, $0x5780  }
0x184: {  	v9 =	vsel vm2, $0x0, v0;
	v5 =	vadd.s32 $0x10680, v5;
	v3 =	vsel vm1, $0x0, v0  }
0x185: {  	v4 =	vadd.s32 $0x5780, v4;
	v1 =	vsel vm0, v6, v3;
	v2 =	vsel vm3, v7, v9  }
0x186: {  	s7 =	simm.s32 $0x10;
	v2 =	vmax.f32 v1, v2  }
0x187: {  	v1 =	vld [tilespmem:s7+$0x15E00];
	v6 =	vmax.f32 v2, v8  }
0x188: {  	v2 =	vld [tilespmem:s7+$0x173E0];
	[tilespmem:s6+$0x189C0] =	vst v6  }
0x189: {  	v8 =	vld.idx.msk [tilespmem:v5+s3+$0x0], $0xffff  }
0x18a: {  	v6 =	vld.idx.msk [tilespmem:v4+s3+$0x0], $0xffff;
	_ =	sdelay $0x1  }
0x18b: {  	v7 =	vld [tilespmem:s6+$0x1CB60];
	vm2 =	vlt.s32 v1, $0x577F  }
0x18c: {  	vm1 =	veq.s32 v1, $0x5780;
	v4 =	vnsel vm2, $0x577F, v1;
	vm4 =	vlt.s32 v2, $0x577F  }
0x18d: {  	s8 =	simm.s32 $0x80;
	vm2 =	veq.s32 v2, $0x5780;
	v5 =	vnsel vm4, $0x577F, v2;
	v8 =	vsel vm3, v8, v9  }
.LBB2_19:
0x18e: {  	p0 =	sne.s32 s8, $0x5740;
	v9 =	vadd.s32 $0xAF00, v5;
	v3 =	vsel vm0, v6, v3;
	s9 =	smov.u32 s8;
	s8 =	sadd.s32 $0x40, s8  }
0x18f: {  	v3 =	vmax.f32 v3, v8  }
0x190: {  	v3 =	vmax.f32 v3, v7  }
0x191: {  	[tilespmem:s6+$0x19FA0] =	vst v3;
	s6 =	smov.u32 s7  }
0x192: {  	v6 =	vld.idx.msk [tilespmem:v4+s3+$0x0], $0xffff  }
0x193: {  	v7 =	vld.idx.msk [tilespmem:v9+s3+$0x0], $0xffff;
	_ =	sdelay $0x2  }
0x194: {  	v8 =	vld [tilespmem:s6+$0x1B580]  }
0x195: {  	vm0 =	vlt.s32 v1, $0x5780;
	vm3 =	vlt.s32 v2, $0x5780;
	v3 =	vsel vm1, $0x0, v0  }
0x196: {  	v5 =	vadd.s32 $0x10680, v5;
	v4 =	vadd.s32 $0x5780, v4;
	v9 =	vsel vm2, $0x0, v0  }
0x197: {  	v1 =	vsel vm0, v6, v3;
	v2 =	vsel vm3, v7, v9  }
0x198: {  	s7 =	sshra.s32 s9, $0x2;
	v2 =	vmax.f32 v1, v2  }
0x199: {  	v1 =	vld [tilespmem:s7+$0x15E00];
	v6 =	vmax.f32 v2, v8  }
0x19a: {  	v2 =	vld [tilespmem:s7+$0x173E0];
	[tilespmem:s6+$0x189C0] =	vst v6  }
0x19b: {  	v8 =	vld.idx.msk [tilespmem:v5+s3+$0x0], $0xffff  }
0x19c: {  	v6 =	vld.idx.msk [tilespmem:v4+s3+$0x0], $0xffff  }
.Ltmp8:
0x19d: {  	(pc) =	sbr.rel @p0 .LBB2_19-.Ltmp8, $4  }
0x19e: {  	vm1 =	veq.s32 v1, $0x5780;
	vm4 =	vlt.s32 v1, $0x577F;
	v7 =	vld [tilespmem:s6+$0x1CB60]  }
0x19f: {  	vm2 =	veq.s32 v2, $0x5780;
	v4 =	vnsel vm4, $0x577F, v1  }
0x1a0: {  	vm4 =	vlt.s32 v2, $0x577F  }
0x1a1: {  	v5 =	vnsel vm4, $0x577F, v2;
	v8 =	vsel vm3, v8, v9  }
0x1a2: {  	v9 =	vadd.s32 $0xAF00, v5;
	v3 =	vsel vm0, v6, v3  }
0x1a3: {  	v3 =	vmax.f32 v3, v8  }
0x1a4: {  	v3 =	vmax.f32 v3, v7  }
0x1a5: {  	[tilespmem:s6+$0x19FA0] =	vst v3  }
0x1a6: {  	v3 =	vld.idx.msk [tilespmem:v4+s3+$0x0], $0xffff  }
0x1a7: {  	v59 =	vld.idx.msk [tilespmem:v9+s3+$0x0], $0xffff;
	_ =	sdelay $0x1  }
0x1a8: {  	v60 =	vld [tilespmem:s7+$0x1B580]  }
0x1a9: {  	vm15 =	vlt.s32 v1, $0x5780;
	vm3 =	vlt.s32 v2, $0x5780  }
0x1aa: {  	v1 =	vsel vm1, $0x0, v0;
	v2 =	vsel vm2, $0x0, v0;
	v61 =	vadd.s32 $0x10680, v5  }
0x1ab: {  	v62 =	vadd.s32 $0x5780, v4;
	v3 =	vsel vm15, v3, v1;
	v6 =	vsel vm3, v59, v2  }
0x1ac: {  	v3 =	vmax.f32 v3, v6  }
0x1ad: {  	v3 =	vmax.f32 v3, v60  }
0x1ae: {  	[tilespmem:s7+$0x189C0] =	vst v3  }
0x1af: {  	v3 =	vld.idx.msk [tilespmem:v61+s3+$0x0], $0xffff  }
0x1b0: {  	v4 =	vld.idx.msk [tilespmem:v62+s3+$0x0], $0xffff;
	_ =	sdelay $0x1  }
0x1b1: {  	v63 =	vld [tilespmem:s7+$0x1CB60];
	_ =	sdelay $0x2  }
0x1b2: {  	v2 =	vsel vm3, v3, v2;
	v1 =	vsel vm15, v4, v1  }
0x1b3: {  	s1 =	sadd.s32 $0x1, s1;
	v1 =	vmax.f32 v1, v2  }
0x1b4: {  	p0 =	sne.s32 s1, $0x32;
	v1 =	vmax.f32 v1, v63  }
.Ltmp9:
0x1b5: {  	[tilespmem:s7+$0x19FA0] =	vst v1;
	(pc) =	sbr.rel @p0 .LBB2_18-.Ltmp9, $4  }
0x1b6: {  	[hbm4b:s0+s25] =	stream.strided.scatter [tilespmem:s28], [sflag:$0x2], $0x2BC0, s26, s25, $0x38;
	[tilespmem:$0x1E140] =	vst v63  }
0x1b7: {  	_ =	swait.ge [sflag:s20], $0x2BC0  }
0x1b8: {  	[sflag:s20] =	ssyncset.done $0x0  }
0x1b9: {  	[sflag:s20] =	ssyncadd.s32 $0xFFFFD440  }
0x1ba: {  	s31 =	simm.s32 $0x0  }
0x1bb: {  	[tilespmem:s31], [sflag:$0x2] =	stream.linear.gather [hbm4b:s17+s31], $0xAF00, $0x38;
	[tilespmem:$0x1E140] =	vst v63  }
0x1bc: {  	_ =	swait.ge [sflag:s20], $0xAF00  }
0x1bd: {  	[sflag:s20] =	ssyncset.done $0x0  }
0x1be: {  	[sflag:s20] =	ssyncadd.s32 $0xFFFF5100  }
0x1bf: {  	[tilespmem:s21], [sflag:$0x2] =	stream.linear.gather [hbm4b:s18+s31], $0xAF00, $0x38;
	[tilespmem:$0x1E140] =	vst v63  }
0x1c0: {  	_ =	swait.ge [sflag:s20], $0xAF00  }
0x1c1: {  	[sflag:s20] =	ssyncset.done $0x0  }
0x1c2: {  	s1 =	simm.s32 $0x0;
	[sflag:s20] =	ssyncadd.s32 $0xFFFF5100  }
.LBB2_22:
0x1c3: {  	s0 =	smul.u32 $0x15E0, s1;
	_ =	sdelay $0x1  }
0x1c4: {  	s6 =	sshrl.u32 s0, $0x3  }
0x1c5: {  	s6 =	sadd.s32 s4, s6  }
0x1c6: {  	s0 =	sadd.s32 s0, s10;
	s7 =	sadd.s32 $0x55730, s6  }
0x1c7: {  	[tilespmem:s22], [sflag:$0x1] =	stream.linear.gather [hbm4b:s7+s31], $0x15E0, $0x38;
	[tilespmem:$0x1E140] =	vst v63  }
0x1c8: {  	s0 =	sshrl.u32 s0, $0x3;
	s6 =	sadd.s32 $0x5DFE8, s6  }
0x1c9: {  	[tilespmem:s23], [sflag:$0x1] =	stream.linear.gather [hbm4b:s6+s31], $0x15E0, $0x38;
	[tilespmem:$0x1E140] =	vst v63  }
0x1ca: {  	s0 =	sadd.s32 s2, s0  }
0x1cb: {  	[tilespmem:s29], [sflag:$0x1] =	stream.strided.gather [hbm4b:s0+s25], $0x2BC0, s26, s25, $0x38;
	[tilespmem:$0x1E140] =	vst v63  }
0x1cc: {  	_ =	swait.ge [sflag:s24], $0x15E0  }
0x1cd: {  	[sflag:s24] =	ssyncset.done $0x0  }
0x1ce: {  	[sflag:s24] =	ssyncadd.s32 $0xFFFFEA20  }
0x1cf: {  	_ =	swait.ge [sflag:s24], $0x15E0  }
0x1d0: {  	[sflag:s24] =	ssyncset.done $0x0  }
0x1d1: {  	[sflag:s24] =	ssyncadd.s32 $0xFFFFEA20  }
0x1d2: {  	_ =	swait.ge [sflag:s24], $0x2BC0  }
0x1d3: {  	[sflag:s24] =	ssyncset.done $0x0  }
0x1d4: {  	s6 =	simm.s32 $0x0;
	[sflag:s24] =	ssyncadd.s32 $0xFFFFD440  }
0x1d5: {  	v1 =	vld [tilespmem:s6+$0x15E00]  }
0x1d6: {  	v2 =	vld [tilespmem:s6+$0x173E0];
	_ =	sdelay $0x4  }
0x1d7: {  	vm0 =	vlt.s32 v1, $0x577F;
	vm1 =	vlt.s32 v2, $0x577F  }
0x1d8: {  	v4 =	vnsel vm0, $0x577F, v1;
	v5 =	vnsel vm1, $0x577F, v2  }
0x1d9: {  	v3 =	vadd.s32 $0xAF00, v5;
	_ =	sdelay $0x3  }
0x1da: {  	v6 =	vld.idx.msk [tilespmem:v4+s3+$0x0], $0xffff  }
0x1db: {  	v7 =	vld.idx.msk [tilespmem:v3+s3+$0x0], $0xffff;
	_ =	sdelay $0x1  }
0x1dc: {  	v8 =	vld [tilespmem:s6+$0x1B580];
	vm2 =	veq.s32 v2, $0x5780  }
0x1dd: {  	vm3 =	vlt.s32 v2, $0x5780;
	vm1 =	veq.s32 v1, $0x5780;
	vm0 =	vlt.s32 v1, $0x5780  }
0x1de: {  	v9 =	vsel vm2, $0x0, v0;
	v5 =	vadd.s32 $0x10680, v5;
	v3 =	vsel vm1, $0x0, v0  }
0x1df: {  	v4 =	vadd.s32 $0x5780, v4;
	v1 =	vsel vm0, v6, v3;
	v2 =	vsel vm3, v7, v9  }
0x1e0: {  	s7 =	simm.s32 $0x10;
	v2 =	vmax.f32 v1, v2  }
0x1e1: {  	v1 =	vld [tilespmem:s7+$0x15E00];
	v6 =	vmax.f32 v2, v8  }
0x1e2: {  	v2 =	vld [tilespmem:s7+$0x173E0];
	[tilespmem:s6+$0x189C0] =	vst v6  }
0x1e3: {  	v8 =	vld.idx.msk [tilespmem:v5+s3+$0x0], $0xffff  }
0x1e4: {  	v6 =	vld.idx.msk [tilespmem:v4+s3+$0x0], $0xffff;
	_ =	sdelay $0x1  }
0x1e5: {  	v7 =	vld [tilespmem:s6+$0x1CB60];
	vm2 =	vlt.s32 v1, $0x577F  }
0x1e6: {  	vm1 =	veq.s32 v1, $0x5780;
	v4 =	vnsel vm2, $0x577F, v1;
	vm4 =	vlt.s32 v2, $0x577F  }
0x1e7: {  	s8 =	simm.s32 $0x80;
	vm2 =	veq.s32 v2, $0x5780;
	v5 =	vnsel vm4, $0x577F, v2;
	v8 =	vsel vm3, v8, v9  }
.LBB2_23:
0x1e8: {  	p0 =	sne.s32 s8, $0x5740;
	v9 =	vadd.s32 $0xAF00, v5;
	v3 =	vsel vm0, v6, v3;
	s9 =	smov.u32 s8;
	s8 =	sadd.s32 $0x40, s8  }
0x1e9: {  	v3 =	vmax.f32 v3, v8  }
0x1ea: {  	v3 =	vmax.f32 v3, v7  }
0x1eb: {  	[tilespmem:s6+$0x19FA0] =	vst v3;
	s6 =	smov.u32 s7  }
0x1ec: {  	v6 =	vld.idx.msk [tilespmem:v4+s3+$0x0], $0xffff  }
0x1ed: {  	v7 =	vld.idx.msk [tilespmem:v9+s3+$0x0], $0xffff;
	_ =	sdelay $0x2  }
0x1ee: {  	v8 =	vld [tilespmem:s6+$0x1B580]  }
0x1ef: {  	vm0 =	vlt.s32 v1, $0x5780;
	vm3 =	vlt.s32 v2, $0x5780;
	v3 =	vsel vm1, $0x0, v0  }
0x1f0: {  	v5 =	vadd.s32 $0x10680, v5;
	v4 =	vadd.s32 $0x5780, v4;
	v9 =	vsel vm2, $0x0, v0  }
0x1f1: {  	v1 =	vsel vm0, v6, v3;
	v2 =	vsel vm3, v7, v9  }
0x1f2: {  	s7 =	sshra.s32 s9, $0x2;
	v2 =	vmax.f32 v1, v2  }
0x1f3: {  	v1 =	vld [tilespmem:s7+$0x15E00];
	v6 =	vmax.f32 v2, v8  }
0x1f4: {  	v2 =	vld [tilespmem:s7+$0x173E0];
	[tilespmem:s6+$0x189C0] =	vst v6  }
0x1f5: {  	v8 =	vld.idx.msk [tilespmem:v5+s3+$0x0], $0xffff  }
0x1f6: {  	v6 =	vld.idx.msk [tilespmem:v4+s3+$0x0], $0xffff  }
.Ltmp10:
0x1f7: {  	(pc) =	sbr.rel @p0 .LBB2_23-.Ltmp10, $4  }
0x1f8: {  	vm1 =	veq.s32 v1, $0x5780;
	vm4 =	vlt.s32 v1, $0x577F;
	v7 =	vld [tilespmem:s6+$0x1CB60]  }
0x1f9: {  	vm2 =	veq.s32 v2, $0x5780;
	v4 =	vnsel vm4, $0x577F, v1  }
0x1fa: {  	vm4 =	vlt.s32 v2, $0x577F  }
0x1fb: {  	v5 =	vnsel vm4, $0x577F, v2;
	v8 =	vsel vm3, v8, v9  }
0x1fc: {  	v9 =	vadd.s32 $0xAF00, v5;
	v3 =	vsel vm0, v6, v3  }
0x1fd: {  	v3 =	vmax.f32 v3, v8  }
0x1fe: {  	v3 =	vmax.f32 v3, v7  }
0x1ff: {  	[tilespmem:s6+$0x19FA0] =	vst v3  }
0x200: {  	v3 =	vld.idx.msk [tilespmem:v4+s3+$0x0], $0xffff  }
0x201: {  	v59 =	vld.idx.msk [tilespmem:v9+s3+$0x0], $0xffff;
	_ =	sdelay $0x1  }
0x202: {  	v60 =	vld [tilespmem:s7+$0x1B580]  }
0x203: {  	vm15 =	vlt.s32 v1, $0x5780;
	vm3 =	vlt.s32 v2, $0x5780  }
0x204: {  	v1 =	vsel vm1, $0x0, v0;
	v2 =	vsel vm2, $0x0, v0;
	v61 =	vadd.s32 $0x10680, v5  }
0x205: {  	v62 =	vadd.s32 $0x5780, v4;
	v3 =	vsel vm15, v3, v1;
	v6 =	vsel vm3, v59, v2  }
0x206: {  	v3 =	vmax.f32 v3, v6  }
0x207: {  	v3 =	vmax.f32 v3, v60  }
0x208: {  	[tilespmem:s7+$0x189C0] =	vst v3  }
0x209: {  	v3 =	vld.idx.msk [tilespmem:v61+s3+$0x0], $0xffff  }
0x20a: {  	v4 =	vld.idx.msk [tilespmem:v62+s3+$0x0], $0xffff;
	_ =	sdelay $0x1  }
0x20b: {  	v63 =	vld [tilespmem:s7+$0x1CB60];
	_ =	sdelay $0x2  }
0x20c: {  	v2 =	vsel vm3, v3, v2;
	v1 =	vsel vm15, v4, v1  }
0x20d: {  	s1 =	sadd.s32 $0x1, s1;
	v1 =	vmax.f32 v1, v2  }
0x20e: {  	p0 =	sne.s32 s1, $0x32;
	v1 =	vmax.f32 v1, v63  }
.Ltmp11:
0x20f: {  	[tilespmem:s7+$0x19FA0] =	vst v1;
	(pc) =	sbr.rel @p0 .LBB2_22-.Ltmp11, $4  }
0x210: {  	[hbm4b:s0+s25] =	stream.strided.scatter [tilespmem:s28], [sflag:$0x2], $0x2BC0, s26, s25, $0x38;
	[tilespmem:$0x1E140] =	vst v63  }
0x211: {  	_ =	swait.ge [sflag:s20], $0x2BC0  }
0x212: {  	[sflag:s20] =	ssyncset.done $0x0  }
0x213: {  	[sflag:s20] =	ssyncadd.s32 $0xFFFFD440  }
0x214: {  	s30 =	sadd.s32 $0x1, s30  }
0x215: {  	p0 =	sne.s32 s30, s19  }
.Ltmp12:
0x216: {  	_ = 	snop;
	(pc) =	sbr.rel @p0 .LBB2_1-.Ltmp12, $1  }
0x217: {  	_ =	sdelay $0x3  }
0x218: {  	_ =	sfence.sel $0x180000  }
0x219: {  	[bflag:$0x0] =	sbarrier.arrive $0xFFFF  }
0x21a: {  	_ =	strace $0x90000047  }
0x21b: {  	s0 =	stileid.u32;
	[bflag:$0x2] =	sbarrier.arrive $0xFFFF  }
0x21c: {  	p0 =	sne.s32 s0, $0x0;
	s0 =	rddreg [dreg:$0x2]  }
0x21d: {  	s0 =	sadd.s32 @!p0 $0x100000, s0  }
0x21e: {  	[sflag:s0] =	ssyncadd.tile.s32 @!p0 $0x1;
	_ =	shalt  }
.Lfunc_end2:
_tile_overlayer_lowered:
.L_overlay_start_2:
0x21f: {  	(tag) =	ssettag $0x2  }
0x220: {  	s0 =	rddreg [dreg:$0x0];
	s2 =	stileid.u32  }
0x221: {  	s1 =	rddreg [dreg:$0x1];
	p0 =	sne.s32 s2, $0x0  }
0x222: {  	s3 =	rddreg [dreg:$0x2];
	[bflag:$0x3] =	sbarrier.arrive $0xFFFF;
	s2 =	simm.s32 @!p0 $0x1C02  }
0x223: {  	[timem:s3], [sflag:s2] =	dma.local @!p0 [hbm:s0], s1  }
0x224: {  	s0 =	simm.s32 @!p0 $0x2  }
0x225: {  	_ =	swait.ge @!p0 [sflag:s0], s1  }
0x226: {  	s1 =	ssub.s32 @!p0 $0x0, s1;
	[sflag:s0] =	ssyncset.done @!p0 $0x0  }
0x227: {  	[sflag:s0] =	ssyncadd.s32 @!p0 s1  }
0x228: {  	[bflag:$0x3] =	sbarrier.arrive $0xFFFF  }
0x229: {  	_ =	shalt  }

// kernel: sparse-core-data-format-call.cloned.1.call-start
scs
called_computation_lowered:
.L_overlay_start_0:
0x0: {  	s2 =	sld [smem:$0x3FD9]  }
0x1: {  	s3 =	sld [smem:$0x3FFE];
	_ =	sdelay $0x1  }
0x2: {  	s1 =	srdreg.scid  }
0x3: {  	s0 =	sand.u32 $0x1, s1  }
0x4: {  	s18 =	sshll.u32 s0, $0xA;
	s2 =	sadd.s32 s3, s2  }
0x5: {  	s2 =	sadd.s32 s2, s18  }
0x6: {  	[smem:$0x3FC0] =	sst s2  }
0x7: {  	_ = 	snop  }
0x8: {  	s2 =	sld [smem:$0x3FD0];
	(tm) =	ssettm $0x1  }
0x9: {  	s19 =	sld [smem:$0x3FFB];
	_ =	sdelay $0x3  }
0xa: {  	_ =	strace s19  }
0xb: {  	s3 =	sld [smem:$0x3FFC];
	_ =	sdelay $0x3  }
0xc: {  	_ =	strace s3  }
0xd: {  	s3 =	sld [smem:$0x3FFD];
	_ =	sdelay $0x3  }
0xe: {  	_ =	strace s3  }
0xf: {  	_ =	strace $0x8FFFFFFF  }
0x10: {  	s20 =	sld [smem:$0x3FDB];
	_ =	sdelay $0x1  }
0x11: {  	s4 =	simm.s32 $_scs_section_size  }
0x12: {  	s5 =	simm.s32 $_size__tile_overlayer_lowered;
	s6 =	simm.s32 $_tile_overlayer_lowered  }
0x13: {  	s23 =	simm.s32 $0x1BFF;
	s22 =	sshll.u32 s6, $0x1;
	s3 =	sadd.s32 s4, s20  }
0x14: {  	s7 =	simm.s32 $0x0;
	s21 =	sshll.u32 s5, $0x1;
	s5 =	sadd.s32 s22, s3  }
0x15: {  	[timem:s7], [sflag:s23] =	dma.local [hbm:s5], s21  }
0x16: {  	_ =	swait.ge [sflag:s23], s21  }
0x17: {  	s4 =	ssub.s32 $0x0, s21;
	[sflag:s23] =	ssyncset.done $0x0  }
0x18: {  	[sflag:s23] =	ssyncadd.s32 s4;
	_ =	sdelay $0x1  }
0x19: {  	s24 =	simm.s32 $0x1B8B  }
0x1a: {  	_ =	swait.ge [sflag:s24], $0x1  }
0x1b: {  	[sflag:s24] =	ssyncset.done $0x0  }
0x1c: {  	s26 =	simm.s32 $0x1B8E;
	s25 =	sld [smem:$0x3FFE];
	[sflag:s24] =	ssyncadd.s32 $0xFFFFFFFF  }
0x1d: {  	s27 =	simm.s32 $execute0_lowered;
	[smem:$0x3FD2] =	sst s26  }
0x1e: {  	s5 =	sshll.u32 s27, $0x1;
	_ =	strace $0x80000049;
	[dreg:$0x1] =	wrdreg $0xFFFFFFFF  }
0x1f: {  	s28 =	simm.s32 $_size_execute0_lowered;
	s3 =	sadd.s32 s3, s5;
	[dreg:$0x0] =	wrdreg $0x0  }
0x20: {  	s5 =	sshll.u32 s28, $0x1;
	[dreg:$0x2] =	wrdreg s3  }
0x21: {  	[dreg:$0x3] =	wrdreg s5  }
0x22: {  	[dreg:$0x4] =	wrdreg $0xC0  }
0x23: {  	_ =	task [dreg:s7], $0x5FFFF  }
0x24: {  	[dreg:$0x1] =	wrdreg $0xFFFFFFFF  }
0x25: {  	[dreg:$0x0] =	wrdreg $0x60  }
0x26: {  	[dreg:$0x2] =	wrdreg s25  }
0x27: {  	[dreg:$0x3] =	wrdreg s2  }
0x28: {  	[dreg:$0x4] =	wrdreg $0x9  }
0x29: {  	_ =	task.clear_ibuf [dreg:s7], $0x5FFFF;
	_ =	strace $0x90000049  }
0x2a: {  	s29 =	simm.s32 $0x9;
	_ =	strace $0x8000004B  }
0x2b: {  	_ =	swait.ge [sflag:s29], $0x1  }
0x2c: {  	[sflag:s29] =	ssyncadd.s32 $0xFFFFFFFF  }
0x2d: {  	_ =	strace $0x9000004B  }
0x2e: {  	_ =	sfence  }
0x2f: {  	s30 =	sld [smem:$0x0];
	_ =	sdelay $0x2  }
0x30: {  	s31 =	sshll.u32 s1, $0xD;
	s1 =	sshrl.u32 s1, $0x2  }
0x31: {  	s3 =	sand.u32 $0x4000, s31;
	s1 =	sadd.s32 s1, s30  }
0x32: {  	s0 =	sor.u32 s3, s0;
	s1 =	sshll.u32 s1, $0x11  }
0x33: {  	s0 =	sor.u32 s1, s0  }
0x34: {  	s0 =	sadd.s32 $0x8F2B, s0  }
0x35: {  	[sflag:s0] =	ssyncadd.remote.s32 $0x1  }
0x36: {  	_ =	sfence.sel $0xFFFF  }
0x37: {  	[dreg:$0x0] =	wrdreg $0xFFFFFFFF;
	(pc) =	sbr.abs _section_cstart, $3  }
0x38: {  	[dreg:$0x1] =	wrdreg $0xFFFFFFFF  }
0x39: {  	_ =	task.clear_ibuf [dreg:s7], $0x2FFFF;
	_ =	strace $0x9FFFFFFF  }
0x3a: {  	(tm) =	ssettm $0x7FFFFFFF  }
0x3b: {  	_ =	shalt  }
tec
execute0_lowered:
.L_overlay_start_1:
0x0: {  	(tag) =	ssettag $0x1  }
0x1: {  	s0 =	rddreg [dreg:$0x0];
	_ =	strace $0x8000004A  }
0x2: {  	s1 =	stileid.u32;
	s29 =	srdreg.scid;
	s6 =	simm.s32 $0x1  }
0x3: {  	s31 =	simm.s32 $0x2;
	s21 =	simm.s32 $0x0;
	s22 =	simm.s32 $0x0  }
0x4: {  	s23 =	simm.s32 $0x0;
	s24 =	simm.s32 $0x0;
	s13 =	simm.s32 $0x0  }
0x5: {  	s14 =	simm.s32 $0x0;
	s15 =	simm.s32 $0x0;
	s17 =	simm.s32 $0x0  }
0x6: {  	s7 =	sadd.s32 $0x1000, s0;
	s8 =	sand.u32 $0x1, s1;
	s9 =	sshrl.u32 s1, $0x3  }
0x7: {  	s1 =	sshll.u32 s1, $0x6;
	s0 =	sshll.u32 s29, $0x7;
	[sflag:s6] =	ssyncpa.u1 $0x0  }
0x8: {  	s2 =	ssub.s32 $0x2, s8;
	s4 =	ssub.s32 $0xC8, s9;
	[dreg:$0x3] =	wrdreg s7  }
0x9: {  	s11 =	sand.u32 $0x180, s1;
	s12 =	sand.u32 $0x80, s0;
	[dreg:$0x4] =	wrdreg s8  }
0xa: {  	[dreg:$0x5] =	wrdreg s9;
	s3 =	sshrl.u32 s2, $0x1;
	s2 =	sand.u32 $0x1, s2  }
0xb: {  	s5 =	sshrl.u32 s4, $0x1;
	s4 =	sand.u32 $0x1, s4;
	[dreg:$0x7] =	wrdreg s11  }
.Ltmp0:
0xc: {  	s2 =	sadd.s32 s2, s3;
	s30 =	sadd.s32 s4, s5;
	(pc) =	sbr.rel .LBB1_1-.Ltmp0, $4  }
0xd: {  	s25 =	sshll.u32 s12, $0x3;
	[dreg:$0x8] =	wrdreg s12;
	s10 =	smul.u32 s30, s2  }
0xe: {  	s20 =	simm.s32 $0x0;
	[sflag:s31] =	ssyncpa.u1 $0x0;
	[dreg:$0x9] =	wrdreg s25  }
0xf: {  	s16 =	smov.u32 s9;
	s26 =	sadd.s32 $0x1, s10;
	[dreg:$0x6] =	wrdreg s10  }
0x10: {  	s19 =	smov.u32 s8;
	s18 =	smov.u32 s11;
	[dreg:$0xa] =	wrdreg s26  }
.LBB1_11:
0x11: {  	p0 =	sgt.s32 s15, $0x180  }
0x12: {  	s0 =	smov.u32 s15;
	s1 =	sshrl.u32 s15, $0x6;
	s3 =	rddreg [dreg:$0xb]  }
0x13: {  	s2 =	smov.u32 s13;
	s4 =	sshrl.u32 s15, $0x3;
	s5 =	rddreg [dreg:$0x1]  }
0x14: {  	s0 =	simm.s32 @!p0 $0x180;
	p0 =	sgt.s32 s13, $0x48;
	s1 =	sadd.s32 s1, s13  }
0x15: {  	s2 =	simm.s32 @!p0 $0x48;
	s0 =	sadd.s32 s3, s0;
	s1 =	sand.u32 $0x7FFFFE, s1  }
0x16: {  	s2 =	ssub.s32 $0xC8, s2;
	s3 =	sadd.s32 $0xFFFFFE80, s0;
	s11 =	smulhi.u32 $0x147AE15, s1  }
0x17: {  	s0 =	ssub.s32 $0x200, s0;
	p0 =	sgt.s32 s3, $0x7F;
	s2 =	smul.u32 s25, s2  }
0x18: {  	s7 =	rddreg [dreg:$0x3];
	s25 =	smul.u32 $0x271000, s17;
	s0 =	simm.s32 @p0 $0x0  }
0x19: {  	s27 =	sand.u32 $0x7, s15;
	s8 =	rddreg [dreg:$0x4];
	s0 =	smul.u32 s0, s2  }
0x1a: {  	s29 =	sor.u32 $0x8000, s28;
	s9 =	rddreg [dreg:$0x5];
	s12 =	smul.u32 $0xC8, s11  }
0x1b: {  	s31 =	simm.s32 $0x1000;
	s10 =	rddreg [dreg:$0x6];
	s0 =	smul.u32 s26, s0  }
0x1c: {  	s4 =	sand.u32 $0xF, s4;
	s11 =	rddreg [dreg:$0x7];
	s26 =	smul.u32 $0x3200, s14  }
0x1d: {  	s3 =	sadd.s32 s5, s25;
	s25 =	rddreg [dreg:$0x9];
	s1 =	ssub.s32 s1, s12  }
0x1e: {  	s12 =	rddreg [dreg:$0x8];
	s1 =	sshll.u32 s1, $0x6;
	s2 =	sadd.s32 s26, s3  }
0x1f: {  	s0 =	sand.u32 $0x3FFFFFFF, s0;
	s3 =	sshll.u32 s27, $0x12;
	s2 =	sadd.s32 s4, s2  }
0x20: {  	s26 =	rddreg [dreg:$0xa];
	s30 =	sor.u32 $0x400, s3;
	s1 =	sadd.s32 s1, s2  }
0x21: {  	[hbm4b:s1+s30] =	stream.strided.scatter [tilespmem:s29], [sflag:$0x2], s0, s31, s30, $0x20;
	[tilespmem:$0x10100] =	vst v63  }
.LBB1_12:
0x22: {  	p0 =	slt.u32 s20, $0x2  }
0x23: {  	p1 =	sgt.s32 @!p0 s24, $0x1;
	s0 =	sshra.s32 @!p0 s24, $0x1F  }
0x24: {  	s1 =	smov.u32 s24;
	p1 =	por !p1, p0;
	s0 =	sand.u32 @!p0 s0, s24  }
0x25: {  	s1 =	simm.s32 @p1 $0x1;
	s0 =	sxor.u32 @!p0 $0xFFFFFFFF, s0  }
0x26: {  	p2 =	sgt.s32 @!p0 s23, $0x180;
	s2 =	sshra.s32 @!p0 s22, $0x1F;
	s0 =	sadd.s32 @!p0 s0, s1  }
0x27: {  	p2 =	por !p2, p0;
	s2 =	sand.u32 @!p0 s2, s22;
	p1 =	sgt.s32 @!p0 s0, $0x0  }
0x28: {  	s1 =	sshra.s32 @!p0 s23, $0x1F;
	s0 =	ssub.s32 @!p0 $0x1, s0;
	p1 =	por !p1, p0  }
0x29: {  	s1 =	sand.u32 @!p0 s1, s23;
	s0 =	simm.s32 @!p1 $0x0;
	p1 =	sgt.s32 @!p0 s22, $0xC7  }
0x2a: {  	s23 =	simm.s32 @p2 $0x180;
	p2 =	sgt.s32 @!p0 s21, $0x48;
	p1 =	por !p1, p0  }
0x2b: {  	s1 =	ssub.s32 @!p0 s23, s1;
	s22 =	simm.s32 @p1 $0xC7;
	p1 =	por !p2, p0  }
0x2c: {  	s3 =	sadd.s32 @!p0 $0xFFFFFE80, s1;
	s1 =	ssub.s32 @!p0 $0x200, s1;
	s21 =	simm.s32 @p1 $0x48  }
0x2d: {  	s2 =	ssub.s32 @!p0 s22, s2;
	p1 =	sgt.s32 @!p0 s3, $0x7F;
	s5 =	ssub.s32 @!p0 $0xC8, s21  }
0x2e: {  	s4 =	sadd.s32 @!p0 $0xFFFFFF39, s2;
	p1 =	por !p1, p0;
	s0 =	smul.u32 @!p0 s0, s5  }
0x2f: {  	s1 =	simm.s32 @!p1 $0x0;
	p1 =	sgt.s32 @!p0 s4, $0x0  }
0x30: {  	s2 =	ssub.s32 @!p0 $0xC8, s2;
	p1 =	por !p1, p0;
	s0 =	smul.u32 @!p0 s1, s0  }
0x31: {  	s3 =	smov.u32 s18;
	s2 =	simm.s32 @!p1 $0x0;
	s1 =	sadd.s32 $0x2, s16  }
0x32: {  	p1 =	sgt.s32 s1, $0xC7;
	s0 =	smul.u32 @!p0 s2, s0;
	s2 =	sadd.s32 $0x200, s18  }
0x33: {  	s31 =	sadd.s32 $0x1, s20;
	s5 =	smov.u32 s19;
	s3 =	smov.u32 @p1 s2  }
0x34: {  	s1 =	smov.u32 @p1 s9;
	s2 =	sadd.s32 $0x2, s19;
	p1 =	sgt.s32 s3, $0x1BF  }
0x35: {  	s24 =	smov.u32 s17;
	s17 =	smov.u32 s19;
	s5 =	smov.u32 @p1 s2  }
0x36: {  	s23 =	smov.u32 s15;
	s3 =	smov.u32 @p1 s11;
	p1 =	sgt.s32 s5, $0x1  }
0x37: {  	s15 =	smov.u32 s18;
	s5 =	smov.u32 @p1 s8;
	p1 =	sne.s32 s20, s26  }
.Ltmp1:
0x38: {  	s22 =	smov.u32 s14;
	s14 =	smov.u32 s16;
	(pc) =	sbr.rel @!p1 .LBB1_13-.Ltmp1, $4  }
0x39: {  	s21 =	smov.u32 s13;
	s4 =	simm.s32 @!p0 $0x2;
	s0 =	sand.u32 @!p0 $0x3FFFFFFF, s0  }
0x3a: {  	s13 =	smov.u32 s12;
	s16 =	smov.u32 s1;
	_ =	swait.ge @!p0 [sflag:s4], s0  }
0x3b: {  	s0 =	ssub.s32 @!p0 $0x0, s0;
	[sflag:s4] =	ssyncset.done @!p0 $0x0;
	s18 =	smov.u32 s3  }
0x3c: {  	[sflag:s4] =	ssyncadd.s32 @!p0 s0;
	s20 =	smov.u32 s31;
	s19 =	smov.u32 s5  }
.LBB1_1:
0x3d: {  	p0 =	sge.u32 s20, s10;
	s3 =	smov.u32 s19;
	s5 =	smov.u32 s18  }
0x3e: {  	s31 =	sadd.s32 $0xFFFFFFFF, s20;
	s0 =	sshll.u32 @!p0 s16, $0x8;
	s1 =	sshll.u32 @!p0 s16, $0x7  }
0x3f: {  	s2 =	sxor.u32 @!p0 $0xFFFFFFFF, s20;
	p1 =	sgt.s32 @!p0 s19, $0x1;
	s4 =	sshra.s32 @!p0 s19, $0x1F  }
0x40: {  	s6 =	sshra.s32 @!p0 s18, $0x1F;
	s0 =	sand.u32 @!p0 $0xFFFFF800, s0;
	s1 =	sand.u32 @!p0 $0x300, s1  }
0x41: {  	p1 =	por !p1, p0;
	s4 =	sand.u32 @!p0 s4, s19;
	s6 =	sand.u32 @!p0 s6, s18  }
0x42: {  	s0 =	sor.u32 @!p0 s25, s0;
	s3 =	simm.s32 @p1 $0x1;
	p1 =	sgt.s32 @!p0 s18, $0x140  }
0x43: {  	s4 =	sxor.u32 @!p0 $0xFFFFFFFF, s4;
	s0 =	sor.u32 @!p0 s1, s0;
	p1 =	por !p1, p0  }
0x44: {  	s3 =	sadd.s32 @!p0 s4, s3;
	s0 =	sshrl.u32 @!p0 s0, $0x8;
	s5 =	simm.s32 @p1 $0x140  }
0x45: {  	p1 =	sgt.s32 @!p0 s16, $0xC7;
	p2 =	sgt.s32 @!p0 s3, $0x0;
	s3 =	sshll.u32 @!p0 s3, $0x7  }
0x46: {  	s1 =	smulhi.u32 @!p0 $0x147AE15, s0;
	s4 =	ssub.s32 @!p0 s5, s6;
	p1 =	por !p1, p0  }
0x47: {  	s5 =	smov.u32 s16;
	s3 =	ssub.s32 @!p0 $0x80, s3;
	s6 =	sadd.s32 @!p0 $0xFFFFFEC0, s4  }
0x48: {  	s5 =	simm.s32 @p1 $0xC7;
	p1 =	sgt.s32 @!p0 s6, $0x7F;
	s6 =	sshra.s32 @!p0 s16, $0x1F  }
0x49: {  	p2 =	por !p2, p0;
	s4 =	ssub.s32 @!p0 $0x1C0, s4;
	s6 =	sand.u32 @!p0 s6, s16  }
0x4a: {  	s3 =	simm.s32 @!p2 $0x0;
	p1 =	por !p1, p0;
	s5 =	ssub.s32 @!p0 s5, s6  }
0x4b: {  	s1 =	smul.u32 @!p0 $0xC8, s1;
	s4 =	simm.s32 @!p1 $0x0;
	s6 =	sadd.s32 @!p0 $0xFFFFFF39, s5  }
0x4c: {  	s2 =	sshll.u32 @!p0 s2, $0xE;
	s3 =	smul.u32 @!p0 s4, s3;
	p1 =	sgt.s32 @!p0 s6, $0x0  }
0x4d: {  	s4 =	ssub.s32 @!p0 $0xC8, s5;
	s5 =	smul.u32 @!p0 $0x2BC000, s19;
	p1 =	por !p1, p0  }
0x4e: {  	s0 =	ssub.s32 @!p0 s0, s1;
	s1 =	smul.u32 @!p0 $0x1900, s18;
	s4 =	simm.s32 @!p1 $0x0  }
0x4f: {  	s5 =	sadd.s32 @!p0 s7, s5;
	s3 =	smul.u32 @!p0 s4, s3;
	s4 =	sshll.u32 @!p0 s16, $0x4  }
0x50: {  	s2 =	sand.u32 @!p0 $0x4000, s2;
	s1 =	sadd.s32 @!p0 s1, s5;
	s4 =	sand.u32 @!p0 $0x10, s4  }
0x51: {  	s0 =	sshll.u32 @!p0 s0, $0x5;
	s3 =	sand.u32 @!p0 $0x3FFFFF80, s3;
	s1 =	sadd.s32 @!p0 s4, s1  }
0x52: {  	s4 =	simm.s32 @!p0 $0xC800;
	s0 =	sadd.s32 @!p0 s0, s1;
	s1 =	simm.s32 @!p0 $0x80  }
0x53: {  	[tilespmem:s2], [sflag:$0x1] =	stream.strided.gather @!p0 [hbm4b:s0+s1], s3, s4, s1, $0x38;
	[tilespmem:$0x10100] =	vst v63  }
0x54: {  	p0 =	sge.u32 s31, s10  }
.Ltmp2:
0x55: {  	_ = 	snop;
	(pc) =	sbr.rel @p0 .LBB1_12-.Ltmp2, $1  }
0x56: {  	_ =	sdelay $0x3  }
0x57: {  	s0 =	sshra.s32 s17, $0x1F;
	p0 =	sgt.s32 s17, $0x1  }
0x58: {  	s1 =	smov.u32 s17;
	p1 =	sgt.s32 s14, $0xC7;
	s8 =	sshra.s32 s14, $0x1F  }
0x59: {  	s2 =	ssub.s32 $0x0, s15;
	s3 =	sshra.s32 s15, $0x1F;
	s0 =	sand.u32 s0, s17  }
0x5a: {  	s4 =	smov.u32 s15;
	s1 =	simm.s32 @!p0 $0x1;
	s0 =	sxor.u32 $0xFFFFFFFF, s0  }
0x5b: {  	p2 =	slt.s32 s13, $0x48;
	s2 =	sand.u32 s2, s3;
	s0 =	sadd.s32 s0, s1  }
0x5c: {  	p0 =	sgt.s32 s0, $0x0;
	s25 =	ssub.s32 $0x1, s0;
	s0 =	smov.u32 s14  }
0x5d: {  	s3 =	sadd.s32 $0x80, s15;
	s1 =	sand.u32 s8, s14;
	s0 =	simm.s32 @!p1 $0xC7  }
0x5e: {  	[dreg:$0xb] =	wrdreg s2;
	p1 =	sgt.s32 s15, $0x140;
	s0 =	ssub.s32 s0, s1  }
0x5f: {  	s25 =	simm.s32 @p0 $0x0;
	s4 =	simm.s32 @!p1 $0x140;
	s1 =	sadd.s32 $0xFFFFFF39, s0  }
0x60: {  	s2 =	sadd.s32 s2, s4;
	s26 =	ssub.s32 $0xC8, s0;
	p1 =	sgt.s32 s1, $0x0  }
0x61: {  	s9 =	sadd.s32 $0xFFFFFEC0, s2;
	s0 =	ssub.s32 $0x1C0, s2;
	s2 =	sadd.s32 $0x1, s17  }
0x62: {  	s1 =	sadd.s32 $0x1, s14;
	s26 =	simm.s32 @p1 $0x0;
	p0 =	sgt.s32 s9, $0x7F  }
0x63: {  	p1 =	slt.s32 s3, $0x1C0;
	s0 =	simm.s32 @p0 $0x0;
	p0 =	slt.s32 s2, $0x2  }
0x64: {  	s10 =	smul.u32 s25, s26;
	s3 =	simm.s32 @!p1 $0x1C0;
	s2 =	simm.s32 @!p0 $0x2  }
0x65: {  	p1 =	slt.s32 s1, $0xC8;
	s30 =	ssub.s32 s3, s15;
	s29 =	ssub.s32 s2, s17  }
0x66: {  	s1 =	simm.s32 @!p1 $0xC8;
	s2 =	smov.u32 s13;
	p0 =	slt.s32 s29, $0x1  }
0x67: {  	s0 =	smul.u32 s0, s10;
	s2 =	simm.s32 @!p2 $0x48;
	p1 =	slt.s32 @!p0 s30, $0x1  }
0x68: {  	s31 =	ssub.s32 s1, s14;
	s11 =	ssub.s32 s2, s13;
	p1 =	por p0, p1  }
0x69: {  	s0 =	sshll.u32 s0, $0x7;
	s1 =	sadd.s32 $0x88, s11;
	p2 =	slt.s32 @!p1 s31, $0x1  }
0x6a: {  	s12 =	sand.u32 $0x3FFFFF80, s0;
	s0 =	sand.u32 $0xFFFFFFD0, s1;
	p1 =	por p1, p2  }
0x6b: {  	p2 =	slt.s32 @!p1 s0, $0x1  }
0x6c: {  	p1 =	por p1, p2  }
.Ltmp3:
0x6d: {  	_ = 	snop;
	(pc) =	sbr.rel @p1 .LBB1_11-.Ltmp3, $4  }
0x6e: {  	s27 =	simm.s32 $0x1  }
0x6f: {  	_ =	swait.ge [sflag:s27], s12  }
0x70: {  	s1 =	sand.u32 $0x1, s20;
	s2 =	ssub.s32 $0x0, s12;
	[sflag:s27] =	ssyncset.done $0x0  }
0x71: {  	s28 =	smul.u32 $0x4080, s1;
	[sflag:s27] =	ssyncadd.s32 s2  }
0x72: {  	_ = 	snop  }
0x73: {  	s1 =	sshll.u32 @!p0 s1, $0xE;
	s12 =	simm.s32 $0x0;
	s2 =	sor.u32 @!p0 $0x8000, s28  }
.LBB1_4:
0x74: {  	s3 =	sshll.u32 s12, $0x10  }
0x75: {  	s3 =	sshra.s32 s3, $0x2  }
0x76: {  	s6 =	sadd.s32 s3, s1;
	s3 =	simm.s32 $0x0  }
.LBB1_5:
0x77: {  	s4 =	sshll.u32 s3, $0x9  }
0x78: {  	s10 =	sshrl.u32 s3, $0x4;
	s5 =	sand.u32 $0x7F, s3;
	s4 =	sshra.s32 s4, $0x2  }
0x79: {  	s11 =	sadd.s32 s4, s6;
	s4 =	sadd.s32 s5, s2;
	s5 =	simm.s32 $0x0  }
.LBB1_6:
0x7a: {  	s9 =	sshll.u32 s5, $0x7  }
0x7b: {  	s8 =	sadd.s32 s12, s5;
	s9 =	sand.u32 $0x380, s9  }
0x7c: {  	s8 =	smul.u32 $0x10200, s8;
	s9 =	sadd.s32 s9, s11  }
0x7d: {  	v0 =	vmov s9  }
0x7e: {  	s8 =	sshra.s32 s8, $0x2  }
0x7f: {  	s9 =	simm.s32 $0x0;
	s8 =	sadd.s32 s8, s4  }
.LBB1_7:
0x80: {  	s27 =	sadd.s32 s9, s10  }
0x81: {  	s7 =	sand.u32 $0x70, s9;
	s9 =	sadd.s32 $0x10, s9;
	s27 =	sand.u32 $0x78, s27  }
0x82: {  	v1 =	vld.idx.msk [tilespmem:v0+s7+$0x0 ss:$0x1], $0xffff;
	p0 =	slt.u32 s9, s0;
	s7 =	smul.u32 $0x204, s27  }
.Ltmp4:
0x83: {  	_ = 	snop;
	(pc) =	sbr.rel @p0 .LBB1_7-.Ltmp4, $4  }
0x84: {  	_ = 	snop  }
0x85: {  	s7 =	sshrl.u32 s7, $0x2  }
0x86: {  	s7 =	sadd.s32 s7, s8  }
0x87: {  	[tilespmem:s7+$0x0 ss:$0x81] =	vst.msk $0xffff, v1  }
0x88: {  	s5 =	sadd.s32 $0x1, s5  }
0x89: {  	p0 =	sne.s32 s5, s31  }
.Ltmp5:
0x8a: {  	_ = 	snop;
	(pc) =	sbr.rel @p0 .LBB1_6-.Ltmp5, $1  }
0x8b: {  	_ =	sdelay $0x3  }
0x8c: {  	s3 =	sadd.s32 $0x1, s3  }
0x8d: {  	p0 =	sne.s32 s3, s30  }
.Ltmp6:
0x8e: {  	_ = 	snop;
	(pc) =	sbr.rel @p0 .LBB1_5-.Ltmp6, $1  }
0x8f: {  	_ =	sdelay $0x3  }
0x90: {  	s12 =	sadd.s32 $0x1, s12  }
0x91: {  	p0 =	sne.s32 s12, s29  }
.Ltmp7:
0x92: {  	_ = 	snop;
	(pc) =	sbr.rel @p0 .LBB1_4-.Ltmp7, $4  }
.Ltmp8:
0x93: {  	_ = 	snop;
	(pc) =	sbr.rel @!p0 .LBB1_11-.Ltmp8, $4  }
0x94: {  	_ = 	snop  }
0x95: {  	_ = 	snop  }
0x96: {  	_ = 	snop  }
0x97: {  	_ = 	snop  }
.LBB1_13:
0x98: {  	_ =	sfence.sel $0x180000  }
0x99: {  	s0 =	simm.s32 $0x1;
	[bflag:$0x0] =	sbarrier.arrive $0xFFFF  }
0x9a: {  	s30 =	simm.s32 $0x2;
	[sflag:s0] =	ssyncpa.u1 $0x1  }
0x9b: {  	[sflag:s30] =	ssyncpa.u1 $0x1  }
0x9c: {  	_ =	strace $0x9000004A  }
0x9d: {  	s31 =	stileid.u32;
	[bflag:$0x2] =	sbarrier.arrive $0xFFFF  }
0x9e: {  	p0 =	sne.s32 s31, $0x0;
	s0 =	rddreg [dreg:$0x2]  }
0x9f: {  	s0 =	sadd.s32 @!p0 $0x100000, s0  }
0xa0: {  	[sflag:s0] =	ssyncadd.tile.s32 @!p0 $0x1;
	_ =	shalt  }
.Lfunc_end1:
_tile_overlayer_lowered:
.L_overlay_start_2:
0xa1: {  	(tag) =	ssettag $0x2  }
0xa2: {  	s0 =	rddreg [dreg:$0x0];
	s2 =	stileid.u32  }
0xa3: {  	s1 =	rddreg [dreg:$0x1];
	p0 =	sne.s32 s2, $0x0  }
0xa4: {  	s3 =	rddreg [dreg:$0x2];
	[bflag:$0x3] =	sbarrier.arrive $0xFFFF;
	s2 =	simm.s32 @!p0 $0x1C01  }
0xa5: {  	[timem:s3], [sflag:s2] =	dma.local @!p0 [hbm:s0], s1  }
0xa6: {  	s0 =	simm.s32 @!p0 $0x1  }
0xa7: {  	_ =	swait.ge @!p0 [sflag:s0], s1  }
0xa8: {  	s1 =	ssub.s32 @!p0 $0x0, s1;
	[sflag:s0] =	ssyncset.done @!p0 $0x0  }
0xa9: {  	[sflag:s0] =	ssyncadd.s32 @!p0 s1  }
0xaa: {  	[bflag:$0x3] =	sbarrier.arrive $0xFFFF  }
0xab: {  	_ =	shalt  }

</sc_bundles>
